<compile_context>
chip_gen: v7x
topology: tpu7x:2x2x1
jax: 0.10.2.dev20260603
libtpu: 0.0.44.dev20260713+nightly
codegen_flags: <defaults>
</compile_context>

<pallas_src>
import jax
import jax.numpy as jnp
from jax import lax
from jax.experimental import pallas as pl
from jax.experimental.pallas import tpu as pltpu
from jax.experimental.pallas import tpu_sc as plsc

CH = 192
KS = 3
GROUP = 24
GC = CH // GROUP
K3 = KS * KS
OMG = 3 * K3
OMGP = 32
OMP = GROUP * OMGP
B, H, W = 4, 56, 56
HW = H * W
HWP = 3200

NC, NS, L = 2, 16, 16
NWORK = NC * NS
UNITS = B * GROUP
UNITS_PER_W = UNITS // NWORK
NCHUNK = 5
CHUNK = HWP // NCHUNK
NPV = CHUNK // L


def _proj_in_body(x_ref, wv_ref, bv_ref, wom_ref, bom_ref, v_ref, om_ref):
    x = x_ref[0]
    v = jnp.dot(wv_ref[...], x, preferred_element_type=jnp.float32) + bv_ref[...][:, None]
    om = jnp.dot(wom_ref[...], x, preferred_element_type=jnp.float32) + bom_ref[...][:, None]
    v_ref[0] = jnp.concatenate([v, jnp.zeros((CH, HWP - HW), jnp.float32)], axis=1)
    om_ref[0] = jnp.concatenate([om, jnp.zeros((OMP, HWP - HW), jnp.float32)], axis=1)


def _proj_out_body(x_ref, w_ref, b_ref, o_ref):
    res = jnp.dot(w_ref[...], x_ref[0], preferred_element_type=jnp.float32) + b_ref[...][:, None]
    o_ref[0] = res[:, :HW]


def _sc_body(v_hbm, om_hbm, whf_hbm, out_hbm,
             v_v, om_v, whf_v, out_v, om_sems, out_sems):
    wid = lax.axis_index("s") * NC + lax.axis_index("c")
    pltpu.sync_copy(whf_hbm, whf_v)

    def unit_loop(u, _):
        unit = wid * UNITS_PER_W + u
        n = unit // GROUP
        g = unit % GROUP
        pltpu.sync_copy(v_hbm.at[n, pl.ds(g * GC, GC)], v_v)

        def om_copy(ch, buf):
            return pltpu.make_async_copy(
                om_hbm.at[n, pl.ds(g * OMGP, OMGP), pl.ds(ch * CHUNK, CHUNK)],
                om_v.at[buf], om_sems[buf])

        def out_copy(ch, buf):
            return pltpu.make_async_copy(
                out_v.at[buf],
                out_hbm.at[n, pl.ds(g * GC, GC), pl.ds(ch * CHUNK, CHUNK)],
                out_sems[buf])

        om_copy(0, 0).start()

        def chunk_loop(ch, _):
            cur = lax.rem(ch, 2)

            @pl.when(ch + 1 < NCHUNK)
            def _():
                @pl.when(cur == 0)
                def _():
                    om_copy(ch + 1, 1).start()

                @pl.when(cur == 1)
                def _():
                    om_copy(ch + 1, 0).start()

            @pl.when(cur == 0)
            def _():
                om_copy(ch, 0).wait()

            @pl.when(cur == 1)
            def _():
                om_copy(ch, 1).wait()

            @pl.when(ch >= 2)
            def _():
                @pl.when(cur == 0)
                def _():
                    out_copy(ch - 2, 0).wait()

                @pl.when(cur == 1)
                def _():
                    out_copy(ch - 2, 1).wait()

            @plsc.parallel_loop(0, NPV, 1, unroll=2)
            def pv_loop(pv):
                pos0 = ch * CHUNK + pv * L
                gsl = pl.ds(pos0, L)
                wf = whf_v[0, gsl]
                hf = whf_v[1, gsl]
                sl = pl.ds(pv * L, L)
                acc = [jnp.zeros((L,), jnp.float32) for _ in range(GC)]
                zero = jnp.zeros((L,), jnp.float32)
                for k in range(K3):
                    gy = float(k // 3 - 1) + 8.0
                    gx = float(k % 3 - 1) + 8.0
                    offx = om_v[cur, 2 * k, sl]
                    offy = om_v[cur, 2 * k + 1, sl]
                    m = om_v[cur, 2 * K3 + k, sl]
                    x = jnp.clip(wf + (gx + offx), 4.0, 68.0)
                    y = jnp.clip(hf + (gy + offy), 4.0, 68.0)
                    x0i = x.astype(jnp.int32)
                    x0f = x0i.astype(jnp.float32)
                    y0i = y.astype(jnp.int32)
                    y0f = y0i.astype(jnp.float32)
                    wx1 = x - x0f
                    wx0 = 1.0 - wx1
                    wy1 = y - y0f
                    wy0 = 1.0 - wy1
                    x1i = x0i + 1
                    y1i = y0i + 1
                    x0c8 = jnp.clip(x0i, 8, W + 7)
                    x1c8 = jnp.clip(x1i, 8, W + 7)
                    y0c8 = jnp.clip(y0i, 8, H + 7)
                    y1c8 = jnp.clip(y1i, 8, H + 7)
                    vx0 = x0i == x0c8
                    vx1 = x1i == x1c8
                    vy0 = y0i == y0c8
                    vy1 = y1i == y1c8
                    x0c = x0c8 - 8
                    x1c = x1c8 - 8
                    yb0 = (y0c8 - 8) * W
                    yb1 = (y1c8 - 8) * W
                    i00 = yb0 + x0c
                    i01 = yb0 + x1c
                    i10 = yb1 + x0c
                    i11 = yb1 + x1c
                    wx0v = jnp.where(vx0, wx0, zero)
                    wx1v = jnp.where(vx1, wx1, zero)
                    wy0v = jnp.where(vy0, wy0 * m, zero)
                    wy1v = jnp.where(vy1, wy1 * m, zero)
                    w00 = wx0v * wy0v
                    w01 = wx1v * wy0v
                    w10 = wx0v * wy1v
                    w11 = wx1v * wy1v
                    for c in range(GC):
                        cvec = jnp.full((L,), c, jnp.int32)
                        s00 = plsc.load_gather(v_v, [cvec, i00])
                        s01 = plsc.load_gather(v_v, [cvec, i01])
                        s10 = plsc.load_gather(v_v, [cvec, i10])
                        s11 = plsc.load_gather(v_v, [cvec, i11])
                        acc[c] = acc[c] + s00 * w00 + s01 * w01 + s10 * w10 + s11 * w11
                for c in range(GC):
                    out_v[cur, c, sl] = acc[c]

            @pl.when(cur == 0)
            def _():
                out_copy(ch, 0).start()

            @pl.when(cur == 1)
            def _():
                out_copy(ch, 1).start()

            return 0

        lax.fori_loop(0, NCHUNK, chunk_loop, 0)
        out_copy(NCHUNK - 2, (NCHUNK - 2) % 2).wait()
        out_copy(NCHUNK - 1, (NCHUNK - 1) % 2).wait()
        return 0

    lax.fori_loop(0, UNITS_PER_W, unit_loop, 0)


def kernel(input, value_proj_w, value_proj_b, offset_mask_w, offset_mask_b,
           output_proj_w, output_proj_b):
    x = input.reshape(B, CH, HW)

    wom_p = jnp.pad(offset_mask_w.reshape(GROUP, OMG, CH),
                    ((0, 0), (0, OMGP - OMG), (0, 0))).reshape(OMP, CH)
    bom_p = jnp.pad(offset_mask_b.reshape(GROUP, OMG),
                    ((0, 0), (0, OMGP - OMG))).reshape(OMP)

    v_t, om_t = pl.pallas_call(
        _proj_in_body,
        grid=(B,),
        in_specs=[
            pl.BlockSpec((1, CH, HW), lambda n: (n, 0, 0)),
            pl.BlockSpec((CH, CH), lambda n: (0, 0)),
            pl.BlockSpec((CH,), lambda n: (0,)),
            pl.BlockSpec((OMP, CH), lambda n: (0, 0)),
            pl.BlockSpec((OMP,), lambda n: (0,)),
        ],
        out_specs=[
            pl.BlockSpec((1, CH, HWP), lambda n: (n, 0, 0)),
            pl.BlockSpec((1, OMP, HWP), lambda n: (n, 0, 0)),
        ],
        out_shape=[
            jax.ShapeDtypeStruct((B, CH, HWP), jnp.float32),
            jax.ShapeDtypeStruct((B, OMP, HWP), jnp.float32),
        ],
    )(x, value_proj_w, value_proj_b, wom_p, bom_p)

    posi = jnp.arange(HWP, dtype=jnp.int32)
    whf = jnp.stack([(posi % W).astype(jnp.float32),
                     (posi // W).astype(jnp.float32)])

    mesh = plsc.VectorSubcoreMesh(core_axis_name="c", subcore_axis_name="s")
    core = pl.kernel(
        _sc_body,
        out_type=jax.ShapeDtypeStruct((B, CH, HWP), jnp.float32),
        mesh=mesh,
        scratch_types=[
            pltpu.VMEM((GC, HWP), jnp.float32),
            pltpu.VMEM((2, OMGP, CHUNK), jnp.float32),
            pltpu.VMEM((2, HWP), jnp.float32),
            pltpu.VMEM((2, GC, CHUNK), jnp.float32),
            [pltpu.SemaphoreType.DMA, pltpu.SemaphoreType.DMA],
            [pltpu.SemaphoreType.DMA, pltpu.SemaphoreType.DMA],
        ],
        compiler_params=pltpu.CompilerParams(needs_layout_passes=False),
    )(v_t, om_t, whf)

    out = pl.pallas_call(
        _proj_out_body,
        grid=(B,),
        in_specs=[
            pl.BlockSpec((1, CH, HWP), lambda n: (n, 0, 0)),
            pl.BlockSpec((CH, CH), lambda n: (0, 0)),
            pl.BlockSpec((CH,), lambda n: (0,)),
        ],
        out_specs=pl.BlockSpec((1, CH, HW), lambda n: (n, 0, 0)),
        out_shape=jax.ShapeDtypeStruct((B, CH, HW), jnp.float32),
    )(core, output_proj_w, output_proj_b)

    return out.reshape(B, CH, H, W)

# --- scband reference (transcript-rebuilt; emitter-appended) ---
"""Pipeline reference for scband-dcnv4-7876970021406 (READ-ONLY COPY).

The authoritative reference and input builder live on the scoring server;
editing this copy changes nothing except your own understanding.
"""

import jax, jax.numpy as jnp
import numpy as np

CH = 192
KS = 3
STRIDE = 1
PAD = 1
DIL = 1
GROUP = 24
GC = CH // GROUP
OFFSET_SCALE = 1.0
K3 = KS * KS
OM_DIM = int(np.ceil(GROUP * K3 * 3 / 8) * 8)
B, H, W = 4, 56, 56


def grid_sample_bilinear(im, grid):
    # im: (B, C, H, W); grid: (B, Hg, Wg, 2) normalized (x, y); align_corners=False, zero padding
    Bn, C, Hi, Wi = im.shape
    x = (grid[..., 0] + 1.0) * 0.5 * Wi - 0.5
    y = (grid[..., 1] + 1.0) * 0.5 * Hi - 0.5
    x0 = jnp.floor(x)
    y0 = jnp.floor(y)
    x1 = x0 + 1.0
    y1 = y0 + 1.0
    wx1 = x - x0
    wx0 = 1.0 - wx1
    wy1 = y - y0
    wy0 = 1.0 - wy1
    flat = im.reshape(Bn, C, Hi * Wi)

    def gather(ix, iy):
        valid = ((ix >= 0) & (ix <= Wi - 1) & (iy >= 0) & (iy <= Hi - 1)).astype(im.dtype)
        ixc = jnp.clip(ix, 0, Wi - 1).astype(jnp.int32)
        iyc = jnp.clip(iy, 0, Hi - 1).astype(jnp.int32)
        idx = (iyc * Wi + ixc).reshape(Bn, 1, -1)
        g = jnp.take_along_axis(flat, idx, axis=2).reshape(Bn, C, ix.shape[1], ix.shape[2])
        return g * valid[:, None]

    v00 = gather(x0, y0)
    v01 = gather(x1, y0)
    v10 = gather(x0, y1)
    v11 = gather(x1, y1)
    out = (v00 * (wx0 * wy0)[:, None] + v01 * (wx1 * wy0)[:, None]
           + v10 * (wx0 * wy1)[:, None] + v11 * (wx1 * wy1)[:, None])
    return out


def dcnv4_core(x, offset_mask):
    # x: (N, H, W, C) channels-last values; offset_mask: (N, H, W, OM_DIM)
    N, Hh, Ww, C = x.shape
    Hp, Wp = Hh + 2 * PAD, Ww + 2 * PAD
    xpad = jnp.pad(x, ((0, 0), (PAD, PAD), (PAD, PAD), (0, 0)))
    H_out = (Hp - (DIL * (KS - 1) + 1)) // STRIDE + 1
    W_out = (Wp - (DIL * (KS - 1) + 1)) // STRIDE + 1
    base = (DIL * (KS - 1)) // 2 + 0.5
    ref_y = jnp.linspace(base, base + (H_out - 1) * STRIDE, H_out) / Hp
    ref_x = jnp.linspace(base, base + (W_out - 1) * STRIDE, W_out) / Wp
    ry, rx = jnp.meshgrid(ref_y, ref_x, indexing='ij')
    ref = jnp.stack([rx, ry], -1).reshape(1, H_out, W_out, 1, 1, 2)
    g1 = jnp.linspace(-((DIL * (KS - 1)) // 2), -((DIL * (KS - 1)) // 2) + (KS - 1) * DIL, KS)
    gyy, gxx = jnp.meshgrid(g1, g1, indexing='ij')
    grid = jnp.stack([gxx / Wp, gyy / Hp], -1).reshape(1, 1, 1, 1, K3, 2)
    om = offset_mask[..., :GROUP * K3 * 3].reshape(N, H_out, W_out, GROUP, K3 * 3)
    offs = om[..., :2 * K3].reshape(N, H_out, W_out, GROUP, K3, 2)
    mask = om[..., 2 * K3:]  # DCNv4: no softmax on modulation
    spatial_norm = jnp.array([Wp, Hp], dtype=x.dtype)
    loc = ref + grid * OFFSET_SCALE + offs * OFFSET_SCALE / spatial_norm
    sg = 2.0 * loc - 1.0
    inp_ = xpad.reshape(N, Hp * Wp, GROUP, GC).transpose(0, 2, 3, 1).reshape(N * GROUP, GC, Hp, Wp)
    sg_ = sg.reshape(N, H_out * W_out, GROUP, K3, 2).transpose(0, 2, 1, 3, 4).reshape(N * GROUP, H_out * W_out, K3, 2)
    sampled = grid_sample_bilinear(inp_, sg_)  # (N*G, GC, HoWo, K3)
    mask_ = mask.reshape(N, H_out * W_out, GROUP, K3).transpose(0, 2, 1, 3).reshape(N * GROUP, 1, H_out * W_out, K3)
    out = (sampled * mask_).sum(-1)
    out = out.reshape(N, GROUP, GC, H_out * W_out).transpose(0, 3, 1, 2).reshape(N, H_out, W_out, GROUP * GC)
    return out


def setup_inputs(seed: int = 0) -> dict:
    key = jax.random.key(seed)
    ks = jax.random.split(key, 6)
    inp = {}
    inp['input'] = jax.random.normal(ks[0], (B, CH, H, W), dtype=jnp.float32)
    inp['value_proj_w'] = jax.random.normal(ks[1], (CH, CH), dtype=jnp.float32) / np.sqrt(CH)
    inp['value_proj_b'] = jnp.zeros((CH,), jnp.float32)
    inp['offset_mask_w'] = jax.random.normal(ks[2], (OM_DIM, CH), dtype=jnp.float32) * 0.01
    inp['offset_mask_b'] = jax.random.normal(ks[3], (OM_DIM,), dtype=jnp.float32) * 0.01
    inp['output_proj_w'] = jax.random.normal(ks[4], (CH, CH), dtype=jnp.float32) / np.sqrt(CH)
    inp['output_proj_b'] = jnp.zeros((CH,), jnp.float32)
    return inp


def reference(input, value_proj_w, value_proj_b, offset_mask_w, offset_mask_b, output_proj_w, output_proj_b):
    x = jnp.transpose(input, (0, 2, 3, 1))  # (N, H, W, C)
    v = x @ value_proj_w.T + value_proj_b
    om = x @ offset_mask_w.T + offset_mask_b
    out = dcnv4_core(v, om)
    out = out @ output_proj_w.T + output_proj_b
    return jnp.transpose(out, (0, 3, 1, 2))

if __name__ == "__main__":
    import jax
    _d = setup_inputs()
    print(jax.jit(kernel)(*tuple(_d.values())))

</pallas_src>

<mosaic_0001>
#map = affine_map<(d0, d1) -> (0, 0, 0)>
#map1 = affine_map<(d0, d1) -> (0, 0)>
module attributes {stable_mosaic.version = 14 : i64} {
  func.func @_sc_body(%arg0: i32, %arg1: i32, %arg2: memref<4x192x3200xf32, #tpu.memory_space<hbm>>, %arg3: memref<4x768x3200xf32, #tpu.memory_space<hbm>>, %arg4: memref<2x3200xf32, #tpu.memory_space<hbm>>, %arg5: memref<4x192x3200xf32, #tpu.memory_space<hbm>>, %arg6: memref<8x3200xf32, #tpu.memory_space<vmem>>, %arg7: memref<2x32x640xf32, #tpu.memory_space<vmem>>, %arg8: memref<2x3200xf32, #tpu.memory_space<vmem>>, %arg9: memref<2x8x640xf32, #tpu.memory_space<vmem>>, %arg10: memref<!tpu.dma_semaphore, #tpu.memory_space<semaphore_mem>>, %arg11: memref<!tpu.dma_semaphore, #tpu.memory_space<semaphore_mem>>, %arg12: memref<!tpu.dma_semaphore, #tpu.memory_space<semaphore_mem>>, %arg13: memref<!tpu.dma_semaphore, #tpu.memory_space<semaphore_mem>>) attributes {dimension_semantics = [#tpu.dimension_semantics<core_parallel>, #tpu.dimension_semantics<subcore_parallel>], iteration_bounds = array<i64: 2, 16>, scalar_prefetch = 0 : i64, scratch_operands = 8 : i64, tpu.core_type = #tpu.core_type<sc_vector_subcore>, window_params = [{transform_indices = #map}, {transform_indices = #map}, {transform_indices = #map1}, {transform_indices = #map}]} {
    %mul3A = arith.constant 2 : i32
    %mul3A_0 = arith.muli %arg1, %mul3A : i32
    %add3A = arith.addi %mul3A_0, %arg0 : i32
    "tpu.region"() ({
      %run_scoped3A = tpu.sem_alloc : memref<!tpu.dma_semaphore, #tpu.memory_space<semaphore_mem>>
      tpu.enqueue_dma source(%arg4 : memref<2x3200xf32, #tpu.memory_space<hbm>>) target(%arg8 : memref<2x3200xf32, #tpu.memory_space<vmem>>) target_semaphore(%run_scoped3A : memref<!tpu.dma_semaphore, #tpu.memory_space<semaphore_mem>>)
      tpu.wait_dma2 semaphore(%run_scoped3A : memref<!tpu.dma_semaphore, #tpu.memory_space<semaphore_mem>>) src(%arg4 : memref<2x3200xf32, #tpu.memory_space<hbm>>) dst(%arg8 : memref<2x3200xf32, #tpu.memory_space<vmem>>)
      tpu.yield
    }) : () -> ()
    %scan3A = arith.constant 0 : i32
    %scan3A_1 = arith.constant 0 : i32
    %scan3A_2 = arith.constant 3 : i32
    %scan3A_3 = arith.addi %scan3A_1, %scan3A_2 : i32
    %scan3A_4 = arith.constant 1 : i32
    %scan3A_5 = scf.for %scan3A_7 = %scan3A_1 to %scan3A_3 step %scan3A_4 iter_args(%scan3A_8 = %scan3A) -> (i32)  : i32 {
      %mul3A_9 = arith.constant 3 : i32
      %mul3A_10 = arith.muli %add3A, %mul3A_9 : i32
      %add3A_11 = arith.addi %mul3A_10, %scan3A_7 : i32
      %jit3A = arith.constant 24 : i32
      %div3A = arith.divsi %add3A_11, %jit3A : i32
      %sign3A = arith.constant 0 : i32
      %sign3A_12 = arith.cmpi sgt, %add3A_11, %sign3A : i32
      %sign3A_13 = arith.extui %sign3A_12 : i1 to i32
      %sign3A_14 = arith.constant 0 : i32
      %sign3A_15 = arith.cmpi slt, %add3A_11, %sign3A_14 : i32
      %sign3A_16 = arith.extui %sign3A_15 : i1 to i32
      %sign3A_17 = arith.subi %sign3A_13, %sign3A_16 : i32
      %sign3A_18 = arith.constant 0 : i32
      %sign3A_19 = arith.cmpi sgt, %jit3A, %sign3A_18 : i32
      %sign3A_20 = arith.extui %sign3A_19 : i1 to i32
      %sign3A_21 = arith.constant 0 : i32
      %sign3A_22 = arith.cmpi slt, %jit3A, %sign3A_21 : i32
      %sign3A_23 = arith.extui %sign3A_22 : i1 to i32
      %sign3A_24 = arith.subi %sign3A_20, %sign3A_23 : i32
      %ne3A = arith.cmpi ne, %sign3A_17, %sign3A_24 : i32
      %rem3A = arith.remsi %add3A_11, %jit3A : i32
      %ne3A_25 = arith.constant 0 : i32
      %ne3A_26 = arith.cmpi ne, %rem3A, %ne3A_25 : i32
      %and3A = arith.andi %ne3A, %ne3A_26 : i1
      %sub3A = arith.constant 1 : i32
      %sub3A_27 = arith.subi %div3A, %sub3A : i32
      %select_n3A = arith.select %and3A, %sub3A_27, %div3A : i32
      %jit3A_28 = arith.constant 24 : i32
      %eq3A = arith.constant 0 : i32
      %eq3A_29 = arith.cmpi eq, %jit3A_28, %eq3A : i32
      %jit3A_30 = arith.constant 1 : i32
      %select_n3A_31 = arith.select %eq3A_29, %jit3A_30, %jit3A_28 : i32
      %rem3A_32 = arith.remsi %add3A_11, %select_n3A_31 : i32
      %ne3A_33 = arith.constant 0 : i32
      %ne3A_34 = arith.cmpi ne, %rem3A_32, %ne3A_33 : i32
      %lt3A = arith.constant 0 : i32
      %lt3A_35 = arith.cmpi slt, %rem3A_32, %lt3A : i32
      %lt3A_36 = arith.constant 0 : i32
      %lt3A_37 = arith.cmpi slt, %select_n3A_31, %lt3A_36 : i32
      %ne3A_38 = arith.xori %lt3A_35, %lt3A_37 : i1
      %and3A_39 = arith.andi %ne3A_38, %ne3A_34 : i1
      %add3A_40 = arith.addi %rem3A_32, %select_n3A_31 : i32
      %select_n3A_41 = arith.select %and3A_39, %add3A_40, %rem3A_32 : i32
      %mul3A_42 = arith.constant 8 : i32
      %mul3A_43 = arith.muli %select_n3A_41, %mul3A_42 : i32
      "tpu.region"() ({
        %run_scoped3A = tpu.sem_alloc : memref<!tpu.dma_semaphore, #tpu.memory_space<semaphore_mem>>
        %dma_start3A_101 = arith.constant 0 : i32
        %dma_start3A_102 = tpu.memref_slice %arg2[%select_n3A, %mul3A_43, %dma_start3A_101] : memref<4x192x3200xf32, #tpu.memory_space<hbm>> -> memref<1x8x3200xf32, #tpu.memory_space<hbm>>
        %dma_start3A_103 = tpu.memref_squeeze %dma_start3A_102 : memref<1x8x3200xf32, #tpu.memory_space<hbm>> -> memref<8x3200xf32, #tpu.memory_space<hbm>>
        %dma_start3A_104 = arith.constant 0 : i32
        %dma_start3A_105 = tpu.memref_slice %arg2[%select_n3A, %mul3A_43, %dma_start3A_104] : memref<4x192x3200xf32, #tpu.memory_space<hbm>> -> memref<1x8x3200xf32, #tpu.memory_space<hbm>>
        %dma_start3A_106 = tpu.memref_squeeze %dma_start3A_105 : memref<1x8x3200xf32, #tpu.memory_space<hbm>> -> memref<8x3200xf32, #tpu.memory_space<hbm>>
        tpu.enqueue_dma source(%dma_start3A_106 : memref<8x3200xf32, #tpu.memory_space<hbm>>) target(%arg6 : memref<8x3200xf32, #tpu.memory_space<vmem>>) target_semaphore(%run_scoped3A : memref<!tpu.dma_semaphore, #tpu.memory_space<semaphore_mem>>)
        %dma_wait3A_107 = arith.constant 0 : i32
        %dma_wait3A_108 = tpu.memref_slice %arg2[%select_n3A, %mul3A_43, %dma_wait3A_107] : memref<4x192x3200xf32, #tpu.memory_space<hbm>> -> memref<1x8x3200xf32, #tpu.memory_space<hbm>>
        %dma_wait3A_109 = tpu.memref_squeeze %dma_wait3A_108 : memref<1x8x3200xf32, #tpu.memory_space<hbm>> -> memref<8x3200xf32, #tpu.memory_space<hbm>>
        %dma_wait3A_110 = arith.constant 0 : i32
        %dma_wait3A_111 = tpu.memref_slice %arg2[%select_n3A, %mul3A_43, %dma_wait3A_110] : memref<4x192x3200xf32, #tpu.memory_space<hbm>> -> memref<1x8x3200xf32, #tpu.memory_space<hbm>>
        %dma_wait3A_112 = tpu.memref_squeeze %dma_wait3A_111 : memref<1x8x3200xf32, #tpu.memory_space<hbm>> -> memref<8x3200xf32, #tpu.memory_space<hbm>>
        tpu.wait_dma2 semaphore(%run_scoped3A : memref<!tpu.dma_semaphore, #tpu.memory_space<semaphore_mem>>) src(%dma_wait3A_112 : memref<8x3200xf32, #tpu.memory_space<hbm>>) dst(%arg6 : memref<8x3200xf32, #tpu.memory_space<vmem>>)
        tpu.yield
      }) : () -> ()
      %mul3A_44 = arith.constant 32 : i32
      %mul3A_45 = arith.muli %select_n3A_41, %mul3A_44 : i32
      %dma_start3A = arith.constant 0 : i32
      %dma_start3A_46 = arith.constant 0 : i32
      %dma_start3A_47 = arith.constant 0 : i32
      %dma_start3A_48 = tpu.memref_slice %arg7[%dma_start3A, %dma_start3A_46, %dma_start3A_47] : memref<2x32x640xf32, #tpu.memory_space<vmem>> -> memref<1x32x640xf32, #tpu.memory_space<vmem>>
      %dma_start3A_49 = tpu.memref_squeeze %dma_start3A_48 : memref<1x32x640xf32, #tpu.memory_space<vmem>> -> memref<32x640xf32, #tpu.memory_space<vmem>>
      %dma_start3A_50 = arith.constant 0 : i32
      %dma_start3A_51 = tpu.memref_slice %arg3[%select_n3A, %mul3A_45, %dma_start3A_50] : memref<4x768x3200xf32, #tpu.memory_space<hbm>> -> memref<1x32x640xf32, #tpu.memory_space<hbm>>
      %dma_start3A_52 = tpu.memref_squeeze %dma_start3A_51 : memref<1x32x640xf32, #tpu.memory_space<hbm>> -> memref<32x640xf32, #tpu.memory_space<hbm>>
      %dma_start3A_53 = arith.constant 0 : i32
      %dma_start3A_54 = arith.constant 0 : i32
      %dma_start3A_55 = tpu.memref_slice %arg7[%dma_start3A, %dma_start3A_53, %dma_start3A_54] : memref<2x32x640xf32, #tpu.memory_space<vmem>> -> memref<1x32x640xf32, #tpu.memory_space<vmem>>
      %dma_start3A_56 = tpu.memref_squeeze %dma_start3A_55 : memref<1x32x640xf32, #tpu.memory_space<vmem>> -> memref<32x640xf32, #tpu.memory_space<vmem>>
      %dma_start3A_57 = arith.constant 0 : i32
      %dma_start3A_58 = tpu.memref_slice %arg3[%select_n3A, %mul3A_45, %dma_start3A_57] : memref<4x768x3200xf32, #tpu.memory_space<hbm>> -> memref<1x32x640xf32, #tpu.memory_space<hbm>>
      %dma_start3A_59 = tpu.memref_squeeze %dma_start3A_58 : memref<1x32x640xf32, #tpu.memory_space<hbm>> -> memref<32x640xf32, #tpu.memory_space<hbm>>
      tpu.enqueue_dma source(%dma_start3A_59 : memref<32x640xf32, #tpu.memory_space<hbm>>) target(%dma_start3A_56 : memref<32x640xf32, #tpu.memory_space<vmem>>) target_semaphore(%arg10 : memref<!tpu.dma_semaphore, #tpu.memory_space<semaphore_mem>>)
      %scan3A_60 = arith.constant 0 : i32
      %scan3A_61 = arith.constant 0 : i32
      %scan3A_62 = arith.constant 5 : i32
      %scan3A_63 = arith.addi %scan3A_61, %scan3A_62 : i32
      %scan3A_64 = arith.constant 1 : i32
      %scan3A_65 = scf.for %scan3A_101 = %scan3A_61 to %scan3A_63 step %scan3A_64 iter_args(%scan3A_102 = %scan3A_60) -> (i32)  : i32 {
        %rem3A_103 = arith.constant 2 : i32
        %rem3A_104 = arith.remsi %scan3A_101, %rem3A_103 : i32
        %add3A_105 = arith.constant 1 : i32
        %add3A_106 = arith.addi %scan3A_101, %add3A_105 : i32
        %lt3A_107 = arith.constant 5 : i32
        %lt3A_108 = arith.cmpi slt, %add3A_106, %lt3A_107 : i32
        %convert_element_type3A = arith.extui %lt3A_108 : i1 to i32
        %cond3A = arith.constant 0 : i32
        %cond3A_109 = arith.cmpi ne, %convert_element_type3A, %cond3A : i32
        scf.if %cond3A_109 {
          %eq3A_137 = arith.constant 0 : i32
          %eq3A_138 = arith.cmpi eq, %rem3A_104, %eq3A_137 : i32
          %convert_element_type3A_139 = arith.extui %eq3A_138 : i1 to i32
          %cond3A_140 = arith.constant 0 : i32
          %cond3A_141 = arith.cmpi ne, %convert_element_type3A_139, %cond3A_140 : i32
          scf.if %cond3A_141 {
            %add3A_147 = arith.constant 1 : i32
            %add3A_148 = arith.addi %scan3A_101, %add3A_147 : i32
            %mul3A_149 = arith.constant 32 : i32
            %mul3A_150 = arith.muli %select_n3A_41, %mul3A_149 : i32
            %mul3A_151 = arith.constant 640 : i32
            %mul3A_152 = arith.muli %add3A_148, %mul3A_151 : i32
            %dma_start3A_153 = arith.constant 1 : i32
            %dma_start3A_154 = arith.constant 0 : i32
            %dma_start3A_155 = arith.constant 0 : i32
            %dma_start3A_156 = tpu.memref_slice %arg7[%dma_start3A_153, %dma_start3A_154, %dma_start3A_155] : memref<2x32x640xf32, #tpu.memory_space<vmem>> -> memref<1x32x640xf32, #tpu.memory_space<vmem>>
            %dma_start3A_157 = tpu.memref_squeeze %dma_start3A_156 : memref<1x32x640xf32, #tpu.memory_space<vmem>> -> memref<32x640xf32, #tpu.memory_space<vmem>>
            %dma_start3A_158 = tpu.memref_slice %arg3[%select_n3A, %mul3A_150, %mul3A_152] : memref<4x768x3200xf32, #tpu.memory_space<hbm>> -> memref<1x32x640xf32, #tpu.memory_space<hbm>>
            %dma_start3A_159 = tpu.memref_squeeze %dma_start3A_158 : memref<1x32x640xf32, #tpu.memory_space<hbm>> -> memref<32x640xf32, #tpu.memory_space<hbm>>
            %dma_start3A_160 = arith.constant 0 : i32
            %dma_start3A_161 = arith.constant 0 : i32
            %dma_start3A_162 = tpu.memref_slice %arg7[%dma_start3A_153, %dma_start3A_160, %dma_start3A_161] : memref<2x32x640xf32, #tpu.memory_space<vmem>> -> memref<1x32x640xf32, #tpu.memory_space<vmem>>
            %dma_start3A_163 = tpu.memref_squeeze %dma_start3A_162 : memref<1x32x640xf32, #tpu.memory_space<vmem>> -> memref<32x640xf32, #tpu.memory_space<vmem>>
            %dma_start3A_164 = tpu.memref_slice %arg3[%select_n3A, %mul3A_150, %mul3A_152] : memref<4x768x3200xf32, #tpu.memory_space<hbm>> -> memref<1x32x640xf32, #tpu.memory_space<hbm>>
            %dma_start3A_165 = tpu.memref_squeeze %dma_start3A_164 : memref<1x32x640xf32, #tpu.memory_space<hbm>> -> memref<32x640xf32, #tpu.memory_space<hbm>>
            tpu.enqueue_dma source(%dma_start3A_165 : memref<32x640xf32, #tpu.memory_space<hbm>>) target(%dma_start3A_163 : memref<32x640xf32, #tpu.memory_space<vmem>>) target_semaphore(%arg11 : memref<!tpu.dma_semaphore, #tpu.memory_space<semaphore_mem>>)
          } else {
          }
          %eq3A_142 = arith.constant 1 : i32
          %eq3A_143 = arith.cmpi eq, %rem3A_104, %eq3A_142 : i32
          %convert_element_type3A_144 = arith.extui %eq3A_143 : i1 to i32
          %cond3A_145 = arith.constant 0 : i32
          %cond3A_146 = arith.cmpi ne, %convert_element_type3A_144, %cond3A_145 : i32
          scf.if %cond3A_146 {
            %add3A_147 = arith.constant 1 : i32
            %add3A_148 = arith.addi %scan3A_101, %add3A_147 : i32
            %mul3A_149 = arith.constant 32 : i32
            %mul3A_150 = arith.muli %select_n3A_41, %mul3A_149 : i32
            %mul3A_151 = arith.constant 640 : i32
            %mul3A_152 = arith.muli %add3A_148, %mul3A_151 : i32
            %dma_start3A_153 = arith.constant 0 : i32
            %dma_start3A_154 = arith.constant 0 : i32
            %dma_start3A_155 = arith.constant 0 : i32
            %dma_start3A_156 = tpu.memref_slice %arg7[%dma_start3A_153, %dma_start3A_154, %dma_start3A_155] : memref<2x32x640xf32, #tpu.memory_space<vmem>> -> memref<1x32x640xf32, #tpu.memory_space<vmem>>
            %dma_start3A_157 = tpu.memref_squeeze %dma_start3A_156 : memref<1x32x640xf32, #tpu.memory_space<vmem>> -> memref<32x640xf32, #tpu.memory_space<vmem>>
            %dma_start3A_158 = tpu.memref_slice %arg3[%select_n3A, %mul3A_150, %mul3A_152] : memref<4x768x3200xf32, #tpu.memory_space<hbm>> -> memref<1x32x640xf32, #tpu.memory_space<hbm>>
            %dma_start3A_159 = tpu.memref_squeeze %dma_start3A_158 : memref<1x32x640xf32, #tpu.memory_space<hbm>> -> memref<32x640xf32, #tpu.memory_space<hbm>>
            %dma_start3A_160 = arith.constant 0 : i32
            %dma_start3A_161 = arith.constant 0 : i32
            %dma_start3A_162 = tpu.memref_slice %arg7[%dma_start3A_153, %dma_start3A_160, %dma_start3A_161] : memref<2x32x640xf32, #tpu.memory_space<vmem>> -> memref<1x32x640xf32, #tpu.memory_space<vmem>>
            %dma_start3A_163 = tpu.memref_squeeze %dma_start3A_162 : memref<1x32x640xf32, #tpu.memory_space<vmem>> -> memref<32x640xf32, #tpu.memory_space<vmem>>
            %dma_start3A_164 = tpu.memref_slice %arg3[%select_n3A, %mul3A_150, %mul3A_152] : memref<4x768x3200xf32, #tpu.memory_space<hbm>> -> memref<1x32x640xf32, #tpu.memory_space<hbm>>
            %dma_start3A_165 = tpu.memref_squeeze %dma_start3A_164 : memref<1x32x640xf32, #tpu.memory_space<hbm>> -> memref<32x640xf32, #tpu.memory_space<hbm>>
            tpu.enqueue_dma source(%dma_start3A_165 : memref<32x640xf32, #tpu.memory_space<hbm>>) target(%dma_start3A_163 : memref<32x640xf32, #tpu.memory_space<vmem>>) target_semaphore(%arg10 : memref<!tpu.dma_semaphore, #tpu.memory_space<semaphore_mem>>)
          } else {
          }
        } else {
        }
        %eq3A_110 = arith.constant 0 : i32
        %eq3A_111 = arith.cmpi eq, %rem3A_104, %eq3A_110 : i32
        %convert_element_type3A_112 = arith.extui %eq3A_111 : i1 to i32
        %cond3A_113 = arith.constant 0 : i32
        %cond3A_114 = arith.cmpi ne, %convert_element_type3A_112, %cond3A_113 : i32
        scf.if %cond3A_114 {
          %mul3A_137 = arith.constant 32 : i32
          %mul3A_138 = arith.muli %select_n3A_41, %mul3A_137 : i32
          %mul3A_139 = arith.constant 640 : i32
          %mul3A_140 = arith.muli %scan3A_101, %mul3A_139 : i32
          %dma_wait3A_141 = arith.constant 0 : i32
          %dma_wait3A_142 = arith.constant 0 : i32
          %dma_wait3A_143 = arith.constant 0 : i32
          %dma_wait3A_144 = tpu.memref_slice %arg7[%dma_wait3A_141, %dma_wait3A_142, %dma_wait3A_143] : memref<2x32x640xf32, #tpu.memory_space<vmem>> -> memref<1x32x640xf32, #tpu.memory_space<vmem>>
          %dma_wait3A_145 = tpu.memref_squeeze %dma_wait3A_144 : memref<1x32x640xf32, #tpu.memory_space<vmem>> -> memref<32x640xf32, #tpu.memory_space<vmem>>
          %dma_wait3A_146 = tpu.memref_slice %arg3[%select_n3A, %mul3A_138, %mul3A_140] : memref<4x768x3200xf32, #tpu.memory_space<hbm>> -> memref<1x32x640xf32, #tpu.memory_space<hbm>>
          %dma_wait3A_147 = tpu.memref_squeeze %dma_wait3A_146 : memref<1x32x640xf32, #tpu.memory_space<hbm>> -> memref<32x640xf32, #tpu.memory_space<hbm>>
          %dma_wait3A_148 = arith.constant 0 : i32
          %dma_wait3A_149 = arith.constant 0 : i32
          %dma_wait3A_150 = tpu.memref_slice %arg7[%dma_wait3A_141, %dma_wait3A_148, %dma_wait3A_149] : memref<2x32x640xf32, #tpu.memory_space<vmem>> -> memref<1x32x640xf32, #tpu.memory_space<vmem>>
          %dma_wait3A_151 = tpu.memref_squeeze %dma_wait3A_150 : memref<1x32x640xf32, #tpu.memory_space<vmem>> -> memref<32x640xf32, #tpu.memory_space<vmem>>
          %dma_wait3A_152 = tpu.memref_slice %arg3[%select_n3A, %mul3A_138, %mul3A_140] : memref<4x768x3200xf32, #tpu.memory_space<hbm>> -> memref<1x32x640xf32, #tpu.memory_space<hbm>>
          %dma_wait3A_153 = tpu.memref_squeeze %dma_wait3A_152 : memref<1x32x640xf32, #tpu.memory_space<hbm>> -> memref<32x640xf32, #tpu.memory_space<hbm>>
          tpu.wait_dma2 semaphore(%arg10 : memref<!tpu.dma_semaphore, #tpu.memory_space<semaphore_mem>>) src(%dma_wait3A_153 : memref<32x640xf32, #tpu.memory_space<hbm>>) dst(%dma_wait3A_151 : memref<32x640xf32, #tpu.memory_space<vmem>>)
        } else {
        }
        %eq3A_115 = arith.constant 1 : i32
        %eq3A_116 = arith.cmpi eq, %rem3A_104, %eq3A_115 : i32
        %convert_element_type3A_117 = arith.extui %eq3A_116 : i1 to i32
        %cond3A_118 = arith.constant 0 : i32
        %cond3A_119 = arith.cmpi ne, %convert_element_type3A_117, %cond3A_118 : i32
        scf.if %cond3A_119 {
          %mul3A_137 = arith.constant 32 : i32
          %mul3A_138 = arith.muli %select_n3A_41, %mul3A_137 : i32
          %mul3A_139 = arith.constant 640 : i32
          %mul3A_140 = arith.muli %scan3A_101, %mul3A_139 : i32
          %dma_wait3A_141 = arith.constant 1 : i32
          %dma_wait3A_142 = arith.constant 0 : i32
          %dma_wait3A_143 = arith.constant 0 : i32
          %dma_wait3A_144 = tpu.memref_slice %arg7[%dma_wait3A_141, %dma_wait3A_142, %dma_wait3A_143] : memref<2x32x640xf32, #tpu.memory_space<vmem>> -> memref<1x32x640xf32, #tpu.memory_space<vmem>>
          %dma_wait3A_145 = tpu.memref_squeeze %dma_wait3A_144 : memref<1x32x640xf32, #tpu.memory_space<vmem>> -> memref<32x640xf32, #tpu.memory_space<vmem>>
          %dma_wait3A_146 = tpu.memref_slice %arg3[%select_n3A, %mul3A_138, %mul3A_140] : memref<4x768x3200xf32, #tpu.memory_space<hbm>> -> memref<1x32x640xf32, #tpu.memory_space<hbm>>
          %dma_wait3A_147 = tpu.memref_squeeze %dma_wait3A_146 : memref<1x32x640xf32, #tpu.memory_space<hbm>> -> memref<32x640xf32, #tpu.memory_space<hbm>>
          %dma_wait3A_148 = arith.constant 0 : i32
          %dma_wait3A_149 = arith.constant 0 : i32
          %dma_wait3A_150 = tpu.memref_slice %arg7[%dma_wait3A_141, %dma_wait3A_148, %dma_wait3A_149] : memref<2x32x640xf32, #tpu.memory_space<vmem>> -> memref<1x32x640xf32, #tpu.memory_space<vmem>>
          %dma_wait3A_151 = tpu.memref_squeeze %dma_wait3A_150 : memref<1x32x640xf32, #tpu.memory_space<vmem>> -> memref<32x640xf32, #tpu.memory_space<vmem>>
          %dma_wait3A_152 = tpu.memref_slice %arg3[%select_n3A, %mul3A_138, %mul3A_140] : memref<4x768x3200xf32, #tpu.memory_space<hbm>> -> memref<1x32x640xf32, #tpu.memory_space<hbm>>
          %dma_wait3A_153 = tpu.memref_squeeze %dma_wait3A_152 : memref<1x32x640xf32, #tpu.memory_space<hbm>> -> memref<32x640xf32, #tpu.memory_space<hbm>>
          tpu.wait_dma2 semaphore(%arg11 : memref<!tpu.dma_semaphore, #tpu.memory_space<semaphore_mem>>) src(%dma_wait3A_153 : memref<32x640xf32, #tpu.memory_space<hbm>>) dst(%dma_wait3A_151 : memref<32x640xf32, #tpu.memory_space<vmem>>)
        } else {
        }
        %ge3A = arith.constant 2 : i32
        %ge3A_120 = arith.cmpi sge, %scan3A_101, %ge3A : i32
        %convert_element_type3A_121 = arith.extui %ge3A_120 : i1 to i32
        %cond3A_122 = arith.constant 0 : i32
        %cond3A_123 = arith.cmpi ne, %convert_element_type3A_121, %cond3A_122 : i32
        scf.if %cond3A_123 {
          %eq3A_137 = arith.constant 0 : i32
          %eq3A_138 = arith.cmpi eq, %rem3A_104, %eq3A_137 : i32
          %convert_element_type3A_139 = arith.extui %eq3A_138 : i1 to i32
          %cond3A_140 = arith.constant 0 : i32
          %cond3A_141 = arith.cmpi ne, %convert_element_type3A_139, %cond3A_140 : i32
          scf.if %cond3A_141 {
            %sub3A_147 = arith.constant 2 : i32
            %sub3A_148 = arith.subi %scan3A_101, %sub3A_147 : i32
            %mul3A_149 = arith.constant 8 : i32
            %mul3A_150 = arith.muli %select_n3A_41, %mul3A_149 : i32
            %mul3A_151 = arith.constant 640 : i32
            %mul3A_152 = arith.muli %sub3A_148, %mul3A_151 : i32
            %dma_wait3A_153 = arith.constant 0 : i32
            %dma_wait3A_154 = arith.constant 0 : i32
            %dma_wait3A_155 = arith.constant 0 : i32
            %dma_wait3A_156 = tpu.memref_slice %arg9[%dma_wait3A_153, %dma_wait3A_154, %dma_wait3A_155] : memref<2x8x640xf32, #tpu.memory_space<vmem>> -> memref<1x8x640xf32, #tpu.memory_space<vmem>>
            %dma_wait3A_157 = tpu.memref_squeeze %dma_wait3A_156 : memref<1x8x640xf32, #tpu.memory_space<vmem>> -> memref<8x640xf32, #tpu.memory_space<vmem>>
            %dma_wait3A_158 = tpu.memref_slice %arg5[%select_n3A, %mul3A_150, %mul3A_152] : memref<4x192x3200xf32, #tpu.memory_space<hbm>> -> memref<1x8x640xf32, #tpu.memory_space<hbm>>
            %dma_wait3A_159 = tpu.memref_squeeze %dma_wait3A_158 : memref<1x8x640xf32, #tpu.memory_space<hbm>> -> memref<8x640xf32, #tpu.memory_space<hbm>>
            %dma_wait3A_160 = tpu.memref_slice %arg5[%select_n3A, %mul3A_150, %mul3A_152] : memref<4x192x3200xf32, #tpu.memory_space<hbm>> -> memref<1x8x640xf32, #tpu.memory_space<hbm>>
            %dma_wait3A_161 = tpu.memref_squeeze %dma_wait3A_160 : memref<1x8x640xf32, #tpu.memory_space<hbm>> -> memref<8x640xf32, #tpu.memory_space<hbm>>
            %dma_wait3A_162 = arith.constant 0 : i32
            %dma_wait3A_163 = arith.constant 0 : i32
            %dma_wait3A_164 = tpu.memref_slice %arg9[%dma_wait3A_153, %dma_wait3A_162, %dma_wait3A_163] : memref<2x8x640xf32, #tpu.memory_space<vmem>> -> memref<1x8x640xf32, #tpu.memory_space<vmem>>
            %dma_wait3A_165 = tpu.memref_squeeze %dma_wait3A_164 : memref<1x8x640xf32, #tpu.memory_space<vmem>> -> memref<8x640xf32, #tpu.memory_space<vmem>>
            tpu.wait_dma2 semaphore(%arg12 : memref<!tpu.dma_semaphore, #tpu.memory_space<semaphore_mem>>) src(%dma_wait3A_165 : memref<8x640xf32, #tpu.memory_space<vmem>>) dst(%dma_wait3A_161 : memref<8x640xf32, #tpu.memory_space<hbm>>)
          } else {
          }
          %eq3A_142 = arith.constant 1 : i32
          %eq3A_143 = arith.cmpi eq, %rem3A_104, %eq3A_142 : i32
          %convert_element_type3A_144 = arith.extui %eq3A_143 : i1 to i32
          %cond3A_145 = arith.constant 0 : i32
          %cond3A_146 = arith.cmpi ne, %convert_element_type3A_144, %cond3A_145 : i32
          scf.if %cond3A_146 {
            %sub3A_147 = arith.constant 2 : i32
            %sub3A_148 = arith.subi %scan3A_101, %sub3A_147 : i32
            %mul3A_149 = arith.constant 8 : i32
            %mul3A_150 = arith.muli %select_n3A_41, %mul3A_149 : i32
            %mul3A_151 = arith.constant 640 : i32
            %mul3A_152 = arith.muli %sub3A_148, %mul3A_151 : i32
            %dma_wait3A_153 = arith.constant 1 : i32
            %dma_wait3A_154 = arith.constant 0 : i32
            %dma_wait3A_155 = arith.constant 0 : i32
            %dma_wait3A_156 = tpu.memref_slice %arg9[%dma_wait3A_153, %dma_wait3A_154, %dma_wait3A_155] : memref<2x8x640xf32, #tpu.memory_space<vmem>> -> memref<1x8x640xf32, #tpu.memory_space<vmem>>
            %dma_wait3A_157 = tpu.memref_squeeze %dma_wait3A_156 : memref<1x8x640xf32, #tpu.memory_space<vmem>> -> memref<8x640xf32, #tpu.memory_space<vmem>>
            %dma_wait3A_158 = tpu.memref_slice %arg5[%select_n3A, %mul3A_150, %mul3A_152] : memref<4x192x3200xf32, #tpu.memory_space<hbm>> -> memref<1x8x640xf32, #tpu.memory_space<hbm>>
            %dma_wait3A_159 = tpu.memref_squeeze %dma_wait3A_158 : memref<1x8x640xf32, #tpu.memory_space<hbm>> -> memref<8x640xf32, #tpu.memory_space<hbm>>
            %dma_wait3A_160 = tpu.memref_slice %arg5[%select_n3A, %mul3A_150, %mul3A_152] : memref<4x192x3200xf32, #tpu.memory_space<hbm>> -> memref<1x8x640xf32, #tpu.memory_space<hbm>>
            %dma_wait3A_161 = tpu.memref_squeeze %dma_wait3A_160 : memref<1x8x640xf32, #tpu.memory_space<hbm>> -> memref<8x640xf32, #tpu.memory_space<hbm>>
            %dma_wait3A_162 = arith.constant 0 : i32
            %dma_wait3A_163 = arith.constant 0 : i32
            %dma_wait3A_164 = tpu.memref_slice %arg9[%dma_wait3A_153, %dma_wait3A_162, %dma_wait3A_163] : memref<2x8x640xf32, #tpu.memory_space<vmem>> -> memref<1x8x640xf32, #tpu.memory_space<vmem>>
            %dma_wait3A_165 = tpu.memref_squeeze %dma_wait3A_164 : memref<1x8x640xf32, #tpu.memory_space<vmem>> -> memref<8x640xf32, #tpu.memory_space<vmem>>
            tpu.wait_dma2 semaphore(%arg13 : memref<!tpu.dma_semaphore, #tpu.memory_space<semaphore_mem>>) src(%dma_wait3A_165 : memref<8x640xf32, #tpu.memory_space<vmem>>) dst(%dma_wait3A_161 : memref<8x640xf32, #tpu.memory_space<hbm>>)
          } else {
          }
        } else {
        }
        %parallel_loop3A = arith.constant 0 : i32
        %parallel_loop3A_124 = arith.constant 40 : i32
        %parallel_loop3A_125 = arith.constant 1 : i32
        scf.for %parallel_loop3A_137 = %parallel_loop3A to %parallel_loop3A_124 step %parallel_loop3A_125  : i32 {
          %parallel_loop3A_138 = arith.constant 640 : i32
          %parallel_loop3A_139 = arith.muli %scan3A_101, %parallel_loop3A_138 : i32
          %parallel_loop3A_140 = arith.constant 16 : i32
          %parallel_loop3A_141 = arith.muli %parallel_loop3A_137, %parallel_loop3A_140 : i32
          %parallel_loop3A_142 = arith.addi %parallel_loop3A_139, %parallel_loop3A_141 : i32
          %parallel_loop3A_143 = arith.constant 0 : i32
          %parallel_loop3A_144 = arith.index_cast %parallel_loop3A_143 : i32 to index
          %parallel_loop3A_145 = arith.index_cast %parallel_loop3A_142 : i32 to index
          %parallel_loop3A_146 = tpu.vector_load %arg8[%parallel_loop3A_144, %parallel_loop3A_145] {strides = array<i32>} : memref<2x3200xf32, #tpu.memory_space<vmem>>, vector<16xf32>,
          %parallel_loop3A_147 = arith.constant 1 : i32
          %parallel_loop3A_148 = arith.index_cast %parallel_loop3A_147 : i32 to index
          %parallel_loop3A_149 = arith.index_cast %parallel_loop3A_142 : i32 to index
          %parallel_loop3A_150 = tpu.vector_load %arg8[%parallel_loop3A_148, %parallel_loop3A_149] {strides = array<i32>} : memref<2x3200xf32, #tpu.memory_space<vmem>>, vector<16xf32>,
          %parallel_loop3A_151 = arith.constant 16 : i32
          %parallel_loop3A_152 = arith.muli %parallel_loop3A_137, %parallel_loop3A_151 : i32
          %parallel_loop3A_153 = arith.constant 0.000000e+00 : f32
          %parallel_loop3A_154 = vector.broadcast %parallel_loop3A_153 : f32 to vector<16xf32>
          %parallel_loop3A_155 = arith.constant 0.000000e+00 : f32
          %parallel_loop3A_156 = vector.broadcast %parallel_loop3A_155 : f32 to vector<16xf32>
          %parallel_loop3A_157 = arith.constant 0.000000e+00 : f32
          %parallel_loop3A_158 = vector.broadcast %parallel_loop3A_157 : f32 to vector<16xf32>
          %parallel_loop3A_159 = arith.constant 0.000000e+00 : f32
          %parallel_loop3A_160 = vector.broadcast %parallel_loop3A_159 : f32 to vector<16xf32>
          %parallel_loop3A_161 = arith.constant 0.000000e+00 : f32
          %parallel_loop3A_162 = vector.broadcast %parallel_loop3A_161 : f32 to vector<16xf32>
          %parallel_loop3A_163 = arith.constant 0.000000e+00 : f32
          %parallel_loop3A_164 = vector.broadcast %parallel_loop3A_163 : f32 to vector<16xf32>
          %parallel_loop3A_165 = arith.constant 0.000000e+00 : f32
          %parallel_loop3A_166 = vector.broadcast %parallel_loop3A_165 : f32 to vector<16xf32>
          %parallel_loop3A_167 = arith.constant 0.000000e+00 : f32
          %parallel_loop3A_168 = vector.broadcast %parallel_loop3A_167 : f32 to vector<16xf32>
          %parallel_loop3A_169 = arith.constant 0.000000e+00 : f32
          %parallel_loop3A_170 = vector.broadcast %parallel_loop3A_169 : f32 to vector<16xf32>
          %parallel_loop3A_171 = arith.constant 0 : i32
          %parallel_loop3A_172 = arith.index_cast %rem3A_104 : i32 to index
          %parallel_loop3A_173 = arith.index_cast %parallel_loop3A_171 : i32 to index
          %parallel_loop3A_174 = arith.index_cast %parallel_loop3A_152 : i32 to index
          %parallel_loop3A_175 = tpu.vector_load %arg7[%parallel_loop3A_172, %parallel_loop3A_173, %parallel_loop3A_174] {strides = array<i32>} : memref<2x32x640xf32, #tpu.memory_space<vmem>>, vector<16xf32>,
          %parallel_loop3A_176 = arith.constant 1 : i32
          %parallel_loop3A_177 = arith.index_cast %rem3A_104 : i32 to index
          %parallel_loop3A_178 = arith.index_cast %parallel_loop3A_176 : i32 to index
          %parallel_loop3A_179 = arith.index_cast %parallel_loop3A_152 : i32 to index
          %parallel_loop3A_180 = tpu.vector_load %arg7[%parallel_loop3A_177, %parallel_loop3A_178, %parallel_loop3A_179] {strides = array<i32>} : memref<2x32x640xf32, #tpu.memory_space<vmem>>, vector<16xf32>,
          %parallel_loop3A_181 = arith.constant 18 : i32
          %parallel_loop3A_182 = arith.index_cast %rem3A_104 : i32 to index
          %parallel_loop3A_183 = arith.index_cast %parallel_loop3A_181 : i32 to index
          %parallel_loop3A_184 = arith.index_cast %parallel_loop3A_152 : i32 to index
          %parallel_loop3A_185 = tpu.vector_load %arg7[%parallel_loop3A_182, %parallel_loop3A_183, %parallel_loop3A_184] {strides = array<i32>} : memref<2x32x640xf32, #tpu.memory_space<vmem>>, vector<16xf32>,
          %parallel_loop3A_186 = arith.constant 7.000000e+00 : f32
          %parallel_loop3A_187 = vector.broadcast %parallel_loop3A_186 : f32 to vector<16xf32>
          %parallel_loop3A_188 = arith.addf %parallel_loop3A_187, %parallel_loop3A_175 : vector<16xf32>
          %parallel_loop3A_189 = arith.addf %parallel_loop3A_146, %parallel_loop3A_188 : vector<16xf32>
          %parallel_loop3A_190 = arith.constant 4.000000e+00 : f32
          %parallel_loop3A_191 = arith.constant 6.800000e+01 : f32
          %parallel_loop3A_192 = vector.broadcast %parallel_loop3A_190 : f32 to vector<16xf32>
          %parallel_loop3A_193 = arith.maximumf %parallel_loop3A_192, %parallel_loop3A_189 : vector<16xf32>
          %parallel_loop3A_194 = vector.broadcast %parallel_loop3A_191 : f32 to vector<16xf32>
          %parallel_loop3A_195 = arith.minimumf %parallel_loop3A_194, %parallel_loop3A_193 : vector<16xf32>
          %parallel_loop3A_196 = arith.constant 7.000000e+00 : f32
          %parallel_loop3A_197 = vector.broadcast %parallel_loop3A_196 : f32 to vector<16xf32>
          %parallel_loop3A_198 = arith.addf %parallel_loop3A_197, %parallel_loop3A_180 : vector<16xf32>
          %parallel_loop3A_199 = arith.addf %parallel_loop3A_150, %parallel_loop3A_198 : vector<16xf32>
          %parallel_loop3A_200 = arith.constant 4.000000e+00 : f32
          %parallel_loop3A_201 = arith.constant 6.800000e+01 : f32
          %parallel_loop3A_202 = vector.broadcast %parallel_loop3A_200 : f32 to vector<16xf32>
          %parallel_loop3A_203 = arith.maximumf %parallel_loop3A_202, %parallel_loop3A_199 : vector<16xf32>
          %parallel_loop3A_204 = vector.broadcast %parallel_loop3A_201 : f32 to vector<16xf32>
          %parallel_loop3A_205 = arith.minimumf %parallel_loop3A_204, %parallel_loop3A_203 : vector<16xf32>
          %parallel_loop3A_206 = arith.fptosi %parallel_loop3A_195 : vector<16xf32> to vector<16xi32>
          %parallel_loop3A_207 = arith.sitofp %parallel_loop3A_206 : vector<16xi32> to vector<16xf32>
          %parallel_loop3A_208 = arith.fptosi %parallel_loop3A_205 : vector<16xf32> to vector<16xi32>
          %parallel_loop3A_209 = arith.sitofp %parallel_loop3A_208 : vector<16xi32> to vector<16xf32>
          %parallel_loop3A_210 = arith.subf %parallel_loop3A_195, %parallel_loop3A_207 : vector<16xf32>
          %parallel_loop3A_211 = arith.constant 1.000000e+00 : f32
          %parallel_loop3A_212 = vector.broadcast %parallel_loop3A_211 : f32 to vector<16xf32>
          %parallel_loop3A_213 = arith.subf %parallel_loop3A_212, %parallel_loop3A_210 : vector<16xf32>
          %parallel_loop3A_214 = arith.subf %parallel_loop3A_205, %parallel_loop3A_209 : vector<16xf32>
          %parallel_loop3A_215 = arith.constant 1.000000e+00 : f32
          %parallel_loop3A_216 = vector.broadcast %parallel_loop3A_215 : f32 to vector<16xf32>
          %parallel_loop3A_217 = arith.subf %parallel_loop3A_216, %parallel_loop3A_214 : vector<16xf32>
          %parallel_loop3A_218 = arith.constant 1 : i32
          %parallel_loop3A_219 = vector.broadcast %parallel_loop3A_218 : i32 to vector<16xi32>
          %parallel_loop3A_220 = arith.addi %parallel_loop3A_206, %parallel_loop3A_219 : vector<16xi32>
          %parallel_loop3A_221 = arith.constant 1 : i32
          %parallel_loop3A_222 = vector.broadcast %parallel_loop3A_221 : i32 to vector<16xi32>
          %parallel_loop3A_223 = arith.addi %parallel_loop3A_208, %parallel_loop3A_222 : vector<16xi32>
          %parallel_loop3A_224 = arith.constant 8 : i32
          %parallel_loop3A_225 = arith.constant 63 : i32
          %parallel_loop3A_226 = vector.broadcast %parallel_loop3A_224 : i32 to vector<16xi32>
          %parallel_loop3A_227 = arith.maxsi %parallel_loop3A_226, %parallel_loop3A_206 : vector<16xi32>
          %parallel_loop3A_228 = vector.broadcast %parallel_loop3A_225 : i32 to vector<16xi32>
          %parallel_loop3A_229 = arith.minsi %parallel_loop3A_228, %parallel_loop3A_227 : vector<16xi32>
          %parallel_loop3A_230 = arith.constant 8 : i32
          %parallel_loop3A_231 = arith.constant 63 : i32
          %parallel_loop3A_232 = vector.broadcast %parallel_loop3A_230 : i32 to vector<16xi32>
          %parallel_loop3A_233 = arith.maxsi %parallel_loop3A_232, %parallel_loop3A_220 : vector<16xi32>
          %parallel_loop3A_234 = vector.broadcast %parallel_loop3A_231 : i32 to vector<16xi32>
          %parallel_loop3A_235 = arith.minsi %parallel_loop3A_234, %parallel_loop3A_233 : vector<16xi32>
          %parallel_loop3A_236 = arith.constant 8 : i32
          %parallel_loop3A_237 = arith.constant 63 : i32
          %parallel_loop3A_238 = vector.broadcast %parallel_loop3A_236 : i32 to vector<16xi32>
          %parallel_loop3A_239 = arith.maxsi %parallel_loop3A_238, %parallel_loop3A_208 : vector<16xi32>
          %parallel_loop3A_240 = vector.broadcast %parallel_loop3A_237 : i32 to vector<16xi32>
          %parallel_loop3A_241 = arith.minsi %parallel_loop3A_240, %parallel_loop3A_239 : vector<16xi32>
          %parallel_loop3A_242 = arith.constant 8 : i32
          %parallel_loop3A_243 = arith.constant 63 : i32
          %parallel_loop3A_244 = vector.broadcast %parallel_loop3A_242 : i32 to vector<16xi32>
          %parallel_loop3A_245 = arith.maxsi %parallel_loop3A_244, %parallel_loop3A_223 : vector<16xi32>
          %parallel_loop3A_246 = vector.broadcast %parallel_loop3A_243 : i32 to vector<16xi32>
          %parallel_loop3A_247 = arith.minsi %parallel_loop3A_246, %parallel_loop3A_245 : vector<16xi32>
          %parallel_loop3A_248 = arith.cmpi eq, %parallel_loop3A_206, %parallel_loop3A_229 : vector<16xi32>
          %parallel_loop3A_249 = arith.cmpi eq, %parallel_loop3A_220, %parallel_loop3A_235 : vector<16xi32>
          %parallel_loop3A_250 = arith.cmpi eq, %parallel_loop3A_208, %parallel_loop3A_241 : vector<16xi32>
          %parallel_loop3A_251 = arith.cmpi eq, %parallel_loop3A_223, %parallel_loop3A_247 : vector<16xi32>
          %parallel_loop3A_252 = arith.constant 8 : i32
          %parallel_loop3A_253 = vector.broadcast %parallel_loop3A_252 : i32 to vector<16xi32>
          %parallel_loop3A_254 = arith.subi %parallel_loop3A_229, %parallel_loop3A_253 : vector<16xi32>
          %parallel_loop3A_255 = arith.constant 8 : i32
          %parallel_loop3A_256 = vector.broadcast %parallel_loop3A_255 : i32 to vector<16xi32>
          %parallel_loop3A_257 = arith.subi %parallel_loop3A_235, %parallel_loop3A_256 : vector<16xi32>
          %parallel_loop3A_258 = arith.constant 8 : i32
          %parallel_loop3A_259 = vector.broadcast %parallel_loop3A_258 : i32 to vector<16xi32>
          %parallel_loop3A_260 = arith.subi %parallel_loop3A_241, %parallel_loop3A_259 : vector<16xi32>
          %parallel_loop3A_261 = arith.constant 56 : i32
          %parallel_loop3A_262 = vector.broadcast %parallel_loop3A_261 : i32 to vector<16xi32>
          %parallel_loop3A_263 = arith.muli %parallel_loop3A_260, %parallel_loop3A_262 : vector<16xi32>
          %parallel_loop3A_264 = arith.constant 8 : i32
          %parallel_loop3A_265 = vector.broadcast %parallel_loop3A_264 : i32 to vector<16xi32>
          %parallel_loop3A_266 = arith.subi %parallel_loop3A_247, %parallel_loop3A_265 : vector<16xi32>
          %parallel_loop3A_267 = arith.constant 56 : i32
          %parallel_loop3A_268 = vector.broadcast %parallel_loop3A_267 : i32 to vector<16xi32>
          %parallel_loop3A_269 = arith.muli %parallel_loop3A_266, %parallel_loop3A_268 : vector<16xi32>
          %parallel_loop3A_270 = arith.addi %parallel_loop3A_263, %parallel_loop3A_254 : vector<16xi32>
          %parallel_loop3A_271 = arith.addi %parallel_loop3A_263, %parallel_loop3A_257 : vector<16xi32>
          %parallel_loop3A_272 = arith.addi %parallel_loop3A_269, %parallel_loop3A_254 : vector<16xi32>
          %parallel_loop3A_273 = arith.addi %parallel_loop3A_269, %parallel_loop3A_257 : vector<16xi32>
          %parallel_loop3A_274 = arith.select %parallel_loop3A_248, %parallel_loop3A_213, %parallel_loop3A_170 : vector<16xi1>, vector<16xf32>
          %parallel_loop3A_275 = arith.select %parallel_loop3A_249, %parallel_loop3A_210, %parallel_loop3A_170 : vector<16xi1>, vector<16xf32>
          %parallel_loop3A_276 = arith.mulf %parallel_loop3A_217, %parallel_loop3A_185 : vector<16xf32>
          %parallel_loop3A_277 = arith.select %parallel_loop3A_250, %parallel_loop3A_276, %parallel_loop3A_170 : vector<16xi1>, vector<16xf32>
          %parallel_loop3A_278 = arith.mulf %parallel_loop3A_214, %parallel_loop3A_185 : vector<16xf32>
          %parallel_loop3A_279 = arith.select %parallel_loop3A_251, %parallel_loop3A_278, %parallel_loop3A_170 : vector<16xi1>, vector<16xf32>
          %parallel_loop3A_280 = arith.mulf %parallel_loop3A_274, %parallel_loop3A_277 : vector<16xf32>
          %parallel_loop3A_281 = arith.mulf %parallel_loop3A_275, %parallel_loop3A_277 : vector<16xf32>
          %parallel_loop3A_282 = arith.mulf %parallel_loop3A_274, %parallel_loop3A_279 : vector<16xf32>
          %parallel_loop3A_283 = arith.mulf %parallel_loop3A_275, %parallel_loop3A_279 : vector<16xf32>
          %parallel_loop3A_284 = arith.constant 0 : i32
          %parallel_loop3A_285 = vector.broadcast %parallel_loop3A_284 : i32 to vector<16xi32>
          %parallel_loop3A_286 = tpu.vector_load_idx %arg6[%parallel_loop3A_285, %parallel_loop3A_270] : memref<8x3200xf32, #tpu.memory_space<vmem>>[vector<16xi32>, vector<16xi32>], vector<16xf32>,
          %parallel_loop3A_287 = tpu.vector_load_idx %arg6[%parallel_loop3A_285, %parallel_loop3A_271] : memref<8x3200xf32, #tpu.memory_space<vmem>>[vector<16xi32>, vector<16xi32>], vector<16xf32>,
          %parallel_loop3A_288 = tpu.vector_load_idx %arg6[%parallel_loop3A_285, %parallel_loop3A_272] : memref<8x3200xf32, #tpu.memory_space<vmem>>[vector<16xi32>, vector<16xi32>], vector<16xf32>,
          %parallel_loop3A_289 = tpu.vector_load_idx %arg6[%parallel_loop3A_285, %parallel_loop3A_273] : memref<8x3200xf32, #tpu.memory_space<vmem>>[vector<16xi32>, vector<16xi32>], vector<16xf32>,
          %parallel_loop3A_290 = arith.mulf %parallel_loop3A_286, %parallel_loop3A_280 : vector<16xf32>
          %parallel_loop3A_291 = arith.addf %parallel_loop3A_154, %parallel_loop3A_290 : vector<16xf32>
          %parallel_loop3A_292 = arith.mulf %parallel_loop3A_287, %parallel_loop3A_281 : vector<16xf32>
          %parallel_loop3A_293 = arith.addf %parallel_loop3A_291, %parallel_loop3A_292 : vector<16xf32>
          %parallel_loop3A_294 = arith.mulf %parallel_loop3A_288, %parallel_loop3A_282 : vector<16xf32>
          %parallel_loop3A_295 = arith.addf %parallel_loop3A_293, %parallel_loop3A_294 : vector<16xf32>
          %parallel_loop3A_296 = arith.mulf %parallel_loop3A_289, %parallel_loop3A_283 : vector<16xf32>
          %parallel_loop3A_297 = arith.addf %parallel_loop3A_295, %parallel_loop3A_296 : vector<16xf32>
          %parallel_loop3A_298 = arith.constant 1 : i32
          %parallel_loop3A_299 = vector.broadcast %parallel_loop3A_298 : i32 to vector<16xi32>
          %parallel_loop3A_300 = tpu.vector_load_idx %arg6[%parallel_loop3A_299, %parallel_loop3A_270] : memref<8x3200xf32, #tpu.memory_space<vmem>>[vector<16xi32>, vector<16xi32>], vector<16xf32>,
          %parallel_loop3A_301 = tpu.vector_load_idx %arg6[%parallel_loop3A_299, %parallel_loop3A_271] : memref<8x3200xf32, #tpu.memory_space<vmem>>[vector<16xi32>, vector<16xi32>], vector<16xf32>,
          %parallel_loop3A_302 = tpu.vector_load_idx %arg6[%parallel_loop3A_299, %parallel_loop3A_272] : memref<8x3200xf32, #tpu.memory_space<vmem>>[vector<16xi32>, vector<16xi32>], vector<16xf32>,
          %parallel_loop3A_303 = tpu.vector_load_idx %arg6[%parallel_loop3A_299, %parallel_loop3A_273] : memref<8x3200xf32, #tpu.memory_space<vmem>>[vector<16xi32>, vector<16xi32>], vector<16xf32>,
          %parallel_loop3A_304 = arith.mulf %parallel_loop3A_300, %parallel_loop3A_280 : vector<16xf32>
          %parallel_loop3A_305 = arith.addf %parallel_loop3A_156, %parallel_loop3A_304 : vector<16xf32>
          %parallel_loop3A_306 = arith.mulf %parallel_loop3A_301, %parallel_loop3A_281 : vector<16xf32>
          %parallel_loop3A_307 = arith.addf %parallel_loop3A_305, %parallel_loop3A_306 : vector<16xf32>
          %parallel_loop3A_308 = arith.mulf %parallel_loop3A_302, %parallel_loop3A_282 : vector<16xf32>
          %parallel_loop3A_309 = arith.addf %parallel_loop3A_307, %parallel_loop3A_308 : vector<16xf32>
          %parallel_loop3A_310 = arith.mulf %parallel_loop3A_303, %parallel_loop3A_283 : vector<16xf32>
          %parallel_loop3A_311 = arith.addf %parallel_loop3A_309, %parallel_loop3A_310 : vector<16xf32>
          %parallel_loop3A_312 = arith.constant 2 : i32
          %parallel_loop3A_313 = vector.broadcast %parallel_loop3A_312 : i32 to vector<16xi32>
          %parallel_loop3A_314 = tpu.vector_load_idx %arg6[%parallel_loop3A_313, %parallel_loop3A_270] : memref<8x3200xf32, #tpu.memory_space<vmem>>[vector<16xi32>, vector<16xi32>], vector<16xf32>,
          %parallel_loop3A_315 = tpu.vector_load_idx %arg6[%parallel_loop3A_313, %parallel_loop3A_271] : memref<8x3200xf32, #tpu.memory_space<vmem>>[vector<16xi32>, vector<16xi32>], vector<16xf32>,
          %parallel_loop3A_316 = tpu.vector_load_idx %arg6[%parallel_loop3A_313, %parallel_loop3A_272] : memref<8x3200xf32, #tpu.memory_space<vmem>>[vector<16xi32>, vector<16xi32>], vector<16xf32>,
          %parallel_loop3A_317 = tpu.vector_load_idx %arg6[%parallel_loop3A_313, %parallel_loop3A_273] : memref<8x3200xf32, #tpu.memory_space<vmem>>[vector<16xi32>, vector<16xi32>], vector<16xf32>,
          %parallel_loop3A_318 = arith.mulf %parallel_loop3A_314, %parallel_loop3A_280 : vector<16xf32>
          %parallel_loop3A_319 = arith.addf %parallel_loop3A_158, %parallel_loop3A_318 : vector<16xf32>
          %parallel_loop3A_320 = arith.mulf %parallel_loop3A_315, %parallel_loop3A_281 : vector<16xf32>
          %parallel_loop3A_321 = arith.addf %parallel_loop3A_319, %parallel_loop3A_320 : vector<16xf32>
          %parallel_loop3A_322 = arith.mulf %parallel_loop3A_316, %parallel_loop3A_282 : vector<16xf32>
          %parallel_loop3A_323 = arith.addf %parallel_loop3A_321, %parallel_loop3A_322 : vector<16xf32>
          %parallel_loop3A_324 = arith.mulf %parallel_loop3A_317, %parallel_loop3A_283 : vector<16xf32>
          %parallel_loop3A_325 = arith.addf %parallel_loop3A_323, %parallel_loop3A_324 : vector<16xf32>
          %parallel_loop3A_326 = arith.constant 3 : i32
          %parallel_loop3A_327 = vector.broadcast %parallel_loop3A_326 : i32 to vector<16xi32>
          %parallel_loop3A_328 = tpu.vector_load_idx %arg6[%parallel_loop3A_327, %parallel_loop3A_270] : memref<8x3200xf32, #tpu.memory_space<vmem>>[vector<16xi32>, vector<16xi32>], vector<16xf32>,
          %parallel_loop3A_329 = tpu.vector_load_idx %arg6[%parallel_loop3A_327, %parallel_loop3A_271] : memref<8x3200xf32, #tpu.memory_space<vmem>>[vector<16xi32>, vector<16xi32>], vector<16xf32>,
          %parallel_loop3A_330 = tpu.vector_load_idx %arg6[%parallel_loop3A_327, %parallel_loop3A_272] : memref<8x3200xf32, #tpu.memory_space<vmem>>[vector<16xi32>, vector<16xi32>], vector<16xf32>,
          %parallel_loop3A_331 = tpu.vector_load_idx %arg6[%parallel_loop3A_327, %parallel_loop3A_273] : memref<8x3200xf32, #tpu.memory_space<vmem>>[vector<16xi32>, vector<16xi32>], vector<16xf32>,
          %parallel_loop3A_332 = arith.mulf %parallel_loop3A_328, %parallel_loop3A_280 : vector<16xf32>
          %parallel_loop3A_333 = arith.addf %parallel_loop3A_160, %parallel_loop3A_332 : vector<16xf32>
          %parallel_loop3A_334 = arith.mulf %parallel_loop3A_329, %parallel_loop3A_281 : vector<16xf32>
          %parallel_loop3A_335 = arith.addf %parallel_loop3A_333, %parallel_loop3A_334 : vector<16xf32>
          %parallel_loop3A_336 = arith.mulf %parallel_loop3A_330, %parallel_loop3A_282 : vector<16xf32>
          %parallel_loop3A_337 = arith.addf %parallel_loop3A_335, %parallel_loop3A_336 : vector<16xf32>
          %parallel_loop3A_338 = arith.mulf %parallel_loop3A_331, %parallel_loop3A_283 : vector<16xf32>
          %parallel_loop3A_339 = arith.addf %parallel_loop3A_337, %parallel_loop3A_338 : vector<16xf32>
          %parallel_loop3A_340 = arith.constant 4 : i32
          %parallel_loop3A_341 = vector.broadcast %parallel_loop3A_340 : i32 to vector<16xi32>
          %parallel_loop3A_342 = tpu.vector_load_idx %arg6[%parallel_loop3A_341, %parallel_loop3A_270] : memref<8x3200xf32, #tpu.memory_space<vmem>>[vector<16xi32>, vector<16xi32>], vector<16xf32>,
          %parallel_loop3A_343 = tpu.vector_load_idx %arg6[%parallel_loop3A_341, %parallel_loop3A_271] : memref<8x3200xf32, #tpu.memory_space<vmem>>[vector<16xi32>, vector<16xi32>], vector<16xf32>,
          %parallel_loop3A_344 = tpu.vector_load_idx %arg6[%parallel_loop3A_341, %parallel_loop3A_272] : memref<8x3200xf32, #tpu.memory_space<vmem>>[vector<16xi32>, vector<16xi32>], vector<16xf32>,
          %parallel_loop3A_345 = tpu.vector_load_idx %arg6[%parallel_loop3A_341, %parallel_loop3A_273] : memref<8x3200xf32, #tpu.memory_space<vmem>>[vector<16xi32>, vector<16xi32>], vector<16xf32>,
          %parallel_loop3A_346 = arith.mulf %parallel_loop3A_342, %parallel_loop3A_280 : vector<16xf32>
          %parallel_loop3A_347 = arith.addf %parallel_loop3A_162, %parallel_loop3A_346 : vector<16xf32>
          %parallel_loop3A_348 = arith.mulf %parallel_loop3A_343, %parallel_loop3A_281 : vector<16xf32>
          %parallel_loop3A_349 = arith.addf %parallel_loop3A_347, %parallel_loop3A_348 : vector<16xf32>
          %parallel_loop3A_350 = arith.mulf %parallel_loop3A_344, %parallel_loop3A_282 : vector<16xf32>
          %parallel_loop3A_351 = arith.addf %parallel_loop3A_349, %parallel_loop3A_350 : vector<16xf32>
          %parallel_loop3A_352 = arith.mulf %parallel_loop3A_345, %parallel_loop3A_283 : vector<16xf32>
          %parallel_loop3A_353 = arith.addf %parallel_loop3A_351, %parallel_loop3A_352 : vector<16xf32>
          %parallel_loop3A_354 = arith.constant 5 : i32
          %parallel_loop3A_355 = vector.broadcast %parallel_loop3A_354 : i32 to vector<16xi32>
          %parallel_loop3A_356 = tpu.vector_load_idx %arg6[%parallel_loop3A_355, %parallel_loop3A_270] : memref<8x3200xf32, #tpu.memory_space<vmem>>[vector<16xi32>, vector<16xi32>], vector<16xf32>,
          %parallel_loop3A_357 = tpu.vector_load_idx %arg6[%parallel_loop3A_355, %parallel_loop3A_271] : memref<8x3200xf32, #tpu.memory_space<vmem>>[vector<16xi32>, vector<16xi32>], vector<16xf32>,
          %parallel_loop3A_358 = tpu.vector_load_idx %arg6[%parallel_loop3A_355, %parallel_loop3A_272] : memref<8x3200xf32, #tpu.memory_space<vmem>>[vector<16xi32>, vector<16xi32>], vector<16xf32>,
          %parallel_loop3A_359 = tpu.vector_load_idx %arg6[%parallel_loop3A_355, %parallel_loop3A_273] : memref<8x3200xf32, #tpu.memory_space<vmem>>[vector<16xi32>, vector<16xi32>], vector<16xf32>,
          %parallel_loop3A_360 = arith.mulf %parallel_loop3A_356, %parallel_loop3A_280 : vector<16xf32>
          %parallel_loop3A_361 = arith.addf %parallel_loop3A_164, %parallel_loop3A_360 : vector<16xf32>
          %parallel_loop3A_362 = arith.mulf %parallel_loop3A_357, %parallel_loop3A_281 : vector<16xf32>
          %parallel_loop3A_363 = arith.addf %parallel_loop3A_361, %parallel_loop3A_362 : vector<16xf32>
          %parallel_loop3A_364 = arith.mulf %parallel_loop3A_358, %parallel_loop3A_282 : vector<16xf32>
          %parallel_loop3A_365 = arith.addf %parallel_loop3A_363, %parallel_loop3A_364 : vector<16xf32>
          %parallel_loop3A_366 = arith.mulf %parallel_loop3A_359, %parallel_loop3A_283 : vector<16xf32>
          %parallel_loop3A_367 = arith.addf %parallel_loop3A_365, %parallel_loop3A_366 : vector<16xf32>
          %parallel_loop3A_368 = arith.constant 6 : i32
          %parallel_loop3A_369 = vector.broadcast %parallel_loop3A_368 : i32 to vector<16xi32>
          %parallel_loop3A_370 = tpu.vector_load_idx %arg6[%parallel_loop3A_369, %parallel_loop3A_270] : memref<8x3200xf32, #tpu.memory_space<vmem>>[vector<16xi32>, vector<16xi32>], vector<16xf32>,
          %parallel_loop3A_371 = tpu.vector_load_idx %arg6[%parallel_loop3A_369, %parallel_loop3A_271] : memref<8x3200xf32, #tpu.memory_space<vmem>>[vector<16xi32>, vector<16xi32>], vector<16xf32>,
          %parallel_loop3A_372 = tpu.vector_load_idx %arg6[%parallel_loop3A_369, %parallel_loop3A_272] : memref<8x3200xf32, #tpu.memory_space<vmem>>[vector<16xi32>, vector<16xi32>], vector<16xf32>,
          %parallel_loop3A_373 = tpu.vector_load_idx %arg6[%parallel_loop3A_369, %parallel_loop3A_273] : memref<8x3200xf32, #tpu.memory_space<vmem>>[vector<16xi32>, vector<16xi32>], vector<16xf32>,
          %parallel_loop3A_374 = arith.mulf %parallel_loop3A_370, %parallel_loop3A_280 : vector<16xf32>
          %parallel_loop3A_375 = arith.addf %parallel_loop3A_166, %parallel_loop3A_374 : vector<16xf32>
          %parallel_loop3A_376 = arith.mulf %parallel_loop3A_371, %parallel_loop3A_281 : vector<16xf32>
          %parallel_loop3A_377 = arith.addf %parallel_loop3A_375, %parallel_loop3A_376 : vector<16xf32>
          %parallel_loop3A_378 = arith.mulf %parallel_loop3A_372, %parallel_loop3A_282 : vector<16xf32>
          %parallel_loop3A_379 = arith.addf %parallel_loop3A_377, %parallel_loop3A_378 : vector<16xf32>
          %parallel_loop3A_380 = arith.mulf %parallel_loop3A_373, %parallel_loop3A_283 : vector<16xf32>
          %parallel_loop3A_381 = arith.addf %parallel_loop3A_379, %parallel_loop3A_380 : vector<16xf32>
          %parallel_loop3A_382 = arith.constant 7 : i32
          %parallel_loop3A_383 = vector.broadcast %parallel_loop3A_382 : i32 to vector<16xi32>
          %parallel_loop3A_384 = tpu.vector_load_idx %arg6[%parallel_loop3A_383, %parallel_loop3A_270] : memref<8x3200xf32, #tpu.memory_space<vmem>>[vector<16xi32>, vector<16xi32>], vector<16xf32>,
          %parallel_loop3A_385 = tpu.vector_load_idx %arg6[%parallel_loop3A_383, %parallel_loop3A_271] : memref<8x3200xf32, #tpu.memory_space<vmem>>[vector<16xi32>, vector<16xi32>], vector<16xf32>,
          %parallel_loop3A_386 = tpu.vector_load_idx %arg6[%parallel_loop3A_383, %parallel_loop3A_272] : memref<8x3200xf32, #tpu.memory_space<vmem>>[vector<16xi32>, vector<16xi32>], vector<16xf32>,
          %parallel_loop3A_387 = tpu.vector_load_idx %arg6[%parallel_loop3A_383, %parallel_loop3A_273] : memref<8x3200xf32, #tpu.memory_space<vmem>>[vector<16xi32>, vector<16xi32>], vector<16xf32>,
          %parallel_loop3A_388 = arith.mulf %parallel_loop3A_384, %parallel_loop3A_280 : vector<16xf32>
          %parallel_loop3A_389 = arith.addf %parallel_loop3A_168, %parallel_loop3A_388 : vector<16xf32>
          %parallel_loop3A_390 = arith.mulf %parallel_loop3A_385, %parallel_loop3A_281 : vector<16xf32>
          %parallel_loop3A_391 = arith.addf %parallel_loop3A_389, %parallel_loop3A_390 : vector<16xf32>
          %parallel_loop3A_392 = arith.mulf %parallel_loop3A_386, %parallel_loop3A_282 : vector<16xf32>
          %parallel_loop3A_393 = arith.addf %parallel_loop3A_391, %parallel_loop3A_392 : vector<16xf32>
          %parallel_loop3A_394 = arith.mulf %parallel_loop3A_387, %parallel_loop3A_283 : vector<16xf32>
          %parallel_loop3A_395 = arith.addf %parallel_loop3A_393, %parallel_loop3A_394 : vector<16xf32>
          %parallel_loop3A_396 = arith.constant 2 : i32
          %parallel_loop3A_397 = arith.index_cast %rem3A_104 : i32 to index
          %parallel_loop3A_398 = arith.index_cast %parallel_loop3A_396 : i32 to index
          %parallel_loop3A_399 = arith.index_cast %parallel_loop3A_152 : i32 to index
          %parallel_loop3A_400 = tpu.vector_load %arg7[%parallel_loop3A_397, %parallel_loop3A_398, %parallel_loop3A_399] {strides = array<i32>} : memref<2x32x640xf32, #tpu.memory_space<vmem>>, vector<16xf32>,
          %parallel_loop3A_401 = arith.constant 3 : i32
          %parallel_loop3A_402 = arith.index_cast %rem3A_104 : i32 to index
          %parallel_loop3A_403 = arith.index_cast %parallel_loop3A_401 : i32 to index
          %parallel_loop3A_404 = arith.index_cast %parallel_loop3A_152 : i32 to index
          %parallel_loop3A_405 = tpu.vector_load %arg7[%parallel_loop3A_402, %parallel_loop3A_403, %parallel_loop3A_404] {strides = array<i32>} : memref<2x32x640xf32, #tpu.memory_space<vmem>>, vector<16xf32>,
          %parallel_loop3A_406 = arith.constant 19 : i32
          %parallel_loop3A_407 = arith.index_cast %rem3A_104 : i32 to index
          %parallel_loop3A_408 = arith.index_cast %parallel_loop3A_406 : i32 to index
          %parallel_loop3A_409 = arith.index_cast %parallel_loop3A_152 : i32 to index
          %parallel_loop3A_410 = tpu.vector_load %arg7[%parallel_loop3A_407, %parallel_loop3A_408, %parallel_loop3A_409] {strides = array<i32>} : memref<2x32x640xf32, #tpu.memory_space<vmem>>, vector<16xf32>,
          %parallel_loop3A_411 = arith.constant 8.000000e+00 : f32
          %parallel_loop3A_412 = vector.broadcast %parallel_loop3A_411 : f32 to vector<16xf32>
          %parallel_loop3A_413 = arith.addf %parallel_loop3A_412, %parallel_loop3A_400 : vector<16xf32>
          %parallel_loop3A_414 = arith.addf %parallel_loop3A_146, %parallel_loop3A_413 : vector<16xf32>
          %parallel_loop3A_415 = arith.constant 4.000000e+00 : f32
          %parallel_loop3A_416 = arith.constant 6.800000e+01 : f32
          %parallel_loop3A_417 = vector.broadcast %parallel_loop3A_415 : f32 to vector<16xf32>
          %parallel_loop3A_418 = arith.maximumf %parallel_loop3A_417, %parallel_loop3A_414 : vector<16xf32>
          %parallel_loop3A_419 = vector.broadcast %parallel_loop3A_416 : f32 to vector<16xf32>
          %parallel_loop3A_420 = arith.minimumf %parallel_loop3A_419, %parallel_loop3A_418 : vector<16xf32>
          %parallel_loop3A_421 = arith.constant 7.000000e+00 : f32
          %parallel_loop3A_422 = vector.broadcast %parallel_loop3A_421 : f32 to vector<16xf32>
          %parallel_loop3A_423 = arith.addf %parallel_loop3A_422, %parallel_loop3A_405 : vector<16xf32>
          %parallel_loop3A_424 = arith.addf %parallel_loop3A_150, %parallel_loop3A_423 : vector<16xf32>
          %parallel_loop3A_425 = arith.constant 4.000000e+00 : f32
          %parallel_loop3A_426 = arith.constant 6.800000e+01 : f32
          %parallel_loop3A_427 = vector.broadcast %parallel_loop3A_425 : f32 to vector<16xf32>
          %parallel_loop3A_428 = arith.maximumf %parallel_loop3A_427, %parallel_loop3A_424 : vector<16xf32>
          %parallel_loop3A_429 = vector.broadcast %parallel_loop3A_426 : f32 to vector<16xf32>
          %parallel_loop3A_430 = arith.minimumf %parallel_loop3A_429, %parallel_loop3A_428 : vector<16xf32>
          %parallel_loop3A_431 = arith.fptosi %parallel_loop3A_420 : vector<16xf32> to vector<16xi32>
          %parallel_loop3A_432 = arith.sitofp %parallel_loop3A_431 : vector<16xi32> to vector<16xf32>
          %parallel_loop3A_433 = arith.fptosi %parallel_loop3A_430 : vector<16xf32> to vector<16xi32>
          %parallel_loop3A_434 = arith.sitofp %parallel_loop3A_433 : vector<16xi32> to vector<16xf32>
          %parallel_loop3A_435 = arith.subf %parallel_loop3A_420, %parallel_loop3A_432 : vector<16xf32>
          %parallel_loop3A_436 = arith.constant 1.000000e+00 : f32
          %parallel_loop3A_437 = vector.broadcast %parallel_loop3A_436 : f32 to vector<16xf32>
          %parallel_loop3A_438 = arith.subf %parallel_loop3A_437, %parallel_loop3A_435 : vector<16xf32>
          %parallel_loop3A_439 = arith.subf %parallel_loop3A_430, %parallel_loop3A_434 : vector<16xf32>
          %parallel_loop3A_440 = arith.constant 1.000000e+00 : f32
          %parallel_loop3A_441 = vector.broadcast %parallel_loop3A_440 : f32 to vector<16xf32>
          %parallel_loop3A_442 = arith.subf %parallel_loop3A_441, %parallel_loop3A_439 : vector<16xf32>
          %parallel_loop3A_443 = arith.constant 1 : i32
          %parallel_loop3A_444 = vector.broadcast %parallel_loop3A_443 : i32 to vector<16xi32>
          %parallel_loop3A_445 = arith.addi %parallel_loop3A_431, %parallel_loop3A_444 : vector<16xi32>
          %parallel_loop3A_446 = arith.constant 1 : i32
          %parallel_loop3A_447 = vector.broadcast %parallel_loop3A_446 : i32 to vector<16xi32>
          %parallel_loop3A_448 = arith.addi %parallel_loop3A_433, %parallel_loop3A_447 : vector<16xi32>
          %parallel_loop3A_449 = arith.constant 8 : i32
          %parallel_loop3A_450 = arith.constant 63 : i32
          %parallel_loop3A_451 = vector.broadcast %parallel_loop3A_449 : i32 to vector<16xi32>
          %parallel_loop3A_452 = arith.maxsi %parallel_loop3A_451, %parallel_loop3A_431 : vector<16xi32>
          %parallel_loop3A_453 = vector.broadcast %parallel_loop3A_450 : i32 to vector<16xi32>
          %parallel_loop3A_454 = arith.minsi %parallel_loop3A_453, %parallel_loop3A_452 : vector<16xi32>
          %parallel_loop3A_455 = arith.constant 8 : i32
          %parallel_loop3A_456 = arith.constant 63 : i32
          %parallel_loop3A_457 = vector.broadcast %parallel_loop3A_455 : i32 to vector<16xi32>
          %parallel_loop3A_458 = arith.maxsi %parallel_loop3A_457, %parallel_loop3A_445 : vector<16xi32>
          %parallel_loop3A_459 = vector.broadcast %parallel_loop3A_456 : i32 to vector<16xi32>
          %parallel_loop3A_460 = arith.minsi %parallel_loop3A_459, %parallel_loop3A_458 : vector<16xi32>
          %parallel_loop3A_461 = arith.constant 8 : i32
          %parallel_loop3A_462 = arith.constant 63 : i32
          %parallel_loop3A_463 = vector.broadcast %parallel_loop3A_461 : i32 to vector<16xi32>
          %parallel_loop3A_464 = arith.maxsi %parallel_loop3A_463, %parallel_loop3A_433 : vector<16xi32>
          %parallel_loop3A_465 = vector.broadcast %parallel_loop3A_462 : i32 to vector<16xi32>
          %parallel_loop3A_466 = arith.minsi %parallel_loop3A_465, %parallel_loop3A_464 : vector<16xi32>
          %parallel_loop3A_467 = arith.constant 8 : i32
          %parallel_loop3A_468 = arith.constant 63 : i32
          %parallel_loop3A_469 = vector.broadcast %parallel_loop3A_467 : i32 to vector<16xi32>
          %parallel_loop3A_470 = arith.maxsi %parallel_loop3A_469, %parallel_loop3A_448 : vector<16xi32>
          %parallel_loop3A_471 = vector.broadcast %parallel_loop3A_468 : i32 to vector<16xi32>
          %parallel_loop3A_472 = arith.minsi %parallel_loop3A_471, %parallel_loop3A_470 : vector<16xi32>
          %parallel_loop3A_473 = arith.cmpi eq, %parallel_loop3A_431, %parallel_loop3A_454 : vector<16xi32>
          %parallel_loop3A_474 = arith.cmpi eq, %parallel_loop3A_445, %parallel_loop3A_460 : vector<16xi32>
          %parallel_loop3A_475 = arith.cmpi eq, %parallel_loop3A_433, %parallel_loop3A_466 : vector<16xi32>
          %parallel_loop3A_476 = arith.cmpi eq, %parallel_loop3A_448, %parallel_loop3A_472 : vector<16xi32>
          %parallel_loop3A_477 = arith.constant 8 : i32
          %parallel_loop3A_478 = vector.broadcast %parallel_loop3A_477 : i32 to vector<16xi32>
          %parallel_loop3A_479 = arith.subi %parallel_loop3A_454, %parallel_loop3A_478 : vector<16xi32>
          %parallel_loop3A_480 = arith.constant 8 : i32
          %parallel_loop3A_481 = vector.broadcast %parallel_loop3A_480 : i32 to vector<16xi32>
          %parallel_loop3A_482 = arith.subi %parallel_loop3A_460, %parallel_loop3A_481 : vector<16xi32>
          %parallel_loop3A_483 = arith.constant 8 : i32
          %parallel_loop3A_484 = vector.broadcast %parallel_loop3A_483 : i32 to vector<16xi32>
          %parallel_loop3A_485 = arith.subi %parallel_loop3A_466, %parallel_loop3A_484 : vector<16xi32>
          %parallel_loop3A_486 = arith.constant 56 : i32
          %parallel_loop3A_487 = vector.broadcast %parallel_loop3A_486 : i32 to vector<16xi32>
          %parallel_loop3A_488 = arith.muli %parallel_loop3A_485, %parallel_loop3A_487 : vector<16xi32>
          %parallel_loop3A_489 = arith.constant 8 : i32
          %parallel_loop3A_490 = vector.broadcast %parallel_loop3A_489 : i32 to vector<16xi32>
          %parallel_loop3A_491 = arith.subi %parallel_loop3A_472, %parallel_loop3A_490 : vector<16xi32>
          %parallel_loop3A_492 = arith.constant 56 : i32
          %parallel_loop3A_493 = vector.broadcast %parallel_loop3A_492 : i32 to vector<16xi32>
          %parallel_loop3A_494 = arith.muli %parallel_loop3A_491, %parallel_loop3A_493 : vector<16xi32>
          %parallel_loop3A_495 = arith.addi %parallel_loop3A_488, %parallel_loop3A_479 : vector<16xi32>
          %parallel_loop3A_496 = arith.addi %parallel_loop3A_488, %parallel_loop3A_482 : vector<16xi32>
          %parallel_loop3A_497 = arith.addi %parallel_loop3A_494, %parallel_loop3A_479 : vector<16xi32>
          %parallel_loop3A_498 = arith.addi %parallel_loop3A_494, %parallel_loop3A_482 : vector<16xi32>
          %parallel_loop3A_499 = arith.select %parallel_loop3A_473, %parallel_loop3A_438, %parallel_loop3A_170 : vector<16xi1>, vector<16xf32>
          %parallel_loop3A_500 = arith.select %parallel_loop3A_474, %parallel_loop3A_435, %parallel_loop3A_170 : vector<16xi1>, vector<16xf32>
          %parallel_loop3A_501 = arith.mulf %parallel_loop3A_442, %parallel_loop3A_410 : vector<16xf32>
          %parallel_loop3A_502 = arith.select %parallel_loop3A_475, %parallel_loop3A_501, %parallel_loop3A_170 : vector<16xi1>, vector<16xf32>
          %parallel_loop3A_503 = arith.mulf %parallel_loop3A_439, %parallel_loop3A_410 : vector<16xf32>
          %parallel_loop3A_504 = arith.select %parallel_loop3A_476, %parallel_loop3A_503, %parallel_loop3A_170 : vector<16xi1>, vector<16xf32>
          %parallel_loop3A_505 = arith.mulf %parallel_loop3A_499, %parallel_loop3A_502 : vector<16xf32>
          %parallel_loop3A_506 = arith.mulf %parallel_loop3A_500, %parallel_loop3A_502 : vector<16xf32>
          %parallel_loop3A_507 = arith.mulf %parallel_loop3A_499, %parallel_loop3A_504 : vector<16xf32>
          %parallel_loop3A_508 = arith.mulf %parallel_loop3A_500, %parallel_loop3A_504 : vector<16xf32>
          %parallel_loop3A_509 = arith.constant 0 : i32
          %parallel_loop3A_510 = vector.broadcast %parallel_loop3A_509 : i32 to vector<16xi32>
          %parallel_loop3A_511 = tpu.vector_load_idx %arg6[%parallel_loop3A_510, %parallel_loop3A_495] : memref<8x3200xf32, #tpu.memory_space<vmem>>[vector<16xi32>, vector<16xi32>], vector<16xf32>,
          %parallel_loop3A_512 = tpu.vector_load_idx %arg6[%parallel_loop3A_510, %parallel_loop3A_496] : memref<8x3200xf32, #tpu.memory_space<vmem>>[vector<16xi32>, vector<16xi32>], vector<16xf32>,
          %parallel_loop3A_513 = tpu.vector_load_idx %arg6[%parallel_loop3A_510, %parallel_loop3A_497] : memref<8x3200xf32, #tpu.memory_space<vmem>>[vector<16xi32>, vector<16xi32>], vector<16xf32>,
          %parallel_loop3A_514 = tpu.vector_load_idx %arg6[%parallel_loop3A_510, %parallel_loop3A_498] : memref<8x3200xf32, #tpu.memory_space<vmem>>[vector<16xi32>, vector<16xi32>], vector<16xf32>,
          %parallel_loop3A_515 = arith.mulf %parallel_loop3A_511, %parallel_loop3A_505 : vector<16xf32>
          %parallel_loop3A_516 = arith.addf %parallel_loop3A_297, %parallel_loop3A_515 : vector<16xf32>
          %parallel_loop3A_517 = arith.mulf %parallel_loop3A_512, %parallel_loop3A_506 : vector<16xf32>
          %parallel_loop3A_518 = arith.addf %parallel_loop3A_516, %parallel_loop3A_517 : vector<16xf32>
          %parallel_loop3A_519 = arith.mulf %parallel_loop3A_513, %parallel_loop3A_507 : vector<16xf32>
          %parallel_loop3A_520 = arith.addf %parallel_loop3A_518, %parallel_loop3A_519 : vector<16xf32>
          %parallel_loop3A_521 = arith.mulf %parallel_loop3A_514, %parallel_loop3A_508 : vector<16xf32>
          %parallel_loop3A_522 = arith.addf %parallel_loop3A_520, %parallel_loop3A_521 : vector<16xf32>
          %parallel_loop3A_523 = arith.constant 1 : i32
          %parallel_loop3A_524 = vector.broadcast %parallel_loop3A_523 : i32 to vector<16xi32>
          %parallel_loop3A_525 = tpu.vector_load_idx %arg6[%parallel_loop3A_524, %parallel_loop3A_495] : memref<8x3200xf32, #tpu.memory_space<vmem>>[vector<16xi32>, vector<16xi32>], vector<16xf32>,
          %parallel_loop3A_526 = tpu.vector_load_idx %arg6[%parallel_loop3A_524, %parallel_loop3A_496] : memref<8x3200xf32, #tpu.memory_space<vmem>>[vector<16xi32>, vector<16xi32>], vector<16xf32>,
          %parallel_loop3A_527 = tpu.vector_load_idx %arg6[%parallel_loop3A_524, %parallel_loop3A_497] : memref<8x3200xf32, #tpu.memory_space<vmem>>[vector<16xi32>, vector<16xi32>], vector<16xf32>,
          %parallel_loop3A_528 = tpu.vector_load_idx %arg6[%parallel_loop3A_524, %parallel_loop3A_498] : memref<8x3200xf32, #tpu.memory_space<vmem>>[vector<16xi32>, vector<16xi32>], vector<16xf32>,
          %parallel_loop3A_529 = arith.mulf %parallel_loop3A_525, %parallel_loop3A_505 : vector<16xf32>
          %parallel_loop3A_530 = arith.addf %parallel_loop3A_311, %parallel_loop3A_529 : vector<16xf32>
          %parallel_loop3A_531 = arith.mulf %parallel_loop3A_526, %parallel_loop3A_506 : vector<16xf32>
          %parallel_loop3A_532 = arith.addf %parallel_loop3A_530, %parallel_loop3A_531 : vector<16xf32>
          %parallel_loop3A_533 = arith.mulf %parallel_loop3A_527, %parallel_loop3A_507 : vector<16xf32>
          %parallel_loop3A_534 = arith.addf %parallel_loop3A_532, %parallel_loop3A_533 : vector<16xf32>
          %parallel_loop3A_535 = arith.mulf %parallel_loop3A_528, %parallel_loop3A_508 : vector<16xf32>
          %parallel_loop3A_536 = arith.addf %parallel_loop3A_534, %parallel_loop3A_535 : vector<16xf32>
          %parallel_loop3A_537 = arith.constant 2 : i32
          %parallel_loop3A_538 = vector.broadcast %parallel_loop3A_537 : i32 to vector<16xi32>
          %parallel_loop3A_539 = tpu.vector_load_idx %arg6[%parallel_loop3A_538, %parallel_loop3A_495] : memref<8x3200xf32, #tpu.memory_space<vmem>>[vector<16xi32>, vector<16xi32>], vector<16xf32>,
          %parallel_loop3A_540 = tpu.vector_load_idx %arg6[%parallel_loop3A_538, %parallel_loop3A_496] : memref<8x3200xf32, #tpu.memory_space<vmem>>[vector<16xi32>, vector<16xi32>], vector<16xf32>,
          %parallel_loop3A_541 = tpu.vector_load_idx %arg6[%parallel_loop3A_538, %parallel_loop3A_497] : memref<8x3200xf32, #tpu.memory_space<vmem>>[vector<16xi32>, vector<16xi32>], vector<16xf32>,
          %parallel_loop3A_542 = tpu.vector_load_idx %arg6[%parallel_loop3A_538, %parallel_loop3A_498] : memref<8x3200xf32, #tpu.memory_space<vmem>>[vector<16xi32>, vector<16xi32>], vector<16xf32>,
          %parallel_loop3A_543 = arith.mulf %parallel_loop3A_539, %parallel_loop3A_505 : vector<16xf32>
          %parallel_loop3A_544 = arith.addf %parallel_loop3A_325, %parallel_loop3A_543 : vector<16xf32>
          %parallel_loop3A_545 = arith.mulf %parallel_loop3A_540, %parallel_loop3A_506 : vector<16xf32>
          %parallel_loop3A_546 = arith.addf %parallel_loop3A_544, %parallel_loop3A_545 : vector<16xf32>
          %parallel_loop3A_547 = arith.mulf %parallel_loop3A_541, %parallel_loop3A_507 : vector<16xf32>
          %parallel_loop3A_548 = arith.addf %parallel_loop3A_546, %parallel_loop3A_547 : vector<16xf32>
          %parallel_loop3A_549 = arith.mulf %parallel_loop3A_542, %parallel_loop3A_508 : vector<16xf32>
          %parallel_loop3A_550 = arith.addf %parallel_loop3A_548, %parallel_loop3A_549 : vector<16xf32>
          %parallel_loop3A_551 = arith.constant 3 : i32
          %parallel_loop3A_552 = vector.broadcast %parallel_loop3A_551 : i32 to vector<16xi32>
          %parallel_loop3A_553 = tpu.vector_load_idx %arg6[%parallel_loop3A_552, %parallel_loop3A_495] : memref<8x3200xf32, #tpu.memory_space<vmem>>[vector<16xi32>, vector<16xi32>], vector<16xf32>,
          %parallel_loop3A_554 = tpu.vector_load_idx %arg6[%parallel_loop3A_552, %parallel_loop3A_496] : memref<8x3200xf32, #tpu.memory_space<vmem>>[vector<16xi32>, vector<16xi32>], vector<16xf32>,
          %parallel_loop3A_555 = tpu.vector_load_idx %arg6[%parallel_loop3A_552, %parallel_loop3A_497] : memref<8x3200xf32, #tpu.memory_space<vmem>>[vector<16xi32>, vector<16xi32>], vector<16xf32>,
          %parallel_loop3A_556 = tpu.vector_load_idx %arg6[%parallel_loop3A_552, %parallel_loop3A_498] : memref<8x3200xf32, #tpu.memory_space<vmem>>[vector<16xi32>, vector<16xi32>], vector<16xf32>,
          %parallel_loop3A_557 = arith.mulf %parallel_loop3A_553, %parallel_loop3A_505 : vector<16xf32>
          %parallel_loop3A_558 = arith.addf %parallel_loop3A_339, %parallel_loop3A_557 : vector<16xf32>
          %parallel_loop3A_559 = arith.mulf %parallel_loop3A_554, %parallel_loop3A_506 : vector<16xf32>
          %parallel_loop3A_560 = arith.addf %parallel_loop3A_558, %parallel_loop3A_559 : vector<16xf32>
          %parallel_loop3A_561 = arith.mulf %parallel_loop3A_555, %parallel_loop3A_507 : vector<16xf32>
          %parallel_loop3A_562 = arith.addf %parallel_loop3A_560, %parallel_loop3A_561 : vector<16xf32>
          %parallel_loop3A_563 = arith.mulf %parallel_loop3A_556, %parallel_loop3A_508 : vector<16xf32>
          %parallel_loop3A_564 = arith.addf %parallel_loop3A_562, %parallel_loop3A_563 : vector<16xf32>
          %parallel_loop3A_565 = arith.constant 4 : i32
          %parallel_loop3A_566 = vector.broadcast %parallel_loop3A_565 : i32 to vector<16xi32>
          %parallel_loop3A_567 = tpu.vector_load_idx %arg6[%parallel_loop3A_566, %parallel_loop3A_495] : memref<8x3200xf32, #tpu.memory_space<vmem>>[vector<16xi32>, vector<16xi32>], vector<16xf32>,
          %parallel_loop3A_568 = tpu.vector_load_idx %arg6[%parallel_loop3A_566, %parallel_loop3A_496] : memref<8x3200xf32, #tpu.memory_space<vmem>>[vector<16xi32>, vector<16xi32>], vector<16xf32>,
          %parallel_loop3A_569 = tpu.vector_load_idx %arg6[%parallel_loop3A_566, %parallel_loop3A_497] : memref<8x3200xf32, #tpu.memory_space<vmem>>[vector<16xi32>, vector<16xi32>], vector<16xf32>,
          %parallel_loop3A_570 = tpu.vector_load_idx %arg6[%parallel_loop3A_566, %parallel_loop3A_498] : memref<8x3200xf32, #tpu.memory_space<vmem>>[vector<16xi32>, vector<16xi32>], vector<16xf32>,
          %parallel_loop3A_571 = arith.mulf %parallel_loop3A_567, %parallel_loop3A_505 : vector<16xf32>
          %parallel_loop3A_572 = arith.addf %parallel_loop3A_353, %parallel_loop3A_571 : vector<16xf32>
          %parallel_loop3A_573 = arith.mulf %parallel_loop3A_568, %parallel_loop3A_506 : vector<16xf32>
          %parallel_loop3A_574 = arith.addf %parallel_loop3A_572, %parallel_loop3A_573 : vector<16xf32>
          %parallel_loop3A_575 = arith.mulf %parallel_loop3A_569, %parallel_loop3A_507 : vector<16xf32>
          %parallel_loop3A_576 = arith.addf %parallel_loop3A_574, %parallel_loop3A_575 : vector<16xf32>
          %parallel_loop3A_577 = arith.mulf %parallel_loop3A_570, %parallel_loop3A_508 : vector<16xf32>
          %parallel_loop3A_578 = arith.addf %parallel_loop3A_576, %parallel_loop3A_577 : vector<16xf32>
          %parallel_loop3A_579 = arith.constant 5 : i32
          %parallel_loop3A_580 = vector.broadcast %parallel_loop3A_579 : i32 to vector<16xi32>
          %parallel_loop3A_581 = tpu.vector_load_idx %arg6[%parallel_loop3A_580, %parallel_loop3A_495] : memref<8x3200xf32, #tpu.memory_space<vmem>>[vector<16xi32>, vector<16xi32>], vector<16xf32>,
          %parallel_loop3A_582 = tpu.vector_load_idx %arg6[%parallel_loop3A_580, %parallel_loop3A_496] : memref<8x3200xf32, #tpu.memory_space<vmem>>[vector<16xi32>, vector<16xi32>], vector<16xf32>,
          %parallel_loop3A_583 = tpu.vector_load_idx %arg6[%parallel_loop3A_580, %parallel_loop3A_497] : memref<8x3200xf32, #tpu.memory_space<vmem>>[vector<16xi32>, vector<16xi32>], vector<16xf32>,
          %parallel_loop3A_584 = tpu.vector_load_idx %arg6[%parallel_loop3A_580, %parallel_loop3A_498] : memref<8x3200xf32, #tpu.memory_space<vmem>>[vector<16xi32>, vector<16xi32>], vector<16xf32>,
          %parallel_loop3A_585 = arith.mulf %parallel_loop3A_581, %parallel_loop3A_505 : vector<16xf32>
          %parallel_loop3A_586 = arith.addf %parallel_loop3A_367, %parallel_loop3A_585 : vector<16xf32>
          %parallel_loop3A_587 = arith.mulf %parallel_loop3A_582, %parallel_loop3A_506 : vector<16xf32>
          %parallel_loop3A_588 = arith.addf %parallel_loop3A_586, %parallel_loop3A_587 : vector<16xf32>
          %parallel_loop3A_589 = arith.mulf %parallel_loop3A_583, %parallel_loop3A_507 : vector<16xf32>
          %parallel_loop3A_590 = arith.addf %parallel_loop3A_588, %parallel_loop3A_589 : vector<16xf32>
          %parallel_loop3A_591 = arith.mulf %parallel_loop3A_584, %parallel_loop3A_508 : vector<16xf32>
          %parallel_loop3A_592 = arith.addf %parallel_loop3A_590, %parallel_loop3A_591 : vector<16xf32>
          %parallel_loop3A_593 = arith.constant 6 : i32
          %parallel_loop3A_594 = vector.broadcast %parallel_loop3A_593 : i32 to vector<16xi32>
          %parallel_loop3A_595 = tpu.vector_load_idx %arg6[%parallel_loop3A_594, %parallel_loop3A_495] : memref<8x3200xf32, #tpu.memory_space<vmem>>[vector<16xi32>, vector<16xi32>], vector<16xf32>,
          %parallel_loop3A_596 = tpu.vector_load_idx %arg6[%parallel_loop3A_594, %parallel_loop3A_496] : memref<8x3200xf32, #tpu.memory_space<vmem>>[vector<16xi32>, vector<16xi32>], vector<16xf32>,
          %parallel_loop3A_597 = tpu.vector_load_idx %arg6[%parallel_loop3A_594, %parallel_loop3A_497] : memref<8x3200xf32, #tpu.memory_space<vmem>>[vector<16xi32>, vector<16xi32>], vector<16xf32>,
          %parallel_loop3A_598 = tpu.vector_load_idx %arg6[%parallel_loop3A_594, %parallel_loop3A_498] : memref<8x3200xf32, #tpu.memory_space<vmem>>[vector<16xi32>, vector<16xi32>], vector<16xf32>,
          %parallel_loop3A_599 = arith.mulf %parallel_loop3A_595, %parallel_loop3A_505 : vector<16xf32>
          %parallel_loop3A_600 = arith.addf %parallel_loop3A_381, %parallel_loop3A_599 : vector<16xf32>
          %parallel_loop3A_601 = arith.mulf %parallel_loop3A_596, %parallel_loop3A_506 : vector<16xf32>
          %parallel_loop3A_602 = arith.addf %parallel_loop3A_600, %parallel_loop3A_601 : vector<16xf32>
          %parallel_loop3A_603 = arith.mulf %parallel_loop3A_597, %parallel_loop3A_507 : vector<16xf32>
          %parallel_loop3A_604 = arith.addf %parallel_loop3A_602, %parallel_loop3A_603 : vector<16xf32>
          %parallel_loop3A_605 = arith.mulf %parallel_loop3A_598, %parallel_loop3A_508 : vector<16xf32>
          %parallel_loop3A_606 = arith.addf %parallel_loop3A_604, %parallel_loop3A_605 : vector<16xf32>
          %parallel_loop3A_607 = arith.constant 7 : i32
          %parallel_loop3A_608 = vector.broadcast %parallel_loop3A_607 : i32 to vector<16xi32>
          %parallel_loop3A_609 = tpu.vector_load_idx %arg6[%parallel_loop3A_608, %parallel_loop3A_495] : memref<8x3200xf32, #tpu.memory_space<vmem>>[vector<16xi32>, vector<16xi32>], vector<16xf32>,
          %parallel_loop3A_610 = tpu.vector_load_idx %arg6[%parallel_loop3A_608, %parallel_loop3A_496] : memref<8x3200xf32, #tpu.memory_space<vmem>>[vector<16xi32>, vector<16xi32>], vector<16xf32>,
          %parallel_loop3A_611 = tpu.vector_load_idx %arg6[%parallel_loop3A_608, %parallel_loop3A_497] : memref<8x3200xf32, #tpu.memory_space<vmem>>[vector<16xi32>, vector<16xi32>], vector<16xf32>,
          %parallel_loop3A_612 = tpu.vector_load_idx %arg6[%parallel_loop3A_608, %parallel_loop3A_498] : memref<8x3200xf32, #tpu.memory_space<vmem>>[vector<16xi32>, vector<16xi32>], vector<16xf32>,
          %parallel_loop3A_613 = arith.mulf %parallel_loop3A_609, %parallel_loop3A_505 : vector<16xf32>
          %parallel_loop3A_614 = arith.addf %parallel_loop3A_395, %parallel_loop3A_613 : vector<16xf32>
          %parallel_loop3A_615 = arith.mulf %parallel_loop3A_610, %parallel_loop3A_506 : vector<16xf32>
          %parallel_loop3A_616 = arith.addf %parallel_loop3A_614, %parallel_loop3A_615 : vector<16xf32>
          %parallel_loop3A_617 = arith.mulf %parallel_loop3A_611, %parallel_loop3A_507 : vector<16xf32>
          %parallel_loop3A_618 = arith.addf %parallel_loop3A_616, %parallel_loop3A_617 : vector<16xf32>
          %parallel_loop3A_619 = arith.mulf %parallel_loop3A_612, %parallel_loop3A_508 : vector<16xf32>
          %parallel_loop3A_620 = arith.addf %parallel_loop3A_618, %parallel_loop3A_619 : vector<16xf32>
          %parallel_loop3A_621 = arith.constant 4 : i32
          %parallel_loop3A_622 = arith.index_cast %rem3A_104 : i32 to index
          %parallel_loop3A_623 = arith.index_cast %parallel_loop3A_621 : i32 to index
          %parallel_loop3A_624 = arith.index_cast %parallel_loop3A_152 : i32 to index
          %parallel_loop3A_625 = tpu.vector_load %arg7[%parallel_loop3A_622, %parallel_loop3A_623, %parallel_loop3A_624] {strides = array<i32>} : memref<2x32x640xf32, #tpu.memory_space<vmem>>, vector<16xf32>,
          %parallel_loop3A_626 = arith.constant 5 : i32
          %parallel_loop3A_627 = arith.index_cast %rem3A_104 : i32 to index
          %parallel_loop3A_628 = arith.index_cast %parallel_loop3A_626 : i32 to index
          %parallel_loop3A_629 = arith.index_cast %parallel_loop3A_152 : i32 to index
          %parallel_loop3A_630 = tpu.vector_load %arg7[%parallel_loop3A_627, %parallel_loop3A_628, %parallel_loop3A_629] {strides = array<i32>} : memref<2x32x640xf32, #tpu.memory_space<vmem>>, vector<16xf32>,
          %parallel_loop3A_631 = arith.constant 20 : i32
          %parallel_loop3A_632 = arith.index_cast %rem3A_104 : i32 to index
          %parallel_loop3A_633 = arith.index_cast %parallel_loop3A_631 : i32 to index
          %parallel_loop3A_634 = arith.index_cast %parallel_loop3A_152 : i32 to index
          %parallel_loop3A_635 = tpu.vector_load %arg7[%parallel_loop3A_632, %parallel_loop3A_633, %parallel_loop3A_634] {strides = array<i32>} : memref<2x32x640xf32, #tpu.memory_space<vmem>>, vector<16xf32>,
          %parallel_loop3A_636 = arith.constant 9.000000e+00 : f32
          %parallel_loop3A_637 = vector.broadcast %parallel_loop3A_636 : f32 to vector<16xf32>
          %parallel_loop3A_638 = arith.addf %parallel_loop3A_637, %parallel_loop3A_625 : vector<16xf32>
          %parallel_loop3A_639 = arith.addf %parallel_loop3A_146, %parallel_loop3A_638 : vector<16xf32>
          %parallel_loop3A_640 = arith.constant 4.000000e+00 : f32
          %parallel_loop3A_641 = arith.constant 6.800000e+01 : f32
          %parallel_loop3A_642 = vector.broadcast %parallel_loop3A_640 : f32 to vector<16xf32>
          %parallel_loop3A_643 = arith.maximumf %parallel_loop3A_642, %parallel_loop3A_639 : vector<16xf32>
          %parallel_loop3A_644 = vector.broadcast %parallel_loop3A_641 : f32 to vector<16xf32>
          %parallel_loop3A_645 = arith.minimumf %parallel_loop3A_644, %parallel_loop3A_643 : vector<16xf32>
          %parallel_loop3A_646 = arith.constant 7.000000e+00 : f32
          %parallel_loop3A_647 = vector.broadcast %parallel_loop3A_646 : f32 to vector<16xf32>
          %parallel_loop3A_648 = arith.addf %parallel_loop3A_647, %parallel_loop3A_630 : vector<16xf32>
          %parallel_loop3A_649 = arith.addf %parallel_loop3A_150, %parallel_loop3A_648 : vector<16xf32>
          %parallel_loop3A_650 = arith.constant 4.000000e+00 : f32
          %parallel_loop3A_651 = arith.constant 6.800000e+01 : f32
          %parallel_loop3A_652 = vector.broadcast %parallel_loop3A_650 : f32 to vector<16xf32>
          %parallel_loop3A_653 = arith.maximumf %parallel_loop3A_652, %parallel_loop3A_649 : vector<16xf32>
          %parallel_loop3A_654 = vector.broadcast %parallel_loop3A_651 : f32 to vector<16xf32>
          %parallel_loop3A_655 = arith.minimumf %parallel_loop3A_654, %parallel_loop3A_653 : vector<16xf32>
          %parallel_loop3A_656 = arith.fptosi %parallel_loop3A_645 : vector<16xf32> to vector<16xi32>
          %parallel_loop3A_657 = arith.sitofp %parallel_loop3A_656 : vector<16xi32> to vector<16xf32>
          %parallel_loop3A_658 = arith.fptosi %parallel_loop3A_655 : vector<16xf32> to vector<16xi32>
          %parallel_loop3A_659 = arith.sitofp %parallel_loop3A_658 : vector<16xi32> to vector<16xf32>
          %parallel_loop3A_660 = arith.subf %parallel_loop3A_645, %parallel_loop3A_657 : vector<16xf32>
          %parallel_loop3A_661 = arith.constant 1.000000e+00 : f32
          %parallel_loop3A_662 = vector.broadcast %parallel_loop3A_661 : f32 to vector<16xf32>
          %parallel_loop3A_663 = arith.subf %parallel_loop3A_662, %parallel_loop3A_660 : vector<16xf32>
          %parallel_loop3A_664 = arith.subf %parallel_loop3A_655, %parallel_loop3A_659 : vector<16xf32>
          %parallel_loop3A_665 = arith.constant 1.000000e+00 : f32
          %parallel_loop3A_666 = vector.broadcast %parallel_loop3A_665 : f32 to vector<16xf32>
          %parallel_loop3A_667 = arith.subf %parallel_loop3A_666, %parallel_loop3A_664 : vector<16xf32>
          %parallel_loop3A_668 = arith.constant 1 : i32
          %parallel_loop3A_669 = vector.broadcast %parallel_loop3A_668 : i32 to vector<16xi32>
          %parallel_loop3A_670 = arith.addi %parallel_loop3A_656, %parallel_loop3A_669 : vector<16xi32>
          %parallel_loop3A_671 = arith.constant 1 : i32
          %parallel_loop3A_672 = vector.broadcast %parallel_loop3A_671 : i32 to vector<16xi32>
          %parallel_loop3A_673 = arith.addi %parallel_loop3A_658, %parallel_loop3A_672 : vector<16xi32>
          %parallel_loop3A_674 = arith.constant 8 : i32
          %parallel_loop3A_675 = arith.constant 63 : i32
          %parallel_loop3A_676 = vector.broadcast %parallel_loop3A_674 : i32 to vector<16xi32>
          %parallel_loop3A_677 = arith.maxsi %parallel_loop3A_676, %parallel_loop3A_656 : vector<16xi32>
          %parallel_loop3A_678 = vector.broadcast %parallel_loop3A_675 : i32 to vector<16xi32>
          %parallel_loop3A_679 = arith.minsi %parallel_loop3A_678, %parallel_loop3A_677 : vector<16xi32>
          %parallel_loop3A_680 = arith.constant 8 : i32
          %parallel_loop3A_681 = arith.constant 63 : i32
          %parallel_loop3A_682 = vector.broadcast %parallel_loop3A_680 : i32 to vector<16xi32>
          %parallel_loop3A_683 = arith.maxsi %parallel_loop3A_682, %parallel_loop3A_670 : vector<16xi32>
          %parallel_loop3A_684 = vector.broadcast %parallel_loop3A_681 : i32 to vector<16xi32>
          %parallel_loop3A_685 = arith.minsi %parallel_loop3A_684, %parallel_loop3A_683 : vector<16xi32>
          %parallel_loop3A_686 = arith.constant 8 : i32
          %parallel_loop3A_687 = arith.constant 63 : i32
          %parallel_loop3A_688 = vector.broadcast %parallel_loop3A_686 : i32 to vector<16xi32>
          %parallel_loop3A_689 = arith.maxsi %parallel_loop3A_688, %parallel_loop3A_658 : vector<16xi32>
          %parallel_loop3A_690 = vector.broadcast %parallel_loop3A_687 : i32 to vector<16xi32>
          %parallel_loop3A_691 = arith.minsi %parallel_loop3A_690, %parallel_loop3A_689 : vector<16xi32>
          %parallel_loop3A_692 = arith.constant 8 : i32
          %parallel_loop3A_693 = arith.constant 63 : i32
          %parallel_loop3A_694 = vector.broadcast %parallel_loop3A_692 : i32 to vector<16xi32>
          %parallel_loop3A_695 = arith.maxsi %parallel_loop3A_694, %parallel_loop3A_673 : vector<16xi32>
          %parallel_loop3A_696 = vector.broadcast %parallel_loop3A_693 : i32 to vector<16xi32>
          %parallel_loop3A_697 = arith.minsi %parallel_loop3A_696, %parallel_loop3A_695 : vector<16xi32>
          %parallel_loop3A_698 = arith.cmpi eq, %parallel_loop3A_656, %parallel_loop3A_679 : vector<16xi32>
          %parallel_loop3A_699 = arith.cmpi eq, %parallel_loop3A_670, %parallel_loop3A_685 : vector<16xi32>
          %parallel_loop3A_700 = arith.cmpi eq, %parallel_loop3A_658, %parallel_loop3A_691 : vector<16xi32>
          %parallel_loop3A_701 = arith.cmpi eq, %parallel_loop3A_673, %parallel_loop3A_697 : vector<16xi32>
          %parallel_loop3A_702 = arith.constant 8 : i32
          %parallel_loop3A_703 = vector.broadcast %parallel_loop3A_702 : i32 to vector<16xi32>
          %parallel_loop3A_704 = arith.subi %parallel_loop3A_679, %parallel_loop3A_703 : vector<16xi32>
          %parallel_loop3A_705 = arith.constant 8 : i32
          %parallel_loop3A_706 = vector.broadcast %parallel_loop3A_705 : i32 to vector<16xi32>
          %parallel_loop3A_707 = arith.subi %parallel_loop3A_685, %parallel_loop3A_706 : vector<16xi32>
          %parallel_loop3A_708 = arith.constant 8 : i32
          %parallel_loop3A_709 = vector.broadcast %parallel_loop3A_708 : i32 to vector<16xi32>
          %parallel_loop3A_710 = arith.subi %parallel_loop3A_691, %parallel_loop3A_709 : vector<16xi32>
          %parallel_loop3A_711 = arith.constant 56 : i32
          %parallel_loop3A_712 = vector.broadcast %parallel_loop3A_711 : i32 to vector<16xi32>
          %parallel_loop3A_713 = arith.muli %parallel_loop3A_710, %parallel_loop3A_712 : vector<16xi32>
          %parallel_loop3A_714 = arith.constant 8 : i32
          %parallel_loop3A_715 = vector.broadcast %parallel_loop3A_714 : i32 to vector<16xi32>
          %parallel_loop3A_716 = arith.subi %parallel_loop3A_697, %parallel_loop3A_715 : vector<16xi32>
          %parallel_loop3A_717 = arith.constant 56 : i32
          %parallel_loop3A_718 = vector.broadcast %parallel_loop3A_717 : i32 to vector<16xi32>
          %parallel_loop3A_719 = arith.muli %parallel_loop3A_716, %parallel_loop3A_718 : vector<16xi32>
          %parallel_loop3A_720 = arith.addi %parallel_loop3A_713, %parallel_loop3A_704 : vector<16xi32>
          %parallel_loop3A_721 = arith.addi %parallel_loop3A_713, %parallel_loop3A_707 : vector<16xi32>
          %parallel_loop3A_722 = arith.addi %parallel_loop3A_719, %parallel_loop3A_704 : vector<16xi32>
          %parallel_loop3A_723 = arith.addi %parallel_loop3A_719, %parallel_loop3A_707 : vector<16xi32>
          %parallel_loop3A_724 = arith.select %parallel_loop3A_698, %parallel_loop3A_663, %parallel_loop3A_170 : vector<16xi1>, vector<16xf32>
          %parallel_loop3A_725 = arith.select %parallel_loop3A_699, %parallel_loop3A_660, %parallel_loop3A_170 : vector<16xi1>, vector<16xf32>
          %parallel_loop3A_726 = arith.mulf %parallel_loop3A_667, %parallel_loop3A_635 : vector<16xf32>
          %parallel_loop3A_727 = arith.select %parallel_loop3A_700, %parallel_loop3A_726, %parallel_loop3A_170 : vector<16xi1>, vector<16xf32>
          %parallel_loop3A_728 = arith.mulf %parallel_loop3A_664, %parallel_loop3A_635 : vector<16xf32>
          %parallel_loop3A_729 = arith.select %parallel_loop3A_701, %parallel_loop3A_728, %parallel_loop3A_170 : vector<16xi1>, vector<16xf32>
          %parallel_loop3A_730 = arith.mulf %parallel_loop3A_724, %parallel_loop3A_727 : vector<16xf32>
          %parallel_loop3A_731 = arith.mulf %parallel_loop3A_725, %parallel_loop3A_727 : vector<16xf32>
          %parallel_loop3A_732 = arith.mulf %parallel_loop3A_724, %parallel_loop3A_729 : vector<16xf32>
          %parallel_loop3A_733 = arith.mulf %parallel_loop3A_725, %parallel_loop3A_729 : vector<16xf32>
          %parallel_loop3A_734 = arith.constant 0 : i32
          %parallel_loop3A_735 = vector.broadcast %parallel_loop3A_734 : i32 to vector<16xi32>
          %parallel_loop3A_736 = tpu.vector_load_idx %arg6[%parallel_loop3A_735, %parallel_loop3A_720] : memref<8x3200xf32, #tpu.memory_space<vmem>>[vector<16xi32>, vector<16xi32>], vector<16xf32>,
          %parallel_loop3A_737 = tpu.vector_load_idx %arg6[%parallel_loop3A_735, %parallel_loop3A_721] : memref<8x3200xf32, #tpu.memory_space<vmem>>[vector<16xi32>, vector<16xi32>], vector<16xf32>,
          %parallel_loop3A_738 = tpu.vector_load_idx %arg6[%parallel_loop3A_735, %parallel_loop3A_722] : memref<8x3200xf32, #tpu.memory_space<vmem>>[vector<16xi32>, vector<16xi32>], vector<16xf32>,
          %parallel_loop3A_739 = tpu.vector_load_idx %arg6[%parallel_loop3A_735, %parallel_loop3A_723] : memref<8x3200xf32, #tpu.memory_space<vmem>>[vector<16xi32>, vector<16xi32>], vector<16xf32>,
          %parallel_loop3A_740 = arith.mulf %parallel_loop3A_736, %parallel_loop3A_730 : vector<16xf32>
          %parallel_loop3A_741 = arith.addf %parallel_loop3A_522, %parallel_loop3A_740 : vector<16xf32>
          %parallel_loop3A_742 = arith.mulf %parallel_loop3A_737, %parallel_loop3A_731 : vector<16xf32>
          %parallel_loop3A_743 = arith.addf %parallel_loop3A_741, %parallel_loop3A_742 : vector<16xf32>
          %parallel_loop3A_744 = arith.mulf %parallel_loop3A_738, %parallel_loop3A_732 : vector<16xf32>
          %parallel_loop3A_745 = arith.addf %parallel_loop3A_743, %parallel_loop3A_744 : vector<16xf32>
          %parallel_loop3A_746 = arith.mulf %parallel_loop3A_739, %parallel_loop3A_733 : vector<16xf32>
          %parallel_loop3A_747 = arith.addf %parallel_loop3A_745, %parallel_loop3A_746 : vector<16xf32>
          %parallel_loop3A_748 = arith.constant 1 : i32
          %parallel_loop3A_749 = vector.broadcast %parallel_loop3A_748 : i32 to vector<16xi32>
          %parallel_loop3A_750 = tpu.vector_load_idx %arg6[%parallel_loop3A_749, %parallel_loop3A_720] : memref<8x3200xf32, #tpu.memory_space<vmem>>[vector<16xi32>, vector<16xi32>], vector<16xf32>,
          %parallel_loop3A_751 = tpu.vector_load_idx %arg6[%parallel_loop3A_749, %parallel_loop3A_721] : memref<8x3200xf32, #tpu.memory_space<vmem>>[vector<16xi32>, vector<16xi32>], vector<16xf32>,
          %parallel_loop3A_752 = tpu.vector_load_idx %arg6[%parallel_loop3A_749, %parallel_loop3A_722] : memref<8x3200xf32, #tpu.memory_space<vmem>>[vector<16xi32>, vector<16xi32>], vector<16xf32>,
          %parallel_loop3A_753 = tpu.vector_load_idx %arg6[%parallel_loop3A_749, %parallel_loop3A_723] : memref<8x3200xf32, #tpu.memory_space<vmem>>[vector<16xi32>, vector<16xi32>], vector<16xf32>,
          %parallel_loop3A_754 = arith.mulf %parallel_loop3A_750, %parallel_loop3A_730 : vector<16xf32>
          %parallel_loop3A_755 = arith.addf %parallel_loop3A_536, %parallel_loop3A_754 : vector<16xf32>
          %parallel_loop3A_756 = arith.mulf %parallel_loop3A_751, %parallel_loop3A_731 : vector<16xf32>
          %parallel_loop3A_757 = arith.addf %parallel_loop3A_755, %parallel_loop3A_756 : vector<16xf32>
          %parallel_loop3A_758 = arith.mulf %parallel_loop3A_752, %parallel_loop3A_732 : vector<16xf32>
          %parallel_loop3A_759 = arith.addf %parallel_loop3A_757, %parallel_loop3A_758 : vector<16xf32>
          %parallel_loop3A_760 = arith.mulf %parallel_loop3A_753, %parallel_loop3A_733 : vector<16xf32>
          %parallel_loop3A_761 = arith.addf %parallel_loop3A_759, %parallel_loop3A_760 : vector<16xf32>
          %parallel_loop3A_762 = arith.constant 2 : i32
          %parallel_loop3A_763 = vector.broadcast %parallel_loop3A_762 : i32 to vector<16xi32>
          %parallel_loop3A_764 = tpu.vector_load_idx %arg6[%parallel_loop3A_763, %parallel_loop3A_720] : memref<8x3200xf32, #tpu.memory_space<vmem>>[vector<16xi32>, vector<16xi32>], vector<16xf32>,
          %parallel_loop3A_765 = tpu.vector_load_idx %arg6[%parallel_loop3A_763, %parallel_loop3A_721] : memref<8x3200xf32, #tpu.memory_space<vmem>>[vector<16xi32>, vector<16xi32>], vector<16xf32>,
          %parallel_loop3A_766 = tpu.vector_load_idx %arg6[%parallel_loop3A_763, %parallel_loop3A_722] : memref<8x3200xf32, #tpu.memory_space<vmem>>[vector<16xi32>, vector<16xi32>], vector<16xf32>,
          %parallel_loop3A_767 = tpu.vector_load_idx %arg6[%parallel_loop3A_763, %parallel_loop3A_723] : memref<8x3200xf32, #tpu.memory_space<vmem>>[vector<16xi32>, vector<16xi32>], vector<16xf32>,
          %parallel_loop3A_768 = arith.mulf %parallel_loop3A_764, %parallel_loop3A_730 : vector<16xf32>
          %parallel_loop3A_769 = arith.addf %parallel_loop3A_550, %parallel_loop3A_768 : vector<16xf32>
          %parallel_loop3A_770 = arith.mulf %parallel_loop3A_765, %parallel_loop3A_731 : vector<16xf32>
          %parallel_loop3A_771 = arith.addf %parallel_loop3A_769, %parallel_loop3A_770 : vector<16xf32>
          %parallel_loop3A_772 = arith.mulf %parallel_loop3A_766, %parallel_loop3A_732 : vector<16xf32>
          %parallel_loop3A_773 = arith.addf %parallel_loop3A_771, %parallel_loop3A_772 : vector<16xf32>
          %parallel_loop3A_774 = arith.mulf %parallel_loop3A_767, %parallel_loop3A_733 : vector<16xf32>
          %parallel_loop3A_775 = arith.addf %parallel_loop3A_773, %parallel_loop3A_774 : vector<16xf32>
          %parallel_loop3A_776 = arith.constant 3 : i32
          %parallel_loop3A_777 = vector.broadcast %parallel_loop3A_776 : i32 to vector<16xi32>
          %parallel_loop3A_778 = tpu.vector_load_idx %arg6[%parallel_loop3A_777, %parallel_loop3A_720] : memref<8x3200xf32, #tpu.memory_space<vmem>>[vector<16xi32>, vector<16xi32>], vector<16xf32>,
          %parallel_loop3A_779 = tpu.vector_load_idx %arg6[%parallel_loop3A_777, %parallel_loop3A_721] : memref<8x3200xf32, #tpu.memory_space<vmem>>[vector<16xi32>, vector<16xi32>], vector<16xf32>,
          %parallel_loop3A_780 = tpu.vector_load_idx %arg6[%parallel_loop3A_777, %parallel_loop3A_722] : memref<8x3200xf32, #tpu.memory_space<vmem>>[vector<16xi32>, vector<16xi32>], vector<16xf32>,
          %parallel_loop3A_781 = tpu.vector_load_idx %arg6[%parallel_loop3A_777, %parallel_loop3A_723] : memref<8x3200xf32, #tpu.memory_space<vmem>>[vector<16xi32>, vector<16xi32>], vector<16xf32>,
          %parallel_loop3A_782 = arith.mulf %parallel_loop3A_778, %parallel_loop3A_730 : vector<16xf32>
          %parallel_loop3A_783 = arith.addf %parallel_loop3A_564, %parallel_loop3A_782 : vector<16xf32>
          %parallel_loop3A_784 = arith.mulf %parallel_loop3A_779, %parallel_loop3A_731 : vector<16xf32>
          %parallel_loop3A_785 = arith.addf %parallel_loop3A_783, %parallel_loop3A_784 : vector<16xf32>
          %parallel_loop3A_786 = arith.mulf %parallel_loop3A_780, %parallel_loop3A_732 : vector<16xf32>
          %parallel_loop3A_787 = arith.addf %parallel_loop3A_785, %parallel_loop3A_786 : vector<16xf32>
          %parallel_loop3A_788 = arith.mulf %parallel_loop3A_781, %parallel_loop3A_733 : vector<16xf32>
          %parallel_loop3A_789 = arith.addf %parallel_loop3A_787, %parallel_loop3A_788 : vector<16xf32>
          %parallel_loop3A_790 = arith.constant 4 : i32
          %parallel_loop3A_791 = vector.broadcast %parallel_loop3A_790 : i32 to vector<16xi32>
          %parallel_loop3A_792 = tpu.vector_load_idx %arg6[%parallel_loop3A_791, %parallel_loop3A_720] : memref<8x3200xf32, #tpu.memory_space<vmem>>[vector<16xi32>, vector<16xi32>], vector<16xf32>,
          %parallel_loop3A_793 = tpu.vector_load_idx %arg6[%parallel_loop3A_791, %parallel_loop3A_721] : memref<8x3200xf32, #tpu.memory_space<vmem>>[vector<16xi32>, vector<16xi32>], vector<16xf32>,
          %parallel_loop3A_794 = tpu.vector_load_idx %arg6[%parallel_loop3A_791, %parallel_loop3A_722] : memref<8x3200xf32, #tpu.memory_space<vmem>>[vector<16xi32>, vector<16xi32>], vector<16xf32>,
          %parallel_loop3A_795 = tpu.vector_load_idx %arg6[%parallel_loop3A_791, %parallel_loop3A_723] : memref<8x3200xf32, #tpu.memory_space<vmem>>[vector<16xi32>, vector<16xi32>], vector<16xf32>,
          %parallel_loop3A_796 = arith.mulf %parallel_loop3A_792, %parallel_loop3A_730 : vector<16xf32>
          %parallel_loop3A_797 = arith.addf %parallel_loop3A_578, %parallel_loop3A_796 : vector<16xf32>
          %parallel_loop3A_798 = arith.mulf %parallel_loop3A_793, %parallel_loop3A_731 : vector<16xf32>
          %parallel_loop3A_799 = arith.addf %parallel_loop3A_797, %parallel_loop3A_798 : vector<16xf32>
          %parallel_loop3A_800 = arith.mulf %parallel_loop3A_794, %parallel_loop3A_732 : vector<16xf32>
          %parallel_loop3A_801 = arith.addf %parallel_loop3A_799, %parallel_loop3A_800 : vector<16xf32>
          %parallel_loop3A_802 = arith.mulf %parallel_loop3A_795, %parallel_loop3A_733 : vector<16xf32>
          %parallel_loop3A_803 = arith.addf %parallel_loop3A_801, %parallel_loop3A_802 : vector<16xf32>
          %parallel_loop3A_804 = arith.constant 5 : i32
          %parallel_loop3A_805 = vector.broadcast %parallel_loop3A_804 : i32 to vector<16xi32>
          %parallel_loop3A_806 = tpu.vector_load_idx %arg6[%parallel_loop3A_805, %parallel_loop3A_720] : memref<8x3200xf32, #tpu.memory_space<vmem>>[vector<16xi32>, vector<16xi32>], vector<16xf32>,
          %parallel_loop3A_807 = tpu.vector_load_idx %arg6[%parallel_loop3A_805, %parallel_loop3A_721] : memref<8x3200xf32, #tpu.memory_space<vmem>>[vector<16xi32>, vector<16xi32>], vector<16xf32>,
          %parallel_loop3A_808 = tpu.vector_load_idx %arg6[%parallel_loop3A_805, %parallel_loop3A_722] : memref<8x3200xf32, #tpu.memory_space<vmem>>[vector<16xi32>, vector<16xi32>], vector<16xf32>,
          %parallel_loop3A_809 = tpu.vector_load_idx %arg6[%parallel_loop3A_805, %parallel_loop3A_723] : memref<8x3200xf32, #tpu.memory_space<vmem>>[vector<16xi32>, vector<16xi32>], vector<16xf32>,
          %parallel_loop3A_810 = arith.mulf %parallel_loop3A_806, %parallel_loop3A_730 : vector<16xf32>
          %parallel_loop3A_811 = arith.addf %parallel_loop3A_592, %parallel_loop3A_810 : vector<16xf32>
          %parallel_loop3A_812 = arith.mulf %parallel_loop3A_807, %parallel_loop3A_731 : vector<16xf32>
          %parallel_loop3A_813 = arith.addf %parallel_loop3A_811, %parallel_loop3A_812 : vector<16xf32>
          %parallel_loop3A_814 = arith.mulf %parallel_loop3A_808, %parallel_loop3A_732 : vector<16xf32>
          %parallel_loop3A_815 = arith.addf %parallel_loop3A_813, %parallel_loop3A_814 : vector<16xf32>
          %parallel_loop3A_816 = arith.mulf %parallel_loop3A_809, %parallel_loop3A_733 : vector<16xf32>
          %parallel_loop3A_817 = arith.addf %parallel_loop3A_815, %parallel_loop3A_816 : vector<16xf32>
          %parallel_loop3A_818 = arith.constant 6 : i32
          %parallel_loop3A_819 = vector.broadcast %parallel_loop3A_818 : i32 to vector<16xi32>
          %parallel_loop3A_820 = tpu.vector_load_idx %arg6[%parallel_loop3A_819, %parallel_loop3A_720] : memref<8x3200xf32, #tpu.memory_space<vmem>>[vector<16xi32>, vector<16xi32>], vector<16xf32>,
          %parallel_loop3A_821 = tpu.vector_load_idx %arg6[%parallel_loop3A_819, %parallel_loop3A_721] : memref<8x3200xf32, #tpu.memory_space<vmem>>[vector<16xi32>, vector<16xi32>], vector<16xf32>,
          %parallel_loop3A_822 = tpu.vector_load_idx %arg6[%parallel_loop3A_819, %parallel_loop3A_722] : memref<8x3200xf32, #tpu.memory_space<vmem>>[vector<16xi32>, vector<16xi32>], vector<16xf32>,
          %parallel_loop3A_823 = tpu.vector_load_idx %arg6[%parallel_loop3A_819, %parallel_loop3A_723] : memref<8x3200xf32, #tpu.memory_space<vmem>>[vector<16xi32>, vector<16xi32>], vector<16xf32>,
          %parallel_loop3A_824 = arith.mulf %parallel_loop3A_820, %parallel_loop3A_730 : vector<16xf32>
          %parallel_loop3A_825 = arith.addf %parallel_loop3A_606, %parallel_loop3A_824 : vector<16xf32>
          %parallel_loop3A_826 = arith.mulf %parallel_loop3A_821, %parallel_loop3A_731 : vector<16xf32>
          %parallel_loop3A_827 = arith.addf %parallel_loop3A_825, %parallel_loop3A_826 : vector<16xf32>
          %parallel_loop3A_828 = arith.mulf %parallel_loop3A_822, %parallel_loop3A_732 : vector<16xf32>
          %parallel_loop3A_829 = arith.addf %parallel_loop3A_827, %parallel_loop3A_828 : vector<16xf32>
          %parallel_loop3A_830 = arith.mulf %parallel_loop3A_823, %parallel_loop3A_733 : vector<16xf32>
          %parallel_loop3A_831 = arith.addf %parallel_loop3A_829, %parallel_loop3A_830 : vector<16xf32>
          %parallel_loop3A_832 = arith.constant 7 : i32
          %parallel_loop3A_833 = vector.broadcast %parallel_loop3A_832 : i32 to vector<16xi32>
          %parallel_loop3A_834 = tpu.vector_load_idx %arg6[%parallel_loop3A_833, %parallel_loop3A_720] : memref<8x3200xf32, #tpu.memory_space<vmem>>[vector<16xi32>, vector<16xi32>], vector<16xf32>,
          %parallel_loop3A_835 = tpu.vector_load_idx %arg6[%parallel_loop3A_833, %parallel_loop3A_721] : memref<8x3200xf32, #tpu.memory_space<vmem>>[vector<16xi32>, vector<16xi32>], vector<16xf32>,
          %parallel_loop3A_836 = tpu.vector_load_idx %arg6[%parallel_loop3A_833, %parallel_loop3A_722] : memref<8x3200xf32, #tpu.memory_space<vmem>>[vector<16xi32>, vector<16xi32>], vector<16xf32>,
          %parallel_loop3A_837 = tpu.vector_load_idx %arg6[%parallel_loop3A_833, %parallel_loop3A_723] : memref<8x3200xf32, #tpu.memory_space<vmem>>[vector<16xi32>, vector<16xi32>], vector<16xf32>,
          %parallel_loop3A_838 = arith.mulf %parallel_loop3A_834, %parallel_loop3A_730 : vector<16xf32>
          %parallel_loop3A_839 = arith.addf %parallel_loop3A_620, %parallel_loop3A_838 : vector<16xf32>
          %parallel_loop3A_840 = arith.mulf %parallel_loop3A_835, %parallel_loop3A_731 : vector<16xf32>
          %parallel_loop3A_841 = arith.addf %parallel_loop3A_839, %parallel_loop3A_840 : vector<16xf32>
          %parallel_loop3A_842 = arith.mulf %parallel_loop3A_836, %parallel_loop3A_732 : vector<16xf32>
          %parallel_loop3A_843 = arith.addf %parallel_loop3A_841, %parallel_loop3A_842 : vector<16xf32>
          %parallel_loop3A_844 = arith.mulf %parallel_loop3A_837, %parallel_loop3A_733 : vector<16xf32>
          %parallel_loop3A_845 = arith.addf %parallel_loop3A_843, %parallel_loop3A_844 : vector<16xf32>
          %parallel_loop3A_846 = arith.constant 6 : i32
          %parallel_loop3A_847 = arith.index_cast %rem3A_104 : i32 to index
          %parallel_loop3A_848 = arith.index_cast %parallel_loop3A_846 : i32 to index
          %parallel_loop3A_849 = arith.index_cast %parallel_loop3A_152 : i32 to index
          %parallel_loop3A_850 = tpu.vector_load %arg7[%parallel_loop3A_847, %parallel_loop3A_848, %parallel_loop3A_849] {strides = array<i32>} : memref<2x32x640xf32, #tpu.memory_space<vmem>>, vector<16xf32>,
          %parallel_loop3A_851 = arith.constant 7 : i32
          %parallel_loop3A_852 = arith.index_cast %rem3A_104 : i32 to index
          %parallel_loop3A_853 = arith.index_cast %parallel_loop3A_851 : i32 to index
          %parallel_loop3A_854 = arith.index_cast %parallel_loop3A_152 : i32 to index
          %parallel_loop3A_855 = tpu.vector_load %arg7[%parallel_loop3A_852, %parallel_loop3A_853, %parallel_loop3A_854] {strides = array<i32>} : memref<2x32x640xf32, #tpu.memory_space<vmem>>, vector<16xf32>,
          %parallel_loop3A_856 = arith.constant 21 : i32
          %parallel_loop3A_857 = arith.index_cast %rem3A_104 : i32 to index
          %parallel_loop3A_858 = arith.index_cast %parallel_loop3A_856 : i32 to index
          %parallel_loop3A_859 = arith.index_cast %parallel_loop3A_152 : i32 to index
          %parallel_loop3A_860 = tpu.vector_load %arg7[%parallel_loop3A_857, %parallel_loop3A_858, %parallel_loop3A_859] {strides = array<i32>} : memref<2x32x640xf32, #tpu.memory_space<vmem>>, vector<16xf32>,
          %parallel_loop3A_861 = arith.constant 7.000000e+00 : f32
          %parallel_loop3A_862 = vector.broadcast %parallel_loop3A_861 : f32 to vector<16xf32>
          %parallel_loop3A_863 = arith.addf %parallel_loop3A_862, %parallel_loop3A_850 : vector<16xf32>
          %parallel_loop3A_864 = arith.addf %parallel_loop3A_146, %parallel_loop3A_863 : vector<16xf32>
          %parallel_loop3A_865 = arith.constant 4.000000e+00 : f32
          %parallel_loop3A_866 = arith.constant 6.800000e+01 : f32
          %parallel_loop3A_867 = vector.broadcast %parallel_loop3A_865 : f32 to vector<16xf32>
          %parallel_loop3A_868 = arith.maximumf %parallel_loop3A_867, %parallel_loop3A_864 : vector<16xf32>
          %parallel_loop3A_869 = vector.broadcast %parallel_loop3A_866 : f32 to vector<16xf32>
          %parallel_loop3A_870 = arith.minimumf %parallel_loop3A_869, %parallel_loop3A_868 : vector<16xf32>
          %parallel_loop3A_871 = arith.constant 8.000000e+00 : f32
          %parallel_loop3A_872 = vector.broadcast %parallel_loop3A_871 : f32 to vector<16xf32>
          %parallel_loop3A_873 = arith.addf %parallel_loop3A_872, %parallel_loop3A_855 : vector<16xf32>
          %parallel_loop3A_874 = arith.addf %parallel_loop3A_150, %parallel_loop3A_873 : vector<16xf32>
          %parallel_loop3A_875 = arith.constant 4.000000e+00 : f32
          %parallel_loop3A_876 = arith.constant 6.800000e+01 : f32
          %parallel_loop3A_877 = vector.broadcast %parallel_loop3A_875 : f32 to vector<16xf32>
          %parallel_loop3A_878 = arith.maximumf %parallel_loop3A_877, %parallel_loop3A_874 : vector<16xf32>
          %parallel_loop3A_879 = vector.broadcast %parallel_loop3A_876 : f32 to vector<16xf32>
          %parallel_loop3A_880 = arith.minimumf %parallel_loop3A_879, %parallel_loop3A_878 : vector<16xf32>
          %parallel_loop3A_881 = arith.fptosi %parallel_loop3A_870 : vector<16xf32> to vector<16xi32>
          %parallel_loop3A_882 = arith.sitofp %parallel_loop3A_881 : vector<16xi32> to vector<16xf32>
          %parallel_loop3A_883 = arith.fptosi %parallel_loop3A_880 : vector<16xf32> to vector<16xi32>
          %parallel_loop3A_884 = arith.sitofp %parallel_loop3A_883 : vector<16xi32> to vector<16xf32>
          %parallel_loop3A_885 = arith.subf %parallel_loop3A_870, %parallel_loop3A_882 : vector<16xf32>
          %parallel_loop3A_886 = arith.constant 1.000000e+00 : f32
          %parallel_loop3A_887 = vector.broadcast %parallel_loop3A_886 : f32 to vector<16xf32>
          %parallel_loop3A_888 = arith.subf %parallel_loop3A_887, %parallel_loop3A_885 : vector<16xf32>
          %parallel_loop3A_889 = arith.subf %parallel_loop3A_880, %parallel_loop3A_884 : vector<16xf32>
          %parallel_loop3A_890 = arith.constant 1.000000e+00 : f32
          %parallel_loop3A_891 = vector.broadcast %parallel_loop3A_890 : f32 to vector<16xf32>
          %parallel_loop3A_892 = arith.subf %parallel_loop3A_891, %parallel_loop3A_889 : vector<16xf32>
          %parallel_loop3A_893 = arith.constant 1 : i32
          %parallel_loop3A_894 = vector.broadcast %parallel_loop3A_893 : i32 to vector<16xi32>
          %parallel_loop3A_895 = arith.addi %parallel_loop3A_881, %parallel_loop3A_894 : vector<16xi32>
          %parallel_loop3A_896 = arith.constant 1 : i32
          %parallel_loop3A_897 = vector.broadcast %parallel_loop3A_896 : i32 to vector<16xi32>
          %parallel_loop3A_898 = arith.addi %parallel_loop3A_883, %parallel_loop3A_897 : vector<16xi32>
          %parallel_loop3A_899 = arith.constant 8 : i32
          %parallel_loop3A_900 = arith.constant 63 : i32
          %parallel_loop3A_901 = vector.broadcast %parallel_loop3A_899 : i32 to vector<16xi32>
          %parallel_loop3A_902 = arith.maxsi %parallel_loop3A_901, %parallel_loop3A_881 : vector<16xi32>
          %parallel_loop3A_903 = vector.broadcast %parallel_loop3A_900 : i32 to vector<16xi32>
          %parallel_loop3A_904 = arith.minsi %parallel_loop3A_903, %parallel_loop3A_902 : vector<16xi32>
          %parallel_loop3A_905 = arith.constant 8 : i32
          %parallel_loop3A_906 = arith.constant 63 : i32
          %parallel_loop3A_907 = vector.broadcast %parallel_loop3A_905 : i32 to vector<16xi32>
          %parallel_loop3A_908 = arith.maxsi %parallel_loop3A_907, %parallel_loop3A_895 : vector<16xi32>
          %parallel_loop3A_909 = vector.broadcast %parallel_loop3A_906 : i32 to vector<16xi32>
          %parallel_loop3A_910 = arith.minsi %parallel_loop3A_909, %parallel_loop3A_908 : vector<16xi32>
          %parallel_loop3A_911 = arith.constant 8 : i32
          %parallel_loop3A_912 = arith.constant 63 : i32
          %parallel_loop3A_913 = vector.broadcast %parallel_loop3A_911 : i32 to vector<16xi32>
          %parallel_loop3A_914 = arith.maxsi %parallel_loop3A_913, %parallel_loop3A_883 : vector<16xi32>
          %parallel_loop3A_915 = vector.broadcast %parallel_loop3A_912 : i32 to vector<16xi32>
          %parallel_loop3A_916 = arith.minsi %parallel_loop3A_915, %parallel_loop3A_914 : vector<16xi32>
          %parallel_loop3A_917 = arith.constant 8 : i32
          %parallel_loop3A_918 = arith.constant 63 : i32
          %parallel_loop3A_919 = vector.broadcast %parallel_loop3A_917 : i32 to vector<16xi32>
          %parallel_loop3A_920 = arith.maxsi %parallel_loop3A_919, %parallel_loop3A_898 : vector<16xi32>
          %parallel_loop3A_921 = vector.broadcast %parallel_loop3A_918 : i32 to vector<16xi32>
          %parallel_loop3A_922 = arith.minsi %parallel_loop3A_921, %parallel_loop3A_920 : vector<16xi32>
          %parallel_loop3A_923 = arith.cmpi eq, %parallel_loop3A_881, %parallel_loop3A_904 : vector<16xi32>
          %parallel_loop3A_924 = arith.cmpi eq, %parallel_loop3A_895, %parallel_loop3A_910 : vector<16xi32>
          %parallel_loop3A_925 = arith.cmpi eq, %parallel_loop3A_883, %parallel_loop3A_916 : vector<16xi32>
          %parallel_loop3A_926 = arith.cmpi eq, %parallel_loop3A_898, %parallel_loop3A_922 : vector<16xi32>
          %parallel_loop3A_927 = arith.constant 8 : i32
          %parallel_loop3A_928 = vector.broadcast %parallel_loop3A_927 : i32 to vector<16xi32>
          %parallel_loop3A_929 = arith.subi %parallel_loop3A_904, %parallel_loop3A_928 : vector<16xi32>
          %parallel_loop3A_930 = arith.constant 8 : i32
          %parallel_loop3A_931 = vector.broadcast %parallel_loop3A_930 : i32 to vector<16xi32>
          %parallel_loop3A_932 = arith.subi %parallel_loop3A_910, %parallel_loop3A_931 : vector<16xi32>
          %parallel_loop3A_933 = arith.constant 8 : i32
          %parallel_loop3A_934 = vector.broadcast %parallel_loop3A_933 : i32 to vector<16xi32>
          %parallel_loop3A_935 = arith.subi %parallel_loop3A_916, %parallel_loop3A_934 : vector<16xi32>
          %parallel_loop3A_936 = arith.constant 56 : i32
          %parallel_loop3A_937 = vector.broadcast %parallel_loop3A_936 : i32 to vector<16xi32>
          %parallel_loop3A_938 = arith.muli %parallel_loop3A_935, %parallel_loop3A_937 : vector<16xi32>
          %parallel_loop3A_939 = arith.constant 8 : i32
          %parallel_loop3A_940 = vector.broadcast %parallel_loop3A_939 : i32 to vector<16xi32>
          %parallel_loop3A_941 = arith.subi %parallel_loop3A_922, %parallel_loop3A_940 : vector<16xi32>
          %parallel_loop3A_942 = arith.constant 56 : i32
          %parallel_loop3A_943 = vector.broadcast %parallel_loop3A_942 : i32 to vector<16xi32>
          %parallel_loop3A_944 = arith.muli %parallel_loop3A_941, %parallel_loop3A_943 : vector<16xi32>
          %parallel_loop3A_945 = arith.addi %parallel_loop3A_938, %parallel_loop3A_929 : vector<16xi32>
          %parallel_loop3A_946 = arith.addi %parallel_loop3A_938, %parallel_loop3A_932 : vector<16xi32>
          %parallel_loop3A_947 = arith.addi %parallel_loop3A_944, %parallel_loop3A_929 : vector<16xi32>
          %parallel_loop3A_948 = arith.addi %parallel_loop3A_944, %parallel_loop3A_932 : vector<16xi32>
          %parallel_loop3A_949 = arith.select %parallel_loop3A_923, %parallel_loop3A_888, %parallel_loop3A_170 : vector<16xi1>, vector<16xf32>
          %parallel_loop3A_950 = arith.select %parallel_loop3A_924, %parallel_loop3A_885, %parallel_loop3A_170 : vector<16xi1>, vector<16xf32>
          %parallel_loop3A_951 = arith.mulf %parallel_loop3A_892, %parallel_loop3A_860 : vector<16xf32>
          %parallel_loop3A_952 = arith.select %parallel_loop3A_925, %parallel_loop3A_951, %parallel_loop3A_170 : vector<16xi1>, vector<16xf32>
          %parallel_loop3A_953 = arith.mulf %parallel_loop3A_889, %parallel_loop3A_860 : vector<16xf32>
          %parallel_loop3A_954 = arith.select %parallel_loop3A_926, %parallel_loop3A_953, %parallel_loop3A_170 : vector<16xi1>, vector<16xf32>
          %parallel_loop3A_955 = arith.mulf %parallel_loop3A_949, %parallel_loop3A_952 : vector<16xf32>
          %parallel_loop3A_956 = arith.mulf %parallel_loop3A_950, %parallel_loop3A_952 : vector<16xf32>
          %parallel_loop3A_957 = arith.mulf %parallel_loop3A_949, %parallel_loop3A_954 : vector<16xf32>
          %parallel_loop3A_958 = arith.mulf %parallel_loop3A_950, %parallel_loop3A_954 : vector<16xf32>
          %parallel_loop3A_959 = arith.constant 0 : i32
          %parallel_loop3A_960 = vector.broadcast %parallel_loop3A_959 : i32 to vector<16xi32>
          %parallel_loop3A_961 = tpu.vector_load_idx %arg6[%parallel_loop3A_960, %parallel_loop3A_945] : memref<8x3200xf32, #tpu.memory_space<vmem>>[vector<16xi32>, vector<16xi32>], vector<16xf32>,
          %parallel_loop3A_962 = tpu.vector_load_idx %arg6[%parallel_loop3A_960, %parallel_loop3A_946] : memref<8x3200xf32, #tpu.memory_space<vmem>>[vector<16xi32>, vector<16xi32>], vector<16xf32>,
          %parallel_loop3A_963 = tpu.vector_load_idx %arg6[%parallel_loop3A_960, %parallel_loop3A_947] : memref<8x3200xf32, #tpu.memory_space<vmem>>[vector<16xi32>, vector<16xi32>], vector<16xf32>,
          %parallel_loop3A_964 = tpu.vector_load_idx %arg6[%parallel_loop3A_960, %parallel_loop3A_948] : memref<8x3200xf32, #tpu.memory_space<vmem>>[vector<16xi32>, vector<16xi32>], vector<16xf32>,
          %parallel_loop3A_965 = arith.mulf %parallel_loop3A_961, %parallel_loop3A_955 : vector<16xf32>
          %parallel_loop3A_966 = arith.addf %parallel_loop3A_747, %parallel_loop3A_965 : vector<16xf32>
          %parallel_loop3A_967 = arith.mulf %parallel_loop3A_962, %parallel_loop3A_956 : vector<16xf32>
          %parallel_loop3A_968 = arith.addf %parallel_loop3A_966, %parallel_loop3A_967 : vector<16xf32>
          %parallel_loop3A_969 = arith.mulf %parallel_loop3A_963, %parallel_loop3A_957 : vector<16xf32>
          %parallel_loop3A_970 = arith.addf %parallel_loop3A_968, %parallel_loop3A_969 : vector<16xf32>
          %parallel_loop3A_971 = arith.mulf %parallel_loop3A_964, %parallel_loop3A_958 : vector<16xf32>
          %parallel_loop3A_972 = arith.addf %parallel_loop3A_970, %parallel_loop3A_971 : vector<16xf32>
          %parallel_loop3A_973 = arith.constant 1 : i32
          %parallel_loop3A_974 = vector.broadcast %parallel_loop3A_973 : i32 to vector<16xi32>
          %parallel_loop3A_975 = tpu.vector_load_idx %arg6[%parallel_loop3A_974, %parallel_loop3A_945] : memref<8x3200xf32, #tpu.memory_space<vmem>>[vector<16xi32>, vector<16xi32>], vector<16xf32>,
          %parallel_loop3A_976 = tpu.vector_load_idx %arg6[%parallel_loop3A_974, %parallel_loop3A_946] : memref<8x3200xf32, #tpu.memory_space<vmem>>[vector<16xi32>, vector<16xi32>], vector<16xf32>,
          %parallel_loop3A_977 = tpu.vector_load_idx %arg6[%parallel_loop3A_974, %parallel_loop3A_947] : memref<8x3200xf32, #tpu.memory_space<vmem>>[vector<16xi32>, vector<16xi32>], vector<16xf32>,
          %parallel_loop3A_978 = tpu.vector_load_idx %arg6[%parallel_loop3A_974, %parallel_loop3A_948] : memref<8x3200xf32, #tpu.memory_space<vmem>>[vector<16xi32>, vector<16xi32>], vector<16xf32>,
          %parallel_loop3A_979 = arith.mulf %parallel_loop3A_975, %parallel_loop3A_955 : vector<16xf32>
          %parallel_loop3A_980 = arith.addf %parallel_loop3A_761, %parallel_loop3A_979 : vector<16xf32>
          %parallel_loop3A_981 = arith.mulf %parallel_loop3A_976, %parallel_loop3A_956 : vector<16xf32>
          %parallel_loop3A_982 = arith.addf %parallel_loop3A_980, %parallel_loop3A_981 : vector<16xf32>
          %parallel_loop3A_983 = arith.mulf %parallel_loop3A_977, %parallel_loop3A_957 : vector<16xf32>
          %parallel_loop3A_984 = arith.addf %parallel_loop3A_982, %parallel_loop3A_983 : vector<16xf32>
          %parallel_loop3A_985 = arith.mulf %parallel_loop3A_978, %parallel_loop3A_958 : vector<16xf32>
          %parallel_loop3A_986 = arith.addf %parallel_loop3A_984, %parallel_loop3A_985 : vector<16xf32>
          %parallel_loop3A_987 = arith.constant 2 : i32
          %parallel_loop3A_988 = vector.broadcast %parallel_loop3A_987 : i32 to vector<16xi32>
          %parallel_loop3A_989 = tpu.vector_load_idx %arg6[%parallel_loop3A_988, %parallel_loop3A_945] : memref<8x3200xf32, #tpu.memory_space<vmem>>[vector<16xi32>, vector<16xi32>], vector<16xf32>,
          %parallel_loop3A_990 = tpu.vector_load_idx %arg6[%parallel_loop3A_988, %parallel_loop3A_946] : memref<8x3200xf32, #tpu.memory_space<vmem>>[vector<16xi32>, vector<16xi32>], vector<16xf32>,
          %parallel_loop3A_991 = tpu.vector_load_idx %arg6[%parallel_loop3A_988, %parallel_loop3A_947] : memref<8x3200xf32, #tpu.memory_space<vmem>>[vector<16xi32>, vector<16xi32>], vector<16xf32>,
          %parallel_loop3A_992 = tpu.vector_load_idx %arg6[%parallel_loop3A_988, %parallel_loop3A_948] : memref<8x3200xf32, #tpu.memory_space<vmem>>[vector<16xi32>, vector<16xi32>], vector<16xf32>,
          %parallel_loop3A_993 = arith.mulf %parallel_loop3A_989, %parallel_loop3A_955 : vector<16xf32>
          %parallel_loop3A_994 = arith.addf %parallel_loop3A_775, %parallel_loop3A_993 : vector<16xf32>
          %parallel_loop3A_995 = arith.mulf %parallel_loop3A_990, %parallel_loop3A_956 : vector<16xf32>
          %parallel_loop3A_996 = arith.addf %parallel_loop3A_994, %parallel_loop3A_995 : vector<16xf32>
          %parallel_loop3A_997 = arith.mulf %parallel_loop3A_991, %parallel_loop3A_957 : vector<16xf32>
          %parallel_loop3A_998 = arith.addf %parallel_loop3A_996, %parallel_loop3A_997 : vector<16xf32>
          %parallel_loop3A_999 = arith.mulf %parallel_loop3A_992, %parallel_loop3A_958 : vector<16xf32>
          %parallel_loop3A_1000 = arith.addf %parallel_loop3A_998, %parallel_loop3A_999 : vector<16xf32>
          %parallel_loop3A_1001 = arith.constant 3 : i32
          %parallel_loop3A_1002 = vector.broadcast %parallel_loop3A_1001 : i32 to vector<16xi32>
          %parallel_loop3A_1003 = tpu.vector_load_idx %arg6[%parallel_loop3A_1002, %parallel_loop3A_945] : memref<8x3200xf32, #tpu.memory_space<vmem>>[vector<16xi32>, vector<16xi32>], vector<16xf32>,
          %parallel_loop3A_1004 = tpu.vector_load_idx %arg6[%parallel_loop3A_1002, %parallel_loop3A_946] : memref<8x3200xf32, #tpu.memory_space<vmem>>[vector<16xi32>, vector<16xi32>], vector<16xf32>,
          %parallel_loop3A_1005 = tpu.vector_load_idx %arg6[%parallel_loop3A_1002, %parallel_loop3A_947] : memref<8x3200xf32, #tpu.memory_space<vmem>>[vector<16xi32>, vector<16xi32>], vector<16xf32>,
          %parallel_loop3A_1006 = tpu.vector_load_idx %arg6[%parallel_loop3A_1002, %parallel_loop3A_948] : memref<8x3200xf32, #tpu.memory_space<vmem>>[vector<16xi32>, vector<16xi32>], vector<16xf32>,
          %parallel_loop3A_1007 = arith.mulf %parallel_loop3A_1003, %parallel_loop3A_955 : vector<16xf32>
          %parallel_loop3A_1008 = arith.addf %parallel_loop3A_789, %parallel_loop3A_1007 : vector<16xf32>
          %parallel_loop3A_1009 = arith.mulf %parallel_loop3A_1004, %parallel_loop3A_956 : vector<16xf32>
          %parallel_loop3A_1010 = arith.addf %parallel_loop3A_1008, %parallel_loop3A_1009 : vector<16xf32>
          %parallel_loop3A_1011 = arith.mulf %parallel_loop3A_1005, %parallel_loop3A_957 : vector<16xf32>
          %parallel_loop3A_1012 = arith.addf %parallel_loop3A_1010, %parallel_loop3A_1011 : vector<16xf32>
          %parallel_loop3A_1013 = arith.mulf %parallel_loop3A_1006, %parallel_loop3A_958 : vector<16xf32>
          %parallel_loop3A_1014 = arith.addf %parallel_loop3A_1012, %parallel_loop3A_1013 : vector<16xf32>
          %parallel_loop3A_1015 = arith.constant 4 : i32
          %parallel_loop3A_1016 = vector.broadcast %parallel_loop3A_1015 : i32 to vector<16xi32>
          %parallel_loop3A_1017 = tpu.vector_load_idx %arg6[%parallel_loop3A_1016, %parallel_loop3A_945] : memref<8x3200xf32, #tpu.memory_space<vmem>>[vector<16xi32>, vector<16xi32>], vector<16xf32>,
          %parallel_loop3A_1018 = tpu.vector_load_idx %arg6[%parallel_loop3A_1016, %parallel_loop3A_946] : memref<8x3200xf32, #tpu.memory_space<vmem>>[vector<16xi32>, vector<16xi32>], vector<16xf32>,
          %parallel_loop3A_1019 = tpu.vector_load_idx %arg6[%parallel_loop3A_1016, %parallel_loop3A_947] : memref<8x3200xf32, #tpu.memory_space<vmem>>[vector<16xi32>, vector<16xi32>], vector<16xf32>,
          %parallel_loop3A_1020 = tpu.vector_load_idx %arg6[%parallel_loop3A_1016, %parallel_loop3A_948] : memref<8x3200xf32, #tpu.memory_space<vmem>>[vector<16xi32>, vector<16xi32>], vector<16xf32>,
          %parallel_loop3A_1021 = arith.mulf %parallel_loop3A_1017, %parallel_loop3A_955 : vector<16xf32>
          %parallel_loop3A_1022 = arith.addf %parallel_loop3A_803, %parallel_loop3A_1021 : vector<16xf32>
          %parallel_loop3A_1023 = arith.mulf %parallel_loop3A_1018, %parallel_loop3A_956 : vector<16xf32>
          %parallel_loop3A_1024 = arith.addf %parallel_loop3A_1022, %parallel_loop3A_1023 : vector<16xf32>
          %parallel_loop3A_1025 = arith.mulf %parallel_loop3A_1019, %parallel_loop3A_957 : vector<16xf32>
          %parallel_loop3A_1026 = arith.addf %parallel_loop3A_1024, %parallel_loop3A_1025 : vector<16xf32>
          %parallel_loop3A_1027 = arith.mulf %parallel_loop3A_1020, %parallel_loop3A_958 : vector<16xf32>
          %parallel_loop3A_1028 = arith.addf %parallel_loop3A_1026, %parallel_loop3A_1027 : vector<16xf32>
          %parallel_loop3A_1029 = arith.constant 5 : i32
          %parallel_loop3A_1030 = vector.broadcast %parallel_loop3A_1029 : i32 to vector<16xi32>
          %parallel_loop3A_1031 = tpu.vector_load_idx %arg6[%parallel_loop3A_1030, %parallel_loop3A_945] : memref<8x3200xf32, #tpu.memory_space<vmem>>[vector<16xi32>, vector<16xi32>], vector<16xf32>,
          %parallel_loop3A_1032 = tpu.vector_load_idx %arg6[%parallel_loop3A_1030, %parallel_loop3A_946] : memref<8x3200xf32, #tpu.memory_space<vmem>>[vector<16xi32>, vector<16xi32>], vector<16xf32>,
          %parallel_loop3A_1033 = tpu.vector_load_idx %arg6[%parallel_loop3A_1030, %parallel_loop3A_947] : memref<8x3200xf32, #tpu.memory_space<vmem>>[vector<16xi32>, vector<16xi32>], vector<16xf32>,
          %parallel_loop3A_1034 = tpu.vector_load_idx %arg6[%parallel_loop3A_1030, %parallel_loop3A_948] : memref<8x3200xf32, #tpu.memory_space<vmem>>[vector<16xi32>, vector<16xi32>], vector<16xf32>,
          %parallel_loop3A_1035 = arith.mulf %parallel_loop3A_1031, %parallel_loop3A_955 : vector<16xf32>
          %parallel_loop3A_1036 = arith.addf %parallel_loop3A_817, %parallel_loop3A_1035 : vector<16xf32>
          %parallel_loop3A_1037 = arith.mulf %parallel_loop3A_1032, %parallel_loop3A_956 : vector<16xf32>
          %parallel_loop3A_1038 = arith.addf %parallel_loop3A_1036, %parallel_loop3A_1037 : vector<16xf32>
          %parallel_loop3A_1039 = arith.mulf %parallel_loop3A_1033, %parallel_loop3A_957 : vector<16xf32>
          %parallel_loop3A_1040 = arith.addf %parallel_loop3A_1038, %parallel_loop3A_1039 : vector<16xf32>
          %parallel_loop3A_1041 = arith.mulf %parallel_loop3A_1034, %parallel_loop3A_958 : vector<16xf32>
          %parallel_loop3A_1042 = arith.addf %parallel_loop3A_1040, %parallel_loop3A_1041 : vector<16xf32>
          %parallel_loop3A_1043 = arith.constant 6 : i32
          %parallel_loop3A_1044 = vector.broadcast %parallel_loop3A_1043 : i32 to vector<16xi32>
          %parallel_loop3A_1045 = tpu.vector_load_idx %arg6[%parallel_loop3A_1044, %parallel_loop3A_945] : memref<8x3200xf32, #tpu.memory_space<vmem>>[vector<16xi32>, vector<16xi32>], vector<16xf32>,
          %parallel_loop3A_1046 = tpu.vector_load_idx %arg6[%parallel_loop3A_1044, %parallel_loop3A_946] : memref<8x3200xf32, #tpu.memory_space<vmem>>[vector<16xi32>, vector<16xi32>], vector<16xf32>,
          %parallel_loop3A_1047 = tpu.vector_load_idx %arg6[%parallel_loop3A_1044, %parallel_loop3A_947] : memref<8x3200xf32, #tpu.memory_space<vmem>>[vector<16xi32>, vector<16xi32>], vector<16xf32>,
          %parallel_loop3A_1048 = tpu.vector_load_idx %arg6[%parallel_loop3A_1044, %parallel_loop3A_948] : memref<8x3200xf32, #tpu.memory_space<vmem>>[vector<16xi32>, vector<16xi32>], vector<16xf32>,
          %parallel_loop3A_1049 = arith.mulf %parallel_loop3A_1045, %parallel_loop3A_955 : vector<16xf32>
          %parallel_loop3A_1050 = arith.addf %parallel_loop3A_831, %parallel_loop3A_1049 : vector<16xf32>
          %parallel_loop3A_1051 = arith.mulf %parallel_loop3A_1046, %parallel_loop3A_956 : vector<16xf32>
          %parallel_loop3A_1052 = arith.addf %parallel_loop3A_1050, %parallel_loop3A_1051 : vector<16xf32>
          %parallel_loop3A_1053 = arith.mulf %parallel_loop3A_1047, %parallel_loop3A_957 : vector<16xf32>
          %parallel_loop3A_1054 = arith.addf %parallel_loop3A_1052, %parallel_loop3A_1053 : vector<16xf32>
          %parallel_loop3A_1055 = arith.mulf %parallel_loop3A_1048, %parallel_loop3A_958 : vector<16xf32>
          %parallel_loop3A_1056 = arith.addf %parallel_loop3A_1054, %parallel_loop3A_1055 : vector<16xf32>
          %parallel_loop3A_1057 = arith.constant 7 : i32
          %parallel_loop3A_1058 = vector.broadcast %parallel_loop3A_1057 : i32 to vector<16xi32>
          %parallel_loop3A_1059 = tpu.vector_load_idx %arg6[%parallel_loop3A_1058, %parallel_loop3A_945] : memref<8x3200xf32, #tpu.memory_space<vmem>>[vector<16xi32>, vector<16xi32>], vector<16xf32>,
          %parallel_loop3A_1060 = tpu.vector_load_idx %arg6[%parallel_loop3A_1058, %parallel_loop3A_946] : memref<8x3200xf32, #tpu.memory_space<vmem>>[vector<16xi32>, vector<16xi32>], vector<16xf32>,
          %parallel_loop3A_1061 = tpu.vector_load_idx %arg6[%parallel_loop3A_1058, %parallel_loop3A_947] : memref<8x3200xf32, #tpu.memory_space<vmem>>[vector<16xi32>, vector<16xi32>], vector<16xf32>,
          %parallel_loop3A_1062 = tpu.vector_load_idx %arg6[%parallel_loop3A_1058, %parallel_loop3A_948] : memref<8x3200xf32, #tpu.memory_space<vmem>>[vector<16xi32>, vector<16xi32>], vector<16xf32>,
          %parallel_loop3A_1063 = arith.mulf %parallel_loop3A_1059, %parallel_loop3A_955 : vector<16xf32>
          %parallel_loop3A_1064 = arith.addf %parallel_loop3A_845, %parallel_loop3A_1063 : vector<16xf32>
          %parallel_loop3A_1065 = arith.mulf %parallel_loop3A_1060, %parallel_loop3A_956 : vector<16xf32>
          %parallel_loop3A_1066 = arith.addf %parallel_loop3A_1064, %parallel_loop3A_1065 : vector<16xf32>
          %parallel_loop3A_1067 = arith.mulf %parallel_loop3A_1061, %parallel_loop3A_957 : vector<16xf32>
          %parallel_loop3A_1068 = arith.addf %parallel_loop3A_1066, %parallel_loop3A_1067 : vector<16xf32>
          %parallel_loop3A_1069 = arith.mulf %parallel_loop3A_1062, %parallel_loop3A_958 : vector<16xf32>
          %parallel_loop3A_1070 = arith.addf %parallel_loop3A_1068, %parallel_loop3A_1069 : vector<16xf32>
          %parallel_loop3A_1071 = arith.constant 8 : i32
          %parallel_loop3A_1072 = arith.index_cast %rem3A_104 : i32 to index
          %parallel_loop3A_1073 = arith.index_cast %parallel_loop3A_1071 : i32 to index
          %parallel_loop3A_1074 = arith.index_cast %parallel_loop3A_152 : i32 to index
          %parallel_loop3A_1075 = tpu.vector_load %arg7[%parallel_loop3A_1072, %parallel_loop3A_1073, %parallel_loop3A_1074] {strides = array<i32>} : memref<2x32x640xf32, #tpu.memory_space<vmem>>, vector<16xf32>,
          %parallel_loop3A_1076 = arith.constant 9 : i32
          %parallel_loop3A_1077 = arith.index_cast %rem3A_104 : i32 to index
          %parallel_loop3A_1078 = arith.index_cast %parallel_loop3A_1076 : i32 to index
          %parallel_loop3A_1079 = arith.index_cast %parallel_loop3A_152 : i32 to index
          %parallel_loop3A_1080 = tpu.vector_load %arg7[%parallel_loop3A_1077, %parallel_loop3A_1078, %parallel_loop3A_1079] {strides = array<i32>} : memref<2x32x640xf32, #tpu.memory_space<vmem>>, vector<16xf32>,
          %parallel_loop3A_1081 = arith.constant 22 : i32
          %parallel_loop3A_1082 = arith.index_cast %rem3A_104 : i32 to index
          %parallel_loop3A_1083 = arith.index_cast %parallel_loop3A_1081 : i32 to index
          %parallel_loop3A_1084 = arith.index_cast %parallel_loop3A_152 : i32 to index
          %parallel_loop3A_1085 = tpu.vector_load %arg7[%parallel_loop3A_1082, %parallel_loop3A_1083, %parallel_loop3A_1084] {strides = array<i32>} : memref<2x32x640xf32, #tpu.memory_space<vmem>>, vector<16xf32>,
          %parallel_loop3A_1086 = arith.constant 8.000000e+00 : f32
          %parallel_loop3A_1087 = vector.broadcast %parallel_loop3A_1086 : f32 to vector<16xf32>
          %parallel_loop3A_1088 = arith.addf %parallel_loop3A_1087, %parallel_loop3A_1075 : vector<16xf32>
          %parallel_loop3A_1089 = arith.addf %parallel_loop3A_146, %parallel_loop3A_1088 : vector<16xf32>
          %parallel_loop3A_1090 = arith.constant 4.000000e+00 : f32
          %parallel_loop3A_1091 = arith.constant 6.800000e+01 : f32
          %parallel_loop3A_1092 = vector.broadcast %parallel_loop3A_1090 : f32 to vector<16xf32>
          %parallel_loop3A_1093 = arith.maximumf %parallel_loop3A_1092, %parallel_loop3A_1089 : vector<16xf32>
          %parallel_loop3A_1094 = vector.broadcast %parallel_loop3A_1091 : f32 to vector<16xf32>
          %parallel_loop3A_1095 = arith.minimumf %parallel_loop3A_1094, %parallel_loop3A_1093 : vector<16xf32>
          %parallel_loop3A_1096 = arith.constant 8.000000e+00 : f32
          %parallel_loop3A_1097 = vector.broadcast %parallel_loop3A_1096 : f32 to vector<16xf32>
          %parallel_loop3A_1098 = arith.addf %parallel_loop3A_1097, %parallel_loop3A_1080 : vector<16xf32>
          %parallel_loop3A_1099 = arith.addf %parallel_loop3A_150, %parallel_loop3A_1098 : vector<16xf32>
          %parallel_loop3A_1100 = arith.constant 4.000000e+00 : f32
          %parallel_loop3A_1101 = arith.constant 6.800000e+01 : f32
          %parallel_loop3A_1102 = vector.broadcast %parallel_loop3A_1100 : f32 to vector<16xf32>
          %parallel_loop3A_1103 = arith.maximumf %parallel_loop3A_1102, %parallel_loop3A_1099 : vector<16xf32>
          %parallel_loop3A_1104 = vector.broadcast %parallel_loop3A_1101 : f32 to vector<16xf32>
          %parallel_loop3A_1105 = arith.minimumf %parallel_loop3A_1104, %parallel_loop3A_1103 : vector<16xf32>
          %parallel_loop3A_1106 = arith.fptosi %parallel_loop3A_1095 : vector<16xf32> to vector<16xi32>
          %parallel_loop3A_1107 = arith.sitofp %parallel_loop3A_1106 : vector<16xi32> to vector<16xf32>
          %parallel_loop3A_1108 = arith.fptosi %parallel_loop3A_1105 : vector<16xf32> to vector<16xi32>
          %parallel_loop3A_1109 = arith.sitofp %parallel_loop3A_1108 : vector<16xi32> to vector<16xf32>
          %parallel_loop3A_1110 = arith.subf %parallel_loop3A_1095, %parallel_loop3A_1107 : vector<16xf32>
          %parallel_loop3A_1111 = arith.constant 1.000000e+00 : f32
          %parallel_loop3A_1112 = vector.broadcast %parallel_loop3A_1111 : f32 to vector<16xf32>
          %parallel_loop3A_1113 = arith.subf %parallel_loop3A_1112, %parallel_loop3A_1110 : vector<16xf32>
          %parallel_loop3A_1114 = arith.subf %parallel_loop3A_1105, %parallel_loop3A_1109 : vector<16xf32>
          %parallel_loop3A_1115 = arith.constant 1.000000e+00 : f32
          %parallel_loop3A_1116 = vector.broadcast %parallel_loop3A_1115 : f32 to vector<16xf32>
          %parallel_loop3A_1117 = arith.subf %parallel_loop3A_1116, %parallel_loop3A_1114 : vector<16xf32>
          %parallel_loop3A_1118 = arith.constant 1 : i32
          %parallel_loop3A_1119 = vector.broadcast %parallel_loop3A_1118 : i32 to vector<16xi32>
          %parallel_loop3A_1120 = arith.addi %parallel_loop3A_1106, %parallel_loop3A_1119 : vector<16xi32>
          %parallel_loop3A_1121 = arith.constant 1 : i32
          %parallel_loop3A_1122 = vector.broadcast %parallel_loop3A_1121 : i32 to vector<16xi32>
          %parallel_loop3A_1123 = arith.addi %parallel_loop3A_1108, %parallel_loop3A_1122 : vector<16xi32>
          %parallel_loop3A_1124 = arith.constant 8 : i32
          %parallel_loop3A_1125 = arith.constant 63 : i32
          %parallel_loop3A_1126 = vector.broadcast %parallel_loop3A_1124 : i32 to vector<16xi32>
          %parallel_loop3A_1127 = arith.maxsi %parallel_loop3A_1126, %parallel_loop3A_1106 : vector<16xi32>
          %parallel_loop3A_1128 = vector.broadcast %parallel_loop3A_1125 : i32 to vector<16xi32>
          %parallel_loop3A_1129 = arith.minsi %parallel_loop3A_1128, %parallel_loop3A_1127 : vector<16xi32>
          %parallel_loop3A_1130 = arith.constant 8 : i32
          %parallel_loop3A_1131 = arith.constant 63 : i32
          %parallel_loop3A_1132 = vector.broadcast %parallel_loop3A_1130 : i32 to vector<16xi32>
          %parallel_loop3A_1133 = arith.maxsi %parallel_loop3A_1132, %parallel_loop3A_1120 : vector<16xi32>
          %parallel_loop3A_1134 = vector.broadcast %parallel_loop3A_1131 : i32 to vector<16xi32>
          %parallel_loop3A_1135 = arith.minsi %parallel_loop3A_1134, %parallel_loop3A_1133 : vector<16xi32>
          %parallel_loop3A_1136 = arith.constant 8 : i32
          %parallel_loop3A_1137 = arith.constant 63 : i32
          %parallel_loop3A_1138 = vector.broadcast %parallel_loop3A_1136 : i32 to vector<16xi32>
          %parallel_loop3A_1139 = arith.maxsi %parallel_loop3A_1138, %parallel_loop3A_1108 : vector<16xi32>
          %parallel_loop3A_1140 = vector.broadcast %parallel_loop3A_1137 : i32 to vector<16xi32>
          %parallel_loop3A_1141 = arith.minsi %parallel_loop3A_1140, %parallel_loop3A_1139 : vector<16xi32>
          %parallel_loop3A_1142 = arith.constant 8 : i32
          %parallel_loop3A_1143 = arith.constant 63 : i32
          %parallel_loop3A_1144 = vector.broadcast %parallel_loop3A_1142 : i32 to vector<16xi32>
          %parallel_loop3A_1145 = arith.maxsi %parallel_loop3A_1144, %parallel_loop3A_1123 : vector<16xi32>
          %parallel_loop3A_1146 = vector.broadcast %parallel_loop3A_1143 : i32 to vector<16xi32>
          %parallel_loop3A_1147 = arith.minsi %parallel_loop3A_1146, %parallel_loop3A_1145 : vector<16xi32>
          %parallel_loop3A_1148 = arith.cmpi eq, %parallel_loop3A_1106, %parallel_loop3A_1129 : vector<16xi32>
          %parallel_loop3A_1149 = arith.cmpi eq, %parallel_loop3A_1120, %parallel_loop3A_1135 : vector<16xi32>
          %parallel_loop3A_1150 = arith.cmpi eq, %parallel_loop3A_1108, %parallel_loop3A_1141 : vector<16xi32>
          %parallel_loop3A_1151 = arith.cmpi eq, %parallel_loop3A_1123, %parallel_loop3A_1147 : vector<16xi32>
          %parallel_loop3A_1152 = arith.constant 8 : i32
          %parallel_loop3A_1153 = vector.broadcast %parallel_loop3A_1152 : i32 to vector<16xi32>
          %parallel_loop3A_1154 = arith.subi %parallel_loop3A_1129, %parallel_loop3A_1153 : vector<16xi32>
          %parallel_loop3A_1155 = arith.constant 8 : i32
          %parallel_loop3A_1156 = vector.broadcast %parallel_loop3A_1155 : i32 to vector<16xi32>
          %parallel_loop3A_1157 = arith.subi %parallel_loop3A_1135, %parallel_loop3A_1156 : vector<16xi32>
          %parallel_loop3A_1158 = arith.constant 8 : i32
          %parallel_loop3A_1159 = vector.broadcast %parallel_loop3A_1158 : i32 to vector<16xi32>
          %parallel_loop3A_1160 = arith.subi %parallel_loop3A_1141, %parallel_loop3A_1159 : vector<16xi32>
          %parallel_loop3A_1161 = arith.constant 56 : i32
          %parallel_loop3A_1162 = vector.broadcast %parallel_loop3A_1161 : i32 to vector<16xi32>
          %parallel_loop3A_1163 = arith.muli %parallel_loop3A_1160, %parallel_loop3A_1162 : vector<16xi32>
          %parallel_loop3A_1164 = arith.constant 8 : i32
          %parallel_loop3A_1165 = vector.broadcast %parallel_loop3A_1164 : i32 to vector<16xi32>
          %parallel_loop3A_1166 = arith.subi %parallel_loop3A_1147, %parallel_loop3A_1165 : vector<16xi32>
          %parallel_loop3A_1167 = arith.constant 56 : i32
          %parallel_loop3A_1168 = vector.broadcast %parallel_loop3A_1167 : i32 to vector<16xi32>
          %parallel_loop3A_1169 = arith.muli %parallel_loop3A_1166, %parallel_loop3A_1168 : vector<16xi32>
          %parallel_loop3A_1170 = arith.addi %parallel_loop3A_1163, %parallel_loop3A_1154 : vector<16xi32>
          %parallel_loop3A_1171 = arith.addi %parallel_loop3A_1163, %parallel_loop3A_1157 : vector<16xi32>
          %parallel_loop3A_1172 = arith.addi %parallel_loop3A_1169, %parallel_loop3A_1154 : vector<16xi32>
          %parallel_loop3A_1173 = arith.addi %parallel_loop3A_1169, %parallel_loop3A_1157 : vector<16xi32>
          %parallel_loop3A_1174 = arith.select %parallel_loop3A_1148, %parallel_loop3A_1113, %parallel_loop3A_170 : vector<16xi1>, vector<16xf32>
          %parallel_loop3A_1175 = arith.select %parallel_loop3A_1149, %parallel_loop3A_1110, %parallel_loop3A_170 : vector<16xi1>, vector<16xf32>
          %parallel_loop3A_1176 = arith.mulf %parallel_loop3A_1117, %parallel_loop3A_1085 : vector<16xf32>
          %parallel_loop3A_1177 = arith.select %parallel_loop3A_1150, %parallel_loop3A_1176, %parallel_loop3A_170 : vector<16xi1>, vector<16xf32>
          %parallel_loop3A_1178 = arith.mulf %parallel_loop3A_1114, %parallel_loop3A_1085 : vector<16xf32>
          %parallel_loop3A_1179 = arith.select %parallel_loop3A_1151, %parallel_loop3A_1178, %parallel_loop3A_170 : vector<16xi1>, vector<16xf32>
          %parallel_loop3A_1180 = arith.mulf %parallel_loop3A_1174, %parallel_loop3A_1177 : vector<16xf32>
          %parallel_loop3A_1181 = arith.mulf %parallel_loop3A_1175, %parallel_loop3A_1177 : vector<16xf32>
          %parallel_loop3A_1182 = arith.mulf %parallel_loop3A_1174, %parallel_loop3A_1179 : vector<16xf32>
          %parallel_loop3A_1183 = arith.mulf %parallel_loop3A_1175, %parallel_loop3A_1179 : vector<16xf32>
          %parallel_loop3A_1184 = arith.constant 0 : i32
          %parallel_loop3A_1185 = vector.broadcast %parallel_loop3A_1184 : i32 to vector<16xi32>
          %parallel_loop3A_1186 = tpu.vector_load_idx %arg6[%parallel_loop3A_1185, %parallel_loop3A_1170] : memref<8x3200xf32, #tpu.memory_space<vmem>>[vector<16xi32>, vector<16xi32>], vector<16xf32>,
          %parallel_loop3A_1187 = tpu.vector_load_idx %arg6[%parallel_loop3A_1185, %parallel_loop3A_1171] : memref<8x3200xf32, #tpu.memory_space<vmem>>[vector<16xi32>, vector<16xi32>], vector<16xf32>,
          %parallel_loop3A_1188 = tpu.vector_load_idx %arg6[%parallel_loop3A_1185, %parallel_loop3A_1172] : memref<8x3200xf32, #tpu.memory_space<vmem>>[vector<16xi32>, vector<16xi32>], vector<16xf32>,
          %parallel_loop3A_1189 = tpu.vector_load_idx %arg6[%parallel_loop3A_1185, %parallel_loop3A_1173] : memref<8x3200xf32, #tpu.memory_space<vmem>>[vector<16xi32>, vector<16xi32>], vector<16xf32>,
          %parallel_loop3A_1190 = arith.mulf %parallel_loop3A_1186, %parallel_loop3A_1180 : vector<16xf32>
          %parallel_loop3A_1191 = arith.addf %parallel_loop3A_972, %parallel_loop3A_1190 : vector<16xf32>
          %parallel_loop3A_1192 = arith.mulf %parallel_loop3A_1187, %parallel_loop3A_1181 : vector<16xf32>
          %parallel_loop3A_1193 = arith.addf %parallel_loop3A_1191, %parallel_loop3A_1192 : vector<16xf32>
          %parallel_loop3A_1194 = arith.mulf %parallel_loop3A_1188, %parallel_loop3A_1182 : vector<16xf32>
          %parallel_loop3A_1195 = arith.addf %parallel_loop3A_1193, %parallel_loop3A_1194 : vector<16xf32>
          %parallel_loop3A_1196 = arith.mulf %parallel_loop3A_1189, %parallel_loop3A_1183 : vector<16xf32>
          %parallel_loop3A_1197 = arith.addf %parallel_loop3A_1195, %parallel_loop3A_1196 : vector<16xf32>
          %parallel_loop3A_1198 = arith.constant 1 : i32
          %parallel_loop3A_1199 = vector.broadcast %parallel_loop3A_1198 : i32 to vector<16xi32>
          %parallel_loop3A_1200 = tpu.vector_load_idx %arg6[%parallel_loop3A_1199, %parallel_loop3A_1170] : memref<8x3200xf32, #tpu.memory_space<vmem>>[vector<16xi32>, vector<16xi32>], vector<16xf32>,
          %parallel_loop3A_1201 = tpu.vector_load_idx %arg6[%parallel_loop3A_1199, %parallel_loop3A_1171] : memref<8x3200xf32, #tpu.memory_space<vmem>>[vector<16xi32>, vector<16xi32>], vector<16xf32>,
          %parallel_loop3A_1202 = tpu.vector_load_idx %arg6[%parallel_loop3A_1199, %parallel_loop3A_1172] : memref<8x3200xf32, #tpu.memory_space<vmem>>[vector<16xi32>, vector<16xi32>], vector<16xf32>,
          %parallel_loop3A_1203 = tpu.vector_load_idx %arg6[%parallel_loop3A_1199, %parallel_loop3A_1173] : memref<8x3200xf32, #tpu.memory_space<vmem>>[vector<16xi32>, vector<16xi32>], vector<16xf32>,
          %parallel_loop3A_1204 = arith.mulf %parallel_loop3A_1200, %parallel_loop3A_1180 : vector<16xf32>
          %parallel_loop3A_1205 = arith.addf %parallel_loop3A_986, %parallel_loop3A_1204 : vector<16xf32>
          %parallel_loop3A_1206 = arith.mulf %parallel_loop3A_1201, %parallel_loop3A_1181 : vector<16xf32>
          %parallel_loop3A_1207 = arith.addf %parallel_loop3A_1205, %parallel_loop3A_1206 : vector<16xf32>
          %parallel_loop3A_1208 = arith.mulf %parallel_loop3A_1202, %parallel_loop3A_1182 : vector<16xf32>
          %parallel_loop3A_1209 = arith.addf %parallel_loop3A_1207, %parallel_loop3A_1208 : vector<16xf32>
          %parallel_loop3A_1210 = arith.mulf %parallel_loop3A_1203, %parallel_loop3A_1183 : vector<16xf32>
          %parallel_loop3A_1211 = arith.addf %parallel_loop3A_1209, %parallel_loop3A_1210 : vector<16xf32>
          %parallel_loop3A_1212 = arith.constant 2 : i32
          %parallel_loop3A_1213 = vector.broadcast %parallel_loop3A_1212 : i32 to vector<16xi32>
          %parallel_loop3A_1214 = tpu.vector_load_idx %arg6[%parallel_loop3A_1213, %parallel_loop3A_1170] : memref<8x3200xf32, #tpu.memory_space<vmem>>[vector<16xi32>, vector<16xi32>], vector<16xf32>,
          %parallel_loop3A_1215 = tpu.vector_load_idx %arg6[%parallel_loop3A_1213, %parallel_loop3A_1171] : memref<8x3200xf32, #tpu.memory_space<vmem>>[vector<16xi32>, vector<16xi32>], vector<16xf32>,
          %parallel_loop3A_1216 = tpu.vector_load_idx %arg6[%parallel_loop3A_1213, %parallel_loop3A_1172] : memref<8x3200xf32, #tpu.memory_space<vmem>>[vector<16xi32>, vector<16xi32>], vector<16xf32>,
          %parallel_loop3A_1217 = tpu.vector_load_idx %arg6[%parallel_loop3A_1213, %parallel_loop3A_1173] : memref<8x3200xf32, #tpu.memory_space<vmem>>[vector<16xi32>, vector<16xi32>], vector<16xf32>,
          %parallel_loop3A_1218 = arith.mulf %parallel_loop3A_1214, %parallel_loop3A_1180 : vector<16xf32>
          %parallel_loop3A_1219 = arith.addf %parallel_loop3A_1000, %parallel_loop3A_1218 : vector<16xf32>
          %parallel_loop3A_1220 = arith.mulf %parallel_loop3A_1215, %parallel_loop3A_1181 : vector<16xf32>
          %parallel_loop3A_1221 = arith.addf %parallel_loop3A_1219, %parallel_loop3A_1220 : vector<16xf32>
          %parallel_loop3A_1222 = arith.mulf %parallel_loop3A_1216, %parallel_loop3A_1182 : vector<16xf32>
          %parallel_loop3A_1223 = arith.addf %parallel_loop3A_1221, %parallel_loop3A_1222 : vector<16xf32>
          %parallel_loop3A_1224 = arith.mulf %parallel_loop3A_1217, %parallel_loop3A_1183 : vector<16xf32>
          %parallel_loop3A_1225 = arith.addf %parallel_loop3A_1223, %parallel_loop3A_1224 : vector<16xf32>
          %parallel_loop3A_1226 = arith.constant 3 : i32
          %parallel_loop3A_1227 = vector.broadcast %parallel_loop3A_1226 : i32 to vector<16xi32>
          %parallel_loop3A_1228 = tpu.vector_load_idx %arg6[%parallel_loop3A_1227, %parallel_loop3A_1170] : memref<8x3200xf32, #tpu.memory_space<vmem>>[vector<16xi32>, vector<16xi32>], vector<16xf32>,
          %parallel_loop3A_1229 = tpu.vector_load_idx %arg6[%parallel_loop3A_1227, %parallel_loop3A_1171] : memref<8x3200xf32, #tpu.memory_space<vmem>>[vector<16xi32>, vector<16xi32>], vector<16xf32>,
          %parallel_loop3A_1230 = tpu.vector_load_idx %arg6[%parallel_loop3A_1227, %parallel_loop3A_1172] : memref<8x3200xf32, #tpu.memory_space<vmem>>[vector<16xi32>, vector<16xi32>], vector<16xf32>,
          %parallel_loop3A_1231 = tpu.vector_load_idx %arg6[%parallel_loop3A_1227, %parallel_loop3A_1173] : memref<8x3200xf32, #tpu.memory_space<vmem>>[vector<16xi32>, vector<16xi32>], vector<16xf32>,
          %parallel_loop3A_1232 = arith.mulf %parallel_loop3A_1228, %parallel_loop3A_1180 : vector<16xf32>
          %parallel_loop3A_1233 = arith.addf %parallel_loop3A_1014, %parallel_loop3A_1232 : vector<16xf32>
          %parallel_loop3A_1234 = arith.mulf %parallel_loop3A_1229, %parallel_loop3A_1181 : vector<16xf32>
          %parallel_loop3A_1235 = arith.addf %parallel_loop3A_1233, %parallel_loop3A_1234 : vector<16xf32>
          %parallel_loop3A_1236 = arith.mulf %parallel_loop3A_1230, %parallel_loop3A_1182 : vector<16xf32>
          %parallel_loop3A_1237 = arith.addf %parallel_loop3A_1235, %parallel_loop3A_1236 : vector<16xf32>
          %parallel_loop3A_1238 = arith.mulf %parallel_loop3A_1231, %parallel_loop3A_1183 : vector<16xf32>
          %parallel_loop3A_1239 = arith.addf %parallel_loop3A_1237, %parallel_loop3A_1238 : vector<16xf32>
          %parallel_loop3A_1240 = arith.constant 4 : i32
          %parallel_loop3A_1241 = vector.broadcast %parallel_loop3A_1240 : i32 to vector<16xi32>
          %parallel_loop3A_1242 = tpu.vector_load_idx %arg6[%parallel_loop3A_1241, %parallel_loop3A_1170] : memref<8x3200xf32, #tpu.memory_space<vmem>>[vector<16xi32>, vector<16xi32>], vector<16xf32>,
          %parallel_loop3A_1243 = tpu.vector_load_idx %arg6[%parallel_loop3A_1241, %parallel_loop3A_1171] : memref<8x3200xf32, #tpu.memory_space<vmem>>[vector<16xi32>, vector<16xi32>], vector<16xf32>,
          %parallel_loop3A_1244 = tpu.vector_load_idx %arg6[%parallel_loop3A_1241, %parallel_loop3A_1172] : memref<8x3200xf32, #tpu.memory_space<vmem>>[vector<16xi32>, vector<16xi32>], vector<16xf32>,
          %parallel_loop3A_1245 = tpu.vector_load_idx %arg6[%parallel_loop3A_1241, %parallel_loop3A_1173] : memref<8x3200xf32, #tpu.memory_space<vmem>>[vector<16xi32>, vector<16xi32>], vector<16xf32>,
          %parallel_loop3A_1246 = arith.mulf %parallel_loop3A_1242, %parallel_loop3A_1180 : vector<16xf32>
          %parallel_loop3A_1247 = arith.addf %parallel_loop3A_1028, %parallel_loop3A_1246 : vector<16xf32>
          %parallel_loop3A_1248 = arith.mulf %parallel_loop3A_1243, %parallel_loop3A_1181 : vector<16xf32>
          %parallel_loop3A_1249 = arith.addf %parallel_loop3A_1247, %parallel_loop3A_1248 : vector<16xf32>
          %parallel_loop3A_1250 = arith.mulf %parallel_loop3A_1244, %parallel_loop3A_1182 : vector<16xf32>
          %parallel_loop3A_1251 = arith.addf %parallel_loop3A_1249, %parallel_loop3A_1250 : vector<16xf32>
          %parallel_loop3A_1252 = arith.mulf %parallel_loop3A_1245, %parallel_loop3A_1183 : vector<16xf32>
          %parallel_loop3A_1253 = arith.addf %parallel_loop3A_1251, %parallel_loop3A_1252 : vector<16xf32>
          %parallel_loop3A_1254 = arith.constant 5 : i32
          %parallel_loop3A_1255 = vector.broadcast %parallel_loop3A_1254 : i32 to vector<16xi32>
          %parallel_loop3A_1256 = tpu.vector_load_idx %arg6[%parallel_loop3A_1255, %parallel_loop3A_1170] : memref<8x3200xf32, #tpu.memory_space<vmem>>[vector<16xi32>, vector<16xi32>], vector<16xf32>,
          %parallel_loop3A_1257 = tpu.vector_load_idx %arg6[%parallel_loop3A_1255, %parallel_loop3A_1171] : memref<8x3200xf32, #tpu.memory_space<vmem>>[vector<16xi32>, vector<16xi32>], vector<16xf32>,
          %parallel_loop3A_1258 = tpu.vector_load_idx %arg6[%parallel_loop3A_1255, %parallel_loop3A_1172] : memref<8x3200xf32, #tpu.memory_space<vmem>>[vector<16xi32>, vector<16xi32>], vector<16xf32>,
          %parallel_loop3A_1259 = tpu.vector_load_idx %arg6[%parallel_loop3A_1255, %parallel_loop3A_1173] : memref<8x3200xf32, #tpu.memory_space<vmem>>[vector<16xi32>, vector<16xi32>], vector<16xf32>,
          %parallel_loop3A_1260 = arith.mulf %parallel_loop3A_1256, %parallel_loop3A_1180 : vector<16xf32>
          %parallel_loop3A_1261 = arith.addf %parallel_loop3A_1042, %parallel_loop3A_1260 : vector<16xf32>
          %parallel_loop3A_1262 = arith.mulf %parallel_loop3A_1257, %parallel_loop3A_1181 : vector<16xf32>
          %parallel_loop3A_1263 = arith.addf %parallel_loop3A_1261, %parallel_loop3A_1262 : vector<16xf32>
          %parallel_loop3A_1264 = arith.mulf %parallel_loop3A_1258, %parallel_loop3A_1182 : vector<16xf32>
          %parallel_loop3A_1265 = arith.addf %parallel_loop3A_1263, %parallel_loop3A_1264 : vector<16xf32>
          %parallel_loop3A_1266 = arith.mulf %parallel_loop3A_1259, %parallel_loop3A_1183 : vector<16xf32>
          %parallel_loop3A_1267 = arith.addf %parallel_loop3A_1265, %parallel_loop3A_1266 : vector<16xf32>
          %parallel_loop3A_1268 = arith.constant 6 : i32
          %parallel_loop3A_1269 = vector.broadcast %parallel_loop3A_1268 : i32 to vector<16xi32>
          %parallel_loop3A_1270 = tpu.vector_load_idx %arg6[%parallel_loop3A_1269, %parallel_loop3A_1170] : memref<8x3200xf32, #tpu.memory_space<vmem>>[vector<16xi32>, vector<16xi32>], vector<16xf32>,
          %parallel_loop3A_1271 = tpu.vector_load_idx %arg6[%parallel_loop3A_1269, %parallel_loop3A_1171] : memref<8x3200xf32, #tpu.memory_space<vmem>>[vector<16xi32>, vector<16xi32>], vector<16xf32>,
          %parallel_loop3A_1272 = tpu.vector_load_idx %arg6[%parallel_loop3A_1269, %parallel_loop3A_1172] : memref<8x3200xf32, #tpu.memory_space<vmem>>[vector<16xi32>, vector<16xi32>], vector<16xf32>,
          %parallel_loop3A_1273 = tpu.vector_load_idx %arg6[%parallel_loop3A_1269, %parallel_loop3A_1173] : memref<8x3200xf32, #tpu.memory_space<vmem>>[vector<16xi32>, vector<16xi32>], vector<16xf32>,
          %parallel_loop3A_1274 = arith.mulf %parallel_loop3A_1270, %parallel_loop3A_1180 : vector<16xf32>
          %parallel_loop3A_1275 = arith.addf %parallel_loop3A_1056, %parallel_loop3A_1274 : vector<16xf32>
          %parallel_loop3A_1276 = arith.mulf %parallel_loop3A_1271, %parallel_loop3A_1181 : vector<16xf32>
          %parallel_loop3A_1277 = arith.addf %parallel_loop3A_1275, %parallel_loop3A_1276 : vector<16xf32>
          %parallel_loop3A_1278 = arith.mulf %parallel_loop3A_1272, %parallel_loop3A_1182 : vector<16xf32>
          %parallel_loop3A_1279 = arith.addf %parallel_loop3A_1277, %parallel_loop3A_1278 : vector<16xf32>
          %parallel_loop3A_1280 = arith.mulf %parallel_loop3A_1273, %parallel_loop3A_1183 : vector<16xf32>
          %parallel_loop3A_1281 = arith.addf %parallel_loop3A_1279, %parallel_loop3A_1280 : vector<16xf32>
          %parallel_loop3A_1282 = arith.constant 7 : i32
          %parallel_loop3A_1283 = vector.broadcast %parallel_loop3A_1282 : i32 to vector<16xi32>
          %parallel_loop3A_1284 = tpu.vector_load_idx %arg6[%parallel_loop3A_1283, %parallel_loop3A_1170] : memref<8x3200xf32, #tpu.memory_space<vmem>>[vector<16xi32>, vector<16xi32>], vector<16xf32>,
          %parallel_loop3A_1285 = tpu.vector_load_idx %arg6[%parallel_loop3A_1283, %parallel_loop3A_1171] : memref<8x3200xf32, #tpu.memory_space<vmem>>[vector<16xi32>, vector<16xi32>], vector<16xf32>,
          %parallel_loop3A_1286 = tpu.vector_load_idx %arg6[%parallel_loop3A_1283, %parallel_loop3A_1172] : memref<8x3200xf32, #tpu.memory_space<vmem>>[vector<16xi32>, vector<16xi32>], vector<16xf32>,
          %parallel_loop3A_1287 = tpu.vector_load_idx %arg6[%parallel_loop3A_1283, %parallel_loop3A_1173] : memref<8x3200xf32, #tpu.memory_space<vmem>>[vector<16xi32>, vector<16xi32>], vector<16xf32>,
          %parallel_loop3A_1288 = arith.mulf %parallel_loop3A_1284, %parallel_loop3A_1180 : vector<16xf32>
          %parallel_loop3A_1289 = arith.addf %parallel_loop3A_1070, %parallel_loop3A_1288 : vector<16xf32>
          %parallel_loop3A_1290 = arith.mulf %parallel_loop3A_1285, %parallel_loop3A_1181 : vector<16xf32>
          %parallel_loop3A_1291 = arith.addf %parallel_loop3A_1289, %parallel_loop3A_1290 : vector<16xf32>
          %parallel_loop3A_1292 = arith.mulf %parallel_loop3A_1286, %parallel_loop3A_1182 : vector<16xf32>
          %parallel_loop3A_1293 = arith.addf %parallel_loop3A_1291, %parallel_loop3A_1292 : vector<16xf32>
          %parallel_loop3A_1294 = arith.mulf %parallel_loop3A_1287, %parallel_loop3A_1183 : vector<16xf32>
          %parallel_loop3A_1295 = arith.addf %parallel_loop3A_1293, %parallel_loop3A_1294 : vector<16xf32>
          %parallel_loop3A_1296 = arith.constant 10 : i32
          %parallel_loop3A_1297 = arith.index_cast %rem3A_104 : i32 to index
          %parallel_loop3A_1298 = arith.index_cast %parallel_loop3A_1296 : i32 to index
          %parallel_loop3A_1299 = arith.index_cast %parallel_loop3A_152 : i32 to index
          %parallel_loop3A_1300 = tpu.vector_load %arg7[%parallel_loop3A_1297, %parallel_loop3A_1298, %parallel_loop3A_1299] {strides = array<i32>} : memref<2x32x640xf32, #tpu.memory_space<vmem>>, vector<16xf32>,
          %parallel_loop3A_1301 = arith.constant 11 : i32
          %parallel_loop3A_1302 = arith.index_cast %rem3A_104 : i32 to index
          %parallel_loop3A_1303 = arith.index_cast %parallel_loop3A_1301 : i32 to index
          %parallel_loop3A_1304 = arith.index_cast %parallel_loop3A_152 : i32 to index
          %parallel_loop3A_1305 = tpu.vector_load %arg7[%parallel_loop3A_1302, %parallel_loop3A_1303, %parallel_loop3A_1304] {strides = array<i32>} : memref<2x32x640xf32, #tpu.memory_space<vmem>>, vector<16xf32>,
          %parallel_loop3A_1306 = arith.constant 23 : i32
          %parallel_loop3A_1307 = arith.index_cast %rem3A_104 : i32 to index
          %parallel_loop3A_1308 = arith.index_cast %parallel_loop3A_1306 : i32 to index
          %parallel_loop3A_1309 = arith.index_cast %parallel_loop3A_152 : i32 to index
          %parallel_loop3A_1310 = tpu.vector_load %arg7[%parallel_loop3A_1307, %parallel_loop3A_1308, %parallel_loop3A_1309] {strides = array<i32>} : memref<2x32x640xf32, #tpu.memory_space<vmem>>, vector<16xf32>,
          %parallel_loop3A_1311 = arith.constant 9.000000e+00 : f32
          %parallel_loop3A_1312 = vector.broadcast %parallel_loop3A_1311 : f32 to vector<16xf32>
          %parallel_loop3A_1313 = arith.addf %parallel_loop3A_1312, %parallel_loop3A_1300 : vector<16xf32>
          %parallel_loop3A_1314 = arith.addf %parallel_loop3A_146, %parallel_loop3A_1313 : vector<16xf32>
          %parallel_loop3A_1315 = arith.constant 4.000000e+00 : f32
          %parallel_loop3A_1316 = arith.constant 6.800000e+01 : f32
          %parallel_loop3A_1317 = vector.broadcast %parallel_loop3A_1315 : f32 to vector<16xf32>
          %parallel_loop3A_1318 = arith.maximumf %parallel_loop3A_1317, %parallel_loop3A_1314 : vector<16xf32>
          %parallel_loop3A_1319 = vector.broadcast %parallel_loop3A_1316 : f32 to vector<16xf32>
          %parallel_loop3A_1320 = arith.minimumf %parallel_loop3A_1319, %parallel_loop3A_1318 : vector<16xf32>
          %parallel_loop3A_1321 = arith.constant 8.000000e+00 : f32
          %parallel_loop3A_1322 = vector.broadcast %parallel_loop3A_1321 : f32 to vector<16xf32>
          %parallel_loop3A_1323 = arith.addf %parallel_loop3A_1322, %parallel_loop3A_1305 : vector<16xf32>
          %parallel_loop3A_1324 = arith.addf %parallel_loop3A_150, %parallel_loop3A_1323 : vector<16xf32>
          %parallel_loop3A_1325 = arith.constant 4.000000e+00 : f32
          %parallel_loop3A_1326 = arith.constant 6.800000e+01 : f32
          %parallel_loop3A_1327 = vector.broadcast %parallel_loop3A_1325 : f32 to vector<16xf32>
          %parallel_loop3A_1328 = arith.maximumf %parallel_loop3A_1327, %parallel_loop3A_1324 : vector<16xf32>
          %parallel_loop3A_1329 = vector.broadcast %parallel_loop3A_1326 : f32 to vector<16xf32>
          %parallel_loop3A_1330 = arith.minimumf %parallel_loop3A_1329, %parallel_loop3A_1328 : vector<16xf32>
          %parallel_loop3A_1331 = arith.fptosi %parallel_loop3A_1320 : vector<16xf32> to vector<16xi32>
          %parallel_loop3A_1332 = arith.sitofp %parallel_loop3A_1331 : vector<16xi32> to vector<16xf32>
          %parallel_loop3A_1333 = arith.fptosi %parallel_loop3A_1330 : vector<16xf32> to vector<16xi32>
          %parallel_loop3A_1334 = arith.sitofp %parallel_loop3A_1333 : vector<16xi32> to vector<16xf32>
          %parallel_loop3A_1335 = arith.subf %parallel_loop3A_1320, %parallel_loop3A_1332 : vector<16xf32>
          %parallel_loop3A_1336 = arith.constant 1.000000e+00 : f32
          %parallel_loop3A_1337 = vector.broadcast %parallel_loop3A_1336 : f32 to vector<16xf32>
          %parallel_loop3A_1338 = arith.subf %parallel_loop3A_1337, %parallel_loop3A_1335 : vector<16xf32>
          %parallel_loop3A_1339 = arith.subf %parallel_loop3A_1330, %parallel_loop3A_1334 : vector<16xf32>
          %parallel_loop3A_1340 = arith.constant 1.000000e+00 : f32
          %parallel_loop3A_1341 = vector.broadcast %parallel_loop3A_1340 : f32 to vector<16xf32>
          %parallel_loop3A_1342 = arith.subf %parallel_loop3A_1341, %parallel_loop3A_1339 : vector<16xf32>
          %parallel_loop3A_1343 = arith.constant 1 : i32
          %parallel_loop3A_1344 = vector.broadcast %parallel_loop3A_1343 : i32 to vector<16xi32>
          %parallel_loop3A_1345 = arith.addi %parallel_loop3A_1331, %parallel_loop3A_1344 : vector<16xi32>
          %parallel_loop3A_1346 = arith.constant 1 : i32
          %parallel_loop3A_1347 = vector.broadcast %parallel_loop3A_1346 : i32 to vector<16xi32>
          %parallel_loop3A_1348 = arith.addi %parallel_loop3A_1333, %parallel_loop3A_1347 : vector<16xi32>
          %parallel_loop3A_1349 = arith.constant 8 : i32
          %parallel_loop3A_1350 = arith.constant 63 : i32
          %parallel_loop3A_1351 = vector.broadcast %parallel_loop3A_1349 : i32 to vector<16xi32>
          %parallel_loop3A_1352 = arith.maxsi %parallel_loop3A_1351, %parallel_loop3A_1331 : vector<16xi32>
          %parallel_loop3A_1353 = vector.broadcast %parallel_loop3A_1350 : i32 to vector<16xi32>
          %parallel_loop3A_1354 = arith.minsi %parallel_loop3A_1353, %parallel_loop3A_1352 : vector<16xi32>
          %parallel_loop3A_1355 = arith.constant 8 : i32
          %parallel_loop3A_1356 = arith.constant 63 : i32
          %parallel_loop3A_1357 = vector.broadcast %parallel_loop3A_1355 : i32 to vector<16xi32>
          %parallel_loop3A_1358 = arith.maxsi %parallel_loop3A_1357, %parallel_loop3A_1345 : vector<16xi32>
          %parallel_loop3A_1359 = vector.broadcast %parallel_loop3A_1356 : i32 to vector<16xi32>
          %parallel_loop3A_1360 = arith.minsi %parallel_loop3A_1359, %parallel_loop3A_1358 : vector<16xi32>
          %parallel_loop3A_1361 = arith.constant 8 : i32
          %parallel_loop3A_1362 = arith.constant 63 : i32
          %parallel_loop3A_1363 = vector.broadcast %parallel_loop3A_1361 : i32 to vector<16xi32>
          %parallel_loop3A_1364 = arith.maxsi %parallel_loop3A_1363, %parallel_loop3A_1333 : vector<16xi32>
          %parallel_loop3A_1365 = vector.broadcast %parallel_loop3A_1362 : i32 to vector<16xi32>
          %parallel_loop3A_1366 = arith.minsi %parallel_loop3A_1365, %parallel_loop3A_1364 : vector<16xi32>
          %parallel_loop3A_1367 = arith.constant 8 : i32
          %parallel_loop3A_1368 = arith.constant 63 : i32
          %parallel_loop3A_1369 = vector.broadcast %parallel_loop3A_1367 : i32 to vector<16xi32>
          %parallel_loop3A_1370 = arith.maxsi %parallel_loop3A_1369, %parallel_loop3A_1348 : vector<16xi32>
          %parallel_loop3A_1371 = vector.broadcast %parallel_loop3A_1368 : i32 to vector<16xi32>
          %parallel_loop3A_1372 = arith.minsi %parallel_loop3A_1371, %parallel_loop3A_1370 : vector<16xi32>
          %parallel_loop3A_1373 = arith.cmpi eq, %parallel_loop3A_1331, %parallel_loop3A_1354 : vector<16xi32>
          %parallel_loop3A_1374 = arith.cmpi eq, %parallel_loop3A_1345, %parallel_loop3A_1360 : vector<16xi32>
          %parallel_loop3A_1375 = arith.cmpi eq, %parallel_loop3A_1333, %parallel_loop3A_1366 : vector<16xi32>
          %parallel_loop3A_1376 = arith.cmpi eq, %parallel_loop3A_1348, %parallel_loop3A_1372 : vector<16xi32>
          %parallel_loop3A_1377 = arith.constant 8 : i32
          %parallel_loop3A_1378 = vector.broadcast %parallel_loop3A_1377 : i32 to vector<16xi32>
          %parallel_loop3A_1379 = arith.subi %parallel_loop3A_1354, %parallel_loop3A_1378 : vector<16xi32>
          %parallel_loop3A_1380 = arith.constant 8 : i32
          %parallel_loop3A_1381 = vector.broadcast %parallel_loop3A_1380 : i32 to vector<16xi32>
          %parallel_loop3A_1382 = arith.subi %parallel_loop3A_1360, %parallel_loop3A_1381 : vector<16xi32>
          %parallel_loop3A_1383 = arith.constant 8 : i32
          %parallel_loop3A_1384 = vector.broadcast %parallel_loop3A_1383 : i32 to vector<16xi32>
          %parallel_loop3A_1385 = arith.subi %parallel_loop3A_1366, %parallel_loop3A_1384 : vector<16xi32>
          %parallel_loop3A_1386 = arith.constant 56 : i32
          %parallel_loop3A_1387 = vector.broadcast %parallel_loop3A_1386 : i32 to vector<16xi32>
          %parallel_loop3A_1388 = arith.muli %parallel_loop3A_1385, %parallel_loop3A_1387 : vector<16xi32>
          %parallel_loop3A_1389 = arith.constant 8 : i32
          %parallel_loop3A_1390 = vector.broadcast %parallel_loop3A_1389 : i32 to vector<16xi32>
          %parallel_loop3A_1391 = arith.subi %parallel_loop3A_1372, %parallel_loop3A_1390 : vector<16xi32>
          %parallel_loop3A_1392 = arith.constant 56 : i32
          %parallel_loop3A_1393 = vector.broadcast %parallel_loop3A_1392 : i32 to vector<16xi32>
          %parallel_loop3A_1394 = arith.muli %parallel_loop3A_1391, %parallel_loop3A_1393 : vector<16xi32>
          %parallel_loop3A_1395 = arith.addi %parallel_loop3A_1388, %parallel_loop3A_1379 : vector<16xi32>
          %parallel_loop3A_1396 = arith.addi %parallel_loop3A_1388, %parallel_loop3A_1382 : vector<16xi32>
          %parallel_loop3A_1397 = arith.addi %parallel_loop3A_1394, %parallel_loop3A_1379 : vector<16xi32>
          %parallel_loop3A_1398 = arith.addi %parallel_loop3A_1394, %parallel_loop3A_1382 : vector<16xi32>
          %parallel_loop3A_1399 = arith.select %parallel_loop3A_1373, %parallel_loop3A_1338, %parallel_loop3A_170 : vector<16xi1>, vector<16xf32>
          %parallel_loop3A_1400 = arith.select %parallel_loop3A_1374, %parallel_loop3A_1335, %parallel_loop3A_170 : vector<16xi1>, vector<16xf32>
          %parallel_loop3A_1401 = arith.mulf %parallel_loop3A_1342, %parallel_loop3A_1310 : vector<16xf32>
          %parallel_loop3A_1402 = arith.select %parallel_loop3A_1375, %parallel_loop3A_1401, %parallel_loop3A_170 : vector<16xi1>, vector<16xf32>
          %parallel_loop3A_1403 = arith.mulf %parallel_loop3A_1339, %parallel_loop3A_1310 : vector<16xf32>
          %parallel_loop3A_1404 = arith.select %parallel_loop3A_1376, %parallel_loop3A_1403, %parallel_loop3A_170 : vector<16xi1>, vector<16xf32>
          %parallel_loop3A_1405 = arith.mulf %parallel_loop3A_1399, %parallel_loop3A_1402 : vector<16xf32>
          %parallel_loop3A_1406 = arith.mulf %parallel_loop3A_1400, %parallel_loop3A_1402 : vector<16xf32>
          %parallel_loop3A_1407 = arith.mulf %parallel_loop3A_1399, %parallel_loop3A_1404 : vector<16xf32>
          %parallel_loop3A_1408 = arith.mulf %parallel_loop3A_1400, %parallel_loop3A_1404 : vector<16xf32>
          %parallel_loop3A_1409 = arith.constant 0 : i32
          %parallel_loop3A_1410 = vector.broadcast %parallel_loop3A_1409 : i32 to vector<16xi32>
          %parallel_loop3A_1411 = tpu.vector_load_idx %arg6[%parallel_loop3A_1410, %parallel_loop3A_1395] : memref<8x3200xf32, #tpu.memory_space<vmem>>[vector<16xi32>, vector<16xi32>], vector<16xf32>,
          %parallel_loop3A_1412 = tpu.vector_load_idx %arg6[%parallel_loop3A_1410, %parallel_loop3A_1396] : memref<8x3200xf32, #tpu.memory_space<vmem>>[vector<16xi32>, vector<16xi32>], vector<16xf32>,
          %parallel_loop3A_1413 = tpu.vector_load_idx %arg6[%parallel_loop3A_1410, %parallel_loop3A_1397] : memref<8x3200xf32, #tpu.memory_space<vmem>>[vector<16xi32>, vector<16xi32>], vector<16xf32>,
          %parallel_loop3A_1414 = tpu.vector_load_idx %arg6[%parallel_loop3A_1410, %parallel_loop3A_1398] : memref<8x3200xf32, #tpu.memory_space<vmem>>[vector<16xi32>, vector<16xi32>], vector<16xf32>,
          %parallel_loop3A_1415 = arith.mulf %parallel_loop3A_1411, %parallel_loop3A_1405 : vector<16xf32>
          %parallel_loop3A_1416 = arith.addf %parallel_loop3A_1197, %parallel_loop3A_1415 : vector<16xf32>
          %parallel_loop3A_1417 = arith.mulf %parallel_loop3A_1412, %parallel_loop3A_1406 : vector<16xf32>
          %parallel_loop3A_1418 = arith.addf %parallel_loop3A_1416, %parallel_loop3A_1417 : vector<16xf32>
          %parallel_loop3A_1419 = arith.mulf %parallel_loop3A_1413, %parallel_loop3A_1407 : vector<16xf32>
          %parallel_loop3A_1420 = arith.addf %parallel_loop3A_1418, %parallel_loop3A_1419 : vector<16xf32>
          %parallel_loop3A_1421 = arith.mulf %parallel_loop3A_1414, %parallel_loop3A_1408 : vector<16xf32>
          %parallel_loop3A_1422 = arith.addf %parallel_loop3A_1420, %parallel_loop3A_1421 : vector<16xf32>
          %parallel_loop3A_1423 = arith.constant 1 : i32
          %parallel_loop3A_1424 = vector.broadcast %parallel_loop3A_1423 : i32 to vector<16xi32>
          %parallel_loop3A_1425 = tpu.vector_load_idx %arg6[%parallel_loop3A_1424, %parallel_loop3A_1395] : memref<8x3200xf32, #tpu.memory_space<vmem>>[vector<16xi32>, vector<16xi32>], vector<16xf32>,
          %parallel_loop3A_1426 = tpu.vector_load_idx %arg6[%parallel_loop3A_1424, %parallel_loop3A_1396] : memref<8x3200xf32, #tpu.memory_space<vmem>>[vector<16xi32>, vector<16xi32>], vector<16xf32>,
          %parallel_loop3A_1427 = tpu.vector_load_idx %arg6[%parallel_loop3A_1424, %parallel_loop3A_1397] : memref<8x3200xf32, #tpu.memory_space<vmem>>[vector<16xi32>, vector<16xi32>], vector<16xf32>,
          %parallel_loop3A_1428 = tpu.vector_load_idx %arg6[%parallel_loop3A_1424, %parallel_loop3A_1398] : memref<8x3200xf32, #tpu.memory_space<vmem>>[vector<16xi32>, vector<16xi32>], vector<16xf32>,
          %parallel_loop3A_1429 = arith.mulf %parallel_loop3A_1425, %parallel_loop3A_1405 : vector<16xf32>
          %parallel_loop3A_1430 = arith.addf %parallel_loop3A_1211, %parallel_loop3A_1429 : vector<16xf32>
          %parallel_loop3A_1431 = arith.mulf %parallel_loop3A_1426, %parallel_loop3A_1406 : vector<16xf32>
          %parallel_loop3A_1432 = arith.addf %parallel_loop3A_1430, %parallel_loop3A_1431 : vector<16xf32>
          %parallel_loop3A_1433 = arith.mulf %parallel_loop3A_1427, %parallel_loop3A_1407 : vector<16xf32>
          %parallel_loop3A_1434 = arith.addf %parallel_loop3A_1432, %parallel_loop3A_1433 : vector<16xf32>
          %parallel_loop3A_1435 = arith.mulf %parallel_loop3A_1428, %parallel_loop3A_1408 : vector<16xf32>
          %parallel_loop3A_1436 = arith.addf %parallel_loop3A_1434, %parallel_loop3A_1435 : vector<16xf32>
          %parallel_loop3A_1437 = arith.constant 2 : i32
          %parallel_loop3A_1438 = vector.broadcast %parallel_loop3A_1437 : i32 to vector<16xi32>
          %parallel_loop3A_1439 = tpu.vector_load_idx %arg6[%parallel_loop3A_1438, %parallel_loop3A_1395] : memref<8x3200xf32, #tpu.memory_space<vmem>>[vector<16xi32>, vector<16xi32>], vector<16xf32>,
          %parallel_loop3A_1440 = tpu.vector_load_idx %arg6[%parallel_loop3A_1438, %parallel_loop3A_1396] : memref<8x3200xf32, #tpu.memory_space<vmem>>[vector<16xi32>, vector<16xi32>], vector<16xf32>,
          %parallel_loop3A_1441 = tpu.vector_load_idx %arg6[%parallel_loop3A_1438, %parallel_loop3A_1397] : memref<8x3200xf32, #tpu.memory_space<vmem>>[vector<16xi32>, vector<16xi32>], vector<16xf32>,
          %parallel_loop3A_1442 = tpu.vector_load_idx %arg6[%parallel_loop3A_1438, %parallel_loop3A_1398] : memref<8x3200xf32, #tpu.memory_space<vmem>>[vector<16xi32>, vector<16xi32>], vector<16xf32>,
          %parallel_loop3A_1443 = arith.mulf %parallel_loop3A_1439, %parallel_loop3A_1405 : vector<16xf32>
          %parallel_loop3A_1444 = arith.addf %parallel_loop3A_1225, %parallel_loop3A_1443 : vector<16xf32>
          %parallel_loop3A_1445 = arith.mulf %parallel_loop3A_1440, %parallel_loop3A_1406 : vector<16xf32>
          %parallel_loop3A_1446 = arith.addf %parallel_loop3A_1444, %parallel_loop3A_1445 : vector<16xf32>
          %parallel_loop3A_1447 = arith.mulf %parallel_loop3A_1441, %parallel_loop3A_1407 : vector<16xf32>
          %parallel_loop3A_1448 = arith.addf %parallel_loop3A_1446, %parallel_loop3A_1447 : vector<16xf32>
          %parallel_loop3A_1449 = arith.mulf %parallel_loop3A_1442, %parallel_loop3A_1408 : vector<16xf32>
          %parallel_loop3A_1450 = arith.addf %parallel_loop3A_1448, %parallel_loop3A_1449 : vector<16xf32>
          %parallel_loop3A_1451 = arith.constant 3 : i32
          %parallel_loop3A_1452 = vector.broadcast %parallel_loop3A_1451 : i32 to vector<16xi32>
          %parallel_loop3A_1453 = tpu.vector_load_idx %arg6[%parallel_loop3A_1452, %parallel_loop3A_1395] : memref<8x3200xf32, #tpu.memory_space<vmem>>[vector<16xi32>, vector<16xi32>], vector<16xf32>,
          %parallel_loop3A_1454 = tpu.vector_load_idx %arg6[%parallel_loop3A_1452, %parallel_loop3A_1396] : memref<8x3200xf32, #tpu.memory_space<vmem>>[vector<16xi32>, vector<16xi32>], vector<16xf32>,
          %parallel_loop3A_1455 = tpu.vector_load_idx %arg6[%parallel_loop3A_1452, %parallel_loop3A_1397] : memref<8x3200xf32, #tpu.memory_space<vmem>>[vector<16xi32>, vector<16xi32>], vector<16xf32>,
          %parallel_loop3A_1456 = tpu.vector_load_idx %arg6[%parallel_loop3A_1452, %parallel_loop3A_1398] : memref<8x3200xf32, #tpu.memory_space<vmem>>[vector<16xi32>, vector<16xi32>], vector<16xf32>,
          %parallel_loop3A_1457 = arith.mulf %parallel_loop3A_1453, %parallel_loop3A_1405 : vector<16xf32>
          %parallel_loop3A_1458 = arith.addf %parallel_loop3A_1239, %parallel_loop3A_1457 : vector<16xf32>
          %parallel_loop3A_1459 = arith.mulf %parallel_loop3A_1454, %parallel_loop3A_1406 : vector<16xf32>
          %parallel_loop3A_1460 = arith.addf %parallel_loop3A_1458, %parallel_loop3A_1459 : vector<16xf32>
          %parallel_loop3A_1461 = arith.mulf %parallel_loop3A_1455, %parallel_loop3A_1407 : vector<16xf32>
          %parallel_loop3A_1462 = arith.addf %parallel_loop3A_1460, %parallel_loop3A_1461 : vector<16xf32>
          %parallel_loop3A_1463 = arith.mulf %parallel_loop3A_1456, %parallel_loop3A_1408 : vector<16xf32>
          %parallel_loop3A_1464 = arith.addf %parallel_loop3A_1462, %parallel_loop3A_1463 : vector<16xf32>
          %parallel_loop3A_1465 = arith.constant 4 : i32
          %parallel_loop3A_1466 = vector.broadcast %parallel_loop3A_1465 : i32 to vector<16xi32>
          %parallel_loop3A_1467 = tpu.vector_load_idx %arg6[%parallel_loop3A_1466, %parallel_loop3A_1395] : memref<8x3200xf32, #tpu.memory_space<vmem>>[vector<16xi32>, vector<16xi32>], vector<16xf32>,
          %parallel_loop3A_1468 = tpu.vector_load_idx %arg6[%parallel_loop3A_1466, %parallel_loop3A_1396] : memref<8x3200xf32, #tpu.memory_space<vmem>>[vector<16xi32>, vector<16xi32>], vector<16xf32>,
          %parallel_loop3A_1469 = tpu.vector_load_idx %arg6[%parallel_loop3A_1466, %parallel_loop3A_1397] : memref<8x3200xf32, #tpu.memory_space<vmem>>[vector<16xi32>, vector<16xi32>], vector<16xf32>,
          %parallel_loop3A_1470 = tpu.vector_load_idx %arg6[%parallel_loop3A_1466, %parallel_loop3A_1398] : memref<8x3200xf32, #tpu.memory_space<vmem>>[vector<16xi32>, vector<16xi32>], vector<16xf32>,
          %parallel_loop3A_1471 = arith.mulf %parallel_loop3A_1467, %parallel_loop3A_1405 : vector<16xf32>
          %parallel_loop3A_1472 = arith.addf %parallel_loop3A_1253, %parallel_loop3A_1471 : vector<16xf32>
          %parallel_loop3A_1473 = arith.mulf %parallel_loop3A_1468, %parallel_loop3A_1406 : vector<16xf32>
          %parallel_loop3A_1474 = arith.addf %parallel_loop3A_1472, %parallel_loop3A_1473 : vector<16xf32>
          %parallel_loop3A_1475 = arith.mulf %parallel_loop3A_1469, %parallel_loop3A_1407 : vector<16xf32>
          %parallel_loop3A_1476 = arith.addf %parallel_loop3A_1474, %parallel_loop3A_1475 : vector<16xf32>
          %parallel_loop3A_1477 = arith.mulf %parallel_loop3A_1470, %parallel_loop3A_1408 : vector<16xf32>
          %parallel_loop3A_1478 = arith.addf %parallel_loop3A_1476, %parallel_loop3A_1477 : vector<16xf32>
          %parallel_loop3A_1479 = arith.constant 5 : i32
          %parallel_loop3A_1480 = vector.broadcast %parallel_loop3A_1479 : i32 to vector<16xi32>
          %parallel_loop3A_1481 = tpu.vector_load_idx %arg6[%parallel_loop3A_1480, %parallel_loop3A_1395] : memref<8x3200xf32, #tpu.memory_space<vmem>>[vector<16xi32>, vector<16xi32>], vector<16xf32>,
          %parallel_loop3A_1482 = tpu.vector_load_idx %arg6[%parallel_loop3A_1480, %parallel_loop3A_1396] : memref<8x3200xf32, #tpu.memory_space<vmem>>[vector<16xi32>, vector<16xi32>], vector<16xf32>,
          %parallel_loop3A_1483 = tpu.vector_load_idx %arg6[%parallel_loop3A_1480, %parallel_loop3A_1397] : memref<8x3200xf32, #tpu.memory_space<vmem>>[vector<16xi32>, vector<16xi32>], vector<16xf32>,
          %parallel_loop3A_1484 = tpu.vector_load_idx %arg6[%parallel_loop3A_1480, %parallel_loop3A_1398] : memref<8x3200xf32, #tpu.memory_space<vmem>>[vector<16xi32>, vector<16xi32>], vector<16xf32>,
          %parallel_loop3A_1485 = arith.mulf %parallel_loop3A_1481, %parallel_loop3A_1405 : vector<16xf32>
          %parallel_loop3A_1486 = arith.addf %parallel_loop3A_1267, %parallel_loop3A_1485 : vector<16xf32>
          %parallel_loop3A_1487 = arith.mulf %parallel_loop3A_1482, %parallel_loop3A_1406 : vector<16xf32>
          %parallel_loop3A_1488 = arith.addf %parallel_loop3A_1486, %parallel_loop3A_1487 : vector<16xf32>
          %parallel_loop3A_1489 = arith.mulf %parallel_loop3A_1483, %parallel_loop3A_1407 : vector<16xf32>
          %parallel_loop3A_1490 = arith.addf %parallel_loop3A_1488, %parallel_loop3A_1489 : vector<16xf32>
          %parallel_loop3A_1491 = arith.mulf %parallel_loop3A_1484, %parallel_loop3A_1408 : vector<16xf32>
          %parallel_loop3A_1492 = arith.addf %parallel_loop3A_1490, %parallel_loop3A_1491 : vector<16xf32>
          %parallel_loop3A_1493 = arith.constant 6 : i32
          %parallel_loop3A_1494 = vector.broadcast %parallel_loop3A_1493 : i32 to vector<16xi32>
          %parallel_loop3A_1495 = tpu.vector_load_idx %arg6[%parallel_loop3A_1494, %parallel_loop3A_1395] : memref<8x3200xf32, #tpu.memory_space<vmem>>[vector<16xi32>, vector<16xi32>], vector<16xf32>,
          %parallel_loop3A_1496 = tpu.vector_load_idx %arg6[%parallel_loop3A_1494, %parallel_loop3A_1396] : memref<8x3200xf32, #tpu.memory_space<vmem>>[vector<16xi32>, vector<16xi32>], vector<16xf32>,
          %parallel_loop3A_1497 = tpu.vector_load_idx %arg6[%parallel_loop3A_1494, %parallel_loop3A_1397] : memref<8x3200xf32, #tpu.memory_space<vmem>>[vector<16xi32>, vector<16xi32>], vector<16xf32>,
          %parallel_loop3A_1498 = tpu.vector_load_idx %arg6[%parallel_loop3A_1494, %parallel_loop3A_1398] : memref<8x3200xf32, #tpu.memory_space<vmem>>[vector<16xi32>, vector<16xi32>], vector<16xf32>,
          %parallel_loop3A_1499 = arith.mulf %parallel_loop3A_1495, %parallel_loop3A_1405 : vector<16xf32>
          %parallel_loop3A_1500 = arith.addf %parallel_loop3A_1281, %parallel_loop3A_1499 : vector<16xf32>
          %parallel_loop3A_1501 = arith.mulf %parallel_loop3A_1496, %parallel_loop3A_1406 : vector<16xf32>
          %parallel_loop3A_1502 = arith.addf %parallel_loop3A_1500, %parallel_loop3A_1501 : vector<16xf32>
          %parallel_loop3A_1503 = arith.mulf %parallel_loop3A_1497, %parallel_loop3A_1407 : vector<16xf32>
          %parallel_loop3A_1504 = arith.addf %parallel_loop3A_1502, %parallel_loop3A_1503 : vector<16xf32>
          %parallel_loop3A_1505 = arith.mulf %parallel_loop3A_1498, %parallel_loop3A_1408 : vector<16xf32>
          %parallel_loop3A_1506 = arith.addf %parallel_loop3A_1504, %parallel_loop3A_1505 : vector<16xf32>
          %parallel_loop3A_1507 = arith.constant 7 : i32
          %parallel_loop3A_1508 = vector.broadcast %parallel_loop3A_1507 : i32 to vector<16xi32>
          %parallel_loop3A_1509 = tpu.vector_load_idx %arg6[%parallel_loop3A_1508, %parallel_loop3A_1395] : memref<8x3200xf32, #tpu.memory_space<vmem>>[vector<16xi32>, vector<16xi32>], vector<16xf32>,
          %parallel_loop3A_1510 = tpu.vector_load_idx %arg6[%parallel_loop3A_1508, %parallel_loop3A_1396] : memref<8x3200xf32, #tpu.memory_space<vmem>>[vector<16xi32>, vector<16xi32>], vector<16xf32>,
          %parallel_loop3A_1511 = tpu.vector_load_idx %arg6[%parallel_loop3A_1508, %parallel_loop3A_1397] : memref<8x3200xf32, #tpu.memory_space<vmem>>[vector<16xi32>, vector<16xi32>], vector<16xf32>,
          %parallel_loop3A_1512 = tpu.vector_load_idx %arg6[%parallel_loop3A_1508, %parallel_loop3A_1398] : memref<8x3200xf32, #tpu.memory_space<vmem>>[vector<16xi32>, vector<16xi32>], vector<16xf32>,
          %parallel_loop3A_1513 = arith.mulf %parallel_loop3A_1509, %parallel_loop3A_1405 : vector<16xf32>
          %parallel_loop3A_1514 = arith.addf %parallel_loop3A_1295, %parallel_loop3A_1513 : vector<16xf32>
          %parallel_loop3A_1515 = arith.mulf %parallel_loop3A_1510, %parallel_loop3A_1406 : vector<16xf32>
          %parallel_loop3A_1516 = arith.addf %parallel_loop3A_1514, %parallel_loop3A_1515 : vector<16xf32>
          %parallel_loop3A_1517 = arith.mulf %parallel_loop3A_1511, %parallel_loop3A_1407 : vector<16xf32>
          %parallel_loop3A_1518 = arith.addf %parallel_loop3A_1516, %parallel_loop3A_1517 : vector<16xf32>
          %parallel_loop3A_1519 = arith.mulf %parallel_loop3A_1512, %parallel_loop3A_1408 : vector<16xf32>
          %parallel_loop3A_1520 = arith.addf %parallel_loop3A_1518, %parallel_loop3A_1519 : vector<16xf32>
          %parallel_loop3A_1521 = arith.constant 12 : i32
          %parallel_loop3A_1522 = arith.index_cast %rem3A_104 : i32 to index
          %parallel_loop3A_1523 = arith.index_cast %parallel_loop3A_1521 : i32 to index
          %parallel_loop3A_1524 = arith.index_cast %parallel_loop3A_152 : i32 to index
          %parallel_loop3A_1525 = tpu.vector_load %arg7[%parallel_loop3A_1522, %parallel_loop3A_1523, %parallel_loop3A_1524] {strides = array<i32>} : memref<2x32x640xf32, #tpu.memory_space<vmem>>, vector<16xf32>,
          %parallel_loop3A_1526 = arith.constant 13 : i32
          %parallel_loop3A_1527 = arith.index_cast %rem3A_104 : i32 to index
          %parallel_loop3A_1528 = arith.index_cast %parallel_loop3A_1526 : i32 to index
          %parallel_loop3A_1529 = arith.index_cast %parallel_loop3A_152 : i32 to index
          %parallel_loop3A_1530 = tpu.vector_load %arg7[%parallel_loop3A_1527, %parallel_loop3A_1528, %parallel_loop3A_1529] {strides = array<i32>} : memref<2x32x640xf32, #tpu.memory_space<vmem>>, vector<16xf32>,
          %parallel_loop3A_1531 = arith.constant 24 : i32
          %parallel_loop3A_1532 = arith.index_cast %rem3A_104 : i32 to index
          %parallel_loop3A_1533 = arith.index_cast %parallel_loop3A_1531 : i32 to index
          %parallel_loop3A_1534 = arith.index_cast %parallel_loop3A_152 : i32 to index
          %parallel_loop3A_1535 = tpu.vector_load %arg7[%parallel_loop3A_1532, %parallel_loop3A_1533, %parallel_loop3A_1534] {strides = array<i32>} : memref<2x32x640xf32, #tpu.memory_space<vmem>>, vector<16xf32>,
          %parallel_loop3A_1536 = arith.constant 7.000000e+00 : f32
          %parallel_loop3A_1537 = vector.broadcast %parallel_loop3A_1536 : f32 to vector<16xf32>
          %parallel_loop3A_1538 = arith.addf %parallel_loop3A_1537, %parallel_loop3A_1525 : vector<16xf32>
          %parallel_loop3A_1539 = arith.addf %parallel_loop3A_146, %parallel_loop3A_1538 : vector<16xf32>
          %parallel_loop3A_1540 = arith.constant 4.000000e+00 : f32
          %parallel_loop3A_1541 = arith.constant 6.800000e+01 : f32
          %parallel_loop3A_1542 = vector.broadcast %parallel_loop3A_1540 : f32 to vector<16xf32>
          %parallel_loop3A_1543 = arith.maximumf %parallel_loop3A_1542, %parallel_loop3A_1539 : vector<16xf32>
          %parallel_loop3A_1544 = vector.broadcast %parallel_loop3A_1541 : f32 to vector<16xf32>
          %parallel_loop3A_1545 = arith.minimumf %parallel_loop3A_1544, %parallel_loop3A_1543 : vector<16xf32>
          %parallel_loop3A_1546 = arith.constant 9.000000e+00 : f32
          %parallel_loop3A_1547 = vector.broadcast %parallel_loop3A_1546 : f32 to vector<16xf32>
          %parallel_loop3A_1548 = arith.addf %parallel_loop3A_1547, %parallel_loop3A_1530 : vector<16xf32>
          %parallel_loop3A_1549 = arith.addf %parallel_loop3A_150, %parallel_loop3A_1548 : vector<16xf32>
          %parallel_loop3A_1550 = arith.constant 4.000000e+00 : f32
          %parallel_loop3A_1551 = arith.constant 6.800000e+01 : f32
          %parallel_loop3A_1552 = vector.broadcast %parallel_loop3A_1550 : f32 to vector<16xf32>
          %parallel_loop3A_1553 = arith.maximumf %parallel_loop3A_1552, %parallel_loop3A_1549 : vector<16xf32>
          %parallel_loop3A_1554 = vector.broadcast %parallel_loop3A_1551 : f32 to vector<16xf32>
          %parallel_loop3A_1555 = arith.minimumf %parallel_loop3A_1554, %parallel_loop3A_1553 : vector<16xf32>
          %parallel_loop3A_1556 = arith.fptosi %parallel_loop3A_1545 : vector<16xf32> to vector<16xi32>
          %parallel_loop3A_1557 = arith.sitofp %parallel_loop3A_1556 : vector<16xi32> to vector<16xf32>
          %parallel_loop3A_1558 = arith.fptosi %parallel_loop3A_1555 : vector<16xf32> to vector<16xi32>
          %parallel_loop3A_1559 = arith.sitofp %parallel_loop3A_1558 : vector<16xi32> to vector<16xf32>
          %parallel_loop3A_1560 = arith.subf %parallel_loop3A_1545, %parallel_loop3A_1557 : vector<16xf32>
          %parallel_loop3A_1561 = arith.constant 1.000000e+00 : f32
          %parallel_loop3A_1562 = vector.broadcast %parallel_loop3A_1561 : f32 to vector<16xf32>
          %parallel_loop3A_1563 = arith.subf %parallel_loop3A_1562, %parallel_loop3A_1560 : vector<16xf32>
          %parallel_loop3A_1564 = arith.subf %parallel_loop3A_1555, %parallel_loop3A_1559 : vector<16xf32>
          %parallel_loop3A_1565 = arith.constant 1.000000e+00 : f32
          %parallel_loop3A_1566 = vector.broadcast %parallel_loop3A_1565 : f32 to vector<16xf32>
          %parallel_loop3A_1567 = arith.subf %parallel_loop3A_1566, %parallel_loop3A_1564 : vector<16xf32>
          %parallel_loop3A_1568 = arith.constant 1 : i32
          %parallel_loop3A_1569 = vector.broadcast %parallel_loop3A_1568 : i32 to vector<16xi32>
          %parallel_loop3A_1570 = arith.addi %parallel_loop3A_1556, %parallel_loop3A_1569 : vector<16xi32>
          %parallel_loop3A_1571 = arith.constant 1 : i32
          %parallel_loop3A_1572 = vector.broadcast %parallel_loop3A_1571 : i32 to vector<16xi32>
          %parallel_loop3A_1573 = arith.addi %parallel_loop3A_1558, %parallel_loop3A_1572 : vector<16xi32>
          %parallel_loop3A_1574 = arith.constant 8 : i32
          %parallel_loop3A_1575 = arith.constant 63 : i32
          %parallel_loop3A_1576 = vector.broadcast %parallel_loop3A_1574 : i32 to vector<16xi32>
          %parallel_loop3A_1577 = arith.maxsi %parallel_loop3A_1576, %parallel_loop3A_1556 : vector<16xi32>
          %parallel_loop3A_1578 = vector.broadcast %parallel_loop3A_1575 : i32 to vector<16xi32>
          %parallel_loop3A_1579 = arith.minsi %parallel_loop3A_1578, %parallel_loop3A_1577 : vector<16xi32>
          %parallel_loop3A_1580 = arith.constant 8 : i32
          %parallel_loop3A_1581 = arith.constant 63 : i32
          %parallel_loop3A_1582 = vector.broadcast %parallel_loop3A_1580 : i32 to vector<16xi32>
          %parallel_loop3A_1583 = arith.maxsi %parallel_loop3A_1582, %parallel_loop3A_1570 : vector<16xi32>
          %parallel_loop3A_1584 = vector.broadcast %parallel_loop3A_1581 : i32 to vector<16xi32>
          %parallel_loop3A_1585 = arith.minsi %parallel_loop3A_1584, %parallel_loop3A_1583 : vector<16xi32>
          %parallel_loop3A_1586 = arith.constant 8 : i32
          %parallel_loop3A_1587 = arith.constant 63 : i32
          %parallel_loop3A_1588 = vector.broadcast %parallel_loop3A_1586 : i32 to vector<16xi32>
          %parallel_loop3A_1589 = arith.maxsi %parallel_loop3A_1588, %parallel_loop3A_1558 : vector<16xi32>
          %parallel_loop3A_1590 = vector.broadcast %parallel_loop3A_1587 : i32 to vector<16xi32>
          %parallel_loop3A_1591 = arith.minsi %parallel_loop3A_1590, %parallel_loop3A_1589 : vector<16xi32>
          %parallel_loop3A_1592 = arith.constant 8 : i32
          %parallel_loop3A_1593 = arith.constant 63 : i32
          %parallel_loop3A_1594 = vector.broadcast %parallel_loop3A_1592 : i32 to vector<16xi32>
          %parallel_loop3A_1595 = arith.maxsi %parallel_loop3A_1594, %parallel_loop3A_1573 : vector<16xi32>
          %parallel_loop3A_1596 = vector.broadcast %parallel_loop3A_1593 : i32 to vector<16xi32>
          %parallel_loop3A_1597 = arith.minsi %parallel_loop3A_1596, %parallel_loop3A_1595 : vector<16xi32>
          %parallel_loop3A_1598 = arith.cmpi eq, %parallel_loop3A_1556, %parallel_loop3A_1579 : vector<16xi32>
          %parallel_loop3A_1599 = arith.cmpi eq, %parallel_loop3A_1570, %parallel_loop3A_1585 : vector<16xi32>
          %parallel_loop3A_1600 = arith.cmpi eq, %parallel_loop3A_1558, %parallel_loop3A_1591 : vector<16xi32>
          %parallel_loop3A_1601 = arith.cmpi eq, %parallel_loop3A_1573, %parallel_loop3A_1597 : vector<16xi32>
          %parallel_loop3A_1602 = arith.constant 8 : i32
          %parallel_loop3A_1603 = vector.broadcast %parallel_loop3A_1602 : i32 to vector<16xi32>
          %parallel_loop3A_1604 = arith.subi %parallel_loop3A_1579, %parallel_loop3A_1603 : vector<16xi32>
          %parallel_loop3A_1605 = arith.constant 8 : i32
          %parallel_loop3A_1606 = vector.broadcast %parallel_loop3A_1605 : i32 to vector<16xi32>
          %parallel_loop3A_1607 = arith.subi %parallel_loop3A_1585, %parallel_loop3A_1606 : vector<16xi32>
          %parallel_loop3A_1608 = arith.constant 8 : i32
          %parallel_loop3A_1609 = vector.broadcast %parallel_loop3A_1608 : i32 to vector<16xi32>
          %parallel_loop3A_1610 = arith.subi %parallel_loop3A_1591, %parallel_loop3A_1609 : vector<16xi32>
          %parallel_loop3A_1611 = arith.constant 56 : i32
          %parallel_loop3A_1612 = vector.broadcast %parallel_loop3A_1611 : i32 to vector<16xi32>
          %parallel_loop3A_1613 = arith.muli %parallel_loop3A_1610, %parallel_loop3A_1612 : vector<16xi32>
          %parallel_loop3A_1614 = arith.constant 8 : i32
          %parallel_loop3A_1615 = vector.broadcast %parallel_loop3A_1614 : i32 to vector<16xi32>
          %parallel_loop3A_1616 = arith.subi %parallel_loop3A_1597, %parallel_loop3A_1615 : vector<16xi32>
          %parallel_loop3A_1617 = arith.constant 56 : i32
          %parallel_loop3A_1618 = vector.broadcast %parallel_loop3A_1617 : i32 to vector<16xi32>
          %parallel_loop3A_1619 = arith.muli %parallel_loop3A_1616, %parallel_loop3A_1618 : vector<16xi32>
          %parallel_loop3A_1620 = arith.addi %parallel_loop3A_1613, %parallel_loop3A_1604 : vector<16xi32>
          %parallel_loop3A_1621 = arith.addi %parallel_loop3A_1613, %parallel_loop3A_1607 : vector<16xi32>
          %parallel_loop3A_1622 = arith.addi %parallel_loop3A_1619, %parallel_loop3A_1604 : vector<16xi32>
          %parallel_loop3A_1623 = arith.addi %parallel_loop3A_1619, %parallel_loop3A_1607 : vector<16xi32>
          %parallel_loop3A_1624 = arith.select %parallel_loop3A_1598, %parallel_loop3A_1563, %parallel_loop3A_170 : vector<16xi1>, vector<16xf32>
          %parallel_loop3A_1625 = arith.select %parallel_loop3A_1599, %parallel_loop3A_1560, %parallel_loop3A_170 : vector<16xi1>, vector<16xf32>
          %parallel_loop3A_1626 = arith.mulf %parallel_loop3A_1567, %parallel_loop3A_1535 : vector<16xf32>
          %parallel_loop3A_1627 = arith.select %parallel_loop3A_1600, %parallel_loop3A_1626, %parallel_loop3A_170 : vector<16xi1>, vector<16xf32>
          %parallel_loop3A_1628 = arith.mulf %parallel_loop3A_1564, %parallel_loop3A_1535 : vector<16xf32>
          %parallel_loop3A_1629 = arith.select %parallel_loop3A_1601, %parallel_loop3A_1628, %parallel_loop3A_170 : vector<16xi1>, vector<16xf32>
          %parallel_loop3A_1630 = arith.mulf %parallel_loop3A_1624, %parallel_loop3A_1627 : vector<16xf32>
          %parallel_loop3A_1631 = arith.mulf %parallel_loop3A_1625, %parallel_loop3A_1627 : vector<16xf32>
          %parallel_loop3A_1632 = arith.mulf %parallel_loop3A_1624, %parallel_loop3A_1629 : vector<16xf32>
          %parallel_loop3A_1633 = arith.mulf %parallel_loop3A_1625, %parallel_loop3A_1629 : vector<16xf32>
          %parallel_loop3A_1634 = arith.constant 0 : i32
          %parallel_loop3A_1635 = vector.broadcast %parallel_loop3A_1634 : i32 to vector<16xi32>
          %parallel_loop3A_1636 = tpu.vector_load_idx %arg6[%parallel_loop3A_1635, %parallel_loop3A_1620] : memref<8x3200xf32, #tpu.memory_space<vmem>>[vector<16xi32>, vector<16xi32>], vector<16xf32>,
          %parallel_loop3A_1637 = tpu.vector_load_idx %arg6[%parallel_loop3A_1635, %parallel_loop3A_1621] : memref<8x3200xf32, #tpu.memory_space<vmem>>[vector<16xi32>, vector<16xi32>], vector<16xf32>,
          %parallel_loop3A_1638 = tpu.vector_load_idx %arg6[%parallel_loop3A_1635, %parallel_loop3A_1622] : memref<8x3200xf32, #tpu.memory_space<vmem>>[vector<16xi32>, vector<16xi32>], vector<16xf32>,
          %parallel_loop3A_1639 = tpu.vector_load_idx %arg6[%parallel_loop3A_1635, %parallel_loop3A_1623] : memref<8x3200xf32, #tpu.memory_space<vmem>>[vector<16xi32>, vector<16xi32>], vector<16xf32>,
          %parallel_loop3A_1640 = arith.mulf %parallel_loop3A_1636, %parallel_loop3A_1630 : vector<16xf32>
          %parallel_loop3A_1641 = arith.addf %parallel_loop3A_1422, %parallel_loop3A_1640 : vector<16xf32>
          %parallel_loop3A_1642 = arith.mulf %parallel_loop3A_1637, %parallel_loop3A_1631 : vector<16xf32>
          %parallel_loop3A_1643 = arith.addf %parallel_loop3A_1641, %parallel_loop3A_1642 : vector<16xf32>
          %parallel_loop3A_1644 = arith.mulf %parallel_loop3A_1638, %parallel_loop3A_1632 : vector<16xf32>
          %parallel_loop3A_1645 = arith.addf %parallel_loop3A_1643, %parallel_loop3A_1644 : vector<16xf32>
          %parallel_loop3A_1646 = arith.mulf %parallel_loop3A_1639, %parallel_loop3A_1633 : vector<16xf32>
          %parallel_loop3A_1647 = arith.addf %parallel_loop3A_1645, %parallel_loop3A_1646 : vector<16xf32>
          %parallel_loop3A_1648 = arith.constant 1 : i32
          %parallel_loop3A_1649 = vector.broadcast %parallel_loop3A_1648 : i32 to vector<16xi32>
          %parallel_loop3A_1650 = tpu.vector_load_idx %arg6[%parallel_loop3A_1649, %parallel_loop3A_1620] : memref<8x3200xf32, #tpu.memory_space<vmem>>[vector<16xi32>, vector<16xi32>], vector<16xf32>,
          %parallel_loop3A_1651 = tpu.vector_load_idx %arg6[%parallel_loop3A_1649, %parallel_loop3A_1621] : memref<8x3200xf32, #tpu.memory_space<vmem>>[vector<16xi32>, vector<16xi32>], vector<16xf32>,
          %parallel_loop3A_1652 = tpu.vector_load_idx %arg6[%parallel_loop3A_1649, %parallel_loop3A_1622] : memref<8x3200xf32, #tpu.memory_space<vmem>>[vector<16xi32>, vector<16xi32>], vector<16xf32>,
          %parallel_loop3A_1653 = tpu.vector_load_idx %arg6[%parallel_loop3A_1649, %parallel_loop3A_1623] : memref<8x3200xf32, #tpu.memory_space<vmem>>[vector<16xi32>, vector<16xi32>], vector<16xf32>,
          %parallel_loop3A_1654 = arith.mulf %parallel_loop3A_1650, %parallel_loop3A_1630 : vector<16xf32>
          %parallel_loop3A_1655 = arith.addf %parallel_loop3A_1436, %parallel_loop3A_1654 : vector<16xf32>
          %parallel_loop3A_1656 = arith.mulf %parallel_loop3A_1651, %parallel_loop3A_1631 : vector<16xf32>
          %parallel_loop3A_1657 = arith.addf %parallel_loop3A_1655, %parallel_loop3A_1656 : vector<16xf32>
          %parallel_loop3A_1658 = arith.mulf %parallel_loop3A_1652, %parallel_loop3A_1632 : vector<16xf32>
          %parallel_loop3A_1659 = arith.addf %parallel_loop3A_1657, %parallel_loop3A_1658 : vector<16xf32>
          %parallel_loop3A_1660 = arith.mulf %parallel_loop3A_1653, %parallel_loop3A_1633 : vector<16xf32>
          %parallel_loop3A_1661 = arith.addf %parallel_loop3A_1659, %parallel_loop3A_1660 : vector<16xf32>
          %parallel_loop3A_1662 = arith.constant 2 : i32
          %parallel_loop3A_1663 = vector.broadcast %parallel_loop3A_1662 : i32 to vector<16xi32>
          %parallel_loop3A_1664 = tpu.vector_load_idx %arg6[%parallel_loop3A_1663, %parallel_loop3A_1620] : memref<8x3200xf32, #tpu.memory_space<vmem>>[vector<16xi32>, vector<16xi32>], vector<16xf32>,
          %parallel_loop3A_1665 = tpu.vector_load_idx %arg6[%parallel_loop3A_1663, %parallel_loop3A_1621] : memref<8x3200xf32, #tpu.memory_space<vmem>>[vector<16xi32>, vector<16xi32>], vector<16xf32>,
          %parallel_loop3A_1666 = tpu.vector_load_idx %arg6[%parallel_loop3A_1663, %parallel_loop3A_1622] : memref<8x3200xf32, #tpu.memory_space<vmem>>[vector<16xi32>, vector<16xi32>], vector<16xf32>,
          %parallel_loop3A_1667 = tpu.vector_load_idx %arg6[%parallel_loop3A_1663, %parallel_loop3A_1623] : memref<8x3200xf32, #tpu.memory_space<vmem>>[vector<16xi32>, vector<16xi32>], vector<16xf32>,
          %parallel_loop3A_1668 = arith.mulf %parallel_loop3A_1664, %parallel_loop3A_1630 : vector<16xf32>
          %parallel_loop3A_1669 = arith.addf %parallel_loop3A_1450, %parallel_loop3A_1668 : vector<16xf32>
          %parallel_loop3A_1670 = arith.mulf %parallel_loop3A_1665, %parallel_loop3A_1631 : vector<16xf32>
          %parallel_loop3A_1671 = arith.addf %parallel_loop3A_1669, %parallel_loop3A_1670 : vector<16xf32>
          %parallel_loop3A_1672 = arith.mulf %parallel_loop3A_1666, %parallel_loop3A_1632 : vector<16xf32>
          %parallel_loop3A_1673 = arith.addf %parallel_loop3A_1671, %parallel_loop3A_1672 : vector<16xf32>
          %parallel_loop3A_1674 = arith.mulf %parallel_loop3A_1667, %parallel_loop3A_1633 : vector<16xf32>
          %parallel_loop3A_1675 = arith.addf %parallel_loop3A_1673, %parallel_loop3A_1674 : vector<16xf32>
          %parallel_loop3A_1676 = arith.constant 3 : i32
          %parallel_loop3A_1677 = vector.broadcast %parallel_loop3A_1676 : i32 to vector<16xi32>
          %parallel_loop3A_1678 = tpu.vector_load_idx %arg6[%parallel_loop3A_1677, %parallel_loop3A_1620] : memref<8x3200xf32, #tpu.memory_space<vmem>>[vector<16xi32>, vector<16xi32>], vector<16xf32>,
          %parallel_loop3A_1679 = tpu.vector_load_idx %arg6[%parallel_loop3A_1677, %parallel_loop3A_1621] : memref<8x3200xf32, #tpu.memory_space<vmem>>[vector<16xi32>, vector<16xi32>], vector<16xf32>,
          %parallel_loop3A_1680 = tpu.vector_load_idx %arg6[%parallel_loop3A_1677, %parallel_loop3A_1622] : memref<8x3200xf32, #tpu.memory_space<vmem>>[vector<16xi32>, vector<16xi32>], vector<16xf32>,
          %parallel_loop3A_1681 = tpu.vector_load_idx %arg6[%parallel_loop3A_1677, %parallel_loop3A_1623] : memref<8x3200xf32, #tpu.memory_space<vmem>>[vector<16xi32>, vector<16xi32>], vector<16xf32>,
          %parallel_loop3A_1682 = arith.mulf %parallel_loop3A_1678, %parallel_loop3A_1630 : vector<16xf32>
          %parallel_loop3A_1683 = arith.addf %parallel_loop3A_1464, %parallel_loop3A_1682 : vector<16xf32>
          %parallel_loop3A_1684 = arith.mulf %parallel_loop3A_1679, %parallel_loop3A_1631 : vector<16xf32>
          %parallel_loop3A_1685 = arith.addf %parallel_loop3A_1683, %parallel_loop3A_1684 : vector<16xf32>
          %parallel_loop3A_1686 = arith.mulf %parallel_loop3A_1680, %parallel_loop3A_1632 : vector<16xf32>
          %parallel_loop3A_1687 = arith.addf %parallel_loop3A_1685, %parallel_loop3A_1686 : vector<16xf32>
          %parallel_loop3A_1688 = arith.mulf %parallel_loop3A_1681, %parallel_loop3A_1633 : vector<16xf32>
          %parallel_loop3A_1689 = arith.addf %parallel_loop3A_1687, %parallel_loop3A_1688 : vector<16xf32>
          %parallel_loop3A_1690 = arith.constant 4 : i32
          %parallel_loop3A_1691 = vector.broadcast %parallel_loop3A_1690 : i32 to vector<16xi32>
          %parallel_loop3A_1692 = tpu.vector_load_idx %arg6[%parallel_loop3A_1691, %parallel_loop3A_1620] : memref<8x3200xf32, #tpu.memory_space<vmem>>[vector<16xi32>, vector<16xi32>], vector<16xf32>,
          %parallel_loop3A_1693 = tpu.vector_load_idx %arg6[%parallel_loop3A_1691, %parallel_loop3A_1621] : memref<8x3200xf32, #tpu.memory_space<vmem>>[vector<16xi32>, vector<16xi32>], vector<16xf32>,
          %parallel_loop3A_1694 = tpu.vector_load_idx %arg6[%parallel_loop3A_1691, %parallel_loop3A_1622] : memref<8x3200xf32, #tpu.memory_space<vmem>>[vector<16xi32>, vector<16xi32>], vector<16xf32>,
          %parallel_loop3A_1695 = tpu.vector_load_idx %arg6[%parallel_loop3A_1691, %parallel_loop3A_1623] : memref<8x3200xf32, #tpu.memory_space<vmem>>[vector<16xi32>, vector<16xi32>], vector<16xf32>,
          %parallel_loop3A_1696 = arith.mulf %parallel_loop3A_1692, %parallel_loop3A_1630 : vector<16xf32>
          %parallel_loop3A_1697 = arith.addf %parallel_loop3A_1478, %parallel_loop3A_1696 : vector<16xf32>
          %parallel_loop3A_1698 = arith.mulf %parallel_loop3A_1693, %parallel_loop3A_1631 : vector<16xf32>
          %parallel_loop3A_1699 = arith.addf %parallel_loop3A_1697, %parallel_loop3A_1698 : vector<16xf32>
          %parallel_loop3A_1700 = arith.mulf %parallel_loop3A_1694, %parallel_loop3A_1632 : vector<16xf32>
          %parallel_loop3A_1701 = arith.addf %parallel_loop3A_1699, %parallel_loop3A_1700 : vector<16xf32>
          %parallel_loop3A_1702 = arith.mulf %parallel_loop3A_1695, %parallel_loop3A_1633 : vector<16xf32>
          %parallel_loop3A_1703 = arith.addf %parallel_loop3A_1701, %parallel_loop3A_1702 : vector<16xf32>
          %parallel_loop3A_1704 = arith.constant 5 : i32
          %parallel_loop3A_1705 = vector.broadcast %parallel_loop3A_1704 : i32 to vector<16xi32>
          %parallel_loop3A_1706 = tpu.vector_load_idx %arg6[%parallel_loop3A_1705, %parallel_loop3A_1620] : memref<8x3200xf32, #tpu.memory_space<vmem>>[vector<16xi32>, vector<16xi32>], vector<16xf32>,
          %parallel_loop3A_1707 = tpu.vector_load_idx %arg6[%parallel_loop3A_1705, %parallel_loop3A_1621] : memref<8x3200xf32, #tpu.memory_space<vmem>>[vector<16xi32>, vector<16xi32>], vector<16xf32>,
          %parallel_loop3A_1708 = tpu.vector_load_idx %arg6[%parallel_loop3A_1705, %parallel_loop3A_1622] : memref<8x3200xf32, #tpu.memory_space<vmem>>[vector<16xi32>, vector<16xi32>], vector<16xf32>,
          %parallel_loop3A_1709 = tpu.vector_load_idx %arg6[%parallel_loop3A_1705, %parallel_loop3A_1623] : memref<8x3200xf32, #tpu.memory_space<vmem>>[vector<16xi32>, vector<16xi32>], vector<16xf32>,
          %parallel_loop3A_1710 = arith.mulf %parallel_loop3A_1706, %parallel_loop3A_1630 : vector<16xf32>
          %parallel_loop3A_1711 = arith.addf %parallel_loop3A_1492, %parallel_loop3A_1710 : vector<16xf32>
          %parallel_loop3A_1712 = arith.mulf %parallel_loop3A_1707, %parallel_loop3A_1631 : vector<16xf32>
          %parallel_loop3A_1713 = arith.addf %parallel_loop3A_1711, %parallel_loop3A_1712 : vector<16xf32>
          %parallel_loop3A_1714 = arith.mulf %parallel_loop3A_1708, %parallel_loop3A_1632 : vector<16xf32>
          %parallel_loop3A_1715 = arith.addf %parallel_loop3A_1713, %parallel_loop3A_1714 : vector<16xf32>
          %parallel_loop3A_1716 = arith.mulf %parallel_loop3A_1709, %parallel_loop3A_1633 : vector<16xf32>
          %parallel_loop3A_1717 = arith.addf %parallel_loop3A_1715, %parallel_loop3A_1716 : vector<16xf32>
          %parallel_loop3A_1718 = arith.constant 6 : i32
          %parallel_loop3A_1719 = vector.broadcast %parallel_loop3A_1718 : i32 to vector<16xi32>
          %parallel_loop3A_1720 = tpu.vector_load_idx %arg6[%parallel_loop3A_1719, %parallel_loop3A_1620] : memref<8x3200xf32, #tpu.memory_space<vmem>>[vector<16xi32>, vector<16xi32>], vector<16xf32>,
          %parallel_loop3A_1721 = tpu.vector_load_idx %arg6[%parallel_loop3A_1719, %parallel_loop3A_1621] : memref<8x3200xf32, #tpu.memory_space<vmem>>[vector<16xi32>, vector<16xi32>], vector<16xf32>,
          %parallel_loop3A_1722 = tpu.vector_load_idx %arg6[%parallel_loop3A_1719, %parallel_loop3A_1622] : memref<8x3200xf32, #tpu.memory_space<vmem>>[vector<16xi32>, vector<16xi32>], vector<16xf32>,
          %parallel_loop3A_1723 = tpu.vector_load_idx %arg6[%parallel_loop3A_1719, %parallel_loop3A_1623] : memref<8x3200xf32, #tpu.memory_space<vmem>>[vector<16xi32>, vector<16xi32>], vector<16xf32>,
          %parallel_loop3A_1724 = arith.mulf %parallel_loop3A_1720, %parallel_loop3A_1630 : vector<16xf32>
          %parallel_loop3A_1725 = arith.addf %parallel_loop3A_1506, %parallel_loop3A_1724 : vector<16xf32>
          %parallel_loop3A_1726 = arith.mulf %parallel_loop3A_1721, %parallel_loop3A_1631 : vector<16xf32>
          %parallel_loop3A_1727 = arith.addf %parallel_loop3A_1725, %parallel_loop3A_1726 : vector<16xf32>
          %parallel_loop3A_1728 = arith.mulf %parallel_loop3A_1722, %parallel_loop3A_1632 : vector<16xf32>
          %parallel_loop3A_1729 = arith.addf %parallel_loop3A_1727, %parallel_loop3A_1728 : vector<16xf32>
          %parallel_loop3A_1730 = arith.mulf %parallel_loop3A_1723, %parallel_loop3A_1633 : vector<16xf32>
          %parallel_loop3A_1731 = arith.addf %parallel_loop3A_1729, %parallel_loop3A_1730 : vector<16xf32>
          %parallel_loop3A_1732 = arith.constant 7 : i32
          %parallel_loop3A_1733 = vector.broadcast %parallel_loop3A_1732 : i32 to vector<16xi32>
          %parallel_loop3A_1734 = tpu.vector_load_idx %arg6[%parallel_loop3A_1733, %parallel_loop3A_1620] : memref<8x3200xf32, #tpu.memory_space<vmem>>[vector<16xi32>, vector<16xi32>], vector<16xf32>,
          %parallel_loop3A_1735 = tpu.vector_load_idx %arg6[%parallel_loop3A_1733, %parallel_loop3A_1621] : memref<8x3200xf32, #tpu.memory_space<vmem>>[vector<16xi32>, vector<16xi32>], vector<16xf32>,
          %parallel_loop3A_1736 = tpu.vector_load_idx %arg6[%parallel_loop3A_1733, %parallel_loop3A_1622] : memref<8x3200xf32, #tpu.memory_space<vmem>>[vector<16xi32>, vector<16xi32>], vector<16xf32>,
          %parallel_loop3A_1737 = tpu.vector_load_idx %arg6[%parallel_loop3A_1733, %parallel_loop3A_1623] : memref<8x3200xf32, #tpu.memory_space<vmem>>[vector<16xi32>, vector<16xi32>], vector<16xf32>,
          %parallel_loop3A_1738 = arith.mulf %parallel_loop3A_1734, %parallel_loop3A_1630 : vector<16xf32>
          %parallel_loop3A_1739 = arith.addf %parallel_loop3A_1520, %parallel_loop3A_1738 : vector<16xf32>
          %parallel_loop3A_1740 = arith.mulf %parallel_loop3A_1735, %parallel_loop3A_1631 : vector<16xf32>
          %parallel_loop3A_1741 = arith.addf %parallel_loop3A_1739, %parallel_loop3A_1740 : vector<16xf32>
          %parallel_loop3A_1742 = arith.mulf %parallel_loop3A_1736, %parallel_loop3A_1632 : vector<16xf32>
          %parallel_loop3A_1743 = arith.addf %parallel_loop3A_1741, %parallel_loop3A_1742 : vector<16xf32>
          %parallel_loop3A_1744 = arith.mulf %parallel_loop3A_1737, %parallel_loop3A_1633 : vector<16xf32>
          %parallel_loop3A_1745 = arith.addf %parallel_loop3A_1743, %parallel_loop3A_1744 : vector<16xf32>
          %parallel_loop3A_1746 = arith.constant 14 : i32
          %parallel_loop3A_1747 = arith.index_cast %rem3A_104 : i32 to index
          %parallel_loop3A_1748 = arith.index_cast %parallel_loop3A_1746 : i32 to index
          %parallel_loop3A_1749 = arith.index_cast %parallel_loop3A_152 : i32 to index
          %parallel_loop3A_1750 = tpu.vector_load %arg7[%parallel_loop3A_1747, %parallel_loop3A_1748, %parallel_loop3A_1749] {strides = array<i32>} : memref<2x32x640xf32, #tpu.memory_space<vmem>>, vector<16xf32>,
          %parallel_loop3A_1751 = arith.constant 15 : i32
          %parallel_loop3A_1752 = arith.index_cast %rem3A_104 : i32 to index
          %parallel_loop3A_1753 = arith.index_cast %parallel_loop3A_1751 : i32 to index
          %parallel_loop3A_1754 = arith.index_cast %parallel_loop3A_152 : i32 to index
          %parallel_loop3A_1755 = tpu.vector_load %arg7[%parallel_loop3A_1752, %parallel_loop3A_1753, %parallel_loop3A_1754] {strides = array<i32>} : memref<2x32x640xf32, #tpu.memory_space<vmem>>, vector<16xf32>,
          %parallel_loop3A_1756 = arith.constant 25 : i32
          %parallel_loop3A_1757 = arith.index_cast %rem3A_104 : i32 to index
          %parallel_loop3A_1758 = arith.index_cast %parallel_loop3A_1756 : i32 to index
          %parallel_loop3A_1759 = arith.index_cast %parallel_loop3A_152 : i32 to index
          %parallel_loop3A_1760 = tpu.vector_load %arg7[%parallel_loop3A_1757, %parallel_loop3A_1758, %parallel_loop3A_1759] {strides = array<i32>} : memref<2x32x640xf32, #tpu.memory_space<vmem>>, vector<16xf32>,
          %parallel_loop3A_1761 = arith.constant 8.000000e+00 : f32
          %parallel_loop3A_1762 = vector.broadcast %parallel_loop3A_1761 : f32 to vector<16xf32>
          %parallel_loop3A_1763 = arith.addf %parallel_loop3A_1762, %parallel_loop3A_1750 : vector<16xf32>
          %parallel_loop3A_1764 = arith.addf %parallel_loop3A_146, %parallel_loop3A_1763 : vector<16xf32>
          %parallel_loop3A_1765 = arith.constant 4.000000e+00 : f32
          %parallel_loop3A_1766 = arith.constant 6.800000e+01 : f32
          %parallel_loop3A_1767 = vector.broadcast %parallel_loop3A_1765 : f32 to vector<16xf32>
          %parallel_loop3A_1768 = arith.maximumf %parallel_loop3A_1767, %parallel_loop3A_1764 : vector<16xf32>
          %parallel_loop3A_1769 = vector.broadcast %parallel_loop3A_1766 : f32 to vector<16xf32>
          %parallel_loop3A_1770 = arith.minimumf %parallel_loop3A_1769, %parallel_loop3A_1768 : vector<16xf32>
          %parallel_loop3A_1771 = arith.constant 9.000000e+00 : f32
          %parallel_loop3A_1772 = vector.broadcast %parallel_loop3A_1771 : f32 to vector<16xf32>
          %parallel_loop3A_1773 = arith.addf %parallel_loop3A_1772, %parallel_loop3A_1755 : vector<16xf32>
          %parallel_loop3A_1774 = arith.addf %parallel_loop3A_150, %parallel_loop3A_1773 : vector<16xf32>
          %parallel_loop3A_1775 = arith.constant 4.000000e+00 : f32
          %parallel_loop3A_1776 = arith.constant 6.800000e+01 : f32
          %parallel_loop3A_1777 = vector.broadcast %parallel_loop3A_1775 : f32 to vector<16xf32>
          %parallel_loop3A_1778 = arith.maximumf %parallel_loop3A_1777, %parallel_loop3A_1774 : vector<16xf32>
          %parallel_loop3A_1779 = vector.broadcast %parallel_loop3A_1776 : f32 to vector<16xf32>
          %parallel_loop3A_1780 = arith.minimumf %parallel_loop3A_1779, %parallel_loop3A_1778 : vector<16xf32>
          %parallel_loop3A_1781 = arith.fptosi %parallel_loop3A_1770 : vector<16xf32> to vector<16xi32>
          %parallel_loop3A_1782 = arith.sitofp %parallel_loop3A_1781 : vector<16xi32> to vector<16xf32>
          %parallel_loop3A_1783 = arith.fptosi %parallel_loop3A_1780 : vector<16xf32> to vector<16xi32>
          %parallel_loop3A_1784 = arith.sitofp %parallel_loop3A_1783 : vector<16xi32> to vector<16xf32>
          %parallel_loop3A_1785 = arith.subf %parallel_loop3A_1770, %parallel_loop3A_1782 : vector<16xf32>
          %parallel_loop3A_1786 = arith.constant 1.000000e+00 : f32
          %parallel_loop3A_1787 = vector.broadcast %parallel_loop3A_1786 : f32 to vector<16xf32>
          %parallel_loop3A_1788 = arith.subf %parallel_loop3A_1787, %parallel_loop3A_1785 : vector<16xf32>
          %parallel_loop3A_1789 = arith.subf %parallel_loop3A_1780, %parallel_loop3A_1784 : vector<16xf32>
          %parallel_loop3A_1790 = arith.constant 1.000000e+00 : f32
          %parallel_loop3A_1791 = vector.broadcast %parallel_loop3A_1790 : f32 to vector<16xf32>
          %parallel_loop3A_1792 = arith.subf %parallel_loop3A_1791, %parallel_loop3A_1789 : vector<16xf32>
          %parallel_loop3A_1793 = arith.constant 1 : i32
          %parallel_loop3A_1794 = vector.broadcast %parallel_loop3A_1793 : i32 to vector<16xi32>
          %parallel_loop3A_1795 = arith.addi %parallel_loop3A_1781, %parallel_loop3A_1794 : vector<16xi32>
          %parallel_loop3A_1796 = arith.constant 1 : i32
          %parallel_loop3A_1797 = vector.broadcast %parallel_loop3A_1796 : i32 to vector<16xi32>
          %parallel_loop3A_1798 = arith.addi %parallel_loop3A_1783, %parallel_loop3A_1797 : vector<16xi32>
          %parallel_loop3A_1799 = arith.constant 8 : i32
          %parallel_loop3A_1800 = arith.constant 63 : i32
          %parallel_loop3A_1801 = vector.broadcast %parallel_loop3A_1799 : i32 to vector<16xi32>
          %parallel_loop3A_1802 = arith.maxsi %parallel_loop3A_1801, %parallel_loop3A_1781 : vector<16xi32>
          %parallel_loop3A_1803 = vector.broadcast %parallel_loop3A_1800 : i32 to vector<16xi32>
          %parallel_loop3A_1804 = arith.minsi %parallel_loop3A_1803, %parallel_loop3A_1802 : vector<16xi32>
          %parallel_loop3A_1805 = arith.constant 8 : i32
          %parallel_loop3A_1806 = arith.constant 63 : i32
          %parallel_loop3A_1807 = vector.broadcast %parallel_loop3A_1805 : i32 to vector<16xi32>
          %parallel_loop3A_1808 = arith.maxsi %parallel_loop3A_1807, %parallel_loop3A_1795 : vector<16xi32>
          %parallel_loop3A_1809 = vector.broadcast %parallel_loop3A_1806 : i32 to vector<16xi32>
          %parallel_loop3A_1810 = arith.minsi %parallel_loop3A_1809, %parallel_loop3A_1808 : vector<16xi32>
          %parallel_loop3A_1811 = arith.constant 8 : i32
          %parallel_loop3A_1812 = arith.constant 63 : i32
          %parallel_loop3A_1813 = vector.broadcast %parallel_loop3A_1811 : i32 to vector<16xi32>
          %parallel_loop3A_1814 = arith.maxsi %parallel_loop3A_1813, %parallel_loop3A_1783 : vector<16xi32>
          %parallel_loop3A_1815 = vector.broadcast %parallel_loop3A_1812 : i32 to vector<16xi32>
          %parallel_loop3A_1816 = arith.minsi %parallel_loop3A_1815, %parallel_loop3A_1814 : vector<16xi32>
          %parallel_loop3A_1817 = arith.constant 8 : i32
          %parallel_loop3A_1818 = arith.constant 63 : i32
          %parallel_loop3A_1819 = vector.broadcast %parallel_loop3A_1817 : i32 to vector<16xi32>
          %parallel_loop3A_1820 = arith.maxsi %parallel_loop3A_1819, %parallel_loop3A_1798 : vector<16xi32>
          %parallel_loop3A_1821 = vector.broadcast %parallel_loop3A_1818 : i32 to vector<16xi32>
          %parallel_loop3A_1822 = arith.minsi %parallel_loop3A_1821, %parallel_loop3A_1820 : vector<16xi32>
          %parallel_loop3A_1823 = arith.cmpi eq, %parallel_loop3A_1781, %parallel_loop3A_1804 : vector<16xi32>
          %parallel_loop3A_1824 = arith.cmpi eq, %parallel_loop3A_1795, %parallel_loop3A_1810 : vector<16xi32>
          %parallel_loop3A_1825 = arith.cmpi eq, %parallel_loop3A_1783, %parallel_loop3A_1816 : vector<16xi32>
          %parallel_loop3A_1826 = arith.cmpi eq, %parallel_loop3A_1798, %parallel_loop3A_1822 : vector<16xi32>
          %parallel_loop3A_1827 = arith.constant 8 : i32
          %parallel_loop3A_1828 = vector.broadcast %parallel_loop3A_1827 : i32 to vector<16xi32>
          %parallel_loop3A_1829 = arith.subi %parallel_loop3A_1804, %parallel_loop3A_1828 : vector<16xi32>
          %parallel_loop3A_1830 = arith.constant 8 : i32
          %parallel_loop3A_1831 = vector.broadcast %parallel_loop3A_1830 : i32 to vector<16xi32>
          %parallel_loop3A_1832 = arith.subi %parallel_loop3A_1810, %parallel_loop3A_1831 : vector<16xi32>
          %parallel_loop3A_1833 = arith.constant 8 : i32
          %parallel_loop3A_1834 = vector.broadcast %parallel_loop3A_1833 : i32 to vector<16xi32>
          %parallel_loop3A_1835 = arith.subi %parallel_loop3A_1816, %parallel_loop3A_1834 : vector<16xi32>
          %parallel_loop3A_1836 = arith.constant 56 : i32
          %parallel_loop3A_1837 = vector.broadcast %parallel_loop3A_1836 : i32 to vector<16xi32>
          %parallel_loop3A_1838 = arith.muli %parallel_loop3A_1835, %parallel_loop3A_1837 : vector<16xi32>
          %parallel_loop3A_1839 = arith.constant 8 : i32
          %parallel_loop3A_1840 = vector.broadcast %parallel_loop3A_1839 : i32 to vector<16xi32>
          %parallel_loop3A_1841 = arith.subi %parallel_loop3A_1822, %parallel_loop3A_1840 : vector<16xi32>
          %parallel_loop3A_1842 = arith.constant 56 : i32
          %parallel_loop3A_1843 = vector.broadcast %parallel_loop3A_1842 : i32 to vector<16xi32>
          %parallel_loop3A_1844 = arith.muli %parallel_loop3A_1841, %parallel_loop3A_1843 : vector<16xi32>
          %parallel_loop3A_1845 = arith.addi %parallel_loop3A_1838, %parallel_loop3A_1829 : vector<16xi32>
          %parallel_loop3A_1846 = arith.addi %parallel_loop3A_1838, %parallel_loop3A_1832 : vector<16xi32>
          %parallel_loop3A_1847 = arith.addi %parallel_loop3A_1844, %parallel_loop3A_1829 : vector<16xi32>
          %parallel_loop3A_1848 = arith.addi %parallel_loop3A_1844, %parallel_loop3A_1832 : vector<16xi32>
          %parallel_loop3A_1849 = arith.select %parallel_loop3A_1823, %parallel_loop3A_1788, %parallel_loop3A_170 : vector<16xi1>, vector<16xf32>
          %parallel_loop3A_1850 = arith.select %parallel_loop3A_1824, %parallel_loop3A_1785, %parallel_loop3A_170 : vector<16xi1>, vector<16xf32>
          %parallel_loop3A_1851 = arith.mulf %parallel_loop3A_1792, %parallel_loop3A_1760 : vector<16xf32>
          %parallel_loop3A_1852 = arith.select %parallel_loop3A_1825, %parallel_loop3A_1851, %parallel_loop3A_170 : vector<16xi1>, vector<16xf32>
          %parallel_loop3A_1853 = arith.mulf %parallel_loop3A_1789, %parallel_loop3A_1760 : vector<16xf32>
          %parallel_loop3A_1854 = arith.select %parallel_loop3A_1826, %parallel_loop3A_1853, %parallel_loop3A_170 : vector<16xi1>, vector<16xf32>
          %parallel_loop3A_1855 = arith.mulf %parallel_loop3A_1849, %parallel_loop3A_1852 : vector<16xf32>
          %parallel_loop3A_1856 = arith.mulf %parallel_loop3A_1850, %parallel_loop3A_1852 : vector<16xf32>
          %parallel_loop3A_1857 = arith.mulf %parallel_loop3A_1849, %parallel_loop3A_1854 : vector<16xf32>
          %parallel_loop3A_1858 = arith.mulf %parallel_loop3A_1850, %parallel_loop3A_1854 : vector<16xf32>
          %parallel_loop3A_1859 = arith.constant 0 : i32
          %parallel_loop3A_1860 = vector.broadcast %parallel_loop3A_1859 : i32 to vector<16xi32>
          %parallel_loop3A_1861 = tpu.vector_load_idx %arg6[%parallel_loop3A_1860, %parallel_loop3A_1845] : memref<8x3200xf32, #tpu.memory_space<vmem>>[vector<16xi32>, vector<16xi32>], vector<16xf32>,
          %parallel_loop3A_1862 = tpu.vector_load_idx %arg6[%parallel_loop3A_1860, %parallel_loop3A_1846] : memref<8x3200xf32, #tpu.memory_space<vmem>>[vector<16xi32>, vector<16xi32>], vector<16xf32>,
          %parallel_loop3A_1863 = tpu.vector_load_idx %arg6[%parallel_loop3A_1860, %parallel_loop3A_1847] : memref<8x3200xf32, #tpu.memory_space<vmem>>[vector<16xi32>, vector<16xi32>], vector<16xf32>,
          %parallel_loop3A_1864 = tpu.vector_load_idx %arg6[%parallel_loop3A_1860, %parallel_loop3A_1848] : memref<8x3200xf32, #tpu.memory_space<vmem>>[vector<16xi32>, vector<16xi32>], vector<16xf32>,
          %parallel_loop3A_1865 = arith.mulf %parallel_loop3A_1861, %parallel_loop3A_1855 : vector<16xf32>
          %parallel_loop3A_1866 = arith.addf %parallel_loop3A_1647, %parallel_loop3A_1865 : vector<16xf32>
          %parallel_loop3A_1867 = arith.mulf %parallel_loop3A_1862, %parallel_loop3A_1856 : vector<16xf32>
          %parallel_loop3A_1868 = arith.addf %parallel_loop3A_1866, %parallel_loop3A_1867 : vector<16xf32>
          %parallel_loop3A_1869 = arith.mulf %parallel_loop3A_1863, %parallel_loop3A_1857 : vector<16xf32>
          %parallel_loop3A_1870 = arith.addf %parallel_loop3A_1868, %parallel_loop3A_1869 : vector<16xf32>
          %parallel_loop3A_1871 = arith.mulf %parallel_loop3A_1864, %parallel_loop3A_1858 : vector<16xf32>
          %parallel_loop3A_1872 = arith.addf %parallel_loop3A_1870, %parallel_loop3A_1871 : vector<16xf32>
          %parallel_loop3A_1873 = arith.constant 1 : i32
          %parallel_loop3A_1874 = vector.broadcast %parallel_loop3A_1873 : i32 to vector<16xi32>
          %parallel_loop3A_1875 = tpu.vector_load_idx %arg6[%parallel_loop3A_1874, %parallel_loop3A_1845] : memref<8x3200xf32, #tpu.memory_space<vmem>>[vector<16xi32>, vector<16xi32>], vector<16xf32>,
          %parallel_loop3A_1876 = tpu.vector_load_idx %arg6[%parallel_loop3A_1874, %parallel_loop3A_1846] : memref<8x3200xf32, #tpu.memory_space<vmem>>[vector<16xi32>, vector<16xi32>], vector<16xf32>,
          %parallel_loop3A_1877 = tpu.vector_load_idx %arg6[%parallel_loop3A_1874, %parallel_loop3A_1847] : memref<8x3200xf32, #tpu.memory_space<vmem>>[vector<16xi32>, vector<16xi32>], vector<16xf32>,
          %parallel_loop3A_1878 = tpu.vector_load_idx %arg6[%parallel_loop3A_1874, %parallel_loop3A_1848] : memref<8x3200xf32, #tpu.memory_space<vmem>>[vector<16xi32>, vector<16xi32>], vector<16xf32>,
          %parallel_loop3A_1879 = arith.mulf %parallel_loop3A_1875, %parallel_loop3A_1855 : vector<16xf32>
          %parallel_loop3A_1880 = arith.addf %parallel_loop3A_1661, %parallel_loop3A_1879 : vector<16xf32>
          %parallel_loop3A_1881 = arith.mulf %parallel_loop3A_1876, %parallel_loop3A_1856 : vector<16xf32>
          %parallel_loop3A_1882 = arith.addf %parallel_loop3A_1880, %parallel_loop3A_1881 : vector<16xf32>
          %parallel_loop3A_1883 = arith.mulf %parallel_loop3A_1877, %parallel_loop3A_1857 : vector<16xf32>
          %parallel_loop3A_1884 = arith.addf %parallel_loop3A_1882, %parallel_loop3A_1883 : vector<16xf32>
          %parallel_loop3A_1885 = arith.mulf %parallel_loop3A_1878, %parallel_loop3A_1858 : vector<16xf32>
          %parallel_loop3A_1886 = arith.addf %parallel_loop3A_1884, %parallel_loop3A_1885 : vector<16xf32>
          %parallel_loop3A_1887 = arith.constant 2 : i32
          %parallel_loop3A_1888 = vector.broadcast %parallel_loop3A_1887 : i32 to vector<16xi32>
          %parallel_loop3A_1889 = tpu.vector_load_idx %arg6[%parallel_loop3A_1888, %parallel_loop3A_1845] : memref<8x3200xf32, #tpu.memory_space<vmem>>[vector<16xi32>, vector<16xi32>], vector<16xf32>,
          %parallel_loop3A_1890 = tpu.vector_load_idx %arg6[%parallel_loop3A_1888, %parallel_loop3A_1846] : memref<8x3200xf32, #tpu.memory_space<vmem>>[vector<16xi32>, vector<16xi32>], vector<16xf32>,
          %parallel_loop3A_1891 = tpu.vector_load_idx %arg6[%parallel_loop3A_1888, %parallel_loop3A_1847] : memref<8x3200xf32, #tpu.memory_space<vmem>>[vector<16xi32>, vector<16xi32>], vector<16xf32>,
          %parallel_loop3A_1892 = tpu.vector_load_idx %arg6[%parallel_loop3A_1888, %parallel_loop3A_1848] : memref<8x3200xf32, #tpu.memory_space<vmem>>[vector<16xi32>, vector<16xi32>], vector<16xf32>,
          %parallel_loop3A_1893 = arith.mulf %parallel_loop3A_1889, %parallel_loop3A_1855 : vector<16xf32>
          %parallel_loop3A_1894 = arith.addf %parallel_loop3A_1675, %parallel_loop3A_1893 : vector<16xf32>
          %parallel_loop3A_1895 = arith.mulf %parallel_loop3A_1890, %parallel_loop3A_1856 : vector<16xf32>
          %parallel_loop3A_1896 = arith.addf %parallel_loop3A_1894, %parallel_loop3A_1895 : vector<16xf32>
          %parallel_loop3A_1897 = arith.mulf %parallel_loop3A_1891, %parallel_loop3A_1857 : vector<16xf32>
          %parallel_loop3A_1898 = arith.addf %parallel_loop3A_1896, %parallel_loop3A_1897 : vector<16xf32>
          %parallel_loop3A_1899 = arith.mulf %parallel_loop3A_1892, %parallel_loop3A_1858 : vector<16xf32>
          %parallel_loop3A_1900 = arith.addf %parallel_loop3A_1898, %parallel_loop3A_1899 : vector<16xf32>
          %parallel_loop3A_1901 = arith.constant 3 : i32
          %parallel_loop3A_1902 = vector.broadcast %parallel_loop3A_1901 : i32 to vector<16xi32>
          %parallel_loop3A_1903 = tpu.vector_load_idx %arg6[%parallel_loop3A_1902, %parallel_loop3A_1845] : memref<8x3200xf32, #tpu.memory_space<vmem>>[vector<16xi32>, vector<16xi32>], vector<16xf32>,
          %parallel_loop3A_1904 = tpu.vector_load_idx %arg6[%parallel_loop3A_1902, %parallel_loop3A_1846] : memref<8x3200xf32, #tpu.memory_space<vmem>>[vector<16xi32>, vector<16xi32>], vector<16xf32>,
          %parallel_loop3A_1905 = tpu.vector_load_idx %arg6[%parallel_loop3A_1902, %parallel_loop3A_1847] : memref<8x3200xf32, #tpu.memory_space<vmem>>[vector<16xi32>, vector<16xi32>], vector<16xf32>,
          %parallel_loop3A_1906 = tpu.vector_load_idx %arg6[%parallel_loop3A_1902, %parallel_loop3A_1848] : memref<8x3200xf32, #tpu.memory_space<vmem>>[vector<16xi32>, vector<16xi32>], vector<16xf32>,
          %parallel_loop3A_1907 = arith.mulf %parallel_loop3A_1903, %parallel_loop3A_1855 : vector<16xf32>
          %parallel_loop3A_1908 = arith.addf %parallel_loop3A_1689, %parallel_loop3A_1907 : vector<16xf32>
          %parallel_loop3A_1909 = arith.mulf %parallel_loop3A_1904, %parallel_loop3A_1856 : vector<16xf32>
          %parallel_loop3A_1910 = arith.addf %parallel_loop3A_1908, %parallel_loop3A_1909 : vector<16xf32>
          %parallel_loop3A_1911 = arith.mulf %parallel_loop3A_1905, %parallel_loop3A_1857 : vector<16xf32>
          %parallel_loop3A_1912 = arith.addf %parallel_loop3A_1910, %parallel_loop3A_1911 : vector<16xf32>
          %parallel_loop3A_1913 = arith.mulf %parallel_loop3A_1906, %parallel_loop3A_1858 : vector<16xf32>
          %parallel_loop3A_1914 = arith.addf %parallel_loop3A_1912, %parallel_loop3A_1913 : vector<16xf32>
          %parallel_loop3A_1915 = arith.constant 4 : i32
          %parallel_loop3A_1916 = vector.broadcast %parallel_loop3A_1915 : i32 to vector<16xi32>
          %parallel_loop3A_1917 = tpu.vector_load_idx %arg6[%parallel_loop3A_1916, %parallel_loop3A_1845] : memref<8x3200xf32, #tpu.memory_space<vmem>>[vector<16xi32>, vector<16xi32>], vector<16xf32>,
          %parallel_loop3A_1918 = tpu.vector_load_idx %arg6[%parallel_loop3A_1916, %parallel_loop3A_1846] : memref<8x3200xf32, #tpu.memory_space<vmem>>[vector<16xi32>, vector<16xi32>], vector<16xf32>,
          %parallel_loop3A_1919 = tpu.vector_load_idx %arg6[%parallel_loop3A_1916, %parallel_loop3A_1847] : memref<8x3200xf32, #tpu.memory_space<vmem>>[vector<16xi32>, vector<16xi32>], vector<16xf32>,
          %parallel_loop3A_1920 = tpu.vector_load_idx %arg6[%parallel_loop3A_1916, %parallel_loop3A_1848] : memref<8x3200xf32, #tpu.memory_space<vmem>>[vector<16xi32>, vector<16xi32>], vector<16xf32>,
          %parallel_loop3A_1921 = arith.mulf %parallel_loop3A_1917, %parallel_loop3A_1855 : vector<16xf32>
          %parallel_loop3A_1922 = arith.addf %parallel_loop3A_1703, %parallel_loop3A_1921 : vector<16xf32>
          %parallel_loop3A_1923 = arith.mulf %parallel_loop3A_1918, %parallel_loop3A_1856 : vector<16xf32>
          %parallel_loop3A_1924 = arith.addf %parallel_loop3A_1922, %parallel_loop3A_1923 : vector<16xf32>
          %parallel_loop3A_1925 = arith.mulf %parallel_loop3A_1919, %parallel_loop3A_1857 : vector<16xf32>
          %parallel_loop3A_1926 = arith.addf %parallel_loop3A_1924, %parallel_loop3A_1925 : vector<16xf32>
          %parallel_loop3A_1927 = arith.mulf %parallel_loop3A_1920, %parallel_loop3A_1858 : vector<16xf32>
          %parallel_loop3A_1928 = arith.addf %parallel_loop3A_1926, %parallel_loop3A_1927 : vector<16xf32>
          %parallel_loop3A_1929 = arith.constant 5 : i32
          %parallel_loop3A_1930 = vector.broadcast %parallel_loop3A_1929 : i32 to vector<16xi32>
          %parallel_loop3A_1931 = tpu.vector_load_idx %arg6[%parallel_loop3A_1930, %parallel_loop3A_1845] : memref<8x3200xf32, #tpu.memory_space<vmem>>[vector<16xi32>, vector<16xi32>], vector<16xf32>,
          %parallel_loop3A_1932 = tpu.vector_load_idx %arg6[%parallel_loop3A_1930, %parallel_loop3A_1846] : memref<8x3200xf32, #tpu.memory_space<vmem>>[vector<16xi32>, vector<16xi32>], vector<16xf32>,
          %parallel_loop3A_1933 = tpu.vector_load_idx %arg6[%parallel_loop3A_1930, %parallel_loop3A_1847] : memref<8x3200xf32, #tpu.memory_space<vmem>>[vector<16xi32>, vector<16xi32>], vector<16xf32>,
          %parallel_loop3A_1934 = tpu.vector_load_idx %arg6[%parallel_loop3A_1930, %parallel_loop3A_1848] : memref<8x3200xf32, #tpu.memory_space<vmem>>[vector<16xi32>, vector<16xi32>], vector<16xf32>,
          %parallel_loop3A_1935 = arith.mulf %parallel_loop3A_1931, %parallel_loop3A_1855 : vector<16xf32>
          %parallel_loop3A_1936 = arith.addf %parallel_loop3A_1717, %parallel_loop3A_1935 : vector<16xf32>
          %parallel_loop3A_1937 = arith.mulf %parallel_loop3A_1932, %parallel_loop3A_1856 : vector<16xf32>
          %parallel_loop3A_1938 = arith.addf %parallel_loop3A_1936, %parallel_loop3A_1937 : vector<16xf32>
          %parallel_loop3A_1939 = arith.mulf %parallel_loop3A_1933, %parallel_loop3A_1857 : vector<16xf32>
          %parallel_loop3A_1940 = arith.addf %parallel_loop3A_1938, %parallel_loop3A_1939 : vector<16xf32>
          %parallel_loop3A_1941 = arith.mulf %parallel_loop3A_1934, %parallel_loop3A_1858 : vector<16xf32>
          %parallel_loop3A_1942 = arith.addf %parallel_loop3A_1940, %parallel_loop3A_1941 : vector<16xf32>
          %parallel_loop3A_1943 = arith.constant 6 : i32
          %parallel_loop3A_1944 = vector.broadcast %parallel_loop3A_1943 : i32 to vector<16xi32>
          %parallel_loop3A_1945 = tpu.vector_load_idx %arg6[%parallel_loop3A_1944, %parallel_loop3A_1845] : memref<8x3200xf32, #tpu.memory_space<vmem>>[vector<16xi32>, vector<16xi32>], vector<16xf32>,
          %parallel_loop3A_1946 = tpu.vector_load_idx %arg6[%parallel_loop3A_1944, %parallel_loop3A_1846] : memref<8x3200xf32, #tpu.memory_space<vmem>>[vector<16xi32>, vector<16xi32>], vector<16xf32>,
          %parallel_loop3A_1947 = tpu.vector_load_idx %arg6[%parallel_loop3A_1944, %parallel_loop3A_1847] : memref<8x3200xf32, #tpu.memory_space<vmem>>[vector<16xi32>, vector<16xi32>], vector<16xf32>,
          %parallel_loop3A_1948 = tpu.vector_load_idx %arg6[%parallel_loop3A_1944, %parallel_loop3A_1848] : memref<8x3200xf32, #tpu.memory_space<vmem>>[vector<16xi32>, vector<16xi32>], vector<16xf32>,
          %parallel_loop3A_1949 = arith.mulf %parallel_loop3A_1945, %parallel_loop3A_1855 : vector<16xf32>
          %parallel_loop3A_1950 = arith.addf %parallel_loop3A_1731, %parallel_loop3A_1949 : vector<16xf32>
          %parallel_loop3A_1951 = arith.mulf %parallel_loop3A_1946, %parallel_loop3A_1856 : vector<16xf32>
          %parallel_loop3A_1952 = arith.addf %parallel_loop3A_1950, %parallel_loop3A_1951 : vector<16xf32>
          %parallel_loop3A_1953 = arith.mulf %parallel_loop3A_1947, %parallel_loop3A_1857 : vector<16xf32>
          %parallel_loop3A_1954 = arith.addf %parallel_loop3A_1952, %parallel_loop3A_1953 : vector<16xf32>
          %parallel_loop3A_1955 = arith.mulf %parallel_loop3A_1948, %parallel_loop3A_1858 : vector<16xf32>
          %parallel_loop3A_1956 = arith.addf %parallel_loop3A_1954, %parallel_loop3A_1955 : vector<16xf32>
          %parallel_loop3A_1957 = arith.constant 7 : i32
          %parallel_loop3A_1958 = vector.broadcast %parallel_loop3A_1957 : i32 to vector<16xi32>
          %parallel_loop3A_1959 = tpu.vector_load_idx %arg6[%parallel_loop3A_1958, %parallel_loop3A_1845] : memref<8x3200xf32, #tpu.memory_space<vmem>>[vector<16xi32>, vector<16xi32>], vector<16xf32>,
          %parallel_loop3A_1960 = tpu.vector_load_idx %arg6[%parallel_loop3A_1958, %parallel_loop3A_1846] : memref<8x3200xf32, #tpu.memory_space<vmem>>[vector<16xi32>, vector<16xi32>], vector<16xf32>,
          %parallel_loop3A_1961 = tpu.vector_load_idx %arg6[%parallel_loop3A_1958, %parallel_loop3A_1847] : memref<8x3200xf32, #tpu.memory_space<vmem>>[vector<16xi32>, vector<16xi32>], vector<16xf32>,
          %parallel_loop3A_1962 = tpu.vector_load_idx %arg6[%parallel_loop3A_1958, %parallel_loop3A_1848] : memref<8x3200xf32, #tpu.memory_space<vmem>>[vector<16xi32>, vector<16xi32>], vector<16xf32>,
          %parallel_loop3A_1963 = arith.mulf %parallel_loop3A_1959, %parallel_loop3A_1855 : vector<16xf32>
          %parallel_loop3A_1964 = arith.addf %parallel_loop3A_1745, %parallel_loop3A_1963 : vector<16xf32>
          %parallel_loop3A_1965 = arith.mulf %parallel_loop3A_1960, %parallel_loop3A_1856 : vector<16xf32>
          %parallel_loop3A_1966 = arith.addf %parallel_loop3A_1964, %parallel_loop3A_1965 : vector<16xf32>
          %parallel_loop3A_1967 = arith.mulf %parallel_loop3A_1961, %parallel_loop3A_1857 : vector<16xf32>
          %parallel_loop3A_1968 = arith.addf %parallel_loop3A_1966, %parallel_loop3A_1967 : vector<16xf32>
          %parallel_loop3A_1969 = arith.mulf %parallel_loop3A_1962, %parallel_loop3A_1858 : vector<16xf32>
          %parallel_loop3A_1970 = arith.addf %parallel_loop3A_1968, %parallel_loop3A_1969 : vector<16xf32>
          %parallel_loop3A_1971 = arith.constant 16 : i32
          %parallel_loop3A_1972 = arith.index_cast %rem3A_104 : i32 to index
          %parallel_loop3A_1973 = arith.index_cast %parallel_loop3A_1971 : i32 to index
          %parallel_loop3A_1974 = arith.index_cast %parallel_loop3A_152 : i32 to index
          %parallel_loop3A_1975 = tpu.vector_load %arg7[%parallel_loop3A_1972, %parallel_loop3A_1973, %parallel_loop3A_1974] {strides = array<i32>} : memref<2x32x640xf32, #tpu.memory_space<vmem>>, vector<16xf32>,
          %parallel_loop3A_1976 = arith.constant 17 : i32
          %parallel_loop3A_1977 = arith.index_cast %rem3A_104 : i32 to index
          %parallel_loop3A_1978 = arith.index_cast %parallel_loop3A_1976 : i32 to index
          %parallel_loop3A_1979 = arith.index_cast %parallel_loop3A_152 : i32 to index
          %parallel_loop3A_1980 = tpu.vector_load %arg7[%parallel_loop3A_1977, %parallel_loop3A_1978, %parallel_loop3A_1979] {strides = array<i32>} : memref<2x32x640xf32, #tpu.memory_space<vmem>>, vector<16xf32>,
          %parallel_loop3A_1981 = arith.constant 26 : i32
          %parallel_loop3A_1982 = arith.index_cast %rem3A_104 : i32 to index
          %parallel_loop3A_1983 = arith.index_cast %parallel_loop3A_1981 : i32 to index
          %parallel_loop3A_1984 = arith.index_cast %parallel_loop3A_152 : i32 to index
          %parallel_loop3A_1985 = tpu.vector_load %arg7[%parallel_loop3A_1982, %parallel_loop3A_1983, %parallel_loop3A_1984] {strides = array<i32>} : memref<2x32x640xf32, #tpu.memory_space<vmem>>, vector<16xf32>,
          %parallel_loop3A_1986 = arith.constant 9.000000e+00 : f32
          %parallel_loop3A_1987 = vector.broadcast %parallel_loop3A_1986 : f32 to vector<16xf32>
          %parallel_loop3A_1988 = arith.addf %parallel_loop3A_1987, %parallel_loop3A_1975 : vector<16xf32>
          %parallel_loop3A_1989 = arith.addf %parallel_loop3A_146, %parallel_loop3A_1988 : vector<16xf32>
          %parallel_loop3A_1990 = arith.constant 4.000000e+00 : f32
          %parallel_loop3A_1991 = arith.constant 6.800000e+01 : f32
          %parallel_loop3A_1992 = vector.broadcast %parallel_loop3A_1990 : f32 to vector<16xf32>
          %parallel_loop3A_1993 = arith.maximumf %parallel_loop3A_1992, %parallel_loop3A_1989 : vector<16xf32>
          %parallel_loop3A_1994 = vector.broadcast %parallel_loop3A_1991 : f32 to vector<16xf32>
          %parallel_loop3A_1995 = arith.minimumf %parallel_loop3A_1994, %parallel_loop3A_1993 : vector<16xf32>
          %parallel_loop3A_1996 = arith.constant 9.000000e+00 : f32
          %parallel_loop3A_1997 = vector.broadcast %parallel_loop3A_1996 : f32 to vector<16xf32>
          %parallel_loop3A_1998 = arith.addf %parallel_loop3A_1997, %parallel_loop3A_1980 : vector<16xf32>
          %parallel_loop3A_1999 = arith.addf %parallel_loop3A_150, %parallel_loop3A_1998 : vector<16xf32>
          %parallel_loop3A_2000 = arith.constant 4.000000e+00 : f32
          %parallel_loop3A_2001 = arith.constant 6.800000e+01 : f32
          %parallel_loop3A_2002 = vector.broadcast %parallel_loop3A_2000 : f32 to vector<16xf32>
          %parallel_loop3A_2003 = arith.maximumf %parallel_loop3A_2002, %parallel_loop3A_1999 : vector<16xf32>
          %parallel_loop3A_2004 = vector.broadcast %parallel_loop3A_2001 : f32 to vector<16xf32>
          %parallel_loop3A_2005 = arith.minimumf %parallel_loop3A_2004, %parallel_loop3A_2003 : vector<16xf32>
          %parallel_loop3A_2006 = arith.fptosi %parallel_loop3A_1995 : vector<16xf32> to vector<16xi32>
          %parallel_loop3A_2007 = arith.sitofp %parallel_loop3A_2006 : vector<16xi32> to vector<16xf32>
          %parallel_loop3A_2008 = arith.fptosi %parallel_loop3A_2005 : vector<16xf32> to vector<16xi32>
          %parallel_loop3A_2009 = arith.sitofp %parallel_loop3A_2008 : vector<16xi32> to vector<16xf32>
          %parallel_loop3A_2010 = arith.subf %parallel_loop3A_1995, %parallel_loop3A_2007 : vector<16xf32>
          %parallel_loop3A_2011 = arith.constant 1.000000e+00 : f32
          %parallel_loop3A_2012 = vector.broadcast %parallel_loop3A_2011 : f32 to vector<16xf32>
          %parallel_loop3A_2013 = arith.subf %parallel_loop3A_2012, %parallel_loop3A_2010 : vector<16xf32>
          %parallel_loop3A_2014 = arith.subf %parallel_loop3A_2005, %parallel_loop3A_2009 : vector<16xf32>
          %parallel_loop3A_2015 = arith.constant 1.000000e+00 : f32
          %parallel_loop3A_2016 = vector.broadcast %parallel_loop3A_2015 : f32 to vector<16xf32>
          %parallel_loop3A_2017 = arith.subf %parallel_loop3A_2016, %parallel_loop3A_2014 : vector<16xf32>
          %parallel_loop3A_2018 = arith.constant 1 : i32
          %parallel_loop3A_2019 = vector.broadcast %parallel_loop3A_2018 : i32 to vector<16xi32>
          %parallel_loop3A_2020 = arith.addi %parallel_loop3A_2006, %parallel_loop3A_2019 : vector<16xi32>
          %parallel_loop3A_2021 = arith.constant 1 : i32
          %parallel_loop3A_2022 = vector.broadcast %parallel_loop3A_2021 : i32 to vector<16xi32>
          %parallel_loop3A_2023 = arith.addi %parallel_loop3A_2008, %parallel_loop3A_2022 : vector<16xi32>
          %parallel_loop3A_2024 = arith.constant 8 : i32
          %parallel_loop3A_2025 = arith.constant 63 : i32
          %parallel_loop3A_2026 = vector.broadcast %parallel_loop3A_2024 : i32 to vector<16xi32>
          %parallel_loop3A_2027 = arith.maxsi %parallel_loop3A_2026, %parallel_loop3A_2006 : vector<16xi32>
          %parallel_loop3A_2028 = vector.broadcast %parallel_loop3A_2025 : i32 to vector<16xi32>
          %parallel_loop3A_2029 = arith.minsi %parallel_loop3A_2028, %parallel_loop3A_2027 : vector<16xi32>
          %parallel_loop3A_2030 = arith.constant 8 : i32
          %parallel_loop3A_2031 = arith.constant 63 : i32
          %parallel_loop3A_2032 = vector.broadcast %parallel_loop3A_2030 : i32 to vector<16xi32>
          %parallel_loop3A_2033 = arith.maxsi %parallel_loop3A_2032, %parallel_loop3A_2020 : vector<16xi32>
          %parallel_loop3A_2034 = vector.broadcast %parallel_loop3A_2031 : i32 to vector<16xi32>
          %parallel_loop3A_2035 = arith.minsi %parallel_loop3A_2034, %parallel_loop3A_2033 : vector<16xi32>
          %parallel_loop3A_2036 = arith.constant 8 : i32
          %parallel_loop3A_2037 = arith.constant 63 : i32
          %parallel_loop3A_2038 = vector.broadcast %parallel_loop3A_2036 : i32 to vector<16xi32>
          %parallel_loop3A_2039 = arith.maxsi %parallel_loop3A_2038, %parallel_loop3A_2008 : vector<16xi32>
          %parallel_loop3A_2040 = vector.broadcast %parallel_loop3A_2037 : i32 to vector<16xi32>
          %parallel_loop3A_2041 = arith.minsi %parallel_loop3A_2040, %parallel_loop3A_2039 : vector<16xi32>
          %parallel_loop3A_2042 = arith.constant 8 : i32
          %parallel_loop3A_2043 = arith.constant 63 : i32
          %parallel_loop3A_2044 = vector.broadcast %parallel_loop3A_2042 : i32 to vector<16xi32>
          %parallel_loop3A_2045 = arith.maxsi %parallel_loop3A_2044, %parallel_loop3A_2023 : vector<16xi32>
          %parallel_loop3A_2046 = vector.broadcast %parallel_loop3A_2043 : i32 to vector<16xi32>
          %parallel_loop3A_2047 = arith.minsi %parallel_loop3A_2046, %parallel_loop3A_2045 : vector<16xi32>
          %parallel_loop3A_2048 = arith.cmpi eq, %parallel_loop3A_2006, %parallel_loop3A_2029 : vector<16xi32>
          %parallel_loop3A_2049 = arith.cmpi eq, %parallel_loop3A_2020, %parallel_loop3A_2035 : vector<16xi32>
          %parallel_loop3A_2050 = arith.cmpi eq, %parallel_loop3A_2008, %parallel_loop3A_2041 : vector<16xi32>
          %parallel_loop3A_2051 = arith.cmpi eq, %parallel_loop3A_2023, %parallel_loop3A_2047 : vector<16xi32>
          %parallel_loop3A_2052 = arith.constant 8 : i32
          %parallel_loop3A_2053 = vector.broadcast %parallel_loop3A_2052 : i32 to vector<16xi32>
          %parallel_loop3A_2054 = arith.subi %parallel_loop3A_2029, %parallel_loop3A_2053 : vector<16xi32>
          %parallel_loop3A_2055 = arith.constant 8 : i32
          %parallel_loop3A_2056 = vector.broadcast %parallel_loop3A_2055 : i32 to vector<16xi32>
          %parallel_loop3A_2057 = arith.subi %parallel_loop3A_2035, %parallel_loop3A_2056 : vector<16xi32>
          %parallel_loop3A_2058 = arith.constant 8 : i32
          %parallel_loop3A_2059 = vector.broadcast %parallel_loop3A_2058 : i32 to vector<16xi32>
          %parallel_loop3A_2060 = arith.subi %parallel_loop3A_2041, %parallel_loop3A_2059 : vector<16xi32>
          %parallel_loop3A_2061 = arith.constant 56 : i32
          %parallel_loop3A_2062 = vector.broadcast %parallel_loop3A_2061 : i32 to vector<16xi32>
          %parallel_loop3A_2063 = arith.muli %parallel_loop3A_2060, %parallel_loop3A_2062 : vector<16xi32>
          %parallel_loop3A_2064 = arith.constant 8 : i32
          %parallel_loop3A_2065 = vector.broadcast %parallel_loop3A_2064 : i32 to vector<16xi32>
          %parallel_loop3A_2066 = arith.subi %parallel_loop3A_2047, %parallel_loop3A_2065 : vector<16xi32>
          %parallel_loop3A_2067 = arith.constant 56 : i32
          %parallel_loop3A_2068 = vector.broadcast %parallel_loop3A_2067 : i32 to vector<16xi32>
          %parallel_loop3A_2069 = arith.muli %parallel_loop3A_2066, %parallel_loop3A_2068 : vector<16xi32>
          %parallel_loop3A_2070 = arith.addi %parallel_loop3A_2063, %parallel_loop3A_2054 : vector<16xi32>
          %parallel_loop3A_2071 = arith.addi %parallel_loop3A_2063, %parallel_loop3A_2057 : vector<16xi32>
          %parallel_loop3A_2072 = arith.addi %parallel_loop3A_2069, %parallel_loop3A_2054 : vector<16xi32>
          %parallel_loop3A_2073 = arith.addi %parallel_loop3A_2069, %parallel_loop3A_2057 : vector<16xi32>
          %parallel_loop3A_2074 = arith.select %parallel_loop3A_2048, %parallel_loop3A_2013, %parallel_loop3A_170 : vector<16xi1>, vector<16xf32>
          %parallel_loop3A_2075 = arith.select %parallel_loop3A_2049, %parallel_loop3A_2010, %parallel_loop3A_170 : vector<16xi1>, vector<16xf32>
          %parallel_loop3A_2076 = arith.mulf %parallel_loop3A_2017, %parallel_loop3A_1985 : vector<16xf32>
          %parallel_loop3A_2077 = arith.select %parallel_loop3A_2050, %parallel_loop3A_2076, %parallel_loop3A_170 : vector<16xi1>, vector<16xf32>
          %parallel_loop3A_2078 = arith.mulf %parallel_loop3A_2014, %parallel_loop3A_1985 : vector<16xf32>
          %parallel_loop3A_2079 = arith.select %parallel_loop3A_2051, %parallel_loop3A_2078, %parallel_loop3A_170 : vector<16xi1>, vector<16xf32>
          %parallel_loop3A_2080 = arith.mulf %parallel_loop3A_2074, %parallel_loop3A_2077 : vector<16xf32>
          %parallel_loop3A_2081 = arith.mulf %parallel_loop3A_2075, %parallel_loop3A_2077 : vector<16xf32>
          %parallel_loop3A_2082 = arith.mulf %parallel_loop3A_2074, %parallel_loop3A_2079 : vector<16xf32>
          %parallel_loop3A_2083 = arith.mulf %parallel_loop3A_2075, %parallel_loop3A_2079 : vector<16xf32>
          %parallel_loop3A_2084 = arith.constant 0 : i32
          %parallel_loop3A_2085 = vector.broadcast %parallel_loop3A_2084 : i32 to vector<16xi32>
          %parallel_loop3A_2086 = tpu.vector_load_idx %arg6[%parallel_loop3A_2085, %parallel_loop3A_2070] : memref<8x3200xf32, #tpu.memory_space<vmem>>[vector<16xi32>, vector<16xi32>], vector<16xf32>,
          %parallel_loop3A_2087 = tpu.vector_load_idx %arg6[%parallel_loop3A_2085, %parallel_loop3A_2071] : memref<8x3200xf32, #tpu.memory_space<vmem>>[vector<16xi32>, vector<16xi32>], vector<16xf32>,
          %parallel_loop3A_2088 = tpu.vector_load_idx %arg6[%parallel_loop3A_2085, %parallel_loop3A_2072] : memref<8x3200xf32, #tpu.memory_space<vmem>>[vector<16xi32>, vector<16xi32>], vector<16xf32>,
          %parallel_loop3A_2089 = tpu.vector_load_idx %arg6[%parallel_loop3A_2085, %parallel_loop3A_2073] : memref<8x3200xf32, #tpu.memory_space<vmem>>[vector<16xi32>, vector<16xi32>], vector<16xf32>,
          %parallel_loop3A_2090 = arith.mulf %parallel_loop3A_2086, %parallel_loop3A_2080 : vector<16xf32>
          %parallel_loop3A_2091 = arith.addf %parallel_loop3A_1872, %parallel_loop3A_2090 : vector<16xf32>
          %parallel_loop3A_2092 = arith.mulf %parallel_loop3A_2087, %parallel_loop3A_2081 : vector<16xf32>
          %parallel_loop3A_2093 = arith.addf %parallel_loop3A_2091, %parallel_loop3A_2092 : vector<16xf32>
          %parallel_loop3A_2094 = arith.mulf %parallel_loop3A_2088, %parallel_loop3A_2082 : vector<16xf32>
          %parallel_loop3A_2095 = arith.addf %parallel_loop3A_2093, %parallel_loop3A_2094 : vector<16xf32>
          %parallel_loop3A_2096 = arith.mulf %parallel_loop3A_2089, %parallel_loop3A_2083 : vector<16xf32>
          %parallel_loop3A_2097 = arith.addf %parallel_loop3A_2095, %parallel_loop3A_2096 : vector<16xf32>
          %parallel_loop3A_2098 = arith.constant 1 : i32
          %parallel_loop3A_2099 = vector.broadcast %parallel_loop3A_2098 : i32 to vector<16xi32>
          %parallel_loop3A_2100 = tpu.vector_load_idx %arg6[%parallel_loop3A_2099, %parallel_loop3A_2070] : memref<8x3200xf32, #tpu.memory_space<vmem>>[vector<16xi32>, vector<16xi32>], vector<16xf32>,
          %parallel_loop3A_2101 = tpu.vector_load_idx %arg6[%parallel_loop3A_2099, %parallel_loop3A_2071] : memref<8x3200xf32, #tpu.memory_space<vmem>>[vector<16xi32>, vector<16xi32>], vector<16xf32>,
          %parallel_loop3A_2102 = tpu.vector_load_idx %arg6[%parallel_loop3A_2099, %parallel_loop3A_2072] : memref<8x3200xf32, #tpu.memory_space<vmem>>[vector<16xi32>, vector<16xi32>], vector<16xf32>,
          %parallel_loop3A_2103 = tpu.vector_load_idx %arg6[%parallel_loop3A_2099, %parallel_loop3A_2073] : memref<8x3200xf32, #tpu.memory_space<vmem>>[vector<16xi32>, vector<16xi32>], vector<16xf32>,
          %parallel_loop3A_2104 = arith.mulf %parallel_loop3A_2100, %parallel_loop3A_2080 : vector<16xf32>
          %parallel_loop3A_2105 = arith.addf %parallel_loop3A_1886, %parallel_loop3A_2104 : vector<16xf32>
          %parallel_loop3A_2106 = arith.mulf %parallel_loop3A_2101, %parallel_loop3A_2081 : vector<16xf32>
          %parallel_loop3A_2107 = arith.addf %parallel_loop3A_2105, %parallel_loop3A_2106 : vector<16xf32>
          %parallel_loop3A_2108 = arith.mulf %parallel_loop3A_2102, %parallel_loop3A_2082 : vector<16xf32>
          %parallel_loop3A_2109 = arith.addf %parallel_loop3A_2107, %parallel_loop3A_2108 : vector<16xf32>
          %parallel_loop3A_2110 = arith.mulf %parallel_loop3A_2103, %parallel_loop3A_2083 : vector<16xf32>
          %parallel_loop3A_2111 = arith.addf %parallel_loop3A_2109, %parallel_loop3A_2110 : vector<16xf32>
          %parallel_loop3A_2112 = arith.constant 2 : i32
          %parallel_loop3A_2113 = vector.broadcast %parallel_loop3A_2112 : i32 to vector<16xi32>
          %parallel_loop3A_2114 = tpu.vector_load_idx %arg6[%parallel_loop3A_2113, %parallel_loop3A_2070] : memref<8x3200xf32, #tpu.memory_space<vmem>>[vector<16xi32>, vector<16xi32>], vector<16xf32>,
          %parallel_loop3A_2115 = tpu.vector_load_idx %arg6[%parallel_loop3A_2113, %parallel_loop3A_2071] : memref<8x3200xf32, #tpu.memory_space<vmem>>[vector<16xi32>, vector<16xi32>], vector<16xf32>,
          %parallel_loop3A_2116 = tpu.vector_load_idx %arg6[%parallel_loop3A_2113, %parallel_loop3A_2072] : memref<8x3200xf32, #tpu.memory_space<vmem>>[vector<16xi32>, vector<16xi32>], vector<16xf32>,
          %parallel_loop3A_2117 = tpu.vector_load_idx %arg6[%parallel_loop3A_2113, %parallel_loop3A_2073] : memref<8x3200xf32, #tpu.memory_space<vmem>>[vector<16xi32>, vector<16xi32>], vector<16xf32>,
          %parallel_loop3A_2118 = arith.mulf %parallel_loop3A_2114, %parallel_loop3A_2080 : vector<16xf32>
          %parallel_loop3A_2119 = arith.addf %parallel_loop3A_1900, %parallel_loop3A_2118 : vector<16xf32>
          %parallel_loop3A_2120 = arith.mulf %parallel_loop3A_2115, %parallel_loop3A_2081 : vector<16xf32>
          %parallel_loop3A_2121 = arith.addf %parallel_loop3A_2119, %parallel_loop3A_2120 : vector<16xf32>
          %parallel_loop3A_2122 = arith.mulf %parallel_loop3A_2116, %parallel_loop3A_2082 : vector<16xf32>
          %parallel_loop3A_2123 = arith.addf %parallel_loop3A_2121, %parallel_loop3A_2122 : vector<16xf32>
          %parallel_loop3A_2124 = arith.mulf %parallel_loop3A_2117, %parallel_loop3A_2083 : vector<16xf32>
          %parallel_loop3A_2125 = arith.addf %parallel_loop3A_2123, %parallel_loop3A_2124 : vector<16xf32>
          %parallel_loop3A_2126 = arith.constant 3 : i32
          %parallel_loop3A_2127 = vector.broadcast %parallel_loop3A_2126 : i32 to vector<16xi32>
          %parallel_loop3A_2128 = tpu.vector_load_idx %arg6[%parallel_loop3A_2127, %parallel_loop3A_2070] : memref<8x3200xf32, #tpu.memory_space<vmem>>[vector<16xi32>, vector<16xi32>], vector<16xf32>,
          %parallel_loop3A_2129 = tpu.vector_load_idx %arg6[%parallel_loop3A_2127, %parallel_loop3A_2071] : memref<8x3200xf32, #tpu.memory_space<vmem>>[vector<16xi32>, vector<16xi32>], vector<16xf32>,
          %parallel_loop3A_2130 = tpu.vector_load_idx %arg6[%parallel_loop3A_2127, %parallel_loop3A_2072] : memref<8x3200xf32, #tpu.memory_space<vmem>>[vector<16xi32>, vector<16xi32>], vector<16xf32>,
          %parallel_loop3A_2131 = tpu.vector_load_idx %arg6[%parallel_loop3A_2127, %parallel_loop3A_2073] : memref<8x3200xf32, #tpu.memory_space<vmem>>[vector<16xi32>, vector<16xi32>], vector<16xf32>,
          %parallel_loop3A_2132 = arith.mulf %parallel_loop3A_2128, %parallel_loop3A_2080 : vector<16xf32>
          %parallel_loop3A_2133 = arith.addf %parallel_loop3A_1914, %parallel_loop3A_2132 : vector<16xf32>
          %parallel_loop3A_2134 = arith.mulf %parallel_loop3A_2129, %parallel_loop3A_2081 : vector<16xf32>
          %parallel_loop3A_2135 = arith.addf %parallel_loop3A_2133, %parallel_loop3A_2134 : vector<16xf32>
          %parallel_loop3A_2136 = arith.mulf %parallel_loop3A_2130, %parallel_loop3A_2082 : vector<16xf32>
          %parallel_loop3A_2137 = arith.addf %parallel_loop3A_2135, %parallel_loop3A_2136 : vector<16xf32>
          %parallel_loop3A_2138 = arith.mulf %parallel_loop3A_2131, %parallel_loop3A_2083 : vector<16xf32>
          %parallel_loop3A_2139 = arith.addf %parallel_loop3A_2137, %parallel_loop3A_2138 : vector<16xf32>
          %parallel_loop3A_2140 = arith.constant 4 : i32
          %parallel_loop3A_2141 = vector.broadcast %parallel_loop3A_2140 : i32 to vector<16xi32>
          %parallel_loop3A_2142 = tpu.vector_load_idx %arg6[%parallel_loop3A_2141, %parallel_loop3A_2070] : memref<8x3200xf32, #tpu.memory_space<vmem>>[vector<16xi32>, vector<16xi32>], vector<16xf32>,
          %parallel_loop3A_2143 = tpu.vector_load_idx %arg6[%parallel_loop3A_2141, %parallel_loop3A_2071] : memref<8x3200xf32, #tpu.memory_space<vmem>>[vector<16xi32>, vector<16xi32>], vector<16xf32>,
          %parallel_loop3A_2144 = tpu.vector_load_idx %arg6[%parallel_loop3A_2141, %parallel_loop3A_2072] : memref<8x3200xf32, #tpu.memory_space<vmem>>[vector<16xi32>, vector<16xi32>], vector<16xf32>,
          %parallel_loop3A_2145 = tpu.vector_load_idx %arg6[%parallel_loop3A_2141, %parallel_loop3A_2073] : memref<8x3200xf32, #tpu.memory_space<vmem>>[vector<16xi32>, vector<16xi32>], vector<16xf32>,
          %parallel_loop3A_2146 = arith.mulf %parallel_loop3A_2142, %parallel_loop3A_2080 : vector<16xf32>
          %parallel_loop3A_2147 = arith.addf %parallel_loop3A_1928, %parallel_loop3A_2146 : vector<16xf32>
          %parallel_loop3A_2148 = arith.mulf %parallel_loop3A_2143, %parallel_loop3A_2081 : vector<16xf32>
          %parallel_loop3A_2149 = arith.addf %parallel_loop3A_2147, %parallel_loop3A_2148 : vector<16xf32>
          %parallel_loop3A_2150 = arith.mulf %parallel_loop3A_2144, %parallel_loop3A_2082 : vector<16xf32>
          %parallel_loop3A_2151 = arith.addf %parallel_loop3A_2149, %parallel_loop3A_2150 : vector<16xf32>
          %parallel_loop3A_2152 = arith.mulf %parallel_loop3A_2145, %parallel_loop3A_2083 : vector<16xf32>
          %parallel_loop3A_2153 = arith.addf %parallel_loop3A_2151, %parallel_loop3A_2152 : vector<16xf32>
          %parallel_loop3A_2154 = arith.constant 5 : i32
          %parallel_loop3A_2155 = vector.broadcast %parallel_loop3A_2154 : i32 to vector<16xi32>
          %parallel_loop3A_2156 = tpu.vector_load_idx %arg6[%parallel_loop3A_2155, %parallel_loop3A_2070] : memref<8x3200xf32, #tpu.memory_space<vmem>>[vector<16xi32>, vector<16xi32>], vector<16xf32>,
          %parallel_loop3A_2157 = tpu.vector_load_idx %arg6[%parallel_loop3A_2155, %parallel_loop3A_2071] : memref<8x3200xf32, #tpu.memory_space<vmem>>[vector<16xi32>, vector<16xi32>], vector<16xf32>,
          %parallel_loop3A_2158 = tpu.vector_load_idx %arg6[%parallel_loop3A_2155, %parallel_loop3A_2072] : memref<8x3200xf32, #tpu.memory_space<vmem>>[vector<16xi32>, vector<16xi32>], vector<16xf32>,
          %parallel_loop3A_2159 = tpu.vector_load_idx %arg6[%parallel_loop3A_2155, %parallel_loop3A_2073] : memref<8x3200xf32, #tpu.memory_space<vmem>>[vector<16xi32>, vector<16xi32>], vector<16xf32>,
          %parallel_loop3A_2160 = arith.mulf %parallel_loop3A_2156, %parallel_loop3A_2080 : vector<16xf32>
          %parallel_loop3A_2161 = arith.addf %parallel_loop3A_1942, %parallel_loop3A_2160 : vector<16xf32>
          %parallel_loop3A_2162 = arith.mulf %parallel_loop3A_2157, %parallel_loop3A_2081 : vector<16xf32>
          %parallel_loop3A_2163 = arith.addf %parallel_loop3A_2161, %parallel_loop3A_2162 : vector<16xf32>
          %parallel_loop3A_2164 = arith.mulf %parallel_loop3A_2158, %parallel_loop3A_2082 : vector<16xf32>
          %parallel_loop3A_2165 = arith.addf %parallel_loop3A_2163, %parallel_loop3A_2164 : vector<16xf32>
          %parallel_loop3A_2166 = arith.mulf %parallel_loop3A_2159, %parallel_loop3A_2083 : vector<16xf32>
          %parallel_loop3A_2167 = arith.addf %parallel_loop3A_2165, %parallel_loop3A_2166 : vector<16xf32>
          %parallel_loop3A_2168 = arith.constant 6 : i32
          %parallel_loop3A_2169 = vector.broadcast %parallel_loop3A_2168 : i32 to vector<16xi32>
          %parallel_loop3A_2170 = tpu.vector_load_idx %arg6[%parallel_loop3A_2169, %parallel_loop3A_2070] : memref<8x3200xf32, #tpu.memory_space<vmem>>[vector<16xi32>, vector<16xi32>], vector<16xf32>,
          %parallel_loop3A_2171 = tpu.vector_load_idx %arg6[%parallel_loop3A_2169, %parallel_loop3A_2071] : memref<8x3200xf32, #tpu.memory_space<vmem>>[vector<16xi32>, vector<16xi32>], vector<16xf32>,
          %parallel_loop3A_2172 = tpu.vector_load_idx %arg6[%parallel_loop3A_2169, %parallel_loop3A_2072] : memref<8x3200xf32, #tpu.memory_space<vmem>>[vector<16xi32>, vector<16xi32>], vector<16xf32>,
          %parallel_loop3A_2173 = tpu.vector_load_idx %arg6[%parallel_loop3A_2169, %parallel_loop3A_2073] : memref<8x3200xf32, #tpu.memory_space<vmem>>[vector<16xi32>, vector<16xi32>], vector<16xf32>,
          %parallel_loop3A_2174 = arith.mulf %parallel_loop3A_2170, %parallel_loop3A_2080 : vector<16xf32>
          %parallel_loop3A_2175 = arith.addf %parallel_loop3A_1956, %parallel_loop3A_2174 : vector<16xf32>
          %parallel_loop3A_2176 = arith.mulf %parallel_loop3A_2171, %parallel_loop3A_2081 : vector<16xf32>
          %parallel_loop3A_2177 = arith.addf %parallel_loop3A_2175, %parallel_loop3A_2176 : vector<16xf32>
          %parallel_loop3A_2178 = arith.mulf %parallel_loop3A_2172, %parallel_loop3A_2082 : vector<16xf32>
          %parallel_loop3A_2179 = arith.addf %parallel_loop3A_2177, %parallel_loop3A_2178 : vector<16xf32>
          %parallel_loop3A_2180 = arith.mulf %parallel_loop3A_2173, %parallel_loop3A_2083 : vector<16xf32>
          %parallel_loop3A_2181 = arith.addf %parallel_loop3A_2179, %parallel_loop3A_2180 : vector<16xf32>
          %parallel_loop3A_2182 = arith.constant 7 : i32
          %parallel_loop3A_2183 = vector.broadcast %parallel_loop3A_2182 : i32 to vector<16xi32>
          %parallel_loop3A_2184 = tpu.vector_load_idx %arg6[%parallel_loop3A_2183, %parallel_loop3A_2070] : memref<8x3200xf32, #tpu.memory_space<vmem>>[vector<16xi32>, vector<16xi32>], vector<16xf32>,
          %parallel_loop3A_2185 = tpu.vector_load_idx %arg6[%parallel_loop3A_2183, %parallel_loop3A_2071] : memref<8x3200xf32, #tpu.memory_space<vmem>>[vector<16xi32>, vector<16xi32>], vector<16xf32>,
          %parallel_loop3A_2186 = tpu.vector_load_idx %arg6[%parallel_loop3A_2183, %parallel_loop3A_2072] : memref<8x3200xf32, #tpu.memory_space<vmem>>[vector<16xi32>, vector<16xi32>], vector<16xf32>,
          %parallel_loop3A_2187 = tpu.vector_load_idx %arg6[%parallel_loop3A_2183, %parallel_loop3A_2073] : memref<8x3200xf32, #tpu.memory_space<vmem>>[vector<16xi32>, vector<16xi32>], vector<16xf32>,
          %parallel_loop3A_2188 = arith.mulf %parallel_loop3A_2184, %parallel_loop3A_2080 : vector<16xf32>
          %parallel_loop3A_2189 = arith.addf %parallel_loop3A_1970, %parallel_loop3A_2188 : vector<16xf32>
          %parallel_loop3A_2190 = arith.mulf %parallel_loop3A_2185, %parallel_loop3A_2081 : vector<16xf32>
          %parallel_loop3A_2191 = arith.addf %parallel_loop3A_2189, %parallel_loop3A_2190 : vector<16xf32>
          %parallel_loop3A_2192 = arith.mulf %parallel_loop3A_2186, %parallel_loop3A_2082 : vector<16xf32>
          %parallel_loop3A_2193 = arith.addf %parallel_loop3A_2191, %parallel_loop3A_2192 : vector<16xf32>
          %parallel_loop3A_2194 = arith.mulf %parallel_loop3A_2187, %parallel_loop3A_2083 : vector<16xf32>
          %parallel_loop3A_2195 = arith.addf %parallel_loop3A_2193, %parallel_loop3A_2194 : vector<16xf32>
          %parallel_loop3A_2196 = arith.constant 0 : i32
          %parallel_loop3A_2197 = arith.index_cast %rem3A_104 : i32 to index
          %parallel_loop3A_2198 = arith.index_cast %parallel_loop3A_2196 : i32 to index
          %parallel_loop3A_2199 = arith.index_cast %parallel_loop3A_152 : i32 to index
          %parallel_loop3A_2200 = tpu.vector_load %arg9[%parallel_loop3A_2197, %parallel_loop3A_2198, %parallel_loop3A_2199] {strides = array<i32>} : memref<2x8x640xf32, #tpu.memory_space<vmem>>, vector<16xf32>,
          tpu.vector_store %arg9[%parallel_loop3A_2197, %parallel_loop3A_2198, %parallel_loop3A_2199], %parallel_loop3A_2097 {strides = array<i32>} : memref<2x8x640xf32, #tpu.memory_space<vmem>>, vector<16xf32>,
          %parallel_loop3A_2201 = arith.constant 1 : i32
          %parallel_loop3A_2202 = arith.index_cast %rem3A_104 : i32 to index
          %parallel_loop3A_2203 = arith.index_cast %parallel_loop3A_2201 : i32 to index
          %parallel_loop3A_2204 = arith.index_cast %parallel_loop3A_152 : i32 to index
          %parallel_loop3A_2205 = tpu.vector_load %arg9[%parallel_loop3A_2202, %parallel_loop3A_2203, %parallel_loop3A_2204] {strides = array<i32>} : memref<2x8x640xf32, #tpu.memory_space<vmem>>, vector<16xf32>,
          tpu.vector_store %arg9[%parallel_loop3A_2202, %parallel_loop3A_2203, %parallel_loop3A_2204], %parallel_loop3A_2111 {strides = array<i32>} : memref<2x8x640xf32, #tpu.memory_space<vmem>>, vector<16xf32>,
          %parallel_loop3A_2206 = arith.constant 2 : i32
          %parallel_loop3A_2207 = arith.index_cast %rem3A_104 : i32 to index
          %parallel_loop3A_2208 = arith.index_cast %parallel_loop3A_2206 : i32 to index
          %parallel_loop3A_2209 = arith.index_cast %parallel_loop3A_152 : i32 to index
          %parallel_loop3A_2210 = tpu.vector_load %arg9[%parallel_loop3A_2207, %parallel_loop3A_2208, %parallel_loop3A_2209] {strides = array<i32>} : memref<2x8x640xf32, #tpu.memory_space<vmem>>, vector<16xf32>,
          tpu.vector_store %arg9[%parallel_loop3A_2207, %parallel_loop3A_2208, %parallel_loop3A_2209], %parallel_loop3A_2125 {strides = array<i32>} : memref<2x8x640xf32, #tpu.memory_space<vmem>>, vector<16xf32>,
          %parallel_loop3A_2211 = arith.constant 3 : i32
          %parallel_loop3A_2212 = arith.index_cast %rem3A_104 : i32 to index
          %parallel_loop3A_2213 = arith.index_cast %parallel_loop3A_2211 : i32 to index
          %parallel_loop3A_2214 = arith.index_cast %parallel_loop3A_152 : i32 to index
          %parallel_loop3A_2215 = tpu.vector_load %arg9[%parallel_loop3A_2212, %parallel_loop3A_2213, %parallel_loop3A_2214] {strides = array<i32>} : memref<2x8x640xf32, #tpu.memory_space<vmem>>, vector<16xf32>,
          tpu.vector_store %arg9[%parallel_loop3A_2212, %parallel_loop3A_2213, %parallel_loop3A_2214], %parallel_loop3A_2139 {strides = array<i32>} : memref<2x8x640xf32, #tpu.memory_space<vmem>>, vector<16xf32>,
          %parallel_loop3A_2216 = arith.constant 4 : i32
          %parallel_loop3A_2217 = arith.index_cast %rem3A_104 : i32 to index
          %parallel_loop3A_2218 = arith.index_cast %parallel_loop3A_2216 : i32 to index
          %parallel_loop3A_2219 = arith.index_cast %parallel_loop3A_152 : i32 to index
          %parallel_loop3A_2220 = tpu.vector_load %arg9[%parallel_loop3A_2217, %parallel_loop3A_2218, %parallel_loop3A_2219] {strides = array<i32>} : memref<2x8x640xf32, #tpu.memory_space<vmem>>, vector<16xf32>,
          tpu.vector_store %arg9[%parallel_loop3A_2217, %parallel_loop3A_2218, %parallel_loop3A_2219], %parallel_loop3A_2153 {strides = array<i32>} : memref<2x8x640xf32, #tpu.memory_space<vmem>>, vector<16xf32>,
          %parallel_loop3A_2221 = arith.constant 5 : i32
          %parallel_loop3A_2222 = arith.index_cast %rem3A_104 : i32 to index
          %parallel_loop3A_2223 = arith.index_cast %parallel_loop3A_2221 : i32 to index
          %parallel_loop3A_2224 = arith.index_cast %parallel_loop3A_152 : i32 to index
          %parallel_loop3A_2225 = tpu.vector_load %arg9[%parallel_loop3A_2222, %parallel_loop3A_2223, %parallel_loop3A_2224] {strides = array<i32>} : memref<2x8x640xf32, #tpu.memory_space<vmem>>, vector<16xf32>,
          tpu.vector_store %arg9[%parallel_loop3A_2222, %parallel_loop3A_2223, %parallel_loop3A_2224], %parallel_loop3A_2167 {strides = array<i32>} : memref<2x8x640xf32, #tpu.memory_space<vmem>>, vector<16xf32>,
          %parallel_loop3A_2226 = arith.constant 6 : i32
          %parallel_loop3A_2227 = arith.index_cast %rem3A_104 : i32 to index
          %parallel_loop3A_2228 = arith.index_cast %parallel_loop3A_2226 : i32 to index
          %parallel_loop3A_2229 = arith.index_cast %parallel_loop3A_152 : i32 to index
          %parallel_loop3A_2230 = tpu.vector_load %arg9[%parallel_loop3A_2227, %parallel_loop3A_2228, %parallel_loop3A_2229] {strides = array<i32>} : memref<2x8x640xf32, #tpu.memory_space<vmem>>, vector<16xf32>,
          tpu.vector_store %arg9[%parallel_loop3A_2227, %parallel_loop3A_2228, %parallel_loop3A_2229], %parallel_loop3A_2181 {strides = array<i32>} : memref<2x8x640xf32, #tpu.memory_space<vmem>>, vector<16xf32>,
          %parallel_loop3A_2231 = arith.constant 7 : i32
          %parallel_loop3A_2232 = arith.index_cast %rem3A_104 : i32 to index
          %parallel_loop3A_2233 = arith.index_cast %parallel_loop3A_2231 : i32 to index
          %parallel_loop3A_2234 = arith.index_cast %parallel_loop3A_152 : i32 to index
          %parallel_loop3A_2235 = tpu.vector_load %arg9[%parallel_loop3A_2232, %parallel_loop3A_2233, %parallel_loop3A_2234] {strides = array<i32>} : memref<2x8x640xf32, #tpu.memory_space<vmem>>, vector<16xf32>,
          tpu.vector_store %arg9[%parallel_loop3A_2232, %parallel_loop3A_2233, %parallel_loop3A_2234], %parallel_loop3A_2195 {strides = array<i32>} : memref<2x8x640xf32, #tpu.memory_space<vmem>>, vector<16xf32>,
        } {sc.loop_unroll_factor = 2 : i64, sc.parallel_access}
        %eq3A_126 = arith.constant 0 : i32
        %eq3A_127 = arith.cmpi eq, %rem3A_104, %eq3A_126 : i32
        %convert_element_type3A_128 = arith.extui %eq3A_127 : i1 to i32
        %cond3A_129 = arith.constant 0 : i32
        %cond3A_130 = arith.cmpi ne, %convert_element_type3A_128, %cond3A_129 : i32
        scf.if %cond3A_130 {
          %mul3A_137 = arith.constant 8 : i32
          %mul3A_138 = arith.muli %select_n3A_41, %mul3A_137 : i32
          %mul3A_139 = arith.constant 640 : i32
          %mul3A_140 = arith.muli %scan3A_101, %mul3A_139 : i32
          %dma_start3A_141 = arith.constant 0 : i32
          %dma_start3A_142 = arith.constant 0 : i32
          %dma_start3A_143 = arith.constant 0 : i32
          %dma_start3A_144 = tpu.memref_slice %arg9[%dma_start3A_141, %dma_start3A_142, %dma_start3A_143] : memref<2x8x640xf32, #tpu.memory_space<vmem>> -> memref<1x8x640xf32, #tpu.memory_space<vmem>>
          %dma_start3A_145 = tpu.memref_squeeze %dma_start3A_144 : memref<1x8x640xf32, #tpu.memory_space<vmem>> -> memref<8x640xf32, #tpu.memory_space<vmem>>
          %dma_start3A_146 = tpu.memref_slice %arg5[%select_n3A, %mul3A_138, %mul3A_140] : memref<4x192x3200xf32, #tpu.memory_space<hbm>> -> memref<1x8x640xf32, #tpu.memory_space<hbm>>
          %dma_start3A_147 = tpu.memref_squeeze %dma_start3A_146 : memref<1x8x640xf32, #tpu.memory_space<hbm>> -> memref<8x640xf32, #tpu.memory_space<hbm>>
          %dma_start3A_148 = tpu.memref_slice %arg5[%select_n3A, %mul3A_138, %mul3A_140] : memref<4x192x3200xf32, #tpu.memory_space<hbm>> -> memref<1x8x640xf32, #tpu.memory_space<hbm>>
          %dma_start3A_149 = tpu.memref_squeeze %dma_start3A_148 : memref<1x8x640xf32, #tpu.memory_space<hbm>> -> memref<8x640xf32, #tpu.memory_space<hbm>>
          %dma_start3A_150 = arith.constant 0 : i32
          %dma_start3A_151 = arith.constant 0 : i32
          %dma_start3A_152 = tpu.memref_slice %arg9[%dma_start3A_141, %dma_start3A_150, %dma_start3A_151] : memref<2x8x640xf32, #tpu.memory_space<vmem>> -> memref<1x8x640xf32, #tpu.memory_space<vmem>>
          %dma_start3A_153 = tpu.memref_squeeze %dma_start3A_152 : memref<1x8x640xf32, #tpu.memory_space<vmem>> -> memref<8x640xf32, #tpu.memory_space<vmem>>
          tpu.enqueue_dma source(%dma_start3A_153 : memref<8x640xf32, #tpu.memory_space<vmem>>) target(%dma_start3A_149 : memref<8x640xf32, #tpu.memory_space<hbm>>) target_semaphore(%arg12 : memref<!tpu.dma_semaphore, #tpu.memory_space<semaphore_mem>>)
        } else {
        }
        %eq3A_131 = arith.constant 1 : i32
        %eq3A_132 = arith.cmpi eq, %rem3A_104, %eq3A_131 : i32
        %convert_element_type3A_133 = arith.extui %eq3A_132 : i1 to i32
        %cond3A_134 = arith.constant 0 : i32
        %cond3A_135 = arith.cmpi ne, %convert_element_type3A_133, %cond3A_134 : i32
        scf.if %cond3A_135 {
          %mul3A_137 = arith.constant 8 : i32
          %mul3A_138 = arith.muli %select_n3A_41, %mul3A_137 : i32
          %mul3A_139 = arith.constant 640 : i32
          %mul3A_140 = arith.muli %scan3A_101, %mul3A_139 : i32
          %dma_start3A_141 = arith.constant 1 : i32
          %dma_start3A_142 = arith.constant 0 : i32
          %dma_start3A_143 = arith.constant 0 : i32
          %dma_start3A_144 = tpu.memref_slice %arg9[%dma_start3A_141, %dma_start3A_142, %dma_start3A_143] : memref<2x8x640xf32, #tpu.memory_space<vmem>> -> memref<1x8x640xf32, #tpu.memory_space<vmem>>
          %dma_start3A_145 = tpu.memref_squeeze %dma_start3A_144 : memref<1x8x640xf32, #tpu.memory_space<vmem>> -> memref<8x640xf32, #tpu.memory_space<vmem>>
          %dma_start3A_146 = tpu.memref_slice %arg5[%select_n3A, %mul3A_138, %mul3A_140] : memref<4x192x3200xf32, #tpu.memory_space<hbm>> -> memref<1x8x640xf32, #tpu.memory_space<hbm>>
          %dma_start3A_147 = tpu.memref_squeeze %dma_start3A_146 : memref<1x8x640xf32, #tpu.memory_space<hbm>> -> memref<8x640xf32, #tpu.memory_space<hbm>>
          %dma_start3A_148 = tpu.memref_slice %arg5[%select_n3A, %mul3A_138, %mul3A_140] : memref<4x192x3200xf32, #tpu.memory_space<hbm>> -> memref<1x8x640xf32, #tpu.memory_space<hbm>>
          %dma_start3A_149 = tpu.memref_squeeze %dma_start3A_148 : memref<1x8x640xf32, #tpu.memory_space<hbm>> -> memref<8x640xf32, #tpu.memory_space<hbm>>
          %dma_start3A_150 = arith.constant 0 : i32
          %dma_start3A_151 = arith.constant 0 : i32
          %dma_start3A_152 = tpu.memref_slice %arg9[%dma_start3A_141, %dma_start3A_150, %dma_start3A_151] : memref<2x8x640xf32, #tpu.memory_space<vmem>> -> memref<1x8x640xf32, #tpu.memory_space<vmem>>
          %dma_start3A_153 = tpu.memref_squeeze %dma_start3A_152 : memref<1x8x640xf32, #tpu.memory_space<vmem>> -> memref<8x640xf32, #tpu.memory_space<vmem>>
          tpu.enqueue_dma source(%dma_start3A_153 : memref<8x640xf32, #tpu.memory_space<vmem>>) target(%dma_start3A_149 : memref<8x640xf32, #tpu.memory_space<hbm>>) target_semaphore(%arg13 : memref<!tpu.dma_semaphore, #tpu.memory_space<semaphore_mem>>)
        } else {
        }
        %scan3A_136 = arith.constant 0 : i32
        scf.yield %scan3A_136 : i32
      }
      %scan3A_66 = arith.constant 5 : i32
      %mul3A_67 = arith.constant 8 : i32
      %mul3A_68 = arith.muli %select_n3A_41, %mul3A_67 : i32
      %dma_wait3A = arith.constant 1 : i32
      %dma_wait3A_69 = arith.constant 0 : i32
      %dma_wait3A_70 = arith.constant 0 : i32
      %dma_wait3A_71 = tpu.memref_slice %arg9[%dma_wait3A, %dma_wait3A_69, %dma_wait3A_70] : memref<2x8x640xf32, #tpu.memory_space<vmem>> -> memref<1x8x640xf32, #tpu.memory_space<vmem>>
      %dma_wait3A_72 = tpu.memref_squeeze %dma_wait3A_71 : memref<1x8x640xf32, #tpu.memory_space<vmem>> -> memref<8x640xf32, #tpu.memory_space<vmem>>
      %dma_wait3A_73 = arith.constant 1920 : i32
      %dma_wait3A_74 = tpu.memref_slice %arg5[%select_n3A, %mul3A_68, %dma_wait3A_73] : memref<4x192x3200xf32, #tpu.memory_space<hbm>> -> memref<1x8x640xf32, #tpu.memory_space<hbm>>
      %dma_wait3A_75 = tpu.memref_squeeze %dma_wait3A_74 : memref<1x8x640xf32, #tpu.memory_space<hbm>> -> memref<8x640xf32, #tpu.memory_space<hbm>>
      %dma_wait3A_76 = arith.constant 1920 : i32
      %dma_wait3A_77 = tpu.memref_slice %arg5[%select_n3A, %mul3A_68, %dma_wait3A_76] : memref<4x192x3200xf32, #tpu.memory_space<hbm>> -> memref<1x8x640xf32, #tpu.memory_space<hbm>>
      %dma_wait3A_78 = tpu.memref_squeeze %dma_wait3A_77 : memref<1x8x640xf32, #tpu.memory_space<hbm>> -> memref<8x640xf32, #tpu.memory_space<hbm>>
      %dma_wait3A_79 = arith.constant 0 : i32
      %dma_wait3A_80 = arith.constant 0 : i32
      %dma_wait3A_81 = tpu.memref_slice %arg9[%dma_wait3A, %dma_wait3A_79, %dma_wait3A_80] : memref<2x8x640xf32, #tpu.memory_space<vmem>> -> memref<1x8x640xf32, #tpu.memory_space<vmem>>
      %dma_wait3A_82 = tpu.memref_squeeze %dma_wait3A_81 : memref<1x8x640xf32, #tpu.memory_space<vmem>> -> memref<8x640xf32, #tpu.memory_space<vmem>>
      tpu.wait_dma2 semaphore(%arg13 : memref<!tpu.dma_semaphore, #tpu.memory_space<semaphore_mem>>) src(%dma_wait3A_82 : memref<8x640xf32, #tpu.memory_space<vmem>>) dst(%dma_wait3A_78 : memref<8x640xf32, #tpu.memory_space<hbm>>)
      %mul3A_83 = arith.constant 8 : i32
      %mul3A_84 = arith.muli %select_n3A_41, %mul3A_83 : i32
      %dma_wait3A_85 = arith.constant 0 : i32
      %dma_wait3A_86 = arith.constant 0 : i32
      %dma_wait3A_87 = arith.constant 0 : i32
      %dma_wait3A_88 = tpu.memref_slice %arg9[%dma_wait3A_85, %dma_wait3A_86, %dma_wait3A_87] : memref<2x8x640xf32, #tpu.memory_space<vmem>> -> memref<1x8x640xf32, #tpu.memory_space<vmem>>
      %dma_wait3A_89 = tpu.memref_squeeze %dma_wait3A_88 : memref<1x8x640xf32, #tpu.memory_space<vmem>> -> memref<8x640xf32, #tpu.memory_space<vmem>>
      %dma_wait3A_90 = arith.constant 2560 : i32
      %dma_wait3A_91 = tpu.memref_slice %arg5[%select_n3A, %mul3A_84, %dma_wait3A_90] : memref<4x192x3200xf32, #tpu.memory_space<hbm>> -> memref<1x8x640xf32, #tpu.memory_space<hbm>>
      %dma_wait3A_92 = tpu.memref_squeeze %dma_wait3A_91 : memref<1x8x640xf32, #tpu.memory_space<hbm>> -> memref<8x640xf32, #tpu.memory_space<hbm>>
      %dma_wait3A_93 = arith.constant 2560 : i32
      %dma_wait3A_94 = tpu.memref_slice %arg5[%select_n3A, %mul3A_84, %dma_wait3A_93] : memref<4x192x3200xf32, #tpu.memory_space<hbm>> -> memref<1x8x640xf32, #tpu.memory_space<hbm>>
      %dma_wait3A_95 = tpu.memref_squeeze %dma_wait3A_94 : memref<1x8x640xf32, #tpu.memory_space<hbm>> -> memref<8x640xf32, #tpu.memory_space<hbm>>
      %dma_wait3A_96 = arith.constant 0 : i32
      %dma_wait3A_97 = arith.constant 0 : i32
      %dma_wait3A_98 = tpu.memref_slice %arg9[%dma_wait3A_85, %dma_wait3A_96, %dma_wait3A_97] : memref<2x8x640xf32, #tpu.memory_space<vmem>> -> memref<1x8x640xf32, #tpu.memory_space<vmem>>
      %dma_wait3A_99 = tpu.memref_squeeze %dma_wait3A_98 : memref<1x8x640xf32, #tpu.memory_space<vmem>> -> memref<8x640xf32, #tpu.memory_space<vmem>>
      tpu.wait_dma2 semaphore(%arg12 : memref<!tpu.dma_semaphore, #tpu.memory_space<semaphore_mem>>) src(%dma_wait3A_99 : memref<8x640xf32, #tpu.memory_space<vmem>>) dst(%dma_wait3A_95 : memref<8x640xf32, #tpu.memory_space<hbm>>)
      %scan3A_100 = arith.constant 0 : i32
      scf.yield %scan3A_100 : i32
    }
    %scan3A_6 = arith.constant 3 : i32
    return
  }
}

module attributes {stable_mosaic.version = 14 : i64} {
  func.func @_proj_in_body(%arg0: i32, %arg1: memref<1x192x3136xf32, #tpu.memory_space<vmem>>, %arg2: memref<192x192xf32, #tpu.memory_space<vmem>>, %arg3: memref<192xf32, #tpu.memory_space<vmem>>, %arg4: memref<768x192xf32, #tpu.memory_space<vmem>>, %arg5: memref<768xf32, #tpu.memory_space<vmem>>, %arg6: memref<1x192x3200xf32, #tpu.memory_space<vmem>>, %arg7: memref<1x768x3200xf32, #tpu.memory_space<vmem>>) attributes {dimension_semantics = [#tpu.dimension_semantics<arbitrary>], iteration_bounds = array<i64: 4>, scalar_prefetch = 0 : i64, scratch_operands = 0 : i64, tpu.core_type = #tpu.core_type<tc>, window_params = [{transform_indices = @transform_0, window_bounds = array<i64: 1, 192, 3136>}, {pipeline_mode = #tpu.pipeline_mode<synchronous>, transform_indices = @transform_1, window_bounds = array<i64: 192, 192>}, {pipeline_mode = #tpu.pipeline_mode<synchronous>, transform_indices = @transform_2, window_bounds = array<i64: 192>}, {pipeline_mode = #tpu.pipeline_mode<synchronous>, transform_indices = @transform_3, window_bounds = array<i64: 768, 192>}, {pipeline_mode = #tpu.pipeline_mode<synchronous>, transform_indices = @transform_4, window_bounds = array<i64: 768>}, {transform_indices = @transform_5, window_bounds = array<i64: 1, 192, 3200>}, {transform_indices = @transform_6, window_bounds = array<i64: 1, 768, 3200>}]} {
    %get3A = arith.constant 0 : index
    %get3A_0 = arith.constant 0 : index
    %get3A_1 = arith.constant 0 : index
    %get3A_2 = vector.load %arg1[%get3A, %get3A_0, %get3A_1] : memref<1x192x3136xf32, #tpu.memory_space<vmem>>, vector<1x192x3136xf32>
    %get3A_3 = vector.shape_cast %get3A_2 : vector<1x192x3136xf32> to vector<192x3136xf32>
    %get3A_4 = arith.constant 0 : index
    %get3A_5 = arith.constant 0 : index
    %get3A_6 = vector.load %arg2[%get3A_4, %get3A_5] : memref<192x192xf32, #tpu.memory_space<vmem>>, vector<192x192xf32>
    %dot_general3A = arith.constant dense<0.000000e+00> : vector<192x3136xf32>
    %dot_general3A_7 = tpu.matmul %get3A_6, %get3A_3, %dot_general3A {dimension_numbers = #tpu.dot_dimension_numbers<[1], [0], [0], [1], [0, 0, 1, 1], [], []>, transpose_lhs_hint = false} : vector<192x192xf32>, vector<192x3136xf32>, vector<192x3136xf32> -> vector<192x3136xf32>
    %get3A_8 = arith.constant 0 : index
    %get3A_9 = vector.load %arg3[%get3A_8] : memref<192xf32, #tpu.memory_space<vmem>>, vector<192xf32>
    %broadcast_in_dim3A = vector.shape_cast %get3A_9 : vector<192xf32> to vector<192x1xf32>
    %add3A = vector.broadcast %broadcast_in_dim3A : vector<192x1xf32> to vector<192x3136xf32>
    %add3A_10 = arith.addf %dot_general3A_7, %add3A : vector<192x3136xf32>
    %get3A_11 = arith.constant 0 : index
    %get3A_12 = arith.constant 0 : index
    %get3A_13 = vector.load %arg4[%get3A_11, %get3A_12] : memref<768x192xf32, #tpu.memory_space<vmem>>, vector<768x192xf32>
    %dot_general3A_14 = arith.constant dense<0.000000e+00> : vector<768x3136xf32>
    %dot_general3A_15 = tpu.matmul %get3A_13, %get3A_3, %dot_general3A_14 {dimension_numbers = #tpu.dot_dimension_numbers<[1], [0], [0], [1], [0, 0, 1, 1], [], []>, transpose_lhs_hint = false} : vector<768x192xf32>, vector<192x3136xf32>, vector<768x3136xf32> -> vector<768x3136xf32>
    %get3A_16 = arith.constant 0 : index
    %get3A_17 = vector.load %arg5[%get3A_16] : memref<768xf32, #tpu.memory_space<vmem>>, vector<768xf32>
    %broadcast_in_dim3A_18 = vector.shape_cast %get3A_17 : vector<768xf32> to vector<768x1xf32>
    %add3A_19 = vector.broadcast %broadcast_in_dim3A_18 : vector<768x1xf32> to vector<768x3136xf32>
    %add3A_20 = arith.addf %dot_general3A_15, %add3A_19 : vector<768x3136xf32>
    %broadcast_in_dim3A_21 = arith.constant 0.000000e+00 : f32
    %broadcast_in_dim3A_22 = vector.broadcast %broadcast_in_dim3A_21 : f32 to vector<192x64xf32>
    %concatenate3A = tpu.concatenate %add3A_10, %broadcast_in_dim3A_22 in 1 : vector<192x3136xf32>, vector<192x64xf32> -> vector<192x3200xf32>
    %swap3A = arith.constant 0 : index
    %swap3A_23 = arith.constant 0 : index
    %swap3A_24 = arith.constant 0 : index
    %swap3A_25 = vector.load %arg6[%swap3A, %swap3A_23, %swap3A_24] : memref<1x192x3200xf32, #tpu.memory_space<vmem>>, vector<1x192x3200xf32>
    %swap3A_26 = vector.shape_cast %swap3A_25 : vector<1x192x3200xf32> to vector<192x3200xf32>
    %swap3A_27 = vector.shape_cast %concatenate3A : vector<192x3200xf32> to vector<1x192x3200xf32>
    tpu.vector_store %arg6[%swap3A, %swap3A_23, %swap3A_24], %swap3A_27 {strides = array<i32>} : memref<1x192x3200xf32, #tpu.memory_space<vmem>>, vector<1x192x3200xf32>,
    %broadcast_in_dim3A_28 = arith.constant 0.000000e+00 : f32
    %broadcast_in_dim3A_29 = vector.broadcast %broadcast_in_dim3A_28 : f32 to vector<768x64xf32>
    %concatenate3A_30 = tpu.concatenate %add3A_20, %broadcast_in_dim3A_29 in 1 : vector<768x3136xf32>, vector<768x64xf32> -> vector<768x3200xf32>
    %swap3A_31 = arith.constant 0 : index
    %swap3A_32 = arith.constant 0 : index
    %swap3A_33 = arith.constant 0 : index
    %swap3A_34 = vector.load %arg7[%swap3A_31, %swap3A_32, %swap3A_33] : memref<1x768x3200xf32, #tpu.memory_space<vmem>>, vector<1x768x3200xf32>
    %swap3A_35 = vector.shape_cast %swap3A_34 : vector<1x768x3200xf32> to vector<768x3200xf32>
    %swap3A_36 = vector.shape_cast %concatenate3A_30 : vector<768x3200xf32> to vector<1x768x3200xf32>
    tpu.vector_store %arg7[%swap3A_31, %swap3A_32, %swap3A_33], %swap3A_36 {strides = array<i32>} : memref<1x768x3200xf32, #tpu.memory_space<vmem>>, vector<1x768x3200xf32>,
    return
  }
  func.func @transform_0(%arg0: i32) -> (i32, i32, i32) {
    %c0_i32 = arith.constant 0 : i32
    %c0_i32_0 = arith.constant 0 : i32
    %c0_i32_1 = arith.constant 0 : i32
    return %arg0, %c0_i32, %c0_i32_0 : i32, i32, i32
  }
  func.func @transform_1(%arg0: i32) -> (i32, i32) {
    %c0_i32 = arith.constant 0 : i32
    %c0_i32_0 = arith.constant 0 : i32
    %c0_i32_1 = arith.constant 0 : i32
    return %c0_i32, %c0_i32_0 : i32, i32
  }
  func.func @transform_2(%arg0: i32) -> i32 {
    %c0_i32 = arith.constant 0 : i32
    %c0_i32_0 = arith.constant 0 : i32
    return %c0_i32 : i32
  }
  func.func @transform_3(%arg0: i32) -> (i32, i32) {
    %c0_i32 = arith.constant 0 : i32
    %c0_i32_0 = arith.constant 0 : i32
    %c0_i32_1 = arith.constant 0 : i32
    return %c0_i32, %c0_i32_0 : i32, i32
  }
  func.func @transform_4(%arg0: i32) -> i32 {
    %c0_i32 = arith.constant 0 : i32
    %c0_i32_0 = arith.constant 0 : i32
    return %c0_i32 : i32
  }
  func.func @transform_5(%arg0: i32) -> (i32, i32, i32) {
    %c0_i32 = arith.constant 0 : i32
    %c0_i32_0 = arith.constant 0 : i32
    %c0_i32_1 = arith.constant 0 : i32
    return %arg0, %c0_i32, %c0_i32_0 : i32, i32, i32
  }
  func.func @transform_6(%arg0: i32) -> (i32, i32, i32) {
    %c0_i32 = arith.constant 0 : i32
    %c0_i32_0 = arith.constant 0 : i32
    %c0_i32_1 = arith.constant 0 : i32
    return %arg0, %c0_i32, %c0_i32_0 : i32, i32, i32
  }
}

module attributes {stable_mosaic.version = 14 : i64} {
  func.func @_proj_out_body(%arg0: i32, %arg1: memref<1x192x3200xf32, #tpu.memory_space<vmem>>, %arg2: memref<192x192xf32, #tpu.memory_space<vmem>>, %arg3: memref<192xf32, #tpu.memory_space<vmem>>, %arg4: memref<1x192x3136xf32, #tpu.memory_space<vmem>>) attributes {dimension_semantics = [#tpu.dimension_semantics<arbitrary>], iteration_bounds = array<i64: 4>, scalar_prefetch = 0 : i64, scratch_operands = 0 : i64, tpu.core_type = #tpu.core_type<tc>, window_params = [{transform_indices = @transform_0, window_bounds = array<i64: 1, 192, 3200>}, {pipeline_mode = #tpu.pipeline_mode<synchronous>, transform_indices = @transform_1, window_bounds = array<i64: 192, 192>}, {pipeline_mode = #tpu.pipeline_mode<synchronous>, transform_indices = @transform_2, window_bounds = array<i64: 192>}, {transform_indices = @transform_3, window_bounds = array<i64: 1, 192, 3136>}]} {
    %get3A = arith.constant 0 : index
    %get3A_0 = arith.constant 0 : index
    %get3A_1 = vector.load %arg2[%get3A, %get3A_0] : memref<192x192xf32, #tpu.memory_space<vmem>>, vector<192x192xf32>
    %get3A_2 = arith.constant 0 : index
    %get3A_3 = arith.constant 0 : index
    %get3A_4 = arith.constant 0 : index
    %get3A_5 = vector.load %arg1[%get3A_2, %get3A_3, %get3A_4] : memref<1x192x3200xf32, #tpu.memory_space<vmem>>, vector<1x192x3200xf32>
    %get3A_6 = vector.shape_cast %get3A_5 : vector<1x192x3200xf32> to vector<192x3200xf32>
    %dot_general3A = arith.constant dense<0.000000e+00> : vector<192x3200xf32>
    %dot_general3A_7 = tpu.matmul %get3A_1, %get3A_6, %dot_general3A {dimension_numbers = #tpu.dot_dimension_numbers<[1], [0], [0], [1], [0, 0, 1, 1], [], []>, transpose_lhs_hint = false} : vector<192x192xf32>, vector<192x3200xf32>, vector<192x3200xf32> -> vector<192x3200xf32>
    %get3A_8 = arith.constant 0 : index
    %get3A_9 = vector.load %arg3[%get3A_8] : memref<192xf32, #tpu.memory_space<vmem>>, vector<192xf32>
    %broadcast_in_dim3A = vector.shape_cast %get3A_9 : vector<192xf32> to vector<192x1xf32>
    %add3A = vector.broadcast %broadcast_in_dim3A : vector<192x1xf32> to vector<192x3200xf32>
    %add3A_10 = arith.addf %dot_general3A_7, %add3A : vector<192x3200xf32>
    %slice3A = vector.extract_strided_slice %add3A_10 {offsets = [0, 0], sizes = [192, 3136], strides = [1, 1]} : vector<192x3200xf32> to vector<192x3136xf32>
    %swap3A = arith.constant 0 : index
    %swap3A_11 = arith.constant 0 : index
    %swap3A_12 = arith.constant 0 : index
    %swap3A_13 = vector.load %arg4[%swap3A, %swap3A_11, %swap3A_12] : memref<1x192x3136xf32, #tpu.memory_space<vmem>>, vector<1x192x3136xf32>
    %swap3A_14 = vector.shape_cast %swap3A_13 : vector<1x192x3136xf32> to vector<192x3136xf32>
    %swap3A_15 = vector.shape_cast %slice3A : vector<192x3136xf32> to vector<1x192x3136xf32>
    tpu.vector_store %arg4[%swap3A, %swap3A_11, %swap3A_12], %swap3A_15 {strides = array<i32>} : memref<1x192x3136xf32, #tpu.memory_space<vmem>>, vector<1x192x3136xf32>,
    return
  }
  func.func @transform_0(%arg0: i32) -> (i32, i32, i32) {
    %c0_i32 = arith.constant 0 : i32
    %c0_i32_0 = arith.constant 0 : i32
    %c0_i32_1 = arith.constant 0 : i32
    return %arg0, %c0_i32, %c0_i32_0 : i32, i32, i32
  }
  func.func @transform_1(%arg0: i32) -> (i32, i32) {
    %c0_i32 = arith.constant 0 : i32
    %c0_i32_0 = arith.constant 0 : i32
    %c0_i32_1 = arith.constant 0 : i32
    return %c0_i32, %c0_i32_0 : i32, i32
  }
  func.func @transform_2(%arg0: i32) -> i32 {
    %c0_i32 = arith.constant 0 : i32
    %c0_i32_0 = arith.constant 0 : i32
    return %c0_i32 : i32
  }
  func.func @transform_3(%arg0: i32) -> (i32, i32, i32) {
    %c0_i32 = arith.constant 0 : i32
    %c0_i32_0 = arith.constant 0 : i32
    %c0_i32_1 = arith.constant 0 : i32
    return %arg0, %c0_i32, %c0_i32_0 : i32, i32, i32
  }
}

</mosaic_0001>

<sc_bundles>
// kernel: kernel.5.cloned.1.call-start
scs
__scs_entry_jumppad:
0x0: {  	(pc) =	sbr.rel $0x88, $3  }
0x1: {  	(tag) =	ssettag $0x0;
	lr =	simm.s32 $0x1  }
0x2: {  	[smem:$0x3F9A] =	sst lr;
	_ =	strace $0xD0000000  }
0x3: {  	_ = 	snop  }
0x4: {  	_ = 	snop  }
0x5: {  	_ = 	snop  }
0x6: {  	_ = 	snop  }
0x7: {  	_ = 	snop  }
__scs_overlays_trampoline_lowered:
0x8: {  	[smem:$0x3FA9] =	sst s0  }
0x9: {  	[smem:$0x3FAA] =	sst s1  }
0xa: {  	[smem:$0x3FAB] =	sst s2  }
0xb: {  	[smem:$0x3FAC] =	sst s3  }
0xc: {  	[smem:$0x3FAD] =	sst s4  }
0xd: {  	[smem:$0x3FAE] =	sst s5  }
0xe: {  	[smem:$0x3FAF] =	sst s6  }
0xf: {  	[smem:$0x3FB0] =	sst s7  }
0x10: {  	[smem:$0x3FB1] =	sst s8  }
0x11: {  	[smem:$0x3FB2] =	sst s9;
	s0 =	simm.s32 @!p0 $0x0  }
0x12: {  	s1 =	sld [smem:$0x3F98];
	s0 =	simm.s32 @p0 $0x1  }
0x13: {  	[smem:$0x3FB3] =	sst s0;
	s0 =	simm.s32 @!p1 $0x0  }
0x14: {  	s2 =	sld [smem:$0x3F97];
	s0 =	simm.s32 @p1 $0x1  }
0x15: {  	[smem:$0x3FB4] =	sst s0;
	s0 =	simm.s32 @!p2 $0x0  }
0x16: {  	s3 =	sld [smem:$0x3FDB];
	s0 =	simm.s32 @p2 $0x1  }
0x17: {  	s4 =	simm.s32 $0x1BF5;
	[smem:$0x3FB6] =	sst s0  }
0x18: {  	s0 =	sld [smem:$0x3F99];
	_ =	swait.ge [sflag:s4], $0x0  }
0x19: {  	s7 =	sld [smem:$0x3F9A]  }
0x1a: {  	s8 =	sadd.s32 $0xFFFFE003, lr  }
0x1b: {  	s9 =	sadd.s32 $0xFFFFFEF7, lr;
	s5 =	simm.s32 $0xFFFFFFFF;
	p2 =	slt.u32 s8, $0xFFFFF086  }
0x1c: {  	p1 =	slt.u32 s9, $0xF7A;
	s5 =	simm.s32 @!p2 $0x0  }
0x1d: {  	s5 =	simm.s32 @p1 $0x1;
	p0 =	seq.s32 s7, s2  }
0x1e: {  	s7 =	smul.u32 @!p0 $0xF7A, s2;
	p2 =	seq.s32 @!p0 s5, $0x0  }
0x1f: {  	s9 =	smul.u32 $0xF7A, s1;
	s8 =	simm.s32 @!p0 $0x1BF5;
	p2 =	por !p2, p0  }
0x20: {  	[sflag:s8] =	ssyncset.s32 @!p0 $0xFFFFF086;
	s6 =	sadd.s32 @!p0 s3, s7;
	s7 =	simm.s32 @!p0 $0x108  }
0x21: {  	s3 =	sadd.s32 s3, s9;
	s6 =	sadd.s32 @!p0 $0x88, s6;
	s7 =	simm.s32 @p2 $0x1082  }
0x22: {  	[simem:s7], [sflag:s8] =	dma.local @!p0 [hbm:s6], $0xF7A  }
0x23: {  	s9 =	sor.u32 $0xD0000000, s2;
	s6 =	simm.s32 $0x108;
	_ =	swait.ge @!p0 [sflag:s8], $0x0  }
0x24: {  	s3 =	sadd.s32 $0x88, s3;
	s6 =	simm.s32 @!p1 $0x1082;
	[sflag:s4] =	ssyncset.s32 $0xFFFFF086  }
0x25: {  	[simem:s6], [sflag:s4] =	dma.local [hbm:s3], $0xF7A  }
0x26: {  	[smem:$0x3F9A] =	sst s1;
	(tag) =	ssettag s2;
	_ =	strace s9  }
0x27: {  	s1 =	sld [smem:$0x3FAA]  }
0x28: {  	s2 =	sld [smem:$0x3FAB]  }
0x29: {  	s4 =	sld [smem:$0x3FAD]  }
0x2a: {  	p0 =	seq.s32 s5, $0x0;
	s5 =	sld [smem:$0x3FAE]  }
0x2b: {  	s6 =	sld [smem:$0x3FAF]  }
0x2c: {  	s7 =	sld [smem:$0x3FB0]  }
0x2d: {  	s3 =	simm.s32 $0x108;
	s8 =	sld [smem:$0x3FB1]  }
0x2e: {  	s3 =	simm.s32 @!p0 $0x1082;
	s9 =	sld [smem:$0x3FB2]  }
0x2f: {  	lr =	sadd.s32 s0, s3;
	s0 =	sld [smem:$0x3FA9]  }
0x30: {  	s3 =	sld [smem:$0x3FAC]  }
0x31: {  	[smem:$0x3FB5] =	sst s10  }
0x32: {  	s10 =	sld [smem:$0x3FB3];
	_ =	sdelay $0x3  }
0x33: {  	p0 =	seq.s32 s10, $0x1;
	s10 =	sld [smem:$0x3FB5];
	_ =	sdelay $0x3  }
0x34: {  	[smem:$0x3FB5] =	sst s10  }
0x35: {  	s10 =	sld [smem:$0x3FB4];
	_ =	sdelay $0x3  }
0x36: {  	p1 =	seq.s32 s10, $0x1;
	s10 =	sld [smem:$0x3FB5];
	_ =	sdelay $0x3  }
0x37: {  	[smem:$0x3FB5] =	sst s10  }
0x38: {  	s10 =	sld [smem:$0x3FB6]  }
0x39: {  	_ = 	snop;
	(pc) =	sbr.ind lr, $3  }
0x3a: {  	_ = 	snop  }
0x3b: {  	_ = 	snop  }
0x3c: {  	p2 =	seq.s32 s10, $0x1;
	s10 =	sld [smem:$0x3FB5]  }
0x3d: {  	_ =	shalt  }
0x3e: {  	_ =	shalt  }
0x3f: {  	_ =	shalt  }
0x40: {  	_ =	shalt  }
0x41: {  	_ =	shalt  }
0x42: {  	_ =	shalt  }
0x43: {  	_ =	shalt  }
0x44: {  	_ =	shalt  }
0x45: {  	_ =	shalt  }
0x46: {  	_ =	shalt  }
0x47: {  	_ =	shalt  }
0x48: {  	_ =	shalt  }
0x49: {  	_ =	shalt  }
0x4a: {  	_ =	shalt  }
0x4b: {  	_ =	shalt  }
0x4c: {  	_ =	shalt  }
0x4d: {  	_ =	shalt  }
0x4e: {  	_ =	shalt  }
0x4f: {  	_ =	shalt  }
0x50: {  	_ =	shalt  }
0x51: {  	_ =	shalt  }
0x52: {  	_ =	shalt  }
0x53: {  	_ =	shalt  }
0x54: {  	_ =	shalt  }
0x55: {  	_ =	shalt  }
0x56: {  	_ =	shalt  }
0x57: {  	_ =	shalt  }
0x58: {  	_ =	shalt  }
0x59: {  	_ =	shalt  }
0x5a: {  	_ =	shalt  }
0x5b: {  	_ =	shalt  }
0x5c: {  	_ =	shalt  }
0x5d: {  	_ =	shalt  }
0x5e: {  	_ =	shalt  }
0x5f: {  	_ =	shalt  }
0x60: {  	_ =	shalt  }
0x61: {  	_ =	shalt  }
0x62: {  	_ =	shalt  }
0x63: {  	_ =	shalt  }
0x64: {  	_ =	shalt  }
0x65: {  	_ =	shalt  }
0x66: {  	_ =	shalt  }
0x67: {  	_ =	shalt  }
0x68: {  	_ =	shalt  }
0x69: {  	_ =	shalt  }
0x6a: {  	_ =	shalt  }
0x6b: {  	_ =	shalt  }
0x6c: {  	_ =	shalt  }
0x6d: {  	_ =	shalt  }
0x6e: {  	_ =	shalt  }
0x6f: {  	_ =	shalt  }
0x70: {  	_ =	shalt  }
0x71: {  	_ =	shalt  }
0x72: {  	_ =	shalt  }
0x73: {  	_ =	shalt  }
0x74: {  	_ =	shalt  }
0x75: {  	_ =	shalt  }
0x76: {  	_ =	shalt  }
0x77: {  	_ =	shalt  }
0x78: {  	_ =	shalt  }
0x79: {  	_ =	shalt  }
0x7a: {  	_ =	shalt  }
0x7b: {  	_ =	shalt  }
0x7c: {  	_ =	shalt  }
0x7d: {  	_ =	shalt  }
0x7e: {  	_ =	shalt  }
0x7f: {  	_ =	shalt  }
0x80: {  	_ =	shalt  }
0x81: {  	_ =	shalt  }
0x82: {  	_ =	shalt  }
0x83: {  	_ =	shalt  }
0x84: {  	_ =	shalt  }
0x85: {  	_ =	shalt  }
0x86: {  	_ =	shalt  }
0x87: {  	_ =	shalt  }
.Lfunc_end0:
.L_simem_size_0:
called_computation_lowered:
.L_overlay_start_0:
0x88: {  	s2 =	sld [smem:$0x3FD9]  }
0x89: {  	s3 =	sld [smem:$0x3FFE];
	_ =	sdelay $0x1  }
0x8a: {  	s1 =	srdreg.scid  }
0x8b: {  	s0 =	sand.u32 $0x1, s1  }
0x8c: {  	s17 =	sshll.u32 s0, $0xA;
	s2 =	sadd.s32 s3, s2  }
0x8d: {  	s2 =	sadd.s32 s2, s17  }
0x8e: {  	[smem:$0x3FC1] =	sst s2  }
0x8f: {  	_ = 	snop  }
0x90: {  	s2 =	sld [smem:$0x3FD0];
	(tm) =	ssettm $0x1  }
0x91: {  	s18 =	sld [smem:$0x3FFB];
	_ =	sdelay $0x3  }
0x92: {  	_ =	strace s18  }
0x93: {  	s3 =	sld [smem:$0x3FFC];
	_ =	sdelay $0x3  }
0x94: {  	_ =	strace s3  }
0x95: {  	s3 =	sld [smem:$0x3FFD];
	_ =	sdelay $0x3  }
0x96: {  	_ =	strace s3  }
0x97: {  	_ =	strace $0x8FFFFFFF  }
0x98: {  	s19 =	sld [smem:$0x3FDB];
	_ =	sdelay $0x1  }
0x99: {  	s4 =	simm.s32 $_scs_section_size  }
0x9a: {  	s5 =	simm.s32 $_size__tile_overlayer_lowered;
	s6 =	simm.s32 $_tile_overlayer_lowered  }
0x9b: {  	s22 =	simm.s32 $0x1BFF;
	s21 =	sshll.u32 s6, $0x1;
	s3 =	sadd.s32 s4, s19  }
0x9c: {  	s7 =	simm.s32 $0x0;
	s20 =	sshll.u32 s5, $0x1;
	s5 =	sadd.s32 s21, s3  }
0x9d: {  	[timem:s7], [sflag:s22] =	dma.local [hbm:s5], s20  }
0x9e: {  	_ =	swait.ge [sflag:s22], s20  }
0x9f: {  	s4 =	ssub.s32 $0x0, s20;
	[sflag:s22] =	ssyncset.done $0x0  }
0xa0: {  	[sflag:s22] =	ssyncadd.s32 s4;
	_ =	sdelay $0x1  }
0xa1: {  	s23 =	simm.s32 $0x1B8B  }
0xa2: {  	_ =	swait.ge [sflag:s23], $0x1  }
0xa3: {  	[sflag:s23] =	ssyncset.done $0x0  }
0xa4: {  	s25 =	simm.s32 $0x1B8E;
	s24 =	sld [smem:$0x3FFE];
	[sflag:s23] =	ssyncadd.s32 $0xFFFFFFFF  }
0xa5: {  	s26 =	simm.s32 $execute0_lowered;
	[smem:$0x3FD2] =	sst s25  }
0xa6: {  	s5 =	sshll.u32 s26, $0x1;
	_ =	strace $0x80000046;
	[dreg:$0x1] =	wrdreg $0xFFFFFFFF  }
0xa7: {  	s28 =	simm.s32 $_size_execute0_lowered;
	s3 =	sadd.s32 s3, s5;
	[dreg:$0x0] =	wrdreg $0x0  }
0xa8: {  	s5 =	sshll.u32 s28, $0x1;
	[dreg:$0x2] =	wrdreg s3  }
0xa9: {  	[dreg:$0x3] =	wrdreg s5  }
0xaa: {  	[dreg:$0x4] =	wrdreg $0xC0  }
0xab: {  	_ =	task [dreg:s7], $0x5FFFF  }
0xac: {  	[dreg:$0x1] =	wrdreg $0xFFFFFFFF  }
0xad: {  	[dreg:$0x0] =	wrdreg $0x60  }
0xae: {  	[dreg:$0x2] =	wrdreg s2  }
0xaf: {  	[dreg:$0x3] =	wrdreg s24  }
0xb0: {  	[dreg:$0x4] =	wrdreg $0x9  }
0xb1: {  	_ =	task.clear_ibuf [dreg:s7], $0x5FFFF;
	_ =	strace $0x90000046  }
0xb2: {  	s29 =	simm.s32 $0x9;
	_ =	strace $0x80000048  }
0xb3: {  	_ =	swait.ge [sflag:s29], $0x1  }
0xb4: {  	[sflag:s29] =	ssyncadd.s32 $0xFFFFFFFF  }
0xb5: {  	_ =	strace $0x90000048  }
0xb6: {  	_ =	sfence  }
0xb7: {  	s30 =	sld [smem:$0x0];
	_ =	sdelay $0x2  }
0xb8: {  	s31 =	sshll.u32 s1, $0xD;
	s1 =	sshrl.u32 s1, $0x2  }
0xb9: {  	s3 =	sand.u32 $0x4000, s31;
	s1 =	sadd.s32 s1, s30  }
0xba: {  	s0 =	sor.u32 s3, s0;
	s1 =	sshll.u32 s1, $0x11  }
0xbb: {  	s0 =	sor.u32 s1, s0  }
0xbc: {  	s0 =	sadd.s32 $0x8F2B, s0  }
0xbd: {  	[sflag:s0] =	ssyncadd.remote.s32 $0x1  }
0xbe: {  	_ =	sfence.sel $0xFFFF  }
0xbf: {  	[dreg:$0x0] =	wrdreg $0xFFFFFFFF;
	(pc) =	sbr.abs _section_cstart, $3  }
0xc0: {  	[dreg:$0x1] =	wrdreg $0xFFFFFFFF  }
0xc1: {  	_ =	task.clear_ibuf [dreg:s7], $0x2FFFF;
	_ =	strace $0x9FFFFFFF  }
0xc2: {  	(tm) =	ssettm $0x7FFFFFFF  }
0xc3: {  	_ =	shalt  }
tec
execute0_lowered:
.L_overlay_start_1:
0x0: {  	(tag) =	ssettag $0x1  }
0x1: {  	s0 =	rddreg [dreg:$0x1];
	s2 =	simm.s32 $0x0  }
0x2: {  	s1 =	srdreg.scid;
	s6 =	stileid.u32;
	s10 =	simm.s32 $0x5  }
0x3: {  	s13 =	simm.s32 $0x1;
	s15 =	simm.s32 $0x3;
	s16 =	simm.s32 $0x2  }
0x4: {  	[smem:$0x7FF] =	sst s2;
	s1 =	sand.u32 $0x1, s1;
	s6 =	sshll.u32 s6, $0x1  }
.Ltmp0:
0x5: {  	s3 =	ssub.s32 $0x2, s1;
	s1 =	sor.u32 s1, s6;
	(pc) =	sbr.rel .LBB2_1-.Ltmp0, $4  }
0x6: {  	s7 =	sadd.s32 $0x1800, s0;
	s5 =	sshrl.u32 s3, $0x1;
	s30 =	smul.u32 $0x3, s1  }
0x7: {  	_ =	strace $0x80000047;
	[dreg:$0x4] =	wrdreg s7;
	s3 =	ssub.s32 s3, s5  }
0x8: {  	s4 =	sadd.s32 $0x1C00, s0;
	[dreg:$0x5] =	wrdreg s30;
	s31 =	smax.u32 s3, $0x1  }
0x9: {  	s6 =	sadd.s32 $0x12DC00, s0;
	s1 =	simm.s32 $0x0;
	[dreg:$0x6] =	wrdreg s31  }
.LBB2_12:
0xa: {  	s1 =	rddreg [dreg:$0x7]  }
0xb: {  	s0 =	rddreg [dreg:$0x6];
	s1 =	sadd.s32 $0x1, s1  }
0xc: {  	p0 =	sne.s32 s1, s0  }
.Ltmp1:
0xd: {  	_ = 	snop;
	(pc) =	sbr.rel @!p0 .LBB2_13-.Ltmp1, $1  }
0xe: {  	_ =	sdelay $0x3  }
.LBB2_1:
0xf: {  	[dreg:$0x7] =	wrdreg s1  }
.Ltmp2:
0x10: {  	s0 =	rddreg [dreg:$0x4];
	s31 =	simm.s32 $0x10400;
	(pc) =	sbr.rel .LBB2_2-.Ltmp2, $4  }
0x11: {  	[tilespmem:s31], [sflag:$0x5] =	stream.linear.gather [hbm4b:s0+s2], $0x1900, $0x38;
	[tilespmem:$0x14500] =	vst v63  }
0x12: {  	_ =	swait.ge [sflag:s10], $0x1900  }
0x13: {  	[sflag:s10] =	ssyncset.done $0x0  }
0x14: {  	s18 =	simm.s32 $0x0;
	[sflag:s10] =	ssyncadd.s32 $0xFFFFE700  }
.LBB2_11:
0x15: {  	s0 =	simm.s32 $0x4;
	s18 =	sadd.s32 $0x1, s18  }
0x16: {  	_ =	swait.ge [sflag:s0], $0x1400;
	p0 =	sne.s32 s18, $0x3  }
.Ltmp3:
0x17: {  	[sflag:s0] =	ssyncset.done $0x0;
	(pc) =	sbr.rel @!p0 .LBB2_12-.Ltmp3, $4  }
0x18: {  	[sflag:s0] =	ssyncadd.s32 $0xFFFFEC00  }
0x19: {  	_ =	swait.ge [sflag:s15], $0x1400  }
0x1a: {  	[sflag:s15] =	ssyncset.done $0x0  }
0x1b: {  	[sflag:s15] =	ssyncadd.s32 $0xFFFFEC00  }
.LBB2_2:
0x1c: {  	s0 =	rddreg [dreg:$0x5]  }
0x1d: {  	s0 =	sadd.s32 s0, s18  }
0x1e: {  	s1 =	smulhi.u32 $0xAAAAAAAB, s0;
	_ =	sdelay $0x1  }
0x1f: {  	s1 =	sshrl.u32 s1, $0x4  }
0x20: {  	s3 =	smul.u32 $0x18, s1;
	_ =	sdelay $0x1  }
0x21: {  	s28 =	smul.u32 $0x96000, s1;
	s0 =	ssub.s32 s0, s3  }
0x22: {  	s5 =	smul.u32 $0x6400, s0;
	_ =	sdelay $0x1  }
0x23: {  	s19 =	sadd.s32 s5, s28  }
0x24: {  	s29 =	rddreg [dreg:$0x0];
	s1 =	smul.u32 $0x258000, s1;
	s3 =	sshrl.u32 s19, $0x3  }
0x25: {  	s20 =	simm.s32 $0x0;
	s0 =	smul.u32 $0x19000, s0;
	s3 =	sadd.s32 s29, s3  }
0x26: {  	[tilespmem:s20], [sflag:$0x5] =	stream.linear.gather [hbm4b:s3+s20], $0x6400, $0x38;
	[tilespmem:$0x14500] =	vst v63  }
0x27: {  	s30 =	simm.s32 $0x1400;
	s21 =	sadd.s32 s0, s1;
	_ =	swait.ge [sflag:s10], $0x6400  }
0x28: {  	s31 =	simm.s32 $0x6400;
	s0 =	sshrl.u32 s21, $0x3;
	[sflag:s10] =	ssyncset.done $0x0  }
0x29: {  	s23 =	simm.s32 $0x0;
	s0 =	sadd.s32 s4, s0;
	[sflag:s10] =	ssyncadd.s32 $0xFFFF9C00  }
0x2a: {  	[tilespmem:s31], [sflag:$0x1] =	stream.strided.gather [hbm4b:s0+s30], $0x5000, s31, s30, $0x38;
	[tilespmem:$0x14500] =	vst v63  }
.LBB2_3:
0x2b: {  	p0 =	seq.s32 s23, $0x4  }
.Ltmp4:
0x2c: {  	_ = 	snop;
	(pc) =	sbr.rel @!p0 .LBB2_4-.Ltmp4, $2  }
0x2d: {  	_ =	sdelay $0x2  }
0x2e: {  	s0 =	sand.u32 $0x1, s23;
	s22 =	sadd.s32 $0x1, s23  }
0x2f: {  	_ =	swait.ge [sflag:s13], $0x5000  }
0x30: {  	[sflag:s13] =	ssyncset.done $0x0  }
0x31: {  	p0 =	por $0x1, $0x1;
	s1 =	simm.s32 $0x3;
	[sflag:s13] =	ssyncadd.s32 $0xFFFFB000  }
.LBB2_7:
0x32: {  	_ =	swait.ge [sflag:s1], $0x1400  }
0x33: {  	[sflag:s1] =	ssyncset.done $0x0  }
0x34: {  	[sflag:s1] =	ssyncadd.s32 $0xFFFFEC00  }
.LBB2_8:
0x35: {  	s0 =	smul.u32 $0x5000, s0  }
0x36: {  	s29 =	simm.s32 $0xFFFFFFFE;
	s30 =	simm.s32 $0x0  }
0x37: {  	s31 =	smov.u32 s20;
	s1 =	sadd.s32 $0x6400, s0;
	s24 =	sor.u32 $0x8C00, s0  }
0x38: {  	s17 =	sshrl.u32 s0, $0x2;
	s25 =	sadd.s32 $0x7800, s0;
	s26 =	sadd.s32 $0xA000, s0  }
0x39: {  	s0 =	simm.s32 $0x0;
	[dreg:$0x3] =	wrdreg s1;
	s28 =	sadd.s32 $0x11D00, s17  }
.LBB2_9:
0x3a: {  	s1 =	rddreg [dreg:$0x3];
	s9 =	sand.u32 $0x1C00, s0  }
0x3b: {  	s3 =	sand.u32 $0x60, s30;
	s12 =	sadd.s32 s9, s1  }
0x3c: {  	s8 =	sand.u32 $0x7F00, s31;
	s7 =	sadd.s32 s3, s12  }
0x3d: {  	s11 =	sadd.s32 $0x10400, s8;
	v2 =	vld [tilespmem:s7+$0x0]  }
0x3e: {  	s1 =	sor.u32 s3, s11;
	v3 =	vld [tilespmem:s7+$0x80]  }
0x3f: {  	v0 =	vld [tilespmem:s1+$0x0]  }
0x40: {  	v1 =	vld [tilespmem:s1+$0x80];
	_ =	sdelay $0x2  }
0x41: {  	v2 =	vadd.f32 $7.000000000e+00, v2;
	v3 =	vadd.f32 $7.000000000e+00, v3;
	_ =	sdelay $0x1  }
0x42: {  	v2 =	vadd.f32 v2, v0;
	v3 =	vadd.f32 v3, v1;
	_ =	sdelay $0x1  }
0x43: {  	v2 =	vmax.f32 v2, $4.000000000e+00;
	v3 =	vmax.f32 v3, $4.000000000e+00  }
0x44: {  	v2 =	vmin.f32 v2, $6.800000000e+01;
	v3 =	vmin.f32 v3, $6.800000000e+01  }
0x45: {  	v4 =	vtrunc.f32 v2;
	v5 =	vtrunc.f32 v3  }
0x46: {  	v4 =	vcvt.f32.s32 v4;
	v5 =	vcvt.f32.s32 v5;
	_ =	sdelay $0x1  }
0x47: {  	v8 =	vadd.s32 $0x1, v4;
	v11 =	vadd.s32 $0x1, v5;
	vm0 =	vgt.s32 v5, $0x8  }
0x48: {  	vm1 =	vgt.s32 v4, $0x8;
	v9 =	vnsel vm0, $0x8, v5;
	vm7 =	vgt.s32 v11, $0x8  }
0x49: {  	v10 =	vnsel vm1, $0x8, v4;
	v12 =	vmin.u32 v9, $0x3F;
	v32 =	vnsel vm7, $0x8, v11  }
0x4a: {  	vm8 =	vgt.s32 v8, $0x8;
	v14 =	vmin.u32 v32, $0x3F;
	v33 =	vmul.u32 $0x38, v12  }
0x4b: {  	v15 =	vmin.u32 v10, $0x3F;
	v34 =	vnsel vm8, $0x8, v8;
	v13 =	vmul.u32 $0x38, v14  }
0x4c: {  	v16 =	vmin.u32 v34, $0x3F;
	v35 =	vadd.s32 $0xFFFFFFF8, v15;
	v9 =	vadd.s32 $0xFFFFFE40, v33  }
0x4d: {  	v17 =	vadd.s32 $0xFFFFFFF8, v16;
	v13 =	vadd.s32 $0xFFFFFE40, v13;
	v18 =	vadd.s32 v35, v9  }
0x4e: {  	v9 =	vadd.s32 v17, v9;
	v10 =	vadd.s32 v35, v13;
	v13 =	vadd.s32 v17, v13  }
0x4f: {  	v36 =	vand.u32 $0x7F, v18;
	v18 =	vshll.u32 v18, $0x3;
	v19 =	vshll.u32 v9, $0x3  }
0x50: {  	v9 =	vand.u32 $0x7F, v9;
	v18 =	vand.u32 $0x7FFFFC00, v18;
	v19 =	vand.u32 $0x7FFFFC00, v19  }
0x51: {  	v37 =	vshll.u32 v10, $0x3;
	v10 =	vand.u32 $0x7F, v10;
	v17 =	vor.u32 v36, v18  }
0x52: {  	v38 =	vshll.u32 v13, $0x3;
	v9 =	vor.u32 v9, v19;
	v18 =	vand.u32 $0x7FFFFC00, v37  }
0x53: {  	s1 =	sadd.s32 s9, s24;
	v13 =	vand.u32 $0x7F, v13;
	v39 =	vand.u32 $0x7FFFFC00, v38;
	v10 =	vor.u32 v10, v18  }
0x54: {  	s5 =	sadd.s32 s3, s1;
	v13 =	vor.u32 v13, v39  }
0x55: {  	v20 =	vld [tilespmem:s5+$0x100];
	v40 =	vor.u32 $0x80, v17  }
0x56: {  	v42 =	vor.u32 $0x80, v9;
	v41 =	vld.idx.msk [tilespmem:v17+s2+$0x0], $0xffff  }
0x57: {  	v7 =	vcvt.s32.f32 v5;
	v48 =	vor.u32 $0x100, v17;
	v43 =	vld.idx.msk [tilespmem:v9+s2+$0x0], $0xffff  }
0x58: {  	v6 =	vcvt.s32.f32 v4;
	v49 =	vor.u32 $0x100, v9;
	v45 =	vld.idx.msk [tilespmem:v10+s2+$0x0], $0xffff  }
0x59: {  	v3 =	vsub.f32 v3, v7;
	v59 =	vor.u32 $0x200, v17;
	v47 =	vld.idx.msk [tilespmem:v13+s2+$0x0], $0xffff  }
0x5a: {  	v2 =	vsub.f32 v2, v6;
	v27 =	vor.u32 $0x200, v9;
	v6 =	vld.idx.msk [tilespmem:v40+s2+$0x0], $0xffff  }
0x5b: {  	vm9 =	veq.s32 v15, v4;
	v7 =	vsub.f32 $1.000000000e+00, v3;
	v63 =	vor.u32 $0x280, v17;
	v50 =	vld.idx.msk [tilespmem:v42+s2+$0x0], $0xffff  }
0x5c: {  	vm2 =	veq.s32 v12, v5;
	v21 =	vsub.f32 $1.000000000e+00, v2;
	v37 =	vor.u32 $0x300, v17;
	v55 =	vld.idx.msk [tilespmem:v48+s2+$0x0], $0xffff  }
0x5d: {  	vm10 =	veq.s32 v8, v16;
	v3 =	vmul.f32 v3, v20;
	v7 =	vmul.f32 v7, v20;
	v20 =	vld.idx.msk [tilespmem:v49+s2+$0x0], $0xffff  }
0x5e: {  	vm11 =	veq.s32 v11, v14;
	v23 =	vnsel vm10, $0x0, v2;
	v44 =	vor.u32 $0x80, v10;
	v34 =	vld.idx.msk [tilespmem:v59+s2+$0x0], $0xffff  }
0x5f: {  	v46 =	vnsel vm9, $0x0, v21;
	v3 =	vnsel vm11, $0x0, v3;
	v22 =	vor.u32 $0x80, v13;
	v27 =	vld.idx.msk [tilespmem:v27+s2+$0x0], $0xffff  }
0x60: {  	v2 =	vmul.f32 v3, v46;
	v7 =	vnsel vm2, $0x0, v7;
	v51 =	vor.u32 $0x100, v10;
	v36 =	vld.idx.msk [tilespmem:v63+s2+$0x0], $0xffff  }
0x61: {  	v3 =	vmul.f32 v3, v23;
	v14 =	vmul.f32 v7, v46;
	v54 =	vor.u32 $0x180, v17;
	v46 =	vld.idx.msk [tilespmem:v37+s2+$0x0], $0xffff  }
0x62: {  	v8 =	vmul.f32 v7, v23;
	v56 =	vor.u32 $0x180, v9;
	v24 =	vor.u32 $0x100, v13;
	v48 =	vld [tilespmem:s7+$0x100]  }
0x63: {  	v35 =	vor.u32 $0x280, v9;
	v25 =	vor.u32 $0x180, v10;
	v26 =	vor.u32 $0x180, v13;
	v15 =	vld.idx.msk [tilespmem:v44+s2+$0x0], $0xffff  }
0x64: {  	v61 =	vor.u32 $0x200, v10;
	v28 =	vor.u32 $0x200, v13;
	v29 =	vor.u32 $0x280, v10;
	v53 =	vld.idx.msk [tilespmem:v22+s2+$0x0], $0xffff  }
0x65: {  	v30 =	vor.u32 $0x280, v13;
	v19 =	vld.idx.msk [tilespmem:v51+s2+$0x0], $0xffff;
	v52 =	vmul.f32 v14, v41;
	v4 =	vmul.f32 v8, v43  }
0x66: {  	v17 =	vor.u32 $0x380, v17;
	v22 =	vld.idx.msk [tilespmem:v54+s2+$0x0], $0xffff;
	v57 =	vmul.f32 v2, v45;
	v6 =	vmul.f32 v14, v6  }
0x67: {  	v42 =	vor.u32 $0x300, v9;
	v58 =	vld.idx.msk [tilespmem:v24+s2+$0x0], $0xffff;
	v11 =	vmul.f32 v8, v50;
	v12 =	vmul.f32 v3, v47  }
0x68: {  	v9 =	vor.u32 $0x380, v9;
	v62 =	vld.idx.msk [tilespmem:v25+s2+$0x0], $0xffff;
	v5 =	vmul.f32 v14, v55;
	v20 =	vmul.f32 v8, v20  }
0x69: {  	v63 =	vor.u32 $0x380, v13;
	v21 =	vld.idx.msk [tilespmem:v61+s2+$0x0], $0xffff;
	v43 =	vmul.f32 v27, v8;
	v55 =	vmul.f32 v46, v14  }
0x6a: {  	v26 =	vld.idx.msk [tilespmem:v26+s2+$0x0], $0xffff;
	v47 =	vor.u32 $0x300, v10;
	v33 =	vmul.f32 v2, v15;
	v18 =	vmul.f32 v3, v53  }
0x6b: {  	v60 =	vld.idx.msk [tilespmem:v56+s2+$0x0], $0xffff;
	v56 =	vadd.f32 $8.000000000e+00, v48;
	v19 =	vmul.f32 v19, v2;
	v38 =	vmul.f32 v22, v14  }
0x6c: {  	v49 =	vld [tilespmem:s7+$0x180];
	v7 =	vadd.f32 $0.0e+00, v52;
	v15 =	vmul.f32 v34, v14;
	v16 =	vmul.f32 v58, v3  }
0x6d: {  	v45 =	vmul.f32 v62, v2;
	v6 =	vadd.f32 $0.0e+00, v6;
	v5 =	vadd.f32 $0.0e+00, v5  }
0x6e: {  	v40 =	vld.idx.msk [tilespmem:v35+s2+$0x0], $0xffff;
	v21 =	vmul.f32 v21, v2;
	v4 =	vadd.f32 v7, v4;
	v15 =	vadd.f32 $0.0e+00, v15  }
0x6f: {  	v51 =	vld.idx.msk [tilespmem:v42+s2+$0x0], $0xffff;
	v50 =	vmul.f32 v26, v3;
	v6 =	vadd.f32 v6, v11;
	v5 =	vadd.f32 v5, v20  }
0x70: {  	v41 =	vld.idx.msk [tilespmem:v29+s2+$0x0], $0xffff;
	v20 =	vmul.f32 v36, v14;
	v4 =	vadd.f32 v4, v57;
	v15 =	vadd.f32 v43, v15  }
0x71: {  	v39 =	vld.idx.msk [tilespmem:v28+s2+$0x0], $0xffff;
	v62 =	vor.u32 $0x380, v10;
	v57 =	vadd.f32 $7.000000000e+00, v49;
	v6 =	vadd.f32 v6, v33  }
0x72: {  	v44 =	vld.idx.msk [tilespmem:v30+s2+$0x0], $0xffff;
	v7 =	vmul.f32 v60, v8;
	v20 =	vadd.f32 $0.0e+00, v20;
	v11 =	vadd.f32 v4, v12  }
0x73: {  	v17 =	vld.idx.msk [tilespmem:v17+s2+$0x0], $0xffff;
	v4 =	vadd.f32 $0.0e+00, v38;
	v6 =	vadd.f32 v6, v18;
	v18 =	vmul.f32 v40, v8  }
0x74: {  	v5 =	vadd.f32 v5, v19;
	v15 =	vadd.f32 v21, v15;
	v21 =	vmul.f32 v51, v8;
	v51 =	vld.idx.msk [tilespmem:v9+s2+$0x0], $0xffff  }
0x75: {  	v19 =	vmul.f32 v41, v2;
	v4 =	vadd.f32 v7, v4;
	v18 =	vadd.f32 v18, v20  }
0x76: {  	v52 =	vmul.f32 v39, v3;
	v54 =	vld.idx.msk [tilespmem:v47+s2+$0x0], $0xffff;
	v12 =	vadd.f32 v5, v16;
	v16 =	vadd.f32 $0.0e+00, v55  }
0x77: {  	v58 =	vmul.f32 v44, v3;
	v4 =	vadd.f32 v45, v4;
	v53 =	vadd.f32 v19, v18  }
0x78: {  	v14 =	vmul.f32 v17, v14;
	v18 =	vadd.f32 v56, v0;
	v19 =	vadd.f32 v57, v1  }
0x79: {  	v16 =	vadd.f32 v21, v16;
	v21 =	vld.idx.msk [tilespmem:v62+s2+$0x0], $0xffff;
	v8 =	vmul.f32 v51, v8;
	v7 =	vadd.f32 v50, v4  }
0x7a: {  	v4 =	vadd.f32 v52, v15;
	v18 =	vmax.f32 v18, $4.000000000e+00;
	v19 =	vmax.f32 v19, $4.000000000e+00  }
0x7b: {  	v15 =	vmul.f32 v54, v2;
	v59 =	vmin.f32 v18, $6.800000000e+01;
	v60 =	vmin.f32 v19, $6.800000000e+01  }
0x7c: {  	v14 =	vadd.f32 $0.0e+00, v14;
	v39 =	vtrunc.f32 v59;
	v40 =	vtrunc.f32 v60  }
0x7d: {  	v61 =	vor.u32 $0x300, v13;
	v41 =	vcvt.f32.s32 v39;
	v42 =	vcvt.f32.s32 v40  }
0x7e: {  	v5 =	vadd.f32 v58, v53;
	v14 =	vadd.f32 v8, v14;
	v21 =	vmul.f32 v21, v2  }
0x7f: {  	v38 =	vadd.s32 $0x1, v41;
	v39 =	vadd.s32 $0x1, v42;
	vm12 =	vgt.s32 v42, $0x8  }
0x80: {  	vm13 =	vgt.s32 v41, $0x8;
	v43 =	vnsel vm12, $0x8, v42;
	vm14 =	vgt.s32 v39, $0x8  }
0x81: {  	v44 =	vnsel vm13, $0x8, v41;
	v45 =	vmin.u32 v43, $0x3F;
	v46 =	vnsel vm14, $0x8, v39  }
0x82: {  	vm15 =	vgt.s32 v38, $0x8;
	v47 =	vmin.u32 v46, $0x3F;
	v48 =	vmul.u32 $0x38, v45  }
0x83: {  	v26 =	vmin.u32 v44, $0x3F;
	v49 =	vnsel vm15, $0x8, v38;
	v50 =	vmul.u32 $0x38, v47  }
0x84: {  	v29 =	vmin.u32 v49, $0x3F;
	v31 =	vadd.s32 $0xFFFFFFF8, v26;
	v10 =	vadd.s32 $0xFFFFFE40, v48  }
0x85: {  	v32 =	vadd.s32 $0xFFFFFFF8, v29;
	v30 =	vadd.s32 $0xFFFFFE40, v50;
	v33 =	vadd.s32 v31, v10  }
0x86: {  	v10 =	vadd.s32 v32, v10;
	v31 =	vadd.s32 v31, v30;
	v30 =	vadd.s32 v32, v30  }
0x87: {  	v52 =	vand.u32 $0x7F, v33;
	v33 =	vshll.u32 v33, $0x3;
	v34 =	vshll.u32 v10, $0x3  }
0x88: {  	v22 =	vld.idx.msk [tilespmem:v63+s2+$0x0], $0xffff;
	v10 =	vand.u32 $0x7F, v10;
	v33 =	vand.u32 $0x7FFFFC00, v33;
	v34 =	vand.u32 $0x7FFFFC00, v34  }
0x89: {  	v53 =	vshll.u32 v31, $0x3;
	v31 =	vand.u32 $0x7F, v31;
	v33 =	vor.u32 v52, v33  }
0x8a: {  	v54 =	vshll.u32 v30, $0x3;
	v9 =	vor.u32 v10, v34;
	v10 =	vand.u32 $0x7FFFFC00, v53  }
0x8b: {  	v19 =	vld.idx.msk [tilespmem:v61+s2+$0x0], $0xffff;
	v30 =	vand.u32 $0x7F, v30;
	v55 =	vand.u32 $0x7FFFFC00, v54;
	v10 =	vor.u32 v31, v10  }
0x8c: {  	v36 =	vcvt.s32.f32 v41;
	v13 =	vor.u32 v30, v55  }
0x8d: {  	v35 =	vld [tilespmem:s5+$0x180];
	v22 =	vmul.f32 v22, v3;
	v14 =	vadd.f32 v21, v14;
	v56 =	vor.u32 $0x80, v33  }
0x8e: {  	v37 =	vcvt.s32.f32 v42;
	v17 =	vsub.f32 v59, v36;
	v59 =	vor.u32 $0x80, v9;
	v58 =	vld.idx.msk [tilespmem:v33+s2+$0x0], $0xffff  }
0x8f: {  	v15 =	vadd.f32 v15, v16;
	v14 =	vadd.f32 v22, v14;
	v43 =	vor.u32 $0x100, v33;
	v61 =	vld.idx.msk [tilespmem:v9+s2+$0x0], $0xffff  }
0x90: {  	v19 =	vmul.f32 v19, v3;
	v18 =	vsub.f32 v60, v37;
	v44 =	vor.u32 $0x100, v9;
	v63 =	vld.idx.msk [tilespmem:v10+s2+$0x0], $0xffff  }
0x91: {  	vm4 =	veq.s32 v26, v41;
	vm6 =	veq.s32 v45, v42;
	v36 =	vor.u32 $0x180, v33;
	v42 =	vld.idx.msk [tilespmem:v13+s2+$0x0], $0xffff  }
0x92: {  	v15 =	vadd.f32 v19, v15;
	v57 =	vsub.f32 $1.000000000e+00, v18;
	v49 =	vor.u32 $0x180, v9;
	v23 =	vld.idx.msk [tilespmem:v56+s2+$0x0], $0xffff  }
0x93: {  	v60 =	vsub.f32 $1.000000000e+00, v17;
	vm5 =	veq.s32 v38, v29;
	v62 =	vor.u32 $0x80, v10;
	v45 =	vld.idx.msk [tilespmem:v59+s2+$0x0], $0xffff  }
0x94: {  	v18 =	vmul.f32 v18, v35;
	vm7 =	veq.s32 v39, v47;
	v40 =	vor.u32 $0x80, v13;
	v48 =	vld.idx.msk [tilespmem:v43+s2+$0x0], $0xffff  }
0x95: {  	v17 =	vnsel vm5, $0x0, v17;
	v8 =	vmul.f32 v57, v35;
	v47 =	vor.u32 $0x100, v13;
	v50 =	vld.idx.msk [tilespmem:v44+s2+$0x0], $0xffff  }
0x96: {  	v41 =	vnsel vm4, $0x0, v60;
	v18 =	vnsel vm7, $0x0, v18;
	v53 =	vor.u32 $0x180, v13;
	v57 =	vld.idx.msk [tilespmem:v36+s2+$0x0], $0xffff  }
0x97: {  	v2 =	vmul.f32 v18, v41;
	v8 =	vnsel vm6, $0x0, v8;
	v46 =	vor.u32 $0x100, v10;
	v59 =	vld.idx.msk [tilespmem:v49+s2+$0x0], $0xffff  }
0x98: {  	v3 =	vmul.f32 v18, v17;
	v25 =	vmul.f32 v8, v41;
	v51 =	vor.u32 $0x180, v10;
	v26 =	vld.idx.msk [tilespmem:v62+s2+$0x0], $0xffff  }
0x99: {  	v8 =	vmul.f32 v8, v17;
	v60 =	vor.u32 $0x200, v10;
	v37 =	vor.u32 $0x200, v13;
	v29 =	vld.idx.msk [tilespmem:v40+s2+$0x0], $0xffff  }
0x9a: {  	v56 =	vor.u32 $0x200, v33;
	v43 =	vor.u32 $0x280, v10;
	v55 =	vld.idx.msk [tilespmem:v47+s2+$0x0], $0xffff;
	v40 =	vor.u32 $0x280, v9  }
0x9b: {  	v21 =	vld.idx.msk [tilespmem:v53+s2+$0x0], $0xffff;
	v47 =	vor.u32 $0x300, v33;
	v53 =	vor.u32 $0x300, v9;
	v30 =	vmul.f32 v25, v58  }
0x9c: {  	v52 =	vld.idx.msk [tilespmem:v46+s2+$0x0], $0xffff;
	v16 =	vmul.f32 v8, v61;
	v58 =	vor.u32 $0x200, v9;
	v54 =	vmul.f32 v2, v63  }
0x9d: {  	v62 =	vld.idx.msk [tilespmem:v51+s2+$0x0], $0xffff;
	v9 =	vor.u32 $0x380, v9;
	v23 =	vmul.f32 v25, v23;
	v61 =	vmul.f32 v8, v45  }
0x9e: {  	v17 =	vld.idx.msk [tilespmem:v60+s2+$0x0], $0xffff;
	v63 =	vor.u32 $0x280, v33;
	v27 =	vmul.f32 v3, v42;
	v20 =	vmul.f32 v25, v48  }
0x9f: {  	v60 =	vld [tilespmem:s7+$0x280];
	v41 =	vmul.f32 v8, v50;
	v45 =	vor.u32 $0x280, v13;
	v48 =	vmul.f32 v57, v25  }
0xa0: {  	v49 =	vld.idx.msk [tilespmem:v37+s2+$0x0], $0xffff;
	v57 =	vor.u32 $0x300, v10;
	v38 =	vmul.f32 v2, v26;
	v44 =	vmul.f32 v3, v29  }
0xa1: {  	v39 =	vld.idx.msk [tilespmem:v56+s2+$0x0], $0xffff;
	v11 =	vadd.f32 v30, v11;
	v19 =	vmul.f32 v52, v2;
	v24 =	vmul.f32 v55, v3  }
0xa2: {  	v51 =	vld.idx.msk [tilespmem:v40+s2+$0x0], $0xffff;
	v55 =	vmul.f32 v62, v2;
	v6 =	vadd.f32 v23, v6;
	v12 =	vadd.f32 v20, v12  }
0xa3: {  	v52 =	vld.idx.msk [tilespmem:v43+s2+$0x0], $0xffff;
	v17 =	vmul.f32 v17, v2;
	v7 =	vadd.f32 v48, v7;
	v11 =	vadd.f32 v11, v16  }
0xa4: {  	v56 =	vld.idx.msk [tilespmem:v47+s2+$0x0], $0xffff;
	v16 =	vmul.f32 v59, v8;
	v59 =	vor.u32 $0x380, v33;
	v33 =	vadd.f32 $7.000000000e+00, v60  }
0xa5: {  	v43 =	vor.u32 $0x380, v13;
	v6 =	vadd.f32 v6, v61;
	v42 =	vld.idx.msk [tilespmem:v58+s2+$0x0], $0xffff;
	v12 =	vadd.f32 v12, v41  }
0xa6: {  	v58 =	vld [tilespmem:s7+$0x200];
	v61 =	vmul.f32 v21, v3;
	v11 =	vadd.f32 v11, v54;
	v50 =	vmul.f32 v39, v25  }
0xa7: {  	v46 =	vld.idx.msk [tilespmem:v63+s2+$0x0], $0xffff;
	v7 =	vadd.f32 v16, v7;
	v63 =	vmul.f32 v49, v3;
	v36 =	vadd.f32 v33, v1  }
0xa8: {  	v39 =	vor.u32 $0x300, v13;
	v6 =	vadd.f32 v6, v38;
	v12 =	vadd.f32 v12, v19  }
0xa9: {  	v19 =	vmul.f32 v51, v8;
	v22 =	vmul.f32 v52, v2;
	v11 =	vadd.f32 v11, v27  }
0xaa: {  	v26 =	vld.idx.msk [tilespmem:v57+s2+$0x0], $0xffff;
	v4 =	vadd.f32 v50, v4;
	v7 =	vadd.f32 v55, v7;
	v27 =	vmul.f32 v56, v25  }
0xab: {  	v62 =	vld.idx.msk [tilespmem:v53+s2+$0x0], $0xffff;
	v38 =	vmax.f32 v36, $4.000000000e+00;
	v6 =	vadd.f32 v6, v44;
	v12 =	vadd.f32 v12, v24  }
0xac: {  	v18 =	vmin.f32 v38, $6.800000000e+01;
	v54 =	vmul.f32 v42, v8;
	v32 =	vadd.f32 $9.000000000e+00, v58  }
0xad: {  	v31 =	vld.idx.msk [tilespmem:v59+s2+$0x0], $0xffff;
	v15 =	vadd.f32 v27, v15;
	v41 =	vtrunc.f32 v18;
	v20 =	vmul.f32 v46, v25  }
0xae: {  	v42 =	vor.u32 $0x380, v10;
	v21 =	vcvt.f32.s32 v41;
	v4 =	vadd.f32 v54, v4  }
0xaf: {  	v16 =	vmul.f32 v26, v2;
	v35 =	vadd.f32 v32, v0;
	v5 =	vadd.f32 v20, v5  }
0xb0: {  	v29 =	vld.idx.msk [tilespmem:v45+s2+$0x0], $0xffff;
	vm8 =	vgt.s32 v21, $0x8;
	v4 =	vadd.f32 v17, v4;
	v17 =	vmul.f32 v62, v8  }
0xb1: {  	v37 =	vmax.f32 v35, $4.000000000e+00;
	v47 =	vnsel vm8, $0x8, v21;
	v5 =	vadd.f32 v19, v5  }
0xb2: {  	v19 =	vmul.f32 v31, v25;
	v15 =	vadd.f32 v17, v15;
	v17 =	vmin.f32 v37, $6.800000000e+01  }
0xb3: {  	v25 =	vadd.s32 $0x1, v21;
	v49 =	vmin.u32 v47, $0x3F;
	v40 =	vtrunc.f32 v17  }
0xb4: {  	vm10 =	vgt.s32 v25, $0x8;
	v15 =	vadd.f32 v16, v15;
	v16 =	vcvt.f32.s32 v40  }
0xb5: {  	v34 =	vmul.f32 v29, v3;
	v52 =	vmul.u32 $0x38, v49;
	v50 =	vnsel vm10, $0x8, v25  }
0xb6: {  	v5 =	vadd.f32 v22, v5;
	v51 =	vmin.u32 v50, $0x3F;
	v46 =	vadd.s32 $0x1, v16  }
0xb7: {  	v10 =	vadd.s32 $0xFFFFFE40, v52;
	vm9 =	vgt.s32 v16, $0x8;
	vm11 =	vgt.s32 v46, $0x8  }
0xb8: {  	v54 =	vmul.u32 $0x38, v51;
	v48 =	vnsel vm9, $0x8, v16;
	v53 =	vnsel vm11, $0x8, v46  }
0xb9: {  	v5 =	vadd.f32 v34, v5;
	v26 =	vmin.u32 v48, $0x3F;
	v29 =	vmin.u32 v53, $0x3F  }
0xba: {  	v30 =	vadd.s32 $0xFFFFFE40, v54;
	v55 =	vadd.s32 $0xFFFFFFF8, v26;
	v56 =	vadd.s32 $0xFFFFFFF8, v29  }
0xbb: {  	v57 =	vadd.s32 v55, v10;
	v31 =	vadd.s32 v55, v30;
	v10 =	vadd.s32 v56, v10  }
0xbc: {  	v23 =	vld.idx.msk [tilespmem:v43+s2+$0x0], $0xffff;
	v30 =	vadd.s32 v56, v30;
	v59 =	vand.u32 $0x7F, v57;
	v33 =	vshll.u32 v57, $0x3  }
0xbd: {  	v58 =	vld.idx.msk [tilespmem:v9+s2+$0x0], $0xffff;
	v60 =	vshll.u32 v10, $0x3;
	v33 =	vand.u32 $0x7FFFFC00, v33;
	v10 =	vand.u32 $0x7F, v10  }
0xbe: {  	v62 =	vshll.u32 v30, $0x3;
	v34 =	vand.u32 $0x7FFFFC00, v60;
	v33 =	vor.u32 v59, v33  }
0xbf: {  	v30 =	vand.u32 $0x7F, v30;
	v36 =	vand.u32 $0x7FFFFC00, v62;
	v9 =	vor.u32 v10, v34  }
0xc0: {  	v7 =	vadd.f32 v61, v7;
	v45 =	vcvt.s32.f32 v21;
	v20 =	vld.idx.msk [tilespmem:v39+s2+$0x0], $0xffff;
	v13 =	vor.u32 v30, v36  }
0xc1: {  	v23 =	vmul.f32 v23, v3;
	v4 =	vadd.f32 v63, v4;
	v63 =	vld [tilespmem:s5+$0x200];
	v37 =	vor.u32 $0x80, v33  }
0xc2: {  	v8 =	vmul.f32 v58, v8;
	v18 =	vsub.f32 v18, v45;
	v22 =	vld.idx.msk [tilespmem:v42+s2+$0x0], $0xffff;
	v48 =	vor.u32 $0x100, v33  }
0xc3: {  	vm14 =	veq.s32 v49, v21;
	v61 =	vshll.u32 v31, $0x3;
	v53 =	vor.u32 $0x180, v33;
	v39 =	vld.idx.msk [tilespmem:v33+s2+$0x0], $0xffff  }
0xc4: {  	v14 =	vadd.f32 v19, v14;
	v31 =	vand.u32 $0x7F, v31;
	v10 =	vand.u32 $0x7FFFFC00, v61;
	v42 =	vld.idx.msk [tilespmem:v9+s2+$0x0], $0xffff  }
0xc5: {  	v38 =	vsub.f32 $1.000000000e+00, v18;
	v20 =	vmul.f32 v20, v3;
	v10 =	vor.u32 v31, v10;
	v47 =	vld.idx.msk [tilespmem:v13+s2+$0x0], $0xffff  }
0xc6: {  	v14 =	vadd.f32 v8, v14;
	vm15 =	veq.s32 v25, v51;
	v40 =	vor.u32 $0x80, v9;
	v19 =	vld.idx.msk [tilespmem:v37+s2+$0x0], $0xffff  }
0xc7: {  	v44 =	vcvt.s32.f32 v16;
	v15 =	vadd.f32 v20, v15;
	v45 =	vor.u32 $0x80, v13;
	v54 =	vld.idx.msk [tilespmem:v48+s2+$0x0], $0xffff  }
0xc8: {  	v8 =	vmul.f32 v38, v63;
	v18 =	vmul.f32 v18, v63;
	v49 =	vor.u32 $0x100, v9;
	v62 =	vld.idx.msk [tilespmem:v53+s2+$0x0], $0xffff  }
0xc9: {  	v17 =	vsub.f32 v17, v44;
	v22 =	vmul.f32 v22, v2;
	v52 =	vor.u32 $0x100, v13;
	v37 =	vld [tilespmem:s7+$0x300]  }
0xca: {  	vm12 =	veq.s32 v26, v16;
	v8 =	vnsel vm14, $0x0, v8;
	v55 =	vor.u32 $0x180, v9;
	v44 =	vld.idx.msk [tilespmem:v10+s2+$0x0], $0xffff  }
0xcb: {  	v18 =	vnsel vm15, $0x0, v18;
	v41 =	vsub.f32 $1.000000000e+00, v17;
	v59 =	vor.u32 $0x180, v13;
	v50 =	vld.idx.msk [tilespmem:v40+s2+$0x0], $0xffff  }
0xcc: {  	vm13 =	veq.s32 v46, v29;
	v14 =	vadd.f32 v22, v14;
	v43 =	vor.u32 $0x80, v10;
	v29 =	vld.idx.msk [tilespmem:v45+s2+$0x0], $0xffff  }
0xcd: {  	v17 =	vnsel vm13, $0x0, v17;
	v46 =	vnsel vm12, $0x0, v41;
	v51 =	vor.u32 $0x100, v10;
	v56 =	vld.idx.msk [tilespmem:v49+s2+$0x0], $0xffff  }
0xce: {  	v3 =	vmul.f32 v18, v17;
	v14 =	vadd.f32 v23, v14;
	v57 =	vor.u32 $0x180, v10;
	v24 =	vld.idx.msk [tilespmem:v52+s2+$0x0], $0xffff  }
0xcf: {  	v25 =	vmul.f32 v8, v46;
	v8 =	vmul.f32 v8, v17;
	v61 =	vor.u32 $0x200, v33;
	v40 =	vld.idx.msk [tilespmem:v55+s2+$0x0], $0xffff  }
0xd0: {  	v2 =	vmul.f32 v18, v46;
	v63 =	vor.u32 $0x200, v9;
	v48 =	vor.u32 $0x280, v9;
	v22 =	vld.idx.msk [tilespmem:v59+s2+$0x0], $0xffff  }
0xd1: {  	v41 =	vor.u32 $0x200, v10;
	v36 =	vor.u32 $0x300, v10;
	v53 =	vor.u32 $0x280, v13;
	v26 =	vld.idx.msk [tilespmem:v43+s2+$0x0], $0xffff  }
0xd2: {  	v45 =	vor.u32 $0x200, v13;
	v55 =	vor.u32 $0x300, v33;
	v58 =	vld.idx.msk [tilespmem:v51+s2+$0x0], $0xffff;
	v30 =	vmul.f32 v25, v39  }
0xd3: {  	v43 =	vld.idx.msk [tilespmem:v57+s2+$0x0], $0xffff;
	v51 =	vor.u32 $0x280, v10;
	v16 =	vmul.f32 v8, v42;
	v19 =	vmul.f32 v25, v19  }
0xd4: {  	v39 =	vor.u32 $0x380, v33;
	v27 =	vmul.f32 v3, v47;
	v21 =	vmul.f32 v25, v54;
	v47 =	vld.idx.msk [tilespmem:v61+s2+$0x0], $0xffff  }
0xd5: {  	v59 =	vld.idx.msk [tilespmem:v48+s2+$0x0], $0xffff;
	v61 =	vor.u32 $0x300, v9;
	v48 =	vadd.f32 $7.000000000e+00, v37;
	v60 =	vmul.f32 v2, v44  }
0xd6: {  	v9 =	vor.u32 $0x380, v9;
	v42 =	vmul.f32 v8, v50;
	v49 =	vmul.f32 v8, v56  }
0xd7: {  	v17 =	vld.idx.msk [tilespmem:v41+s2+$0x0], $0xffff;
	v11 =	vadd.f32 v30, v11;
	v52 =	vmul.f32 v3, v29;
	v56 =	vmul.f32 v62, v25  }
0xd8: {  	v44 =	vor.u32 $0x280, v33;
	v50 =	vld.idx.msk [tilespmem:v63+s2+$0x0], $0xffff;
	v24 =	vmul.f32 v24, v3;
	v41 =	vmul.f32 v22, v3  }
0xd9: {  	v35 =	vld.idx.msk [tilespmem:v55+s2+$0x0], $0xffff;
	v55 =	vor.u32 $0x300, v13;
	v6 =	vadd.f32 v19, v6;
	v46 =	vmul.f32 v2, v26  }
0xda: {  	v57 =	vld.idx.msk [tilespmem:v45+s2+$0x0], $0xffff;
	v12 =	vadd.f32 v21, v12;
	v20 =	vmul.f32 v58, v2;
	v63 =	vmul.f32 v43, v2  }
0xdb: {  	v29 =	vld.idx.msk [tilespmem:v53+s2+$0x0], $0xffff;
	v11 =	vadd.f32 v11, v16;
	v7 =	vadd.f32 v56, v7;
	v16 =	vmul.f32 v40, v8  }
0xdc: {  	v45 =	vld.idx.msk [tilespmem:v36+s2+$0x0], $0xffff;
	v17 =	vmul.f32 v17, v2;
	v6 =	vadd.f32 v6, v42;
	v12 =	vadd.f32 v12, v49  }
0xdd: {  	v40 =	vld [tilespmem:s7+$0x380];
	v11 =	vadd.f32 v11, v60;
	v58 =	vmul.f32 v47, v25;
	v7 =	vadd.f32 v16, v7  }
0xde: {  	v60 =	vld.idx.msk [tilespmem:v51+s2+$0x0], $0xffff;
	v38 =	vmul.f32 v59, v8;
	v51 =	vadd.f32 v48, v0;
	v59 =	vor.u32 $0x380, v10  }
0xdf: {  	v42 =	vld.idx.msk [tilespmem:v61+s2+$0x0], $0xffff;
	v6 =	vadd.f32 v6, v46;
	v12 =	vadd.f32 v12, v20;
	v62 =	vmul.f32 v50, v8  }
0xe0: {  	v54 =	vld.idx.msk [tilespmem:v44+s2+$0x0], $0xffff;
	v43 =	vmul.f32 v57, v3;
	v11 =	vadd.f32 v11, v27;
	v4 =	vadd.f32 v58, v4  }
0xe1: {  	v46 =	vmul.f32 v35, v25;
	v7 =	vadd.f32 v63, v7;
	v6 =	vadd.f32 v6, v52  }
0xe2: {  	v50 =	vmul.f32 v29, v3;
	v12 =	vadd.f32 v12, v24;
	v49 =	vadd.f32 $8.000000000e+00, v40  }
0xe3: {  	v16 =	vmul.f32 v45, v2;
	v20 =	vld.idx.msk [tilespmem:v55+s2+$0x0], $0xffff;
	v15 =	vadd.f32 v46, v15;
	v4 =	vadd.f32 v62, v4  }
0xe4: {  	v53 =	vmax.f32 v51, $4.000000000e+00;
	v7 =	vadd.f32 v41, v7;
	v52 =	vadd.f32 v49, v1  }
0xe5: {  	v46 =	vld.idx.msk [tilespmem:v9+s2+$0x0], $0xffff;
	v34 =	vmul.f32 v54, v25;
	v4 =	vadd.f32 v17, v4;
	v17 =	vmul.f32 v42, v8  }
0xe6: {  	v47 =	vld.idx.msk [tilespmem:v39+s2+$0x0], $0xffff;
	v23 =	vmul.f32 v60, v2;
	v60 =	vor.u32 $0x380, v13;
	v54 =	vmax.f32 v52, $4.000000000e+00  }
0xe7: {  	v5 =	vadd.f32 v34, v5;
	v15 =	vadd.f32 v17, v15;
	v17 =	vmin.f32 v53, $6.800000000e+01  }
0xe8: {  	v20 =	vmul.f32 v20, v3;
	v18 =	vmin.f32 v54, $6.800000000e+01;
	v56 =	vtrunc.f32 v17  }
0xe9: {  	v57 =	vtrunc.f32 v18;
	v19 =	vadd.f32 v38, v5;
	v58 =	vcvt.f32.s32 v56  }
0xea: {  	v8 =	vmul.f32 v46, v8;
	v5 =	vadd.f32 v43, v4;
	v21 =	vcvt.f32.s32 v57  }
0xeb: {  	v44 =	vadd.f32 v23, v19;
	v19 =	vmul.f32 v47, v25;
	v63 =	vadd.s32 $0x1, v58  }
0xec: {  	v25 =	vadd.s32 $0x1, v21;
	vm4 =	vgt.s32 v21, $0x8;
	vm5 =	vgt.s32 v58, $0x8  }
0xed: {  	v35 =	vnsel vm4, $0x8, v21;
	vm6 =	vgt.s32 v25, $0x8;
	v36 =	vnsel vm5, $0x8, v58  }
0xee: {  	vm7 =	vgt.s32 v63, $0x8;
	v37 =	vmin.u32 v35, $0x3F;
	v38 =	vnsel vm6, $0x8, v25  }
0xef: {  	v4 =	vadd.f32 v50, v44;
	v39 =	vmin.u32 v38, $0x3F;
	v40 =	vmul.u32 $0x38, v37  }
0xf0: {  	v26 =	vmin.u32 v36, $0x3F;
	v41 =	vnsel vm7, $0x8, v63;
	v42 =	vmul.u32 $0x38, v39  }
0xf1: {  	v29 =	vmin.u32 v41, $0x3F;
	v43 =	vadd.s32 $0xFFFFFFF8, v26;
	v10 =	vadd.s32 $0xFFFFFE40, v40  }
0xf2: {  	v44 =	vadd.s32 $0xFFFFFFF8, v29;
	v30 =	vadd.s32 $0xFFFFFE40, v42;
	v45 =	vadd.s32 v43, v10  }
0xf3: {  	v10 =	vadd.s32 v44, v10;
	v31 =	vadd.s32 v43, v30;
	v30 =	vadd.s32 v44, v30  }
0xf4: {  	v47 =	vand.u32 $0x7F, v45;
	v33 =	vshll.u32 v45, $0x3;
	v48 =	vshll.u32 v10, $0x3  }
0xf5: {  	v22 =	vld.idx.msk [tilespmem:v59+s2+$0x0], $0xffff;
	v10 =	vand.u32 $0x7F, v10;
	v33 =	vand.u32 $0x7FFFFC00, v33;
	v34 =	vand.u32 $0x7FFFFC00, v48  }
0xf6: {  	v49 =	vshll.u32 v31, $0x3;
	v31 =	vand.u32 $0x7F, v31;
	v33 =	vor.u32 v47, v33  }
0xf7: {  	v50 =	vshll.u32 v30, $0x3;
	v9 =	vor.u32 v10, v34;
	v10 =	vand.u32 $0x7FFFFC00, v49  }
0xf8: {  	v30 =	vand.u32 $0x7F, v30;
	v52 =	vand.u32 $0x7FFFFC00, v50;
	v10 =	vor.u32 v31, v10  }
0xf9: {  	v51 =	vld [tilespmem:s5+$0x280];
	v15 =	vadd.f32 v16, v15;
	v62 =	vcvt.s32.f32 v21;
	v13 =	vor.u32 v30, v52  }
0xfa: {  	v22 =	vmul.f32 v22, v2;
	v61 =	vcvt.s32.f32 v58;
	v23 =	vld.idx.msk [tilespmem:v60+s2+$0x0], $0xffff;
	v53 =	vor.u32 $0x80, v33  }
0xfb: {  	v15 =	vadd.f32 v20, v15;
	v18 =	vsub.f32 v18, v62;
	v56 =	vor.u32 $0x80, v9;
	v55 =	vld.idx.msk [tilespmem:v33+s2+$0x0], $0xffff  }
0xfc: {  	v14 =	vadd.f32 v19, v14;
	vm8 =	veq.s32 v26, v58;
	v40 =	vor.u32 $0x100, v33;
	v58 =	vld.idx.msk [tilespmem:v9+s2+$0x0], $0xffff  }
0xfd: {  	v17 =	vsub.f32 v17, v61;
	v54 =	vsub.f32 $1.000000000e+00, v18;
	v41 =	vor.u32 $0x100, v9;
	v60 =	vld.idx.msk [tilespmem:v10+s2+$0x0], $0xffff  }
0xfe: {  	vm10 =	veq.s32 v37, v21;
	vm9 =	veq.s32 v63, v29;
	v47 =	vor.u32 $0x180, v9;
	v63 =	vld.idx.msk [tilespmem:v13+s2+$0x0], $0xffff  }
0xff: {  	v14 =	vadd.f32 v8, v14;
	v8 =	vmul.f32 v54, v51;
	v54 =	vor.u32 $0x200, v33;
	v19 =	vld.idx.msk [tilespmem:v53+s2+$0x0], $0xffff  }
0x100: {  	v57 =	vsub.f32 $1.000000000e+00, v17;
	v18 =	vmul.f32 v18, v51;
	v59 =	vor.u32 $0x80, v10;
	v42 =	vld.idx.msk [tilespmem:v56+s2+$0x0], $0xffff  }
0x101: {  	vm11 =	veq.s32 v25, v39;
	v17 =	vnsel vm9, $0x0, v17;
	v61 =	vor.u32 $0x80, v13;
	v46 =	vld.idx.msk [tilespmem:v40+s2+$0x0], $0xffff  }
0x102: {  	v23 =	vmul.f32 v23, v3;
	v62 =	vnsel vm8, $0x0, v57;
	v43 =	vor.u32 $0x100, v10;
	v48 =	vld.idx.msk [tilespmem:v41+s2+$0x0], $0xffff  }
0x103: {  	v18 =	vnsel vm11, $0x0, v18;
	v14 =	vadd.f32 v22, v14;
	v44 =	vor.u32 $0x100, v13;
	v57 =	vld.idx.msk [tilespmem:v47+s2+$0x0], $0xffff  }
0x104: {  	v2 =	vmul.f32 v18, v62;
	v8 =	vnsel vm10, $0x0, v8;
	v51 =	vor.u32 $0x180, v13;
	v37 =	vld.idx.msk [tilespmem:v54+s2+$0x0], $0xffff  }
0x105: {  	v3 =	vmul.f32 v18, v17;
	v25 =	vmul.f32 v8, v62;
	v62 =	vor.u32 $0x200, v13;
	v26 =	vld.idx.msk [tilespmem:v59+s2+$0x0], $0xffff  }
0x106: {  	v14 =	vadd.f32 v23, v14;
	v8 =	vmul.f32 v8, v17;
	v45 =	vor.u32 $0x180, v33;
	v29 =	vld.idx.msk [tilespmem:v61+s2+$0x0], $0xffff  }
0x107: {  	v38 =	vor.u32 $0x280, v9;
	v49 =	vor.u32 $0x180, v10;
	v56 =	vor.u32 $0x200, v9;
	v50 =	vld.idx.msk [tilespmem:v43+s2+$0x0], $0xffff  }
0x108: {  	v41 =	vor.u32 $0x280, v10;
	v53 =	vld.idx.msk [tilespmem:v44+s2+$0x0], $0xffff;
	v61 =	vor.u32 $0x280, v33;
	v43 =	vor.u32 $0x280, v13  }
0x109: {  	v22 =	vld.idx.msk [tilespmem:v51+s2+$0x0], $0xffff;
	v51 =	vor.u32 $0x300, v9;
	v30 =	vmul.f32 v25, v55;
	v16 =	vmul.f32 v8, v58  }
0x10a: {  	v47 =	vld.idx.msk [tilespmem:v62+s2+$0x0], $0xffff;
	v9 =	vor.u32 $0x380, v9;
	v52 =	vmul.f32 v2, v60;
	v19 =	vmul.f32 v25, v19  }
0x10b: {  	v55 =	vld.idx.msk [tilespmem:v45+s2+$0x0], $0xffff;
	v58 =	vor.u32 $0x200, v10;
	v59 =	vmul.f32 v8, v42;
	v27 =	vmul.f32 v3, v63  }
0x10c: {  	v45 =	vor.u32 $0x300, v33;
	v60 =	vld.idx.msk [tilespmem:v49+s2+$0x0], $0xffff;
	v21 =	vmul.f32 v25, v46;
	v39 =	vmul.f32 v8, v48  }
0x10d: {  	v40 =	vld.idx.msk [tilespmem:v56+s2+$0x0], $0xffff;
	v48 =	vmul.f32 v37, v25;
	v56 =	vor.u32 $0x300, v10;
	v63 =	vmul.f32 v2, v26  }
0x10e: {  	v49 =	vld.idx.msk [tilespmem:v38+s2+$0x0], $0xffff;
	v11 =	vadd.f32 v30, v11;
	v42 =	vmul.f32 v3, v29;
	v20 =	vmul.f32 v50, v2  }
0x10f: {  	v44 =	vld.idx.msk [tilespmem:v61+s2+$0x0], $0xffff;
	v24 =	vmul.f32 v53, v3;
	v6 =	vadd.f32 v19, v6;
	v12 =	vadd.f32 v21, v12  }
0x110: {  	s8 =	sadd.s32 s9, s25;
	v50 =	vld.idx.msk [tilespmem:v41+s2+$0x0], $0xffff;
	v61 =	vmul.f32 v22, v3;
	v5 =	vadd.f32 v48, v5;
	v11 =	vadd.f32 v11, v16  }
0x111: {  	s7 =	sadd.s32 s3, s8;
	v29 =	vld.idx.msk [tilespmem:v43+s2+$0x0], $0xffff;
	v16 =	vmul.f32 v57, v8;
	v6 =	vadd.f32 v6, v59;
	v12 =	vadd.f32 v12, v39  }
0x112: {  	v57 =	vld [tilespmem:s7+$0x0];
	v46 =	vmul.f32 v55, v25;
	v11 =	vadd.f32 v11, v52;
	v52 =	vmul.f32 v40, v8  }
0x113: {  	v17 =	vld.idx.msk [tilespmem:v58+s2+$0x0], $0xffff;
	v59 =	vor.u32 $0x380, v33;
	v53 =	vmul.f32 v60, v2;
	v58 =	vmul.f32 v49, v8  }
0x114: {  	v60 =	vld [tilespmem:s7+$0x80];
	v40 =	vor.u32 $0x300, v13;
	v13 =	vor.u32 $0x380, v13;
	v6 =	vadd.f32 v6, v63  }
0x115: {  	v55 =	vld.idx.msk [tilespmem:v45+s2+$0x0], $0xffff;
	v12 =	vadd.f32 v12, v20;
	v7 =	vadd.f32 v46, v7;
	v54 =	vmul.f32 v44, v25  }
0x116: {  	v63 =	vmul.f32 v47, v3;
	v11 =	vadd.f32 v11, v27;
	v5 =	vadd.f32 v52, v5  }
0x117: {  	v62 =	vld.idx.msk [tilespmem:v51+s2+$0x0], $0xffff;
	v23 =	vmul.f32 v50, v2;
	v6 =	vadd.f32 v6, v42;
	v7 =	vadd.f32 v16, v7  }
0x118: {  	v35 =	vmul.f32 v29, v3;
	v27 =	vld.idx.msk [tilespmem:v56+s2+$0x0], $0xffff;
	v4 =	vadd.f32 v54, v4;
	v12 =	vadd.f32 v12, v24  }
0x119: {  	v33 =	vadd.f32 $8.000000000e+00, v57;
	v17 =	vmul.f32 v17, v2;
	v34 =	vadd.f32 $8.000000000e+00, v60  }
0x11a: {  	v31 =	vmul.f32 v55, v25;
	v7 =	vadd.f32 v53, v7;
	v19 =	vadd.f32 v58, v4  }
0x11b: {  	v44 =	vor.u32 $0x380, v10;
	v36 =	vadd.f32 v33, v0;
	v37 =	vadd.f32 v34, v1  }
0x11c: {  	v32 =	vld.idx.msk [tilespmem:v59+s2+$0x0], $0xffff;
	v5 =	vadd.f32 v17, v5;
	v15 =	vadd.f32 v31, v15;
	v17 =	vmul.f32 v62, v8  }
0x11d: {  	v16 =	vmul.f32 v27, v2;
	v38 =	vmax.f32 v36, $4.000000000e+00;
	v39 =	vmax.f32 v37, $4.000000000e+00  }
0x11e: {  	v15 =	vadd.f32 v17, v15;
	v17 =	vmin.f32 v38, $6.800000000e+01;
	v18 =	vmin.f32 v39, $6.800000000e+01  }
0x11f: {  	v26 =	vadd.f32 v23, v19;
	v41 =	vtrunc.f32 v17;
	v42 =	vtrunc.f32 v18  }
0x120: {  	v7 =	vadd.f32 v61, v7;
	v43 =	vcvt.f32.s32 v41;
	v21 =	vcvt.f32.s32 v42  }
0x121: {  	v4 =	vadd.f32 v63, v5;
	v5 =	vadd.f32 v35, v26;
	v19 =	vmul.f32 v32, v25  }
0x122: {  	v47 =	vadd.s32 $0x1, v43;
	v25 =	vadd.s32 $0x1, v21;
	vm12 =	vgt.s32 v21, $0x8  }
0x123: {  	vm13 =	vgt.s32 v43, $0x8;
	v48 =	vnsel vm12, $0x8, v21;
	vm14 =	vgt.s32 v25, $0x8  }
0x124: {  	v49 =	vnsel vm13, $0x8, v43;
	v50 =	vmin.u32 v48, $0x3F;
	v51 =	vnsel vm14, $0x8, v25  }
0x125: {  	vm15 =	vgt.s32 v47, $0x8;
	v52 =	vmin.u32 v51, $0x3F;
	v53 =	vmul.u32 $0x38, v50  }
0x126: {  	v26 =	vmin.u32 v49, $0x3F;
	v54 =	vnsel vm15, $0x8, v47;
	v55 =	vmul.u32 $0x38, v52  }
0x127: {  	v29 =	vmin.u32 v54, $0x3F;
	v56 =	vadd.s32 $0xFFFFFFF8, v26;
	v10 =	vadd.s32 $0xFFFFFE40, v53  }
0x128: {  	v57 =	vadd.s32 $0xFFFFFFF8, v29;
	v30 =	vadd.s32 $0xFFFFFE40, v55;
	v58 =	vadd.s32 v56, v10  }
0x129: {  	v10 =	vadd.s32 v57, v10;
	v31 =	vadd.s32 v56, v30;
	v30 =	vadd.s32 v57, v30  }
0x12a: {  	v59 =	vld.idx.msk [tilespmem:v9+s2+$0x0], $0xffff;
	v60 =	vand.u32 $0x7F, v58;
	v33 =	vshll.u32 v58, $0x3;
	v61 =	vshll.u32 v10, $0x3  }
0x12b: {  	v20 =	vld.idx.msk [tilespmem:v40+s2+$0x0], $0xffff;
	v10 =	vand.u32 $0x7F, v10;
	v33 =	vand.u32 $0x7FFFFC00, v33;
	v34 =	vand.u32 $0x7FFFFC00, v61  }
0x12c: {  	v13 =	vld.idx.msk [tilespmem:v13+s2+$0x0], $0xffff;
	v62 =	vshll.u32 v31, $0x3;
	v31 =	vand.u32 $0x7F, v31;
	v33 =	vor.u32 v60, v33  }
0x12d: {  	v63 =	vshll.u32 v30, $0x3;
	v9 =	vor.u32 v10, v34;
	v10 =	vand.u32 $0x7FFFFC00, v62  }
0x12e: {  	v30 =	vand.u32 $0x7F, v30;
	v37 =	vand.u32 $0x7FFFFC00, v63;
	v10 =	vor.u32 v31, v10  }
0x12f: {  	v22 =	vld.idx.msk [tilespmem:v44+s2+$0x0], $0xffff;
	v8 =	vmul.f32 v59, v8;
	v19 =	vadd.f32 v19, v14;
	v14 =	vor.u32 v30, v37  }
0x130: {  	v36 =	vld [tilespmem:s5+$0x300];
	v15 =	vadd.f32 v16, v15;
	v20 =	vmul.f32 v20, v3;
	v38 =	vor.u32 $0x80, v33  }
0x131: {  	v13 =	vmul.f32 v13, v3;
	v45 =	vcvt.s32.f32 v43;
	v41 =	vor.u32 $0x80, v9;
	v40 =	vld.idx.msk [tilespmem:v33+s2+$0x0], $0xffff  }
0x132: {  	v46 =	vcvt.s32.f32 v21;
	vm4 =	veq.s32 v26, v43;
	v49 =	vor.u32 $0x100, v33;
	v43 =	vld.idx.msk [tilespmem:v9+s2+$0x0], $0xffff  }
0x133: {  	v17 =	vsub.f32 v17, v45;
	vm6 =	veq.s32 v50, v21;
	v50 =	vor.u32 $0x100, v9;
	v45 =	vld.idx.msk [tilespmem:v10+s2+$0x0], $0xffff  }
0x134: {  	v22 =	vmul.f32 v22, v2;
	v19 =	vadd.f32 v8, v19;
	v54 =	vor.u32 $0x180, v33;
	v48 =	vld.idx.msk [tilespmem:v14+s2+$0x0], $0xffff  }
0x135: {  	v15 =	vadd.f32 v20, v15;
	v18 =	vsub.f32 v18, v46;
	v56 =	vor.u32 $0x180, v9;
	v23 =	vld.idx.msk [tilespmem:v38+s2+$0x0], $0xffff  }
0x136: {  	v19 =	vadd.f32 v22, v19;
	v42 =	vsub.f32 $1.000000000e+00, v17;
	v44 =	vor.u32 $0x80, v10;
	v51 =	vld.idx.msk [tilespmem:v41+s2+$0x0], $0xffff  }
0x137: {  	vm5 =	veq.s32 v47, v29;
	v39 =	vsub.f32 $1.000000000e+00, v18;
	v46 =	vor.u32 $0x80, v14;
	v55 =	vld.idx.msk [tilespmem:v49+s2+$0x0], $0xffff  }
0x138: {  	v18 =	vmul.f32 v18, v36;
	vm7 =	veq.s32 v25, v52;
	v52 =	vor.u32 $0x100, v10;
	v57 =	vld.idx.msk [tilespmem:v50+s2+$0x0], $0xffff  }
0x139: {  	v17 =	vnsel vm5, $0x0, v17;
	v47 =	vnsel vm4, $0x0, v42;
	v53 =	vor.u32 $0x100, v14;
	v63 =	vld.idx.msk [tilespmem:v54+s2+$0x0], $0xffff  }
0x13a: {  	v8 =	vmul.f32 v39, v36;
	v18 =	vnsel vm7, $0x0, v18;
	v58 =	vor.u32 $0x180, v10;
	v41 =	vld.idx.msk [tilespmem:v56+s2+$0x0], $0xffff  }
0x13b: {  	v19 =	vadd.f32 v13, v19;
	v2 =	vmul.f32 v18, v47;
	v60 =	vor.u32 $0x180, v14;
	v26 =	vld.idx.msk [tilespmem:v44+s2+$0x0], $0xffff  }
0x13c: {  	v3 =	vmul.f32 v18, v17;
	v8 =	vnsel vm6, $0x0, v8;
	v42 =	vor.u32 $0x200, v10;
	v29 =	vld.idx.msk [tilespmem:v46+s2+$0x0], $0xffff  }
0x13d: {  	v25 =	vmul.f32 v8, v47;
	v8 =	vmul.f32 v8, v17;
	v62 =	vor.u32 $0x200, v33;
	v59 =	vld.idx.msk [tilespmem:v52+s2+$0x0], $0xffff  }
0x13e: {  	v39 =	vor.u32 $0x300, v10;
	v49 =	vor.u32 $0x280, v9;
	v54 =	vor.u32 $0x280, v14;
	v24 =	vld.idx.msk [tilespmem:v53+s2+$0x0], $0xffff  }
0x13f: {  	v44 =	vld.idx.msk [tilespmem:v58+s2+$0x0], $0xffff;
	v46 =	vor.u32 $0x200, v14;
	v52 =	vor.u32 $0x280, v10;
	v30 =	vmul.f32 v25, v40  }
0x140: {  	v22 =	vld.idx.msk [tilespmem:v60+s2+$0x0], $0xffff;
	v10 =	vor.u32 $0x380, v10;
	v16 =	vmul.f32 v8, v43;
	v61 =	vmul.f32 v2, v45  }
0x141: {  	v17 =	vld.idx.msk [tilespmem:v42+s2+$0x0], $0xffff;
	v40 =	vor.u32 $0x200, v9;
	v23 =	vmul.f32 v25, v23;
	v43 =	vmul.f32 v8, v51  }
0x142: {  	v42 =	vld [tilespmem:s7+$0x180];
	v45 =	vor.u32 $0x280, v33;
	v27 =	vmul.f32 v3, v48;
	v21 =	vmul.f32 v25, v55  }
0x143: {  	v48 =	vld.idx.msk [tilespmem:v62+s2+$0x0], $0xffff;
	v50 =	vmul.f32 v8, v57;
	v55 =	vor.u32 $0x300, v33;
	v56 =	vmul.f32 v63, v25  }
0x144: {  	v60 =	vld.idx.msk [tilespmem:v49+s2+$0x0], $0xffff;
	v63 =	vor.u32 $0x300, v9;
	v9 =	vor.u32 $0x380, v9;
	v47 =	vmul.f32 v2, v26  }
0x145: {  	v34 =	vld.idx.msk [tilespmem:v54+s2+$0x0], $0xffff;
	v11 =	vadd.f32 v30, v11;
	v53 =	vmul.f32 v3, v29;
	v20 =	vmul.f32 v59, v2  }
0x146: {  	v57 =	vld.idx.msk [tilespmem:v46+s2+$0x0], $0xffff;
	v24 =	vmul.f32 v24, v3;
	v6 =	vadd.f32 v23, v6;
	v12 =	vadd.f32 v21, v12  }
0x147: {  	v62 =	vld.idx.msk [tilespmem:v52+s2+$0x0], $0xffff;
	v35 =	vmul.f32 v44, v2;
	v7 =	vadd.f32 v56, v7;
	v11 =	vadd.f32 v11, v16  }
0x148: {  	v17 =	vmul.f32 v17, v2;
	v46 =	vld.idx.msk [tilespmem:v39+s2+$0x0], $0xffff;
	v6 =	vadd.f32 v6, v43;
	v21 =	vadd.f32 v12, v50  }
0x149: {  	v10 =	vld.idx.msk [tilespmem:v10+s2+$0x0], $0xffff;
	v43 =	vmul.f32 v22, v3;
	v50 =	vadd.f32 $8.000000000e+00, v42;
	v11 =	vadd.f32 v11, v61  }
0x14a: {  	v51 =	vld.idx.msk [tilespmem:v40+s2+$0x0], $0xffff;
	v59 =	vmul.f32 v48, v25;
	v61 =	vmul.f32 v41, v8;
	v41 =	vor.u32 $0x380, v33  }
0x14b: {  	v40 =	vld [tilespmem:s7+$0x100];
	v6 =	vadd.f32 v6, v47;
	v58 =	vadd.f32 v21, v20;
	v21 =	vmul.f32 v60, v8  }
0x14c: {  	v28 =	vld.idx.msk [tilespmem:v45+s2+$0x0], $0xffff;
	v45 =	vmul.f32 v57, v3;
	v16 =	vmul.f32 v62, v2;
	v54 =	vadd.f32 v50, v1  }
0x14d: {  	v38 =	vld.idx.msk [tilespmem:v55+s2+$0x0], $0xffff;
	v57 =	vor.u32 $0x300, v14;
	v60 =	vor.u32 $0x380, v14;
	v12 =	vadd.f32 v11, v27  }
0x14e: {  	v44 =	vld.idx.msk [tilespmem:v63+s2+$0x0], $0xffff;
	v10 =	vmul.f32 v10, v2;
	v4 =	vadd.f32 v59, v4;
	v7 =	vadd.f32 v61, v7  }
0x14f: {  	v11 =	vmul.f32 v46, v2;
	v6 =	vadd.f32 v6, v53;
	v13 =	vadd.f32 v58, v24  }
0x150: {  	v56 =	vmax.f32 v54, $4.000000000e+00;
	v32 =	vmul.f32 v51, v8;
	v7 =	vadd.f32 v35, v7  }
0x151: {  	v49 =	vadd.f32 $9.000000000e+00, v40;
	v51 =	vmul.f32 v34, v3;
	v37 =	vmul.f32 v28, v25  }
0x152: {  	v47 =	vmul.f32 v38, v25;
	v48 =	vld.idx.msk [tilespmem:v41+s2+$0x0], $0xffff;
	v4 =	vadd.f32 v32, v4;
	v7 =	vadd.f32 v43, v7  }
0x153: {  	v52 =	vmul.f32 v44, v8;
	v53 =	vadd.f32 v49, v0;
	v5 =	vadd.f32 v37, v5  }
0x154: {  	v15 =	vadd.f32 v47, v15;
	v4 =	vadd.f32 v17, v4;
	v17 =	vmin.f32 v56, $6.800000000e+01  }
0x155: {  	v55 =	vmax.f32 v53, $4.000000000e+00;
	v5 =	vadd.f32 v21, v5;
	v59 =	vtrunc.f32 v17  }
0x156: {  	v15 =	vadd.f32 v52, v15;
	v4 =	vadd.f32 v45, v4;
	v22 =	vcvt.f32.s32 v59  }
0x157: {  	v18 =	vmul.f32 v48, v25;
	v5 =	vadd.f32 v16, v5;
	v16 =	vmin.f32 v55, $6.800000000e+01  }
0x158: {  	v15 =	vadd.f32 v11, v15;
	v58 =	vtrunc.f32 v16;
	vm8 =	vgt.s32 v22, $0x8  }
0x159: {  	v25 =	vadd.s32 $0x1, v22;
	v21 =	vcvt.f32.s32 v58;
	v35 =	vnsel vm8, $0x8, v22  }
0x15a: {  	v5 =	vadd.f32 v51, v5;
	vm10 =	vgt.s32 v25, $0x8;
	v37 =	vmin.u32 v35, $0x3F  }
0x15b: {  	v38 =	vnsel vm10, $0x8, v25;
	v63 =	vadd.s32 $0x1, v21;
	vm9 =	vgt.s32 v21, $0x8  }
0x15c: {  	v39 =	vmin.u32 v38, $0x3F;
	v43 =	vmul.u32 $0x38, v37;
	vm11 =	vgt.s32 v63, $0x8  }
0x15d: {  	v36 =	vnsel vm9, $0x8, v21;
	v45 =	vmul.u32 $0x38, v39;
	v44 =	vnsel vm11, $0x8, v63  }
0x15e: {  	v26 =	vmin.u32 v36, $0x3F;
	v11 =	vadd.s32 $0xFFFFFE40, v43;
	v29 =	vmin.u32 v44, $0x3F  }
0x15f: {  	v49 =	vld.idx.msk [tilespmem:v9+s2+$0x0], $0xffff;
	v46 =	vadd.s32 $0xFFFFFFF8, v26;
	v30 =	vadd.s32 $0xFFFFFE40, v45;
	v47 =	vadd.s32 $0xFFFFFFF8, v29  }
0x160: {  	v20 =	vld.idx.msk [tilespmem:v57+s2+$0x0], $0xffff;
	v48 =	vadd.s32 v46, v11;
	v31 =	vadd.s32 v46, v30;
	v11 =	vadd.s32 v47, v11  }
0x161: {  	v30 =	vadd.s32 v47, v30;
	v50 =	vand.u32 $0x7F, v48;
	v33 =	vshll.u32 v48, $0x3  }
0x162: {  	v51 =	vshll.u32 v11, $0x3;
	v33 =	vand.u32 $0x7FFFFC00, v33;
	v11 =	vand.u32 $0x7F, v11  }
0x163: {  	v23 =	vld.idx.msk [tilespmem:v60+s2+$0x0], $0xffff;
	v53 =	vshll.u32 v30, $0x3;
	v34 =	vand.u32 $0x7FFFFC00, v51;
	v33 =	vor.u32 v50, v33  }
0x164: {  	v30 =	vand.u32 $0x7F, v30;
	v55 =	vand.u32 $0x7FFFFC00, v53;
	v9 =	vor.u32 v11, v34  }
0x165: {  	v8 =	vmul.f32 v49, v8;
	v20 =	vmul.f32 v20, v3;
	v14 =	vor.u32 v30, v55  }
0x166: {  	v61 =	vcvt.s32.f32 v21;
	v52 =	vshll.u32 v31, $0x3;
	v56 =	vor.u32 $0x80, v33  }
0x167: {  	v54 =	vld [tilespmem:s5+$0x380];
	v31 =	vand.u32 $0x7F, v31;
	v11 =	vand.u32 $0x7FFFFC00, v52;
	v43 =	vor.u32 $0x100, v33  }
0x168: {  	v23 =	vmul.f32 v23, v3;
	v62 =	vcvt.s32.f32 v22;
	v11 =	vor.u32 v31, v11;
	v58 =	vld.idx.msk [tilespmem:v33+s2+$0x0], $0xffff  }
0x169: {  	v18 =	vadd.f32 v18, v19;
	v16 =	vsub.f32 v16, v61;
	v59 =	vor.u32 $0x80, v9;
	v61 =	vld.idx.msk [tilespmem:v9+s2+$0x0], $0xffff  }
0x16a: {  	v15 =	vadd.f32 v20, v15;
	v17 =	vsub.f32 v17, v62;
	v40 =	vor.u32 $0x80, v14;
	v42 =	vld.idx.msk [tilespmem:v14+s2+$0x0], $0xffff  }
0x16b: {  	v18 =	vadd.f32 v8, v18;
	vm14 =	veq.s32 v37, v22;
	v44 =	vor.u32 $0x100, v9;
	v19 =	vld.idx.msk [tilespmem:v56+s2+$0x0], $0xffff  }
0x16c: {  	v57 =	vsub.f32 $1.000000000e+00, v17;
	v17 =	vmul.f32 v17, v54;
	v47 =	vor.u32 $0x100, v14;
	v49 =	vld.idx.msk [tilespmem:v43+s2+$0x0], $0xffff  }
0x16d: {  	vm15 =	veq.s32 v25, v39;
	vm13 =	veq.s32 v63, v29;
	v50 =	vor.u32 $0x180, v9;
	v63 =	vld.idx.msk [tilespmem:v11+s2+$0x0], $0xffff  }
0x16e: {  	v10 =	vadd.f32 v10, v18;
	v8 =	vmul.f32 v57, v54;
	v54 =	vor.u32 $0x180, v14;
	v45 =	vld.idx.msk [tilespmem:v59+s2+$0x0], $0xffff  }
0x16f: {  	vm12 =	veq.s32 v26, v21;
	v17 =	vnsel vm15, $0x0, v17;
	v57 =	vor.u32 $0x200, v33;
	v29 =	vld.idx.msk [tilespmem:v40+s2+$0x0], $0xffff  }
0x170: {  	v23 =	vadd.f32 v23, v10;
	v60 =	vsub.f32 $1.000000000e+00, v16;
	v38 =	vor.u32 $0x200, v14;
	v51 =	vld.idx.msk [tilespmem:v44+s2+$0x0], $0xffff  }
0x171: {  	v8 =	vnsel vm14, $0x0, v8;
	v16 =	vnsel vm13, $0x0, v16;
	v62 =	vor.u32 $0x80, v11;
	v56 =	vld.idx.msk [tilespmem:v47+s2+$0x0], $0xffff  }
0x172: {  	v41 =	vnsel vm12, $0x0, v60;
	v3 =	vmul.f32 v17, v16;
	v46 =	vor.u32 $0x100, v11;
	v60 =	vld.idx.msk [tilespmem:v50+s2+$0x0], $0xffff  }
0x173: {  	v25 =	vmul.f32 v8, v41;
	v8 =	vmul.f32 v8, v16;
	v48 =	vor.u32 $0x180, v33;
	v20 =	vld.idx.msk [tilespmem:v54+s2+$0x0], $0xffff  }
0x174: {  	v2 =	vmul.f32 v17, v41;
	v37 =	vor.u32 $0x280, v33;
	v41 =	vor.u32 $0x280, v9;
	v40 =	vld.idx.msk [tilespmem:v57+s2+$0x0], $0xffff  }
0x175: {  	v52 =	vor.u32 $0x180, v11;
	v59 =	vor.u32 $0x200, v9;
	v50 =	vld.idx.msk [tilespmem:v38+s2+$0x0], $0xffff;
	v30 =	vmul.f32 v25, v58  }
0x176: {  	v44 =	vor.u32 $0x280, v11;
	v26 =	vld.idx.msk [tilespmem:v62+s2+$0x0], $0xffff;
	v21 =	vmul.f32 v8, v61;
	v19 =	vmul.f32 v25, v19  }
0x177: {  	v53 =	vld.idx.msk [tilespmem:v46+s2+$0x0], $0xffff;
	v46 =	vor.u32 $0x280, v14;
	v27 =	vmul.f32 v3, v42;
	v22 =	vmul.f32 v25, v49  }
0x178: {  	v58 =	vld.idx.msk [tilespmem:v48+s2+$0x0], $0xffff;
	v48 =	vor.u32 $0x300, v33;
	v55 =	vmul.f32 v2, v63;
	v62 =	vmul.f32 v8, v45  }
0x179: {  	v61 =	vor.u32 $0x200, v11;
	v42 =	vmul.f32 v8, v51;
	v45 =	vmul.f32 v3, v29  }
0x17a: {  	v47 =	vld.idx.msk [tilespmem:v37+s2+$0x0], $0xffff;
	v12 =	vadd.f32 v30, v12;
	v51 =	vmul.f32 v40, v25;
	v24 =	vmul.f32 v56, v3  }
0x17b: {  	v54 =	vld.idx.msk [tilespmem:v44+s2+$0x0], $0xffff;
	v20 =	vmul.f32 v20, v3;
	v32 =	vmul.f32 v50, v3;
	v44 =	vor.u32 $0x300, v14  }
0x17c: {  	v63 =	vld.idx.msk [tilespmem:v52+s2+$0x0], $0xffff;
	v14 =	vor.u32 $0x380, v14;
	v6 =	vadd.f32 v19, v6;
	v39 =	vmul.f32 v2, v26  }
0x17d: {  	v43 =	vld.idx.msk [tilespmem:v59+s2+$0x0], $0xffff;
	v13 =	vadd.f32 v22, v13;
	v18 =	vmul.f32 v53, v2;
	v53 =	vmul.f32 v60, v8  }
0x17e: {  	v52 =	vld.idx.msk [tilespmem:v41+s2+$0x0], $0xffff;
	v60 =	vor.u32 $0x300, v11;
	v12 =	vadd.f32 v12, v21;
	v4 =	vadd.f32 v51, v4  }
0x17f: {  	v6 =	vadd.f32 v6, v62;
	v13 =	vadd.f32 v13, v42;
	v49 =	vmul.f32 v58, v25;
	v17 =	vld.idx.msk [tilespmem:v61+s2+$0x0], $0xffff  }
0x180: {  	v58 =	vmul.f32 v47, v25;
	v62 =	vor.u32 $0x380, v33;
	v12 =	vadd.f32 v12, v55;
	v61 =	vld [tilespmem:s7+$0x200]  }
0x181: {  	v55 =	vor.u32 $0x300, v9;
	v6 =	vadd.f32 v6, v39;
	v57 =	vmul.f32 v63, v2;
	v63 =	vld [tilespmem:s7+$0x280]  }
0x182: {  	v59 =	vld.idx.msk [tilespmem:v48+s2+$0x0], $0xffff;
	v13 =	vadd.f32 v13, v18;
	v7 =	vadd.f32 v49, v7;
	v56 =	vmul.f32 v43, v8  }
0x183: {  	v5 =	vadd.f32 v58, v5;
	v19 =	vmul.f32 v52, v8;
	v10 =	vadd.f32 v12, v27  }
0x184: {  	v29 =	vld.idx.msk [tilespmem:v46+s2+$0x0], $0xffff;
	v47 =	vor.u32 $0x380, v11;
	v6 =	vadd.f32 v6, v45;
	v7 =	vadd.f32 v53, v7  }
0x185: {  	v9 =	vor.u32 $0x380, v9;
	v4 =	vadd.f32 v56, v4;
	v5 =	vadd.f32 v19, v5  }
0x186: {  	v16 =	vmul.f32 v54, v2;
	v31 =	vld.idx.msk [tilespmem:v55+s2+$0x0], $0xffff;
	v36 =	vadd.f32 $7.000000000e+00, v61;
	v37 =	vadd.f32 $9.000000000e+00, v63  }
0x187: {  	v12 =	vadd.f32 v13, v24;
	v34 =	vmul.f32 v59, v25;
	v7 =	vadd.f32 v57, v7  }
0x188: {  	v33 =	vld.idx.msk [tilespmem:v60+s2+$0x0], $0xffff;
	v17 =	vmul.f32 v17, v2;
	v40 =	vadd.f32 v36, v0;
	v41 =	vadd.f32 v37, v1  }
0x189: {  	v38 =	vmul.f32 v29, v3;
	v35 =	vld.idx.msk [tilespmem:v62+s2+$0x0], $0xffff;
	v5 =	vadd.f32 v16, v5;
	v15 =	vadd.f32 v34, v15  }
0x18a: {  	v4 =	vadd.f32 v17, v4;
	v42 =	vmax.f32 v40, $4.000000000e+00;
	v43 =	vmax.f32 v41, $4.000000000e+00  }
0x18b: {  	v39 =	vmul.f32 v31, v8;
	v16 =	vmin.f32 v42, $6.800000000e+01;
	v17 =	vmin.f32 v43, $6.800000000e+01  }
0x18c: {  	v7 =	vadd.f32 v20, v7;
	v45 =	vtrunc.f32 v16;
	v46 =	vtrunc.f32 v17  }
0x18d: {  	v5 =	vadd.f32 v38, v5;
	v20 =	vcvt.f32.s32 v45;
	v21 =	vcvt.f32.s32 v46  }
0x18e: {  	v13 =	vmul.f32 v33, v2;
	v18 =	vmul.f32 v35, v25;
	v15 =	vadd.f32 v39, v15  }
0x18f: {  	v50 =	vadd.s32 $0x1, v20;
	v25 =	vadd.s32 $0x1, v21;
	vm4 =	vgt.s32 v21, $0x8  }
0x190: {  	vm5 =	vgt.s32 v20, $0x8;
	v51 =	vnsel vm4, $0x8, v21;
	vm6 =	vgt.s32 v25, $0x8  }
0x191: {  	v52 =	vnsel vm5, $0x8, v20;
	v53 =	vmin.u32 v51, $0x3F;
	v54 =	vnsel vm6, $0x8, v25  }
0x192: {  	vm7 =	vgt.s32 v50, $0x8;
	v55 =	vmin.u32 v54, $0x3F;
	v56 =	vmul.u32 $0x38, v53  }
0x193: {  	v26 =	vmin.u32 v52, $0x3F;
	v57 =	vnsel vm7, $0x8, v50;
	v58 =	vmul.u32 $0x38, v55  }
0x194: {  	v29 =	vmin.u32 v57, $0x3F;
	v59 =	vadd.s32 $0xFFFFFFF8, v26;
	v11 =	vadd.s32 $0xFFFFFE40, v56  }
0x195: {  	v60 =	vadd.s32 $0xFFFFFFF8, v29;
	v30 =	vadd.s32 $0xFFFFFE40, v58;
	v61 =	vadd.s32 v59, v11  }
0x196: {  	v11 =	vadd.s32 v60, v11;
	v31 =	vadd.s32 v59, v30;
	v30 =	vadd.s32 v60, v30  }
0x197: {  	v63 =	vand.u32 $0x7F, v61;
	v33 =	vshll.u32 v61, $0x3;
	v36 =	vshll.u32 v11, $0x3  }
0x198: {  	v11 =	vand.u32 $0x7F, v11;
	v33 =	vand.u32 $0x7FFFFC00, v33;
	v34 =	vand.u32 $0x7FFFFC00, v36  }
0x199: {  	v62 =	vld.idx.msk [tilespmem:v9+s2+$0x0], $0xffff;
	v37 =	vshll.u32 v31, $0x3;
	v31 =	vand.u32 $0x7F, v31;
	v33 =	vor.u32 v63, v33  }
0x19a: {  	v14 =	vld.idx.msk [tilespmem:v14+s2+$0x0], $0xffff;
	v38 =	vshll.u32 v30, $0x3;
	v9 =	vor.u32 v11, v34;
	v11 =	vand.u32 $0x7FFFFC00, v37  }
0x19b: {  	s17 =	sadd.s32 s9, s26;
	v19 =	vld.idx.msk [tilespmem:v44+s2+$0x0], $0xffff;
	v30 =	vand.u32 $0x7F, v30;
	v40 =	vand.u32 $0x7FFFFC00, v38;
	v11 =	vor.u32 v31, v11  }
0x19c: {  	s14 =	sadd.s32 s3, s17;
	v41 =	vld.idx.msk [tilespmem:v47+s2+$0x0], $0xffff;
	v15 =	vadd.f32 v13, v15;
	v49 =	vcvt.s32.f32 v21;
	v13 =	vor.u32 v30, v40  }
0x19d: {  	v39 =	vld [tilespmem:s14+$0x0];
	v42 =	vor.u32 $0x80, v33  }
0x19e: {  	v8 =	vmul.f32 v62, v8;
	v17 =	vsub.f32 v17, v49;
	v45 =	vor.u32 $0x80, v9;
	v44 =	vld.idx.msk [tilespmem:v33+s2+$0x0], $0xffff  }
0x19f: {  	v18 =	vadd.f32 v18, v23;
	vm10 =	veq.s32 v53, v21;
	v53 =	vor.u32 $0x100, v33;
	v47 =	vld.idx.msk [tilespmem:v9+s2+$0x0], $0xffff  }
0x1a0: {  	v48 =	vcvt.s32.f32 v20;
	v43 =	vsub.f32 $1.000000000e+00, v17;
	v54 =	vor.u32 $0x100, v9;
	v49 =	vld.idx.msk [tilespmem:v11+s2+$0x0], $0xffff  }
0x1a1: {  	v14 =	vmul.f32 v14, v3;
	v18 =	vadd.f32 v8, v18;
	v60 =	vor.u32 $0x180, v9;
	v52 =	vld.idx.msk [tilespmem:v13+s2+$0x0], $0xffff  }
0x1a2: {  	v16 =	vsub.f32 v16, v48;
	v8 =	vmul.f32 v43, v39;
	v43 =	vor.u32 $0x200, v33;
	v22 =	vld.idx.msk [tilespmem:v42+s2+$0x0], $0xffff  }
0x1a3: {  	v19 =	vmul.f32 v19, v3;
	v4 =	vadd.f32 v32, v4;
	vm11 =	veq.s32 v25, v55;
	v55 =	vld.idx.msk [tilespmem:v45+s2+$0x0], $0xffff  }
0x1a4: {  	vm8 =	veq.s32 v26, v20;
	v46 =	vsub.f32 $1.000000000e+00, v16;
	v48 =	vor.u32 $0x80, v11;
	v59 =	vld.idx.msk [tilespmem:v53+s2+$0x0], $0xffff  }
0x1a5: {  	vm9 =	veq.s32 v50, v29;
	v17 =	vmul.f32 v17, v39;
	v50 =	vor.u32 $0x80, v13;
	v61 =	vld.idx.msk [tilespmem:v54+s2+$0x0], $0xffff  }
0x1a6: {  	v15 =	vadd.f32 v19, v15;
	v51 =	vnsel vm8, $0x0, v46;
	v56 =	vor.u32 $0x100, v11;
	v46 =	vld.idx.msk [tilespmem:v60+s2+$0x0], $0xffff  }
0x1a7: {  	v16 =	vnsel vm9, $0x0, v16;
	v17 =	vnsel vm11, $0x0, v17;
	v57 =	vor.u32 $0x100, v13;
	v53 =	vld.idx.msk [tilespmem:v43+s2+$0x0], $0xffff  }
0x1a8: {  	v8 =	vnsel vm10, $0x0, v8;
	v34 =	vmul.f32 v41, v2;
	v40 =	vor.u32 $0x180, v13;
	v43 =	vld [tilespmem:s7+$0x380]  }
0x1a9: {  	v3 =	vmul.f32 v17, v16;
	v25 =	vmul.f32 v8, v51;
	v58 =	vor.u32 $0x180, v33;
	v26 =	vld.idx.msk [tilespmem:v48+s2+$0x0], $0xffff  }
0x1aa: {  	v8 =	vmul.f32 v8, v16;
	v62 =	vor.u32 $0x180, v11;
	v18 =	vadd.f32 v34, v18;
	v29 =	vld.idx.msk [tilespmem:v50+s2+$0x0], $0xffff  }
0x1ab: {  	v2 =	vmul.f32 v17, v51;
	v35 =	vor.u32 $0x300, v9;
	v45 =	vor.u32 $0x200, v9;
	v63 =	vld.idx.msk [tilespmem:v56+s2+$0x0], $0xffff  }
0x1ac: {  	v51 =	vor.u32 $0x200, v13;
	v14 =	vadd.f32 v14, v18;
	v54 =	vor.u32 $0x280, v9;
	v42 =	vld.idx.msk [tilespmem:v57+s2+$0x0], $0xffff  }
0x1ad: {  	v9 =	vor.u32 $0x380, v9;
	v50 =	vor.u32 $0x280, v33;
	v30 =	vld.idx.msk [tilespmem:v40+s2+$0x0], $0xffff;
	v23 =	vmul.f32 v25, v44  }
0x1ae: {  	v57 =	vor.u32 $0x280, v11;
	v20 =	vmul.f32 v8, v47;
	v44 =	vld.idx.msk [tilespmem:v58+s2+$0x0], $0xffff;
	v41 =	vmul.f32 v2, v49  }
0x1af: {  	v40 =	vor.u32 $0x300, v11;
	v22 =	vmul.f32 v25, v22;
	v48 =	vmul.f32 v8, v55;
	v49 =	vld.idx.msk [tilespmem:v62+s2+$0x0], $0xffff  }
0x1b0: {  	v47 =	vor.u32 $0x200, v11;
	v27 =	vmul.f32 v3, v52;
	v21 =	vmul.f32 v25, v59;
	v56 =	vld.idx.msk [tilespmem:v45+s2+$0x0], $0xffff  }
0x1b1: {  	v55 =	vmul.f32 v8, v61;
	v59 =	vor.u32 $0x280, v13;
	v31 =	vmul.f32 v53, v25;
	v32 =	vld.idx.msk [tilespmem:v54+s2+$0x0], $0xffff  }
0x1b2: {  	v61 =	vor.u32 $0x300, v33;
	v16 =	vmul.f32 v46, v8;
	v45 =	vld.idx.msk [tilespmem:v35+s2+$0x0], $0xffff;
	v52 =	vmul.f32 v2, v26  }
0x1b3: {  	v9 =	vld.idx.msk [tilespmem:v9+s2+$0x0], $0xffff;
	v10 =	vadd.f32 v23, v10;
	v58 =	vmul.f32 v3, v29;
	v19 =	vmul.f32 v63, v2  }
0x1b4: {  	v63 =	vld.idx.msk [tilespmem:v51+s2+$0x0], $0xffff;
	v24 =	vmul.f32 v42, v3;
	v51 =	vadd.f32 $9.000000000e+00, v43;
	v6 =	vadd.f32 v22, v6  }
0x1b5: {  	v60 =	vld.idx.msk [tilespmem:v50+s2+$0x0], $0xffff;
	v42 =	vor.u32 $0x380, v33;
	v12 =	vadd.f32 v21, v12;
	v4 =	vadd.f32 v31, v4  }
0x1b6: {  	v34 =	vld.idx.msk [tilespmem:v57+s2+$0x0], $0xffff;
	v57 =	vor.u32 $0x300, v13;
	v10 =	vadd.f32 v10, v20;
	v54 =	vadd.f32 v51, v1  }
0x1b7: {  	v6 =	vadd.f32 v6, v48;
	v17 =	vld.idx.msk [tilespmem:v47+s2+$0x0], $0xffff;
	v12 =	vadd.f32 v12, v55;
	v62 =	vmul.f32 v44, v25  }
0x1b8: {  	v44 =	vmul.f32 v30, v3;
	v47 =	vld.idx.msk [tilespmem:v40+s2+$0x0], $0xffff;
	v10 =	vadd.f32 v10, v41;
	v36 =	vmul.f32 v56, v8  }
0x1b9: {  	v38 =	vmul.f32 v49, v2;
	v39 =	vld.idx.msk [tilespmem:v61+s2+$0x0], $0xffff;
	v20 =	vmul.f32 v32, v8;
	v56 =	vmax.f32 v54, $4.000000000e+00  }
0x1ba: {  	v41 =	vld [tilespmem:s7+$0x300];
	v61 =	vor.u32 $0x380, v13;
	v6 =	vadd.f32 v6, v52;
	v12 =	vadd.f32 v12, v19  }
0x1bb: {  	v37 =	vld.idx.msk [tilespmem:v59+s2+$0x0], $0xffff;
	v7 =	vadd.f32 v62, v7;
	v21 =	vmul.f32 v60, v25;
	v46 =	vmul.f32 v63, v3  }
0x1bc: {  	v18 =	vmul.f32 v34, v2;
	v49 =	vld.idx.msk [tilespmem:v42+s2+$0x0], $0xffff;
	v10 =	vadd.f32 v10, v27;
	v4 =	vadd.f32 v36, v4  }
0x1bd: {  	v60 =	vor.u32 $0x380, v11;
	v6 =	vadd.f32 v6, v58;
	v5 =	vadd.f32 v21, v5  }
0x1be: {  	v7 =	vadd.f32 v16, v7;
	v17 =	vmul.f32 v17, v2;
	v16 =	vmul.f32 v47, v2  }
0x1bf: {  	v5 =	vadd.f32 v20, v5;
	v48 =	vmul.f32 v39, v25;
	v50 =	vadd.f32 $8.000000000e+00, v41  }
0x1c0: {  	v52 =	vmul.f32 v37, v3;
	v4 =	vadd.f32 v17, v4;
	v17 =	vmul.f32 v45, v8  }
0x1c1: {  	v7 =	vadd.f32 v38, v7;
	v19 =	vmul.f32 v49, v25;
	v8 =	vmul.f32 v9, v8  }
0x1c2: {  	v5 =	vadd.f32 v18, v5;
	v53 =	vadd.f32 v50, v0;
	v18 =	vmin.f32 v56, $6.800000000e+01  }
0x1c3: {  	v7 =	vadd.f32 v44, v7;
	v15 =	vadd.f32 v48, v15;
	v59 =	vtrunc.f32 v18  }
0x1c4: {  	v4 =	vadd.f32 v46, v4;
	v55 =	vmax.f32 v53, $4.000000000e+00;
	v22 =	vcvt.f32.s32 v59  }
0x1c5: {  	v14 =	vadd.f32 v19, v14;
	v15 =	vadd.f32 v17, v15;
	v17 =	vmin.f32 v55, $6.800000000e+01  }
0x1c6: {  	v5 =	vadd.f32 v52, v5;
	v58 =	vtrunc.f32 v17;
	vm12 =	vgt.s32 v22, $0x8  }
0x1c7: {  	v26 =	vadd.s32 $0x1, v22;
	v21 =	vcvt.f32.s32 v58;
	v34 =	vnsel vm12, $0x8, v22  }
0x1c8: {  	v16 =	vadd.f32 v16, v15;
	vm14 =	vgt.s32 v26, $0x8;
	v27 =	vmin.u32 v34, $0x3F  }
0x1c9: {  	v36 =	vnsel vm14, $0x8, v26;
	v25 =	vadd.s32 $0x1, v21;
	vm13 =	vgt.s32 v21, $0x8  }
0x1ca: {  	v37 =	vmin.u32 v36, $0x3F;
	v38 =	vmul.u32 $0x38, v27;
	vm15 =	vgt.s32 v25, $0x8  }
0x1cb: {  	v35 =	vnsel vm13, $0x8, v21;
	v41 =	vmul.u32 $0x38, v37;
	v40 =	vnsel vm15, $0x8, v25  }
0x1cc: {  	v39 =	vmin.u32 v35, $0x3F;
	v11 =	vadd.s32 $0xFFFFFE40, v38;
	v42 =	vmin.u32 v40, $0x3F  }
0x1cd: {  	v43 =	vadd.s32 $0xFFFFFFF8, v39;
	v30 =	vadd.s32 $0xFFFFFE40, v41;
	v44 =	vadd.s32 $0xFFFFFFF8, v42  }
0x1ce: {  	v20 =	vld.idx.msk [tilespmem:v57+s2+$0x0], $0xffff;
	v45 =	vadd.s32 v43, v11;
	v46 =	vadd.s32 v43, v30;
	v11 =	vadd.s32 v44, v11  }
0x1cf: {  	v30 =	vadd.s32 v44, v30;
	v47 =	vand.u32 $0x7F, v45;
	v48 =	vshll.u32 v45, $0x3  }
0x1d0: {  	v49 =	vshll.u32 v11, $0x3;
	v32 =	vand.u32 $0x7FFFFC00, v48;
	v11 =	vand.u32 $0x7F, v11  }
0x1d1: {  	v52 =	vshll.u32 v30, $0x3;
	v33 =	vand.u32 $0x7FFFFC00, v49;
	v32 =	vor.u32 v47, v32  }
0x1d2: {  	v23 =	vld.idx.msk [tilespmem:v60+s2+$0x0], $0xffff;
	v30 =	vand.u32 $0x7F, v30;
	v54 =	vand.u32 $0x7FFFFC00, v52;
	v15 =	vor.u32 v11, v33  }
0x1d3: {  	v12 =	vadd.f32 v12, v24;
	v57 =	vld.idx.msk [tilespmem:v61+s2+$0x0], $0xffff;
	v56 =	vmul.f32 v20, v3;
	v13 =	vor.u32 v30, v54  }
0x1d4: {  	v14 =	vadd.f32 v8, v14;
	v63 =	vcvt.s32.f32 v22;
	v58 =	vor.u32 $0x80, v32  }
0x1d5: {  	v53 =	vld [tilespmem:s14+$0x80];
	vm7 =	veq.s32 v26, v37;
	v50 =	vshll.u32 v46, $0x3;
	v44 =	vor.u32 $0x100, v32  }
0x1d6: {  	v51 =	vand.u32 $0x7F, v46;
	v11 =	vand.u32 $0x7FFFFC00, v50;
	v37 =	vor.u32 $0x180, v32;
	v60 =	vld.idx.msk [tilespmem:v32+s2+$0x0], $0xffff  }
0x1d7: {  	v2 =	vmul.f32 v23, v2;
	v55 =	vsub.f32 v18, v63;
	v11 =	vor.u32 v51, v11;
	v63 =	vld.idx.msk [tilespmem:v15+s2+$0x0], $0xffff  }
0x1d8: {  	v3 =	vmul.f32 v57, v3;
	v16 =	vadd.f32 v56, v16;
	v61 =	vor.u32 $0x80, v15;
	v43 =	vld.idx.msk [tilespmem:v13+s2+$0x0], $0xffff  }
0x1d9: {  	v14 =	vadd.f32 v2, v14;
	v62 =	vcvt.s32.f32 v21;
	v41 =	vor.u32 $0x80, v13;
	v19 =	vld.idx.msk [tilespmem:v58+s2+$0x0], $0xffff  }
0x1da: {  	vm6 =	veq.s32 v27, v22;
	v59 =	vsub.f32 $1.000000000e+00, v55;
	v45 =	vor.u32 $0x100, v15;
	v49 =	vld.idx.msk [tilespmem:v44+s2+$0x0], $0xffff  }
0x1db: {  	v9 =	vmul.f32 v55, v53;
	v17 =	vsub.f32 v17, v62;
	v48 =	vor.u32 $0x100, v13;
	v57 =	vld.idx.msk [tilespmem:v37+s2+$0x0], $0xffff  }
0x1dc: {  	v35 =	vadd.f32 v3, v14;
	vm4 =	veq.s32 v39, v21;
	v54 =	vor.u32 $0x180, v13;
	v40 =	vld.idx.msk [tilespmem:v11+s2+$0x0], $0xffff  }
0x1dd: {  	v8 =	vmul.f32 v59, v53;
	v9 =	vnsel vm7, $0x0, v9;
	v56 =	vor.u32 $0x200, v32;
	v46 =	vld.idx.msk [tilespmem:v61+s2+$0x0], $0xffff  }
0x1de: {  	v62 =	vsub.f32 $1.000000000e+00, v17;
	vm5 =	veq.s32 v25, v42;
	v39 =	vor.u32 $0x80, v11;
	v31 =	vld.idx.msk [tilespmem:v41+s2+$0x0], $0xffff  }
0x1df: {  	v8 =	vnsel vm6, $0x0, v8;
	v17 =	vnsel vm5, $0x0, v17;
	v47 =	vor.u32 $0x100, v11;
	v51 =	vld.idx.msk [tilespmem:v45+s2+$0x0], $0xffff  }
0x1e0: {  	v42 =	vnsel vm4, $0x0, v62;
	v36 =	vmul.f32 v8, v17;
	v50 =	vor.u32 $0x180, v15;
	v25 =	vld.idx.msk [tilespmem:v48+s2+$0x0], $0xffff  }
0x1e1: {  	v2 =	vmul.f32 v9, v17;
	v26 =	vmul.f32 v8, v42;
	v52 =	vor.u32 $0x180, v11;
	v38 =	vld.idx.msk [tilespmem:v54+s2+$0x0], $0xffff  }
0x1e2: {  	v8 =	vmul.f32 v9, v42;
	v30 =	vor.u32 $0x380, v32;
	v58 =	vor.u32 $0x200, v15;
	v41 =	vld.idx.msk [tilespmem:v56+s2+$0x0], $0xffff  }
0x1e3: {  	v42 =	vor.u32 $0x280, v15;
	v37 =	vor.u32 $0x280, v32;
	v61 =	vor.u32 $0x200, v11;
	v29 =	vld.idx.msk [tilespmem:v39+s2+$0x0], $0xffff  }
0x1e4: {  	v45 =	vor.u32 $0x280, v11;
	v56 =	vor.u32 $0x300, v15;
	v53 =	vld.idx.msk [tilespmem:v47+s2+$0x0], $0xffff;
	v24 =	vmul.f32 v26, v60  }
0x1e5: {  	v39 =	vor.u32 $0x200, v13;
	v60 =	vld.idx.msk [tilespmem:v50+s2+$0x0], $0xffff;
	v21 =	vmul.f32 v36, v63;
	v19 =	vmul.f32 v26, v19  }
0x1e6: {  	v47 =	vor.u32 $0x280, v13;
	v63 =	vld.idx.msk [tilespmem:v52+s2+$0x0], $0xffff;
	v27 =	vmul.f32 v2, v43;
	v22 =	vmul.f32 v26, v49  }
0x1e7: {  	v44 =	vld.idx.msk [tilespmem:v58+s2+$0x0], $0xffff;
	v49 =	vor.u32 $0x300, v32;
	v50 =	vmul.f32 v57, v26;
	v55 =	vmul.f32 v8, v40  }
0x1e8: {  	v48 =	vld.idx.msk [tilespmem:v37+s2+$0x0], $0xffff;
	v37 =	vor.u32 $0x380, v15;
	v62 =	vmul.f32 v36, v46;
	v43 =	vmul.f32 v36, v51  }
0x1e9: {  	v10 =	vadd.f32 v24, v10;
	v46 =	vmul.f32 v2, v31;
	v17 =	vld.idx.msk [tilespmem:v61+s2+$0x0], $0xffff;
	v52 =	vmul.f32 v41, v26  }
0x1ea: {  	v25 =	vmul.f32 v25, v2;
	v31 =	vld [tilespmem:s5+$0x80];
	v32 =	vmul.f32 v38, v2;
	v6 =	vadd.f32 v19, v6  }
0x1eb: {  	v33 =	vld.idx.msk [tilespmem:v56+s2+$0x0], $0xffff;
	v40 =	vmul.f32 v8, v29;
	v12 =	vadd.f32 v22, v12;
	v3 =	vadd.f32 v50, v7  }
0x1ec: {  	v41 =	vld.idx.msk [tilespmem:v30+s2+$0x0], $0xffff;
	v18 =	vmul.f32 v53, v8;
	v10 =	vadd.f32 v10, v21;
	v4 =	vadd.f32 v52, v4  }
0x1ed: {  	v51 =	vld.idx.msk [tilespmem:v39+s2+$0x0], $0xffff;
	v6 =	vadd.f32 v6, v62;
	v12 =	vadd.f32 v12, v43;
	v54 =	vmul.f32 v60, v36  }
0x1ee: {  	v53 =	vld.idx.msk [tilespmem:v42+s2+$0x0], $0xffff;
	v62 =	vor.u32 $0x300, v11;
	v11 =	vor.u32 $0x380, v11;
	v59 =	vadd.f32 v10, v55  }
0x1ef: {  	v58 =	vld.idx.msk [tilespmem:v47+s2+$0x0], $0xffff;
	v57 =	vmul.f32 v44, v36;
	v60 =	vmul.f32 v48, v26;
	v6 =	vadd.f32 v6, v40  }
0x1f0: {  	v61 =	vld.idx.msk [tilespmem:v49+s2+$0x0], $0xffff;
	v49 =	vor.u32 $0x380, v13;
	v12 =	vadd.f32 v12, v18;
	v3 =	vadd.f32 v54, v3  }
0x1f1: {  	v55 =	vld.idx.msk [tilespmem:v45+s2+$0x0], $0xffff;
	v17 =	vmul.f32 v17, v8;
	v43 =	vadd.f32 $9.000000000e+00, v31;
	v45 =	vmul.f32 v33, v36  }
0x1f2: {  	v15 =	vmul.f32 v41, v26;
	v9 =	vadd.f32 v59, v27;
	v59 =	vmul.f32 v63, v8;
	v63 =	vld [tilespmem:s5+$0x0]  }
0x1f3: {  	v7 =	vld.idx.msk [tilespmem:v37+s2+$0x0], $0xffff;
	v4 =	vadd.f32 v57, v4;
	v5 =	vadd.f32 v60, v5;
	v19 =	vmul.f32 v53, v36  }
0x1f4: {  	v34 =	vmul.f32 v51, v2;
	v6 =	vadd.f32 v6, v46;
	v14 =	vadd.f32 v12, v25  }
0x1f5: {  	v44 =	vmul.f32 v58, v2;
	v1 =	vadd.f32 v43, v1;
	v50 =	vadd.f32 v15, v35  }
0x1f6: {  	v46 =	vor.u32 $0x300, v13;
	v3 =	vadd.f32 v59, v3;
	v4 =	vadd.f32 v17, v4  }
0x1f7: {  	v19 =	vadd.f32 v19, v5;
	v39 =	vld.idx.msk [tilespmem:v62+s2+$0x0], $0xffff;
	v10 =	vmul.f32 v55, v8;
	v42 =	vadd.f32 $9.000000000e+00, v63  }
0x1f8: {  	v11 =	vld.idx.msk [tilespmem:v11+s2+$0x0], $0xffff;
	v40 =	vmul.f32 v61, v26;
	v1 =	vmax.f32 v1, $4.000000000e+00;
	v7 =	vmul.f32 v7, v36  }
0x1f9: {  	v5 =	vadd.f32 v32, v3;
	v1 =	vmin.f32 v1, $6.800000000e+01;
	v0 =	vadd.f32 v42, v0  }
0x1fa: {  	v38 =	vadd.f32 v10, v19;
	v12 =	vadd.f32 v40, v16;
	v48 =	vtrunc.f32 v1  }
0x1fb: {  	v7 =	vadd.f32 v7, v50;
	v19 =	vcvt.f32.s32 v48;
	v0 =	vmax.f32 v0, $4.000000000e+00  }
0x1fc: {  	v12 =	vadd.f32 v45, v12;
	v10 =	vmul.f32 v39, v8;
	v0 =	vmin.f32 v0, $6.800000000e+01  }
0x1fd: {  	v8 =	vmul.f32 v11, v8;
	v22 =	vadd.s32 $0x1, v19;
	v47 =	vtrunc.f32 v0  }
0x1fe: {  	vm8 =	vgt.s32 v19, $0x8;
	vm10 =	vgt.s32 v22, $0x8;
	v18 =	vcvt.f32.s32 v47  }
0x1ff: {  	v16 =	vadd.f32 v10, v12;
	v51 =	vnsel vm8, $0x8, v19;
	v53 =	vnsel vm10, $0x8, v22  }
0x200: {  	v23 =	vmin.u32 v51, $0x3F;
	v24 =	vmin.u32 v53, $0x3F;
	v21 =	vadd.s32 $0x1, v18  }
0x201: {  	v54 =	vmul.u32 $0x38, v23;
	vm9 =	vgt.s32 v18, $0x8;
	vm11 =	vgt.s32 v21, $0x8  }
0x202: {  	v57 =	vmul.u32 $0x38, v24;
	v52 =	vnsel vm9, $0x8, v18;
	v56 =	vnsel vm11, $0x8, v21  }
0x203: {  	v10 =	vadd.s32 $0xFFFFFE40, v54;
	v55 =	vmin.u32 v52, $0x3F;
	v58 =	vmin.u32 v56, $0x3F  }
0x204: {  	v15 =	vadd.s32 $0xFFFFFE40, v57;
	v59 =	vadd.s32 $0xFFFFFFF8, v55;
	v60 =	vadd.s32 $0xFFFFFFF8, v58  }
0x205: {  	v61 =	vadd.s32 v59, v10;
	v62 =	vadd.s32 v59, v15;
	v10 =	vadd.s32 v60, v10  }
0x206: {  	v27 =	vadd.s32 v60, v15;
	v63 =	vand.u32 $0x7F, v61;
	v32 =	vshll.u32 v61, $0x3  }
0x207: {  	v17 =	vld.idx.msk [tilespmem:v46+s2+$0x0], $0xffff;
	v33 =	vshll.u32 v10, $0x3;
	v15 =	vand.u32 $0x7FFFFC00, v32;
	v10 =	vand.u32 $0x7F, v10  }
0x208: {  	v36 =	vshll.u32 v27, $0x3;
	v28 =	vand.u32 $0x7FFFFC00, v33;
	v15 =	vor.u32 v63, v15  }
0x209: {  	v27 =	vand.u32 $0x7F, v27;
	v37 =	vand.u32 $0x7FFFFC00, v36;
	v13 =	vor.u32 v10, v28  }
0x20a: {  	v3 =	vadd.f32 v34, v4;
	v39 =	vcvt.s32.f32 v19;
	v12 =	vor.u32 v27, v37  }
0x20b: {  	v40 =	vld [tilespmem:s14+$0x100];
	v4 =	vadd.f32 v44, v38;
	v8 =	vadd.f32 v8, v7;
	v42 =	vor.u32 $0x80, v15  }
0x20c: {  	v38 =	vld.idx.msk [tilespmem:v49+s2+$0x0], $0xffff;
	v1 =	vsub.f32 v1, v39;
	v17 =	vmul.f32 v17, v2;
	v51 =	vor.u32 $0x100, v15  }
0x20d: {  	v41 =	vcvt.s32.f32 v18;
	v34 =	vshll.u32 v62, $0x3;
	v59 =	vor.u32 $0x180, v15;
	v43 =	vld.idx.msk [tilespmem:v15+s2+$0x0], $0xffff  }
0x20e: {  	v35 =	vand.u32 $0x7F, v62;
	v10 =	vand.u32 $0x7FFFFC00, v34;
	v37 =	vor.u32 $0x200, v15;
	v45 =	vld.idx.msk [tilespmem:v13+s2+$0x0], $0xffff  }
0x20f: {  	v0 =	vsub.f32 v0, v41;
	vm12 =	veq.s32 v55, v18;
	v10 =	vor.u32 v35, v10;
	v18 =	vld.idx.msk [tilespmem:v12+s2+$0x0], $0xffff  }
0x210: {  	vm14 =	veq.s32 v23, v19;
	v47 =	vsub.f32 $1.000000000e+00, v1;
	v44 =	vor.u32 $0x80, v13;
	v52 =	vld.idx.msk [tilespmem:v42+s2+$0x0], $0xffff  }
0x211: {  	v1 =	vmul.f32 v1, v40;
	v50 =	vsub.f32 $1.000000000e+00, v0;
	v49 =	vor.u32 $0x80, v12;
	v25 =	vld.idx.msk [tilespmem:v51+s2+$0x0], $0xffff  }
0x212: {  	vm15 =	veq.s32 v22, v24;
	v2 =	vmul.f32 v38, v2;
	v53 =	vor.u32 $0x100, v13;
	v39 =	vld.idx.msk [tilespmem:v59+s2+$0x0], $0xffff  }
0x213: {  	vm13 =	veq.s32 v21, v58;
	v54 =	vnsel vm12, $0x0, v50;
	v58 =	vor.u32 $0x100, v12;
	v50 =	vld.idx.msk [tilespmem:v37+s2+$0x0], $0xffff  }
0x214: {  	v16 =	vadd.f32 v17, v16;
	v7 =	vmul.f32 v47, v40;
	v60 =	vor.u32 $0x180, v13;
	v48 =	vld.idx.msk [tilespmem:v10+s2+$0x0], $0xffff  }
0x215: {  	v1 =	vnsel vm15, $0x0, v1;
	v29 =	vadd.f32 v2, v8;
	v40 =	vor.u32 $0x200, v13;
	v55 =	vld.idx.msk [tilespmem:v44+s2+$0x0], $0xffff  }
0x216: {  	v7 =	vnsel vm14, $0x0, v7;
	v0 =	vnsel vm13, $0x0, v0;
	v46 =	vor.u32 $0x80, v10;
	v24 =	vld.idx.msk [tilespmem:v49+s2+$0x0], $0xffff  }
0x217: {  	v22 =	vmul.f32 v7, v54;
	v33 =	vmul.f32 v7, v0;
	v56 =	vor.u32 $0x100, v10;
	v26 =	vld.idx.msk [tilespmem:v53+s2+$0x0], $0xffff  }
0x218: {  	v7 =	vmul.f32 v1, v54;
	v63 =	vor.u32 $0x180, v12;
	v61 =	vor.u32 $0x180, v10;
	v36 =	vld.idx.msk [tilespmem:v58+s2+$0x0], $0xffff  }
0x219: {  	v51 =	vor.u32 $0x280, v13;
	v37 =	vor.u32 $0x280, v12;
	v42 =	vld.idx.msk [tilespmem:v60+s2+$0x0], $0xffff;
	v49 =	vor.u32 $0x280, v15  }
0x21a: {  	v21 =	vld.idx.msk [tilespmem:v40+s2+$0x0], $0xffff;
	v53 =	vor.u32 $0x280, v10;
	v40 =	vor.u32 $0x300, v10;
	v11 =	vmul.f32 v22, v43  }
0x21b: {  	v57 =	vld.idx.msk [tilespmem:v46+s2+$0x0], $0xffff;
	v46 =	vor.u32 $0x200, v12;
	v35 =	vmul.f32 v33, v45;
	v38 =	vmul.f32 v22, v52  }
0x21c: {  	v62 =	vld.idx.msk [tilespmem:v56+s2+$0x0], $0xffff;
	v43 =	vor.u32 $0x200, v10;
	v47 =	vmul.f32 v22, v25;
	v8 =	vmul.f32 v39, v22  }
0x21d: {  	v10 =	vor.u32 $0x380, v10;
	v45 =	vld.idx.msk [tilespmem:v61+s2+$0x0], $0xffff;
	v41 =	vmul.f32 v7, v48;
	v44 =	vmul.f32 v33, v55  }
0x21e: {  	v9 =	vadd.f32 v11, v9;
	v11 =	vmul.f32 v1, v0;
	v48 =	vld.idx.msk [tilespmem:v63+s2+$0x0], $0xffff;
	v52 =	vmul.f32 v33, v26  }
0x21f: {  	v55 =	vor.u32 $0x300, v15;
	v59 =	vmul.f32 v42, v33;
	v60 =	vld.idx.msk [tilespmem:v49+s2+$0x0], $0xffff;
	v39 =	vmul.f32 v21, v33  }
0x220: {  	v63 =	vld.idx.msk [tilespmem:v51+s2+$0x0], $0xffff;
	v15 =	vor.u32 $0x380, v15;
	v2 =	vadd.f32 v38, v6;
	v0 =	vadd.f32 v47, v14  }
0x221: {  	s5 =	sor.u32 $0x10, s3;
	v34 =	vld.idx.msk [tilespmem:v53+s2+$0x0], $0xffff;
	v20 =	vmul.f32 v7, v57;
	v56 =	vmul.f32 v62, v7;
	v58 =	vadd.f32 v8, v5  }
0x222: {  	s12 =	sadd.s32 s5, s12;
	v57 =	vld.idx.msk [tilespmem:v46+s2+$0x0], $0xffff;
	v6 =	vmul.f32 v50, v22;
	v9 =	vadd.f32 v9, v35;
	v18 =	vmul.f32 v11, v18  }
0x223: {  	s11 =	sor.u32 s5, s11;
	v38 =	vld [tilespmem:s12+$0x80];
	v61 =	vmul.f32 v11, v24;
	v62 =	vmul.f32 v36, v11;
	v35 =	vor.u32 $0x300, v13  }
0x224: {  	v8 =	vld [tilespmem:s11+$0x80];
	v13 =	vor.u32 $0x380, v13;
	v2 =	vadd.f32 v2, v44;
	v0 =	vadd.f32 v0, v52  }
0x225: {  	v54 =	vld.idx.msk [tilespmem:v43+s2+$0x0], $0xffff;
	v5 =	vadd.f32 v59, v58;
	v3 =	vadd.f32 v6, v3;
	v43 =	vor.u32 $0x300, v12  }
0x226: {  	v44 =	vld [tilespmem:s12+$0x0];
	v12 =	vor.u32 $0x380, v12;
	v9 =	vadd.f32 v9, v41;
	v32 =	vmul.f32 v45, v7  }
0x227: {  	v20 =	vadd.f32 v2, v20;
	v0 =	vadd.f32 v0, v56;
	v36 =	vld.idx.msk [tilespmem:v55+s2+$0x0], $0xffff;
	v41 =	vmul.f32 v48, v11  }
0x228: {  	v42 =	vmul.f32 v60, v22;
	v6 =	vadd.f32 v39, v3;
	v48 =	vld.idx.msk [tilespmem:v40+s2+$0x0], $0xffff;
	v2 =	vadd.f32 v9, v18  }
0x229: {  	v45 =	vmul.f32 v63, v33;
	v5 =	vadd.f32 v32, v5;
	v9 =	vld [tilespmem:s11+$0x0];
	v47 =	vadd.f32 $7.000000000e+00, v38  }
0x22a: {  	v49 =	vmul.f32 v34, v7;
	v1 =	vadd.f32 v20, v61;
	v4 =	vadd.f32 v42, v4  }
0x22b: {  	v24 =	vld.idx.msk [tilespmem:v35+s2+$0x0], $0xffff;
	v28 =	vmul.f32 v54, v7;
	v3 =	vadd.f32 v41, v5;
	v19 =	vadd.f32 v47, v8  }
0x22c: {  	v46 =	vmul.f32 v57, v11;
	v50 =	vld.idx.msk [tilespmem:v43+s2+$0x0], $0xffff;
	v51 =	vadd.f32 $7.000000000e+00, v44;
	v5 =	vadd.f32 v45, v4  }
0x22d: {  	v6 =	vadd.f32 v28, v6;
	v18 =	vmul.f32 v36, v22;
	v55 =	vmax.f32 v19, $4.000000000e+00  }
0x22e: {  	v57 =	vmul.f32 v48, v7;
	v54 =	vadd.f32 v51, v9;
	v56 =	vmin.f32 v55, $6.800000000e+01  }
0x22f: {  	v5 =	vadd.f32 v49, v5;
	v4 =	vadd.f32 v46, v6;
	v58 =	vtrunc.f32 v56  }
0x230: {  	v52 =	vadd.f32 v18, v16;
	v16 =	vmax.f32 v54, $4.000000000e+00;
	v19 =	vcvt.f32.s32 v58  }
0x231: {  	v53 =	vmul.f32 v24, v33;
	v59 =	vmul.f32 v50, v11;
	v60 =	vmin.f32 v16, $6.800000000e+01  }
0x232: {  	v16 =	vtrunc.f32 v60;
	v24 =	vadd.s32 $0x1, v19;
	vm4 =	vgt.s32 v19, $0x8  }
0x233: {  	v17 =	vld.idx.msk [tilespmem:v37+s2+$0x0], $0xffff;
	v61 =	vcvt.f32.s32 v16;
	v37 =	vnsel vm4, $0x8, v19;
	vm6 =	vgt.s32 v24, $0x8  }
0x234: {  	v6 =	vadd.f32 v53, v52;
	v39 =	vmin.u32 v37, $0x3F;
	v40 =	vnsel vm6, $0x8, v24  }
0x235: {  	v36 =	vadd.s32 $0x1, v61;
	vm5 =	vgt.s32 v61, $0x8;
	v41 =	vmin.u32 v40, $0x3F  }
0x236: {  	v42 =	vmul.u32 $0x38, v39;
	v38 =	vnsel vm5, $0x8, v61;
	vm7 =	vgt.s32 v36, $0x8  }
0x237: {  	v45 =	vmul.u32 $0x38, v41;
	v43 =	vmin.u32 v38, $0x3F;
	v44 =	vnsel vm7, $0x8, v36  }
0x238: {  	v16 =	vadd.s32 $0xFFFFFE40, v42;
	v46 =	vmin.u32 v44, $0x3F;
	v47 =	vadd.s32 $0xFFFFFFF8, v43  }
0x239: {  	v28 =	vadd.s32 $0xFFFFFE40, v45;
	v48 =	vadd.s32 $0xFFFFFFF8, v46;
	v49 =	vadd.s32 v47, v16  }
0x23a: {  	v20 =	vadd.s32 v47, v28;
	v16 =	vadd.s32 v48, v16;
	v28 =	vadd.s32 v48, v28  }
0x23b: {  	v50 =	vand.u32 $0x7F, v49;
	v31 =	vshll.u32 v49, $0x3;
	v52 =	vshll.u32 v20, $0x3  }
0x23c: {  	v15 =	vld.idx.msk [tilespmem:v15+s2+$0x0], $0xffff;
	v20 =	vand.u32 $0x7F, v20;
	v51 =	vshll.u32 v16, $0x3;
	v31 =	vand.u32 $0x7FFFFC00, v31  }
0x23d: {  	v16 =	vand.u32 $0x7F, v16;
	v32 =	vand.u32 $0x7FFFFC00, v51;
	v30 =	vor.u32 v50, v31  }
0x23e: {  	v10 =	vld.idx.msk [tilespmem:v10+s2+$0x0], $0xffff;
	v54 =	vshll.u32 v28, $0x3;
	v31 =	vand.u32 $0x7FFFFC00, v52;
	v16 =	vor.u32 v16, v32  }
0x23f: {  	v13 =	vld.idx.msk [tilespmem:v13+s2+$0x0], $0xffff;
	v28 =	vand.u32 $0x7F, v28;
	v55 =	vand.u32 $0x7FFFFC00, v54;
	v20 =	vor.u32 v20, v31  }
0x240: {  	s1 =	sadd.s32 s5, s1;
	v17 =	vmul.f32 v17, v11;
	v12 =	vld.idx.msk [tilespmem:v12+s2+$0x0], $0xffff;
	v6 =	vadd.f32 v57, v6;
	v21 =	vor.u32 v28, v55  }
0x241: {  	v0 =	vadd.f32 v0, v62;
	v15 =	vmul.f32 v15, v22;
	v53 =	vld [tilespmem:s1+$0x100];
	v57 =	vor.u32 $0x80, v30  }
0x242: {  	v63 =	vcvt.s32.f32 v61;
	v6 =	vadd.f32 v59, v6;
	v38 =	vor.u32 $0x100, v30;
	v59 =	vld.idx.msk [tilespmem:v30+s2+$0x0], $0xffff  }
0x243: {  	v62 =	vcvt.s32.f32 v19;
	vm8 =	veq.s32 v43, v61;
	v42 =	vor.u32 $0x180, v30;
	v61 =	vld.idx.msk [tilespmem:v16+s2+$0x0], $0xffff  }
0x244: {  	v18 =	vsub.f32 v60, v63;
	vm9 =	veq.s32 v36, v46;
	v60 =	vor.u32 $0x80, v16;
	v36 =	vld.idx.msk [tilespmem:v20+s2+$0x0], $0xffff  }
0x245: {  	v7 =	vmul.f32 v10, v7;
	v14 =	vsub.f32 v56, v62;
	v62 =	vor.u32 $0x80, v20;
	v31 =	vld.idx.msk [tilespmem:v21+s2+$0x0], $0xffff  }
0x246: {  	v15 =	vadd.f32 v15, v29;
	v13 =	vmul.f32 v13, v33;
	v37 =	vor.u32 $0x80, v21;
	v23 =	vld.idx.msk [tilespmem:v57+s2+$0x0], $0xffff  }
0x247: {  	v5 =	vadd.f32 v17, v5;
	vm10 =	veq.s32 v39, v19;
	v39 =	vor.u32 $0x100, v16;
	v32 =	vld.idx.msk [tilespmem:v38+s2+$0x0], $0xffff  }
0x248: {  	v11 =	vmul.f32 v12, v11;
	v56 =	vsub.f32 $1.000000000e+00, v14;
	v40 =	vor.u32 $0x100, v20;
	v52 =	vld.idx.msk [tilespmem:v42+s2+$0x0], $0xffff  }
0x249: {  	v13 =	vadd.f32 v13, v15;
	vm11 =	veq.s32 v24, v41;
	v41 =	vor.u32 $0x100, v21;
	v27 =	vld.idx.msk [tilespmem:v60+s2+$0x0], $0xffff  }
0x24a: {  	v14 =	vmul.f32 v14, v53;
	v15 =	vmul.f32 v56, v53;
	v43 =	vor.u32 $0x180, v16;
	v29 =	vld.idx.msk [tilespmem:v62+s2+$0x0], $0xffff  }
0x24b: {  	v7 =	vadd.f32 v7, v13;
	v58 =	vsub.f32 $1.000000000e+00, v18;
	v45 =	vor.u32 $0x180, v20;
	v19 =	vld.idx.msk [tilespmem:v37+s2+$0x0], $0xffff  }
0x24c: {  	v14 =	vnsel vm11, $0x0, v14;
	v15 =	vnsel vm10, $0x0, v15;
	v48 =	vor.u32 $0x200, v30;
	v44 =	vld.idx.msk [tilespmem:v39+s2+$0x0], $0xffff  }
0x24d: {  	v18 =	vnsel vm9, $0x0, v18;
	v63 =	vnsel vm8, $0x0, v58;
	v53 =	vor.u32 $0x200, v16;
	v47 =	vld.idx.msk [tilespmem:v40+s2+$0x0], $0xffff  }
0x24e: {  	v7 =	vadd.f32 v11, v7;
	v11 =	vmul.f32 v14, v18;
	v24 =	vmul.f32 v15, v63;
	v49 =	vld.idx.msk [tilespmem:v41+s2+$0x0], $0xffff  }
0x24f: {  	v15 =	vmul.f32 v15, v18;
	v10 =	vmul.f32 v14, v63;
	v50 =	vor.u32 $0x180, v21;
	v56 =	vld.idx.msk [tilespmem:v43+s2+$0x0], $0xffff  }
0x250: {  	v63 =	vor.u32 $0x280, v30;
	v57 =	vor.u32 $0x200, v20;
	v58 =	vld.idx.msk [tilespmem:v45+s2+$0x0], $0xffff;
	v17 =	vmul.f32 v24, v59  }
0x251: {  	v42 =	vor.u32 $0x280, v16;
	v62 =	vld.idx.msk [tilespmem:v48+s2+$0x0], $0xffff;
	v22 =	vmul.f32 v15, v61;
	v46 =	vmul.f32 v10, v36  }
0x252: {  	v18 =	vld.idx.msk [tilespmem:v53+s2+$0x0], $0xffff;
	v45 =	vor.u32 $0x300, v30;
	v23 =	vmul.f32 v24, v23;
	v31 =	vmul.f32 v11, v31  }
0x253: {  	v59 =	vor.u32 $0x200, v21;
	v32 =	vmul.f32 v24, v32;
	v55 =	vmul.f32 v15, v27  }
0x254: {  	v41 =	vld.idx.msk [tilespmem:v50+s2+$0x0], $0xffff;
	v17 =	vadd.f32 $0.0e+00, v17;
	v61 =	vmul.f32 v10, v29;
	v12 =	vmul.f32 v15, v44  }
0x255: {  	v43 =	vmul.f32 v11, v19;
	v44 =	vor.u32 $0x280, v20;
	v25 =	vmul.f32 v47, v10  }
0x256: {  	v48 =	vmul.f32 v49, v11;
	v50 =	vmul.f32 v56, v15;
	v54 =	vadd.f32 $0.0e+00, v23  }
0x257: {  	v28 =	vld.idx.msk [tilespmem:v57+s2+$0x0], $0xffff;
	v18 =	vmul.f32 v18, v15;
	v40 =	vadd.f32 $0.0e+00, v32;
	v23 =	vmul.f32 v62, v24  }
0x258: {  	v49 =	vld.idx.msk [tilespmem:v63+s2+$0x0], $0xffff;
	v56 =	vor.u32 $0x300, v20;
	v17 =	vadd.f32 v17, v22;
	v60 =	vadd.f32 v54, v55  }
0x259: {  	v29 =	vld.idx.msk [tilespmem:v45+s2+$0x0], $0xffff;
	v32 =	vmul.f32 v41, v11;
	v12 =	vadd.f32 v40, v12;
	v23 =	vadd.f32 $0.0e+00, v23  }
0x25a: {  	v47 =	vld.idx.msk [tilespmem:v59+s2+$0x0], $0xffff;
	v54 =	vor.u32 $0x280, v21;
	v55 =	vmul.f32 v58, v10;
	v58 =	vor.u32 $0x300, v21  }
0x25b: {  	v59 =	vld [tilespmem:s12+$0x100];
	v51 =	vadd.f32 v17, v46;
	v46 =	vmul.f32 v52, v24;
	v52 =	vor.u32 $0x300, v16  }
0x25c: {  	v57 =	vmul.f32 v28, v10;
	v16 =	vor.u32 $0x380, v16;
	v13 =	vadd.f32 v60, v61;
	v53 =	vld.idx.msk [tilespmem:v44+s2+$0x0], $0xffff  }
0x25d: {  	v12 =	vadd.f32 v12, v25;
	v18 =	vadd.f32 v18, v23;
	v25 =	vmul.f32 v49, v24;
	v61 =	vld [tilespmem:s12+$0x180]  }
0x25e: {  	v60 =	vor.u32 $0x380, v30;
	v19 =	vadd.f32 v51, v31;
	v14 =	vadd.f32 $0.0e+00, v46;
	v51 =	vld.idx.msk [tilespmem:v42+s2+$0x0], $0xffff  }
0x25f: {  	v34 =	vld.idx.msk [tilespmem:v56+s2+$0x0], $0xffff;
	v39 =	vmul.f32 v29, v24;
	v13 =	vadd.f32 v13, v43;
	v23 =	vadd.f32 v57, v18  }
0x260: {  	v49 =	vor.u32 $0x380, v21;
	v17 =	vadd.f32 v12, v48;
	v14 =	vadd.f32 v50, v14;
	v63 =	vld.idx.msk [tilespmem:v54+s2+$0x0], $0xffff  }
0x261: {  	v25 =	vadd.f32 $0.0e+00, v25;
	v41 =	vadd.f32 $0.0e+00, v39;
	v62 =	vmul.f32 v47, v11;
	v38 =	vld.idx.msk [tilespmem:v58+s2+$0x0], $0xffff  }
0x262: {  	v48 =	vor.u32 $0x380, v20;
	v40 =	vadd.f32 $8.000000000e+00, v59;
	v31 =	vld.idx.msk [tilespmem:v52+s2+$0x0], $0xffff;
	v14 =	vadd.f32 v55, v14  }
0x263: {  	v12 =	vadd.f32 v62, v23;
	v26 =	vld.idx.msk [tilespmem:v60+s2+$0x0], $0xffff;
	v30 =	vadd.f32 $7.000000000e+00, v61;
	v27 =	vmul.f32 v51, v15  }
0x264: {  	v37 =	vmul.f32 v53, v10;
	v29 =	vadd.f32 v40, v9;
	v18 =	vadd.f32 v32, v14  }
0x265: {  	v43 =	vmul.f32 v34, v10;
	v30 =	vadd.f32 v30, v8;
	v35 =	vadd.f32 v27, v25  }
0x266: {  	v16 =	vld.idx.msk [tilespmem:v16+s2+$0x0], $0xffff;
	v44 =	vmax.f32 v29, $4.000000000e+00;
	v22 =	vmul.f32 v63, v11;
	v27 =	vmul.f32 v38, v11  }
0x267: {  	v42 =	vmul.f32 v31, v15;
	v45 =	vmax.f32 v30, $4.000000000e+00;
	v23 =	vadd.f32 v37, v35  }
0x268: {  	v24 =	vmul.f32 v26, v24;
	v26 =	vmin.f32 v44, $6.800000000e+01;
	v29 =	vmin.f32 v45, $6.800000000e+01  }
0x269: {  	v25 =	vadd.f32 v42, v41;
	v46 =	vtrunc.f32 v26;
	v47 =	vtrunc.f32 v29  }
0x26a: {  	v14 =	vadd.f32 v22, v23;
	v28 =	vcvt.f32.s32 v46;
	v30 =	vcvt.f32.s32 v47  }
0x26b: {  	v15 =	vmul.f32 v16, v15;
	v24 =	vadd.f32 $0.0e+00, v24;
	v25 =	vadd.f32 v43, v25  }
0x26c: {  	v33 =	vadd.s32 $0x1, v28;
	v34 =	vadd.s32 $0x1, v30;
	vm12 =	vgt.s32 v30, $0x8  }
0x26d: {  	vm13 =	vgt.s32 v28, $0x8;
	v44 =	vnsel vm12, $0x8, v30;
	vm14 =	vgt.s32 v34, $0x8  }
0x26e: {  	v22 =	vnsel vm13, $0x8, v28;
	v45 =	vmin.u32 v44, $0x3F;
	v46 =	vnsel vm14, $0x8, v34  }
0x26f: {  	vm15 =	vgt.s32 v33, $0x8;
	v47 =	vmin.u32 v46, $0x3F;
	v52 =	vmul.u32 $0x38, v45  }
0x270: {  	v53 =	vmin.u32 v22, $0x3F;
	v54 =	vnsel vm15, $0x8, v33;
	v38 =	vmul.u32 $0x38, v47  }
0x271: {  	v39 =	vmin.u32 v54, $0x3F;
	v55 =	vadd.s32 $0xFFFFFFF8, v53;
	v20 =	vadd.s32 $0xFFFFFE40, v52  }
0x272: {  	v40 =	vadd.s32 $0xFFFFFFF8, v39;
	v38 =	vadd.s32 $0xFFFFFE40, v38;
	v41 =	vadd.s32 v55, v20  }
0x273: {  	v20 =	vadd.s32 v40, v20;
	v42 =	vadd.s32 v55, v38;
	v38 =	vadd.s32 v40, v38  }
0x274: {  	v63 =	vld.idx.msk [tilespmem:v48+s2+$0x0], $0xffff;
	v56 =	vand.u32 $0x7F, v41;
	v57 =	vshll.u32 v41, $0x3;
	v58 =	vshll.u32 v20, $0x3  }
0x275: {  	v20 =	vand.u32 $0x7F, v20;
	v40 =	vand.u32 $0x7FFFFC00, v57;
	v41 =	vand.u32 $0x7FFFFC00, v58  }
0x276: {  	v59 =	vshll.u32 v42, $0x3;
	v60 =	vand.u32 $0x7F, v42;
	v40 =	vor.u32 v56, v40  }
0x277: {  	v61 =	vshll.u32 v38, $0x3;
	v22 =	vor.u32 v20, v41;
	v20 =	vand.u32 $0x7FFFFC00, v59  }
0x278: {  	v38 =	vand.u32 $0x7F, v38;
	v62 =	vand.u32 $0x7FFFFC00, v61;
	v20 =	vor.u32 v60, v20  }
0x279: {  	v43 =	vld [tilespmem:s1+$0x180];
	v10 =	vmul.f32 v63, v10;
	v51 =	vcvt.s32.f32 v30;
	v21 =	vor.u32 v38, v62  }
0x27a: {  	v50 =	vcvt.s32.f32 v28;
	v23 =	vadd.f32 v27, v25;
	v25 =	vld.idx.msk [tilespmem:v49+s2+$0x0], $0xffff;
	v49 =	vor.u32 $0x80, v40  }
0x27b: {  	v15 =	vadd.f32 v15, v24;
	v48 =	vsub.f32 v29, v51;
	v52 =	vor.u32 $0x80, v22;
	v51 =	vld.idx.msk [tilespmem:v40+s2+$0x0], $0xffff  }
0x27c: {  	vm4 =	veq.s32 v53, v28;
	v58 =	vor.u32 $0x100, v40;
	v53 =	vld.idx.msk [tilespmem:v22+s2+$0x0], $0xffff  }
0x27d: {  	v26 =	vsub.f32 v26, v50;
	v15 =	vadd.f32 v10, v15;
	v54 =	vor.u32 $0x80, v20;
	v55 =	vld.idx.msk [tilespmem:v20+s2+$0x0], $0xffff  }
0x27e: {  	vm6 =	veq.s32 v45, v30;
	v50 =	vsub.f32 $1.000000000e+00, v48;
	v38 =	vor.u32 $0x80, v21;
	v57 =	vld.idx.msk [tilespmem:v21+s2+$0x0], $0xffff  }
0x27f: {  	v32 =	vsub.f32 $1.000000000e+00, v26;
	vm5 =	veq.s32 v33, v39;
	v60 =	vor.u32 $0x100, v20;
	v27 =	vld.idx.msk [tilespmem:v49+s2+$0x0], $0xffff  }
0x280: {  	v16 =	vmul.f32 v48, v43;
	v24 =	vmul.f32 v50, v43;
	v62 =	vor.u32 $0x100, v21;
	v31 =	vld.idx.msk [tilespmem:v52+s2+$0x0], $0xffff  }
0x281: {  	vm7 =	veq.s32 v34, v47;
	v26 =	vnsel vm5, $0x0, v26;
	v45 =	vor.u32 $0x180, v22;
	v63 =	vld.idx.msk [tilespmem:v58+s2+$0x0], $0xffff  }
0x282: {  	v24 =	vnsel vm6, $0x0, v24;
	v56 =	vnsel vm4, $0x0, v32;
	v47 =	vor.u32 $0x180, v21;
	v37 =	vld.idx.msk [tilespmem:v54+s2+$0x0], $0xffff  }
0x283: {  	v61 =	vnsel vm7, $0x0, v16;
	v34 =	vmul.f32 v24, v56;
	v44 =	vor.u32 $0x180, v40;
	v38 =	vld.idx.msk [tilespmem:v38+s2+$0x0], $0xffff  }
0x284: {  	v24 =	vmul.f32 v24, v26;
	v10 =	vmul.f32 v61, v26;
	v46 =	vor.u32 $0x180, v20;
	v26 =	vld.idx.msk [tilespmem:v60+s2+$0x0], $0xffff  }
0x285: {  	v11 =	vmul.f32 v25, v11;
	v49 =	vor.u32 $0x200, v40;
	v33 =	vld.idx.msk [tilespmem:v62+s2+$0x0], $0xffff  }
0x286: {  	v52 =	vor.u32 $0x200, v22;
	v54 =	vld.idx.msk [tilespmem:v45+s2+$0x0], $0xffff  }
0x287: {  	v43 =	vadd.f32 v11, v15;
	v59 =	vor.u32 $0x100, v22;
	v15 =	vld.idx.msk [tilespmem:v47+s2+$0x0], $0xffff  }
0x288: {  	v16 =	vmul.f32 v61, v56;
	v62 =	vor.u32 $0x280, v22;
	v29 =	vmul.f32 v34, v51;
	v51 =	vld.idx.msk [tilespmem:v44+s2+$0x0], $0xffff  }
0x289: {  	v58 =	vor.u32 $0x200, v21;
	v28 =	vmul.f32 v24, v53;
	v53 =	vmul.f32 v10, v57;
	v57 =	vld.idx.msk [tilespmem:v46+s2+$0x0], $0xffff  }
0x28a: {  	v48 =	vmul.f32 v16, v55;
	v55 =	vor.u32 $0x200, v20;
	v61 =	vld.idx.msk [tilespmem:v49+s2+$0x0], $0xffff  }
0x28b: {  	v45 =	vor.u32 $0x280, v20;
	v50 =	vmul.f32 v34, v27;
	v44 =	vld.idx.msk [tilespmem:v52+s2+$0x0], $0xffff  }
0x28c: {  	v42 =	vor.u32 $0x380, v40;
	v56 =	vmul.f32 v24, v31;
	v19 =	vadd.f32 v29, v19;
	v29 =	vld.idx.msk [tilespmem:v59+s2+$0x0], $0xffff  }
0x28d: {  	v60 =	vmul.f32 v34, v63;
	v59 =	vor.u32 $0x280, v40;
	v30 =	vld.idx.msk [tilespmem:v62+s2+$0x0], $0xffff;
	v13 =	vadd.f32 v50, v13  }
0x28e: {  	v63 =	vmul.f32 v16, v37;
	v49 =	vmul.f32 v54, v24;
	v50 =	vld.idx.msk [tilespmem:v58+s2+$0x0], $0xffff;
	v19 =	vadd.f32 v19, v28  }
0x28f: {  	v52 =	vmul.f32 v10, v38;
	v26 =	vmul.f32 v26, v16;
	v13 =	vadd.f32 v13, v56;
	v47 =	vld.idx.msk [tilespmem:v55+s2+$0x0], $0xffff  }
0x290: {  	v27 =	vmul.f32 v51, v34;
	v51 =	vor.u32 $0x300, v40;
	v19 =	vadd.f32 v19, v48;
	v55 =	vld.idx.msk [tilespmem:v45+s2+$0x0], $0xffff  }
0x291: {  	v15 =	vmul.f32 v15, v10;
	v56 =	vor.u32 $0x300, v22;
	v13 =	vadd.f32 v13, v63;
	v63 =	vld [tilespmem:s12+$0x280]  }
0x292: {  	v22 =	vor.u32 $0x380, v22;
	v54 =	vmul.f32 v61, v34;
	v11 =	vadd.f32 v19, v53;
	v19 =	vld.idx.msk [tilespmem:v59+s2+$0x0], $0xffff  }
0x293: {  	v17 =	vadd.f32 v60, v17;
	v48 =	vor.u32 $0x280, v21;
	v59 =	vmul.f32 v44, v24;
	v44 =	vld [tilespmem:s12+$0x200]  }
0x294: {  	v61 =	vor.u32 $0x300, v20;
	v46 =	vmul.f32 v24, v29;
	v12 =	vadd.f32 v54, v12;
	v54 =	vld.idx.msk [tilespmem:v42+s2+$0x0], $0xffff  }
0x295: {  	v62 =	vor.u32 $0x300, v21;
	v21 =	vor.u32 $0x380, v21;
	v18 =	vadd.f32 v27, v18;
	v60 =	vld.idx.msk [tilespmem:v51+s2+$0x0], $0xffff  }
0x296: {  	v45 =	vmul.f32 v30, v24;
	v53 =	vmul.f32 v57, v16;
	v25 =	vadd.f32 v17, v46;
	v46 =	vld.idx.msk [tilespmem:v56+s2+$0x0], $0xffff  }
0x297: {  	v57 =	vmul.f32 v33, v10;
	v18 =	vadd.f32 v49, v18;
	v17 =	vadd.f32 v13, v52;
	v22 =	vld.idx.msk [tilespmem:v22+s2+$0x0], $0xffff  }
0x298: {  	v13 =	vadd.f32 v59, v12;
	v25 =	vadd.f32 v25, v26;
	v58 =	vld.idx.msk [tilespmem:v48+s2+$0x0], $0xffff;
	v29 =	vmul.f32 v47, v16  }
0x299: {  	v18 =	vadd.f32 v53, v18;
	v47 =	vmul.f32 v50, v10;
	v48 =	vmul.f32 v55, v16;
	v49 =	vld.idx.msk [tilespmem:v61+s2+$0x0], $0xffff  }
0x29a: {  	v50 =	vld.idx.msk [tilespmem:v62+s2+$0x0], $0xffff;
	v62 =	vor.u32 $0x380, v20;
	v52 =	vadd.f32 $7.000000000e+00, v63;
	v12 =	vadd.f32 v25, v57  }
0x29b: {  	v19 =	vmul.f32 v19, v34;
	v15 =	vadd.f32 v15, v18;
	v13 =	vadd.f32 v29, v13  }
0x29c: {  	v55 =	vadd.f32 $9.000000000e+00, v44;
	v27 =	vmul.f32 v54, v34;
	v56 =	vadd.f32 v52, v8  }
0x29d: {  	v14 =	vadd.f32 v19, v14;
	v13 =	vadd.f32 v47, v13;
	v51 =	vmul.f32 v60, v34  }
0x29e: {  	v25 =	vmul.f32 v46, v24;
	v57 =	vadd.f32 v55, v9;
	v24 =	vmul.f32 v22, v24  }
0x29f: {  	v63 =	vadd.f32 v27, v43;
	v53 =	vmul.f32 v58, v10;
	v58 =	vmul.f32 v49, v16  }
0x2a0: {  	v59 =	vmax.f32 v56, $4.000000000e+00;
	v18 =	vmul.f32 v50, v10;
	v14 =	vadd.f32 v45, v14  }
0x2a1: {  	v56 =	vld.idx.msk [tilespmem:v62+s2+$0x0], $0xffff;
	v23 =	vadd.f32 v51, v23;
	v19 =	vmax.f32 v57, $4.000000000e+00;
	v26 =	vmin.f32 v59, $6.800000000e+01  }
0x2a2: {  	v28 =	vmin.f32 v19, $6.800000000e+01;
	v60 =	vtrunc.f32 v26;
	v14 =	vadd.f32 v48, v14  }
0x2a3: {  	v23 =	vadd.f32 v25, v23;
	v61 =	vtrunc.f32 v28;
	v29 =	vcvt.f32.s32 v60  }
0x2a4: {  	v24 =	vadd.f32 v24, v63;
	v25 =	vcvt.f32.s32 v61;
	v14 =	vadd.f32 v53, v14  }
0x2a5: {  	v23 =	vadd.f32 v58, v23;
	v44 =	vcvt.s32.f32 v29;
	v31 =	vadd.s32 $0x1, v29  }
0x2a6: {  	vm8 =	vgt.s32 v29, $0x8;
	v16 =	vmul.f32 v56, v16;
	v30 =	vadd.s32 $0x1, v25  }
0x2a7: {  	vm9 =	vgt.s32 v25, $0x8;
	v45 =	vnsel vm8, $0x8, v29;
	vm10 =	vgt.s32 v31, $0x8  }
0x2a8: {  	v63 =	vcvt.s32.f32 v25;
	v46 =	vnsel vm9, $0x8, v25;
	v33 =	vmin.u32 v45, $0x3F  }
0x2a9: {  	v47 =	vnsel vm10, $0x8, v31;
	vm11 =	vgt.s32 v30, $0x8;
	v26 =	vsub.f32 v26, v44  }
0x2aa: {  	v23 =	vadd.f32 v18, v23;
	v16 =	vadd.f32 v16, v24;
	v34 =	vmin.u32 v47, $0x3F  }
0x2ab: {  	v48 =	vmul.u32 $0x38, v33;
	v32 =	vmin.u32 v46, $0x3F;
	v49 =	vnsel vm11, $0x8, v30  }
0x2ac: {  	v45 =	vsub.f32 v28, v63;
	vm14 =	veq.s32 v33, v29;
	v50 =	vmul.u32 $0x38, v34  }
0x2ad: {  	v35 =	vmin.u32 v49, $0x3F;
	v51 =	vadd.s32 $0xFFFFFFF8, v32;
	v22 =	vadd.s32 $0xFFFFFE40, v48  }
0x2ae: {  	v52 =	vadd.s32 $0xFFFFFFF8, v35;
	v36 =	vadd.s32 $0xFFFFFE40, v50;
	v53 =	vadd.s32 v51, v22  }
0x2af: {  	v22 =	vadd.s32 v52, v22;
	v37 =	vadd.s32 v51, v36;
	v36 =	vadd.s32 v52, v36  }
0x2b0: {  	v54 =	vand.u32 $0x7F, v53;
	v39 =	vshll.u32 v53, $0x3;
	v55 =	vshll.u32 v22, $0x3  }
0x2b1: {  	v62 =	vld [tilespmem:s1+$0x200];
	v22 =	vand.u32 $0x7F, v22;
	v57 =	vand.u32 $0x7FFFFC00, v39;
	v58 =	vand.u32 $0x7FFFFC00, v55  }
0x2b2: {  	v59 =	vshll.u32 v37, $0x3;
	v37 =	vand.u32 $0x7F, v37;
	v38 =	vor.u32 v54, v57  }
0x2b3: {  	v60 =	vshll.u32 v36, $0x3;
	v22 =	vor.u32 v22, v58;
	v19 =	vand.u32 $0x7FFFFC00, v59  }
0x2b4: {  	v36 =	vand.u32 $0x7F, v36;
	v61 =	vand.u32 $0x7FFFFC00, v60;
	v19 =	vor.u32 v37, v19  }
0x2b5: {  	v40 =	vld [tilespmem:s12+$0x300];
	vm12 =	veq.s32 v32, v25;
	v48 =	vsub.f32 $1.000000000e+00, v26;
	v20 =	vor.u32 v36, v61  }
0x2b6: {  	v21 =	vld.idx.msk [tilespmem:v21+s2+$0x0], $0xffff;
	vm15 =	veq.s32 v31, v34;
	v26 =	vmul.f32 v26, v62;
	v44 =	vor.u32 $0x80, v38  }
0x2b7: {  	v51 =	vsub.f32 $1.000000000e+00, v45;
	v24 =	vmul.f32 v48, v62;
	v47 =	vor.u32 $0x80, v22;
	v46 =	vld.idx.msk [tilespmem:v38+s2+$0x0], $0xffff  }
0x2b8: {  	vm13 =	veq.s32 v30, v35;
	v26 =	vnsel vm15, $0x0, v26;
	v54 =	vor.u32 $0x100, v38;
	v49 =	vld.idx.msk [tilespmem:v22+s2+$0x0], $0xffff  }
0x2b9: {  	v55 =	vnsel vm12, $0x0, v51;
	v24 =	vnsel vm14, $0x0, v24;
	v56 =	vor.u32 $0x100, v22;
	v52 =	vld.idx.msk [tilespmem:v19+s2+$0x0], $0xffff  }
0x2ba: {  	v31 =	vmul.f32 v24, v55;
	v18 =	vmul.f32 v26, v55;
	v55 =	vor.u32 $0x280, v38;
	v30 =	vld.idx.msk [tilespmem:v20+s2+$0x0], $0xffff  }
0x2bb: {  	v50 =	vor.u32 $0x80, v19;
	v27 =	vld.idx.msk [tilespmem:v44+s2+$0x0], $0xffff  }
0x2bc: {  	v53 =	vor.u32 $0x80, v20;
	v36 =	vld.idx.msk [tilespmem:v47+s2+$0x0], $0xffff  }
0x2bd: {  	v61 =	vor.u32 $0x180, v38;
	v35 =	vld.idx.msk [tilespmem:v54+s2+$0x0], $0xffff  }
0x2be: {  	v60 =	vnsel vm13, $0x0, v45;
	v62 =	vor.u32 $0x180, v22;
	v63 =	vld.idx.msk [tilespmem:v56+s2+$0x0], $0xffff  }
0x2bf: {  	v10 =	vmul.f32 v21, v10;
	v51 =	vor.u32 $0x200, v22;
	v21 =	vmul.f32 v26, v60;
	v26 =	vld.idx.msk [tilespmem:v55+s2+$0x0], $0xffff  }
0x2c0: {  	v59 =	vor.u32 $0x100, v20;
	v58 =	vld.idx.msk [tilespmem:v50+s2+$0x0], $0xffff  }
0x2c1: {  	v39 =	vadd.f32 v10, v16;
	v24 =	vmul.f32 v24, v60;
	v47 =	vor.u32 $0x180, v20;
	v32 =	vld.idx.msk [tilespmem:v53+s2+$0x0], $0xffff  }
0x2c2: {  	v42 =	vor.u32 $0x380, v38;
	v57 =	vor.u32 $0x100, v19;
	v45 =	vor.u32 $0x180, v19;
	v50 =	vld.idx.msk [tilespmem:v61+s2+$0x0], $0xffff  }
0x2c3: {  	v54 =	vor.u32 $0x200, v19;
	v53 =	vld.idx.msk [tilespmem:v62+s2+$0x0], $0xffff;
	v28 =	vmul.f32 v31, v46;
	v46 =	vmul.f32 v24, v49  }
0x2c4: {  	v61 =	vld.idx.msk [tilespmem:v51+s2+$0x0], $0xffff;
	v49 =	vor.u32 $0x200, v38;
	v48 =	vmul.f32 v31, v27;
	v25 =	vmul.f32 v18, v52  }
0x2c5: {  	v62 =	vor.u32 $0x280, v19;
	v27 =	vld.idx.msk [tilespmem:v59+s2+$0x0], $0xffff;
	v52 =	vmul.f32 v24, v36;
	v30 =	vmul.f32 v21, v30  }
0x2c6: {  	v33 =	vld.idx.msk [tilespmem:v47+s2+$0x0], $0xffff;
	v35 =	vmul.f32 v31, v35;
	v59 =	vor.u32 $0x280, v22;
	v11 =	vadd.f32 v28, v11  }
0x2c7: {  	v29 =	vmul.f32 v24, v63;
	v63 =	vor.u32 $0x280, v20;
	v28 =	vld.idx.msk [tilespmem:v57+s2+$0x0], $0xffff;
	v57 =	vor.u32 $0x200, v20  }
0x2c8: {  	v43 =	vld.idx.msk [tilespmem:v54+s2+$0x0], $0xffff;
	v26 =	vmul.f32 v26, v31;
	v56 =	vmul.f32 v18, v58;
	v11 =	vadd.f32 v11, v46  }
0x2c9: {  	v60 =	vmul.f32 v21, v32;
	v53 =	vmul.f32 v53, v24;
	v10 =	vadd.f32 v48, v17;
	v58 =	vld.idx.msk [tilespmem:v49+s2+$0x0], $0xffff  }
0x2ca: {  	v35 =	vadd.f32 v35, v12;
	v48 =	vmul.f32 v50, v31;
	v11 =	vadd.f32 v11, v25;
	v25 =	vld.idx.msk [tilespmem:v45+s2+$0x0], $0xffff  }
0x2cb: {  	v14 =	vadd.f32 v26, v14;
	v10 =	vadd.f32 v10, v52;
	v49 =	vor.u32 $0x300, v38;
	v55 =	vld.idx.msk [tilespmem:v59+s2+$0x0], $0xffff  }
0x2cc: {  	v50 =	vadd.f32 v35, v29;
	v59 =	vmul.f32 v61, v24;
	v61 =	vor.u32 $0x300, v19;
	v52 =	vld.idx.msk [tilespmem:v57+s2+$0x0], $0xffff  }
0x2cd: {  	v44 =	vmul.f32 v33, v21;
	v19 =	vor.u32 $0x380, v19;
	v10 =	vadd.f32 v10, v56;
	v57 =	vld.idx.msk [tilespmem:v62+s2+$0x0], $0xffff  }
0x2ce: {  	v51 =	vmul.f32 v28, v18;
	v62 =	vmul.f32 v43, v18;
	v43 =	vld [tilespmem:s12+$0x380];
	v16 =	vadd.f32 v11, v30  }
0x2cf: {  	v56 =	vmul.f32 v27, v21;
	v11 =	vadd.f32 v48, v15;
	v12 =	vadd.f32 v10, v60  }
0x2d0: {  	v10 =	vadd.f32 v50, v51;
	v60 =	vld.idx.msk [tilespmem:v63+s2+$0x0], $0xffff;
	v63 =	vor.u32 $0x300, v20;
	v54 =	vmul.f32 v58, v31  }
0x2d1: {  	v51 =	vadd.f32 $7.000000000e+00, v40;
	v58 =	vor.u32 $0x300, v22;
	v11 =	vadd.f32 v53, v11;
	v30 =	vld.idx.msk [tilespmem:v49+s2+$0x0], $0xffff  }
0x2d2: {  	v50 =	vld.idx.msk [tilespmem:v42+s2+$0x0], $0xffff;
	v22 =	vor.u32 $0x380, v22;
	v41 =	vmul.f32 v55, v24;
	v13 =	vadd.f32 v54, v13  }
0x2d3: {  	v25 =	vmul.f32 v25, v18;
	v28 =	vmul.f32 v52, v21;
	v52 =	vadd.f32 $8.000000000e+00, v43  }
0x2d4: {  	v46 =	vld.idx.msk [tilespmem:v61+s2+$0x0], $0xffff;
	v27 =	vmul.f32 v57, v18;
	v26 =	vadd.f32 v41, v14;
	v13 =	vadd.f32 v59, v13  }
0x2d5: {  	v11 =	vadd.f32 v25, v11;
	v14 =	vadd.f32 v10, v56;
	v48 =	vld.idx.msk [tilespmem:v63+s2+$0x0], $0xffff;
	v29 =	vmul.f32 v60, v21  }
0x2d6: {  	v45 =	vld.idx.msk [tilespmem:v58+s2+$0x0], $0xffff;
	v47 =	vadd.f32 v27, v26;
	v49 =	vmul.f32 v30, v31;
	v15 =	vadd.f32 v62, v13  }
0x2d7: {  	v27 =	vadd.f32 v51, v9;
	v26 =	vmul.f32 v50, v31;
	v13 =	vadd.f32 v44, v11  }
0x2d8: {  	v22 =	vld.idx.msk [tilespmem:v22+s2+$0x0], $0xffff;
	v58 =	vor.u32 $0x380, v20;
	v11 =	vadd.f32 v28, v15;
	v28 =	vadd.f32 v52, v8  }
0x2d9: {  	v17 =	vmul.f32 v46, v18;
	v23 =	vadd.f32 v49, v23;
	v54 =	vmax.f32 v27, $4.000000000e+00  }
0x2da: {  	v25 =	vmin.f32 v54, $6.800000000e+01;
	v15 =	vmul.f32 v48, v21;
	v55 =	vmax.f32 v28, $4.000000000e+00  }
0x2db: {  	v56 =	vtrunc.f32 v25;
	v53 =	vmul.f32 v45, v24;
	v27 =	vmin.f32 v55, $6.800000000e+01  }
0x2dc: {  	v10 =	vadd.f32 v29, v47;
	v29 =	vcvt.f32.s32 v56;
	v57 =	vtrunc.f32 v27  }
0x2dd: {  	v59 =	vadd.f32 v26, v39;
	v22 =	vmul.f32 v22, v24;
	v28 =	vcvt.f32.s32 v57  }
0x2de: {  	v23 =	vadd.f32 v53, v23;
	v24 =	vadd.s32 $0x1, v29;
	vm5 =	vgt.s32 v29, $0x8  }
0x2df: {  	v61 =	vnsel vm5, $0x8, v29;
	v26 =	vadd.s32 $0x1, v28;
	vm4 =	vgt.s32 v28, $0x8  }
0x2e0: {  	vm7 =	vgt.s32 v24, $0x8;
	v60 =	vnsel vm4, $0x8, v28;
	vm6 =	vgt.s32 v26, $0x8  }
0x2e1: {  	v23 =	vadd.f32 v17, v23;
	v30 =	vmin.u32 v60, $0x3F;
	v62 =	vnsel vm6, $0x8, v26  }
0x2e2: {  	v40 =	vnsel vm7, $0x8, v24;
	v32 =	vmin.u32 v62, $0x3F;
	v63 =	vmul.u32 $0x38, v30  }
0x2e3: {  	v31 =	vmin.u32 v61, $0x3F;
	v34 =	vmin.u32 v40, $0x3F;
	v41 =	vmul.u32 $0x38, v32  }
0x2e4: {  	v42 =	vadd.s32 $0xFFFFFFF8, v31;
	v51 =	vcvt.s32.f32 v28;
	v33 =	vadd.s32 $0xFFFFFE40, v63  }
0x2e5: {  	v43 =	vadd.s32 $0xFFFFFFF8, v34;
	v35 =	vadd.s32 $0xFFFFFE40, v41;
	v44 =	vadd.s32 v42, v33  }
0x2e6: {  	v33 =	vadd.s32 v43, v33;
	v36 =	vadd.s32 v42, v35;
	v35 =	vadd.s32 v43, v35  }
0x2e7: {  	v45 =	vand.u32 $0x7F, v44;
	v38 =	vshll.u32 v44, $0x3;
	v46 =	vshll.u32 v33, $0x3  }
0x2e8: {  	v33 =	vand.u32 $0x7F, v33;
	v38 =	vand.u32 $0x7FFFFC00, v38;
	v39 =	vand.u32 $0x7FFFFC00, v46  }
0x2e9: {  	v47 =	vshll.u32 v36, $0x3;
	v36 =	vand.u32 $0x7F, v36;
	v37 =	vor.u32 v45, v38  }
0x2ea: {  	v48 =	vshll.u32 v35, $0x3;
	v33 =	vor.u32 v33, v39;
	v38 =	vand.u32 $0x7FFFFC00, v47  }
0x2eb: {  	v49 =	vld.idx.msk [tilespmem:v58+s2+$0x0], $0xffff;
	v35 =	vand.u32 $0x7F, v35;
	v50 =	vand.u32 $0x7FFFFC00, v48;
	v17 =	vor.u32 v36, v38  }
0x2ec: {  	v52 =	vld [tilespmem:s1+$0x280];
	v20 =	vor.u32 v35, v50  }
0x2ed: {  	v19 =	vld.idx.msk [tilespmem:v19+s2+$0x0], $0xffff;
	v55 =	vsub.f32 v27, v51;
	v54 =	vor.u32 $0x80, v37  }
0x2ee: {  	v57 =	vor.u32 $0x80, v33;
	v56 =	vld.idx.msk [tilespmem:v37+s2+$0x0], $0xffff  }
0x2ef: {  	v22 =	vadd.f32 v22, v59;
	v61 =	vsub.f32 $1.000000000e+00, v55;
	v46 =	vor.u32 $0x100, v37;
	v59 =	vld.idx.msk [tilespmem:v33+s2+$0x0], $0xffff  }
0x2f0: {  	v53 =	vcvt.s32.f32 v29;
	v21 =	vmul.f32 v49, v21;
	v49 =	vor.u32 $0x100, v33;
	v40 =	vld.idx.msk [tilespmem:v17+s2+$0x0], $0xffff  }
0x2f1: {  	vm8 =	veq.s32 v31, v29;
	v47 =	vmul.f32 v61, v52;
	v61 =	vor.u32 $0x200, v33;
	v29 =	vld.idx.msk [tilespmem:v20+s2+$0x0], $0xffff  }
0x2f2: {  	v18 =	vmul.f32 v19, v18;
	v60 =	vor.u32 $0x80, v17;
	v48 =	vld.idx.msk [tilespmem:v54+s2+$0x0], $0xffff  }
0x2f3: {  	v58 =	vsub.f32 v25, v53;
	v62 =	vor.u32 $0x80, v20;
	v51 =	vld.idx.msk [tilespmem:v57+s2+$0x0], $0xffff  }
0x2f4: {  	v18 =	vadd.f32 v18, v22;
	v19 =	vmul.f32 v55, v52;
	v52 =	vor.u32 $0x100, v20;
	v31 =	vld.idx.msk [tilespmem:v46+s2+$0x0], $0xffff  }
0x2f5: {  	vm9 =	veq.s32 v24, v34;
	v45 =	vsub.f32 $1.000000000e+00, v58;
	v53 =	vor.u32 $0x180, v37;
	v36 =	vld.idx.msk [tilespmem:v49+s2+$0x0], $0xffff  }
0x2f6: {  	v15 =	vadd.f32 v15, v23;
	v22 =	vnsel vm9, $0x0, v58;
	v55 =	vor.u32 $0x180, v17;
	v34 =	vld.idx.msk [tilespmem:v61+s2+$0x0], $0xffff  }
0x2f7: {  	vm11 =	veq.s32 v26, v32;
	v50 =	vnsel vm8, $0x0, v45;
	v63 =	vor.u32 $0x100, v17;
	v45 =	vld.idx.msk [tilespmem:v60+s2+$0x0], $0xffff  }
0x2f8: {  	vm10 =	veq.s32 v30, v28;
	v19 =	vnsel vm11, $0x0, v19;
	v54 =	vor.u32 $0x180, v33;
	v32 =	vld.idx.msk [tilespmem:v62+s2+$0x0], $0xffff  }
0x2f9: {  	v43 =	vadd.f32 v21, v18;
	v24 =	vnsel vm10, $0x0, v47;
	v57 =	vor.u32 $0x180, v20;
	v35 =	vld.idx.msk [tilespmem:v52+s2+$0x0], $0xffff  }
0x2fa: {  	v58 =	vor.u32 $0x200, v37;
	v26 =	vmul.f32 v24, v50;
	v24 =	vmul.f32 v24, v22;
	v60 =	vld.idx.msk [tilespmem:v53+s2+$0x0], $0xffff  }
0x2fb: {  	v21 =	vmul.f32 v19, v50;
	v50 =	vor.u32 $0x280, v37;
	v46 =	vor.u32 $0x200, v17;
	v30 =	vld.idx.msk [tilespmem:v55+s2+$0x0], $0xffff  }
0x2fc: {  	v52 =	vor.u32 $0x280, v33;
	v27 =	vmul.f32 v26, v56;
	v56 =	vld.idx.msk [tilespmem:v63+s2+$0x0], $0xffff;
	v25 =	vmul.f32 v24, v59  }
0x2fd: {  	v55 =	vor.u32 $0x280, v20;
	v59 =	vmul.f32 v26, v48;
	v62 =	vmul.f32 v21, v40;
	v63 =	vld.idx.msk [tilespmem:v54+s2+$0x0], $0xffff  }
0x2fe: {  	v47 =	vmul.f32 v24, v51;
	v48 =	vor.u32 $0x200, v20;
	v49 =	vmul.f32 v26, v31;
	v28 =	vld.idx.msk [tilespmem:v57+s2+$0x0], $0xffff  }
0x2ff: {  	v51 =	vld.idx.msk [tilespmem:v58+s2+$0x0], $0xffff;
	v53 =	vmul.f32 v24, v36;
	v54 =	vor.u32 $0x280, v17;
	v57 =	vor.u32 $0x300, v37  }
0x300: {  	v40 =	vld.idx.msk [tilespmem:v46+s2+$0x0], $0xffff;
	v27 =	vadd.f32 v27, v16;
	v16 =	vmul.f32 v19, v22;
	v23 =	vmul.f32 v21, v45  }
0x301: {  	v22 =	vmul.f32 v60, v26;
	v61 =	vld.idx.msk [tilespmem:v52+s2+$0x0], $0xffff;
	v38 =	vmul.f32 v30, v21;
	v52 =	vor.u32 $0x380, v37  }
0x302: {  	v31 =	vld.idx.msk [tilespmem:v50+s2+$0x0], $0xffff;
	v12 =	vadd.f32 v59, v12;
	v14 =	vadd.f32 v49, v14;
	v59 =	vor.u32 $0x300, v33  }
0x303: {  	s12 =	sadd.s32 s5, s8;
	v46 =	vld.idx.msk [tilespmem:v55+s2+$0x0], $0xffff;
	v49 =	vmul.f32 v34, v24;
	v33 =	vor.u32 $0x380, v33;
	v25 =	vadd.f32 v27, v25  }
0x304: {  	v55 =	vld [tilespmem:s12+$0x0];
	v29 =	vmul.f32 v16, v29;
	v13 =	vadd.f32 v22, v13;
	v60 =	vmul.f32 v16, v32  }
0x305: {  	v12 =	vadd.f32 v12, v47;
	v14 =	vadd.f32 v14, v53;
	v56 =	vmul.f32 v56, v21  }
0x306: {  	v47 =	vor.u32 $0x300, v17;
	v53 =	vld [tilespmem:s12+$0x80];
	v17 =	vor.u32 $0x380, v17;
	v58 =	vmul.f32 v63, v24  }
0x307: {  	v25 =	vadd.f32 v25, v62;
	v41 =	vld.idx.msk [tilespmem:v48+s2+$0x0], $0xffff;
	v62 =	vmul.f32 v35, v16;
	v45 =	vmul.f32 v51, v26  }
0x308: {  	v48 =	vld.idx.msk [tilespmem:v57+s2+$0x0], $0xffff;
	v28 =	vmul.f32 v28, v16;
	v12 =	vadd.f32 v12, v23;
	v14 =	vadd.f32 v14, v56  }
0x309: {  	v63 =	vld.idx.msk [tilespmem:v54+s2+$0x0], $0xffff;
	v51 =	vmul.f32 v31, v26;
	v36 =	vadd.f32 $8.000000000e+00, v55;
	v18 =	vadd.f32 v25, v29  }
0x30a: {  	v54 =	vmul.f32 v40, v21;
	v13 =	vadd.f32 v58, v13;
	v11 =	vadd.f32 v45, v11;
	v50 =	vld.idx.msk [tilespmem:v59+s2+$0x0], $0xffff  }
0x30b: {  	v56 =	vmul.f32 v61, v24;
	v10 =	vadd.f32 v51, v10;
	v19 =	vadd.f32 v12, v60  }
0x30c: {  	v34 =	vmul.f32 v46, v16;
	v12 =	vadd.f32 v14, v62;
	v13 =	vadd.f32 v38, v13;
	v57 =	vld.idx.msk [tilespmem:v47+s2+$0x0], $0xffff  }
0x30d: {  	v62 =	vld.idx.msk [tilespmem:v52+s2+$0x0], $0xffff;
	v11 =	vadd.f32 v49, v11;
	v10 =	vadd.f32 v56, v10;
	v23 =	vmul.f32 v48, v26  }
0x30e: {  	v38 =	vadd.f32 v36, v9;
	v60 =	vmul.f32 v63, v21;
	v63 =	vadd.f32 $8.000000000e+00, v53  }
0x30f: {  	v35 =	vld.idx.msk [tilespmem:v33+s2+$0x0], $0xffff;
	v14 =	vadd.f32 v28, v13;
	v15 =	vadd.f32 v23, v15;
	v61 =	vmul.f32 v50, v24  }
0x310: {  	v59 =	vmul.f32 v41, v16;
	v11 =	vadd.f32 v54, v11;
	v27 =	vadd.f32 v63, v8  }
0x311: {  	v10 =	vadd.f32 v60, v10;
	v22 =	vadd.f32 v61, v15;
	v25 =	vmul.f32 v57, v21  }
0x312: {  	v40 =	vmax.f32 v38, $4.000000000e+00;
	v23 =	vmul.f32 v62, v26;
	v39 =	vmax.f32 v27, $4.000000000e+00  }
0x313: {  	v13 =	vadd.f32 v34, v10;
	v10 =	vadd.f32 v25, v22;
	v22 =	vmin.f32 v39, $6.800000000e+01  }
0x314: {  	v24 =	vmul.f32 v35, v24;
	v25 =	vmin.f32 v40, $6.800000000e+01;
	v41 =	vtrunc.f32 v22  }
0x315: {  	v23 =	vadd.f32 v23, v43;
	v42 =	vtrunc.f32 v25;
	v26 =	vcvt.f32.s32 v41  }
0x316: {  	v58 =	vor.u32 $0x300, v20;
	v20 =	vor.u32 $0x380, v20;
	v27 =	vcvt.f32.s32 v42  }
0x317: {  	v15 =	vadd.f32 v59, v11;
	v23 =	vadd.f32 v24, v23;
	v24 =	vcvt.s32.f32 v26  }
0x318: {  	v28 =	vadd.s32 $0x1, v27;
	v29 =	vadd.s32 $0x1, v26;
	vm12 =	vgt.s32 v26, $0x8  }
0x319: {  	vm13 =	vgt.s32 v27, $0x8;
	v43 =	vnsel vm12, $0x8, v26;
	vm14 =	vgt.s32 v29, $0x8  }
0x31a: {  	v44 =	vnsel vm13, $0x8, v27;
	v30 =	vmin.u32 v43, $0x3F;
	v45 =	vnsel vm14, $0x8, v29  }
0x31b: {  	vm15 =	vgt.s32 v28, $0x8;
	v32 =	vmin.u32 v45, $0x3F;
	v46 =	vmul.u32 $0x38, v30  }
0x31c: {  	v31 =	vmin.u32 v44, $0x3F;
	v47 =	vnsel vm15, $0x8, v28;
	v48 =	vmul.u32 $0x38, v32  }
0x31d: {  	v34 =	vmin.u32 v47, $0x3F;
	v49 =	vadd.s32 $0xFFFFFFF8, v31;
	v33 =	vadd.s32 $0xFFFFFE40, v46  }
0x31e: {  	v50 =	vadd.s32 $0xFFFFFFF8, v34;
	v35 =	vadd.s32 $0xFFFFFE40, v48;
	v51 =	vadd.s32 v49, v33  }
0x31f: {  	v33 =	vadd.s32 v50, v33;
	v36 =	vadd.s32 v49, v35;
	v35 =	vadd.s32 v50, v35  }
0x320: {  	v52 =	vld.idx.msk [tilespmem:v17+s2+$0x0], $0xffff;
	v53 =	vand.u32 $0x7F, v51;
	v38 =	vshll.u32 v51, $0x3;
	v54 =	vshll.u32 v33, $0x3  }
0x321: {  	v37 =	vld.idx.msk [tilespmem:v58+s2+$0x0], $0xffff;
	v33 =	vand.u32 $0x7F, v33;
	v38 =	vand.u32 $0x7FFFFC00, v38;
	v39 =	vand.u32 $0x7FFFFC00, v54  }
0x322: {  	v56 =	vld.idx.msk [tilespmem:v20+s2+$0x0], $0xffff;
	v55 =	vshll.u32 v36, $0x3;
	v57 =	vand.u32 $0x7F, v36;
	v38 =	vor.u32 v53, v38  }
0x323: {  	v58 =	vshll.u32 v35, $0x3;
	v17 =	vor.u32 v33, v39;
	v33 =	vand.u32 $0x7FFFFC00, v55  }
0x324: {  	v62 =	vld [tilespmem:s1+$0x300];
	v59 =	vand.u32 $0x7F, v35;
	v60 =	vand.u32 $0x7FFFFC00, v58;
	v20 =	vor.u32 v57, v33  }
0x325: {  	v61 =	vmul.f32 v52, v21;
	v44 =	vsub.f32 v22, v24;
	v21 =	vor.u32 v59, v60  }
0x326: {  	v11 =	vmul.f32 v37, v16;
	v63 =	vcvt.s32.f32 v27;
	v45 =	vor.u32 $0x80, v38  }
0x327: {  	v16 =	vmul.f32 v56, v16;
	v50 =	vsub.f32 $1.000000000e+00, v44;
	v49 =	vor.u32 $0x80, v17;
	v48 =	vld.idx.msk [tilespmem:v38+s2+$0x0], $0xffff  }
0x328: {  	v47 =	vsub.f32 v25, v63;
	vm4 =	veq.s32 v31, v27;
	v55 =	vor.u32 $0x100, v38;
	v51 =	vld.idx.msk [tilespmem:v17+s2+$0x0], $0xffff  }
0x329: {  	vm5 =	veq.s32 v28, v34;
	v54 =	vmul.f32 v50, v62;
	v58 =	vor.u32 $0x100, v17;
	v27 =	vld.idx.msk [tilespmem:v20+s2+$0x0], $0xffff  }
0x32a: {  	v33 =	vadd.f32 v11, v10;
	v10 =	vmul.f32 v44, v62;
	v62 =	vor.u32 $0x180, v38;
	v34 =	vld.idx.msk [tilespmem:v21+s2+$0x0], $0xffff  }
0x32b: {  	vm6 =	veq.s32 v30, v26;
	v46 =	vadd.f32 v61, v23;
	v52 =	vor.u32 $0x80, v20;
	v57 =	vld.idx.msk [tilespmem:v45+s2+$0x0], $0xffff  }
0x32c: {  	vm7 =	veq.s32 v29, v32;
	v40 =	vsub.f32 $1.000000000e+00, v47;
	v53 =	vor.u32 $0x80, v21;
	v25 =	vld.idx.msk [tilespmem:v49+s2+$0x0], $0xffff  }
0x32d: {  	v23 =	vnsel vm5, $0x0, v47;
	v16 =	vadd.f32 v16, v46;
	v46 =	vor.u32 $0x180, v20;
	v35 =	vld.idx.msk [tilespmem:v55+s2+$0x0], $0xffff  }
0x32e: {  	v56 =	vnsel vm4, $0x0, v40;
	v28 =	vnsel vm6, $0x0, v54;
	v59 =	vor.u32 $0x100, v20;
	v45 =	vld.idx.msk [tilespmem:v58+s2+$0x0], $0xffff  }
0x32f: {  	v60 =	vor.u32 $0x100, v21;
	v29 =	vmul.f32 v28, v56;
	v61 =	vnsel vm7, $0x0, v10;
	v54 =	vld.idx.msk [tilespmem:v62+s2+$0x0], $0xffff  }
0x330: {  	v63 =	vor.u32 $0x180, v17;
	v28 =	vmul.f32 v28, v23;
	v10 =	vmul.f32 v61, v56;
	v32 =	vld.idx.msk [tilespmem:v52+s2+$0x0], $0xffff  }
0x331: {  	v11 =	vmul.f32 v61, v23;
	v49 =	vor.u32 $0x180, v21;
	v55 =	vor.u32 $0x200, v17;
	v31 =	vld.idx.msk [tilespmem:v53+s2+$0x0], $0xffff  }
0x332: {  	v58 =	vor.u32 $0x200, v20;
	v62 =	vor.u32 $0x280, v38;
	v26 =	vld.idx.msk [tilespmem:v46+s2+$0x0], $0xffff;
	v24 =	vmul.f32 v29, v48  }
0x333: {  	v46 =	vor.u32 $0x280, v20;
	v47 =	vmul.f32 v28, v51;
	v48 =	vld.idx.msk [tilespmem:v59+s2+$0x0], $0xffff;
	v50 =	vmul.f32 v29, v57  }
0x334: {  	v52 =	vor.u32 $0x200, v38;
	v51 =	vld.idx.msk [tilespmem:v60+s2+$0x0], $0xffff;
	v53 =	vmul.f32 v10, v27;
	v56 =	vmul.f32 v28, v25  }
0x335: {  	v60 =	vor.u32 $0x200, v21;
	v57 =	vld.idx.msk [tilespmem:v63+s2+$0x0], $0xffff;
	v59 =	vmul.f32 v29, v35;
	v22 =	vmul.f32 v28, v45  }
0x336: {  	v45 =	vor.u32 $0x280, v17;
	v34 =	vmul.f32 v11, v34;
	v27 =	vmul.f32 v54, v29;
	v40 =	vld.idx.msk [tilespmem:v55+s2+$0x0], $0xffff  }
0x337: {  	v18 =	vadd.f32 v24, v18;
	v61 =	vmul.f32 v10, v32;
	v32 =	vld.idx.msk [tilespmem:v49+s2+$0x0], $0xffff;
	v31 =	vmul.f32 v11, v31  }
0x338: {  	v26 =	vmul.f32 v26, v10;
	v55 =	vld.idx.msk [tilespmem:v46+s2+$0x0], $0xffff;
	v46 =	vor.u32 $0x380, v17;
	v19 =	vadd.f32 v50, v19  }
0x339: {  	v63 =	vld.idx.msk [tilespmem:v52+s2+$0x0], $0xffff;
	v12 =	vadd.f32 v59, v12;
	v14 =	vadd.f32 v27, v14;
	v50 =	vor.u32 $0x300, v38  }
0x33a: {  	v38 =	vor.u32 $0x380, v38;
	v18 =	vadd.f32 v18, v47;
	v47 =	vmul.f32 v48, v10;
	v48 =	vld.idx.msk [tilespmem:v58+s2+$0x0], $0xffff  }
0x33b: {  	v19 =	vadd.f32 v19, v56;
	v12 =	vadd.f32 v12, v22;
	v49 =	vld.idx.msk [tilespmem:v60+s2+$0x0], $0xffff;
	v30 =	vmul.f32 v51, v11  }
0x33c: {  	v51 =	vld.idx.msk [tilespmem:v62+s2+$0x0], $0xffff;
	v18 =	vadd.f32 v18, v53;
	v25 =	vmul.f32 v57, v28;
	v53 =	vor.u32 $0x300, v17  }
0x33d: {  	v58 =	vld [tilespmem:s12+$0x180];
	v57 =	vor.u32 $0x280, v21;
	v59 =	vmul.f32 v40, v28;
	v19 =	vadd.f32 v19, v61  }
0x33e: {  	v40 =	vld [tilespmem:s12+$0x100];
	v12 =	vadd.f32 v12, v47;
	v54 =	vmul.f32 v63, v29;
	v61 =	vor.u32 $0x300, v20  }
0x33f: {  	v52 =	vld.idx.msk [tilespmem:v45+s2+$0x0], $0xffff;
	v32 =	vmul.f32 v32, v11;
	v63 =	vor.u32 $0x300, v21;
	v25 =	vadd.f32 v25, v14  }
0x340: {  	v24 =	vmul.f32 v55, v10;
	v22 =	vadd.f32 v18, v34;
	v60 =	vld.idx.msk [tilespmem:v50+s2+$0x0], $0xffff;
	v18 =	vadd.f32 v19, v31  }
0x341: {  	v14 =	vadd.f32 v12, v30;
	v15 =	vadd.f32 v54, v15;
	v62 =	vmul.f32 v51, v29;
	v51 =	vld.idx.msk [tilespmem:v38+s2+$0x0], $0xffff  }
0x342: {  	v56 =	vadd.f32 v26, v25;
	v41 =	vmul.f32 v48, v10;
	v26 =	vadd.f32 $8.000000000e+00, v58;
	v42 =	vld.idx.msk [tilespmem:v53+s2+$0x0], $0xffff  }
0x343: {  	v44 =	vmul.f32 v49, v11;
	v15 =	vadd.f32 v59, v15;
	v25 =	vld.idx.msk [tilespmem:v57+s2+$0x0], $0xffff;
	v48 =	vadd.f32 $9.000000000e+00, v40  }
0x344: {  	v43 =	vmul.f32 v52, v28;
	v53 =	vld.idx.msk [tilespmem:v46+s2+$0x0], $0xffff;
	v12 =	vadd.f32 v32, v56;
	v13 =	vadd.f32 v62, v13  }
0x345: {  	v45 =	vld.idx.msk [tilespmem:v61+s2+$0x0], $0xffff;
	v26 =	vadd.f32 v26, v8;
	v61 =	vor.u32 $0x380, v21;
	v15 =	vadd.f32 v41, v15  }
0x346: {  	v30 =	vmul.f32 v60, v29;
	v52 =	vadd.f32 v48, v9;
	v60 =	vor.u32 $0x380, v20  }
0x347: {  	v47 =	vld.idx.msk [tilespmem:v63+s2+$0x0], $0xffff;
	v13 =	vadd.f32 v43, v13;
	v26 =	vmax.f32 v26, $4.000000000e+00;
	v17 =	vadd.f32 v44, v15  }
0x348: {  	v49 =	vadd.f32 v30, v33;
	v26 =	vmin.f32 v26, $6.800000000e+01;
	v56 =	vmul.f32 v51, v29  }
0x349: {  	v54 =	vmax.f32 v52, $4.000000000e+00;
	v50 =	vmul.f32 v42, v28;
	v25 =	vmul.f32 v25, v11  }
0x34a: {  	v13 =	vadd.f32 v24, v13;
	v55 =	vtrunc.f32 v26;
	v62 =	vmul.f32 v53, v28  }
0x34b: {  	v32 =	vmin.f32 v54, $6.800000000e+01;
	v27 =	vmul.f32 v45, v10;
	v24 =	vcvt.f32.s32 v55  }
0x34c: {  	v31 =	vmul.f32 v47, v11;
	v57 =	vtrunc.f32 v32;
	v19 =	vadd.f32 v50, v49  }
0x34d: {  	v15 =	vadd.f32 v25, v13;
	v13 =	vadd.f32 v56, v16;
	v59 =	vcvt.s32.f32 v24  }
0x34e: {  	v30 =	vadd.s32 $0x1, v24;
	vm8 =	vgt.s32 v24, $0x8;
	v58 =	vadd.f32 v27, v19  }
0x34f: {  	v27 =	vcvt.f32.s32 v57;
	v40 =	vnsel vm8, $0x8, v24;
	vm10 =	vgt.s32 v30, $0x8  }
0x350: {  	v26 =	vsub.f32 v26, v59;
	v34 =	vmin.u32 v40, $0x3F;
	v42 =	vnsel vm10, $0x8, v30  }
0x351: {  	v28 =	vadd.s32 $0x1, v27;
	vm9 =	vgt.s32 v27, $0x8;
	v35 =	vmin.u32 v42, $0x3F  }
0x352: {  	v43 =	vmul.u32 $0x38, v34;
	v41 =	vnsel vm9, $0x8, v27;
	vm11 =	vgt.s32 v28, $0x8  }
0x353: {  	v46 =	vmul.u32 $0x38, v35;
	v44 =	vmin.u32 v41, $0x3F;
	v45 =	vnsel vm11, $0x8, v28  }
0x354: {  	v19 =	vadd.s32 $0xFFFFFE40, v43;
	v47 =	vmin.u32 v45, $0x3F;
	v48 =	vadd.s32 $0xFFFFFFF8, v44  }
0x355: {  	v23 =	vadd.s32 $0xFFFFFE40, v46;
	v49 =	vadd.s32 $0xFFFFFFF8, v47;
	v50 =	vadd.s32 v48, v19  }
0x356: {  	v20 =	vadd.s32 v48, v23;
	v19 =	vadd.s32 v49, v19;
	v23 =	vadd.s32 v49, v23  }
0x357: {  	v51 =	vand.u32 $0x7F, v50;
	v39 =	vshll.u32 v50, $0x3;
	v53 =	vshll.u32 v20, $0x3  }
0x358: {  	v20 =	vand.u32 $0x7F, v20;
	v52 =	vshll.u32 v19, $0x3;
	v39 =	vand.u32 $0x7FFFFC00, v39  }
0x359: {  	v19 =	vand.u32 $0x7F, v19;
	v40 =	vand.u32 $0x7FFFFC00, v52;
	v38 =	vor.u32 v51, v39  }
0x35a: {  	v54 =	vld [tilespmem:s1+$0x380];
	v55 =	vshll.u32 v23, $0x3;
	v39 =	vand.u32 $0x7FFFFC00, v53;
	v19 =	vor.u32 v19, v40  }
0x35b: {  	v56 =	vand.u32 $0x7F, v23;
	v41 =	vand.u32 $0x7FFFFC00, v55;
	v20 =	vor.u32 v20, v39  }
0x35c: {  	v57 =	vld.idx.msk [tilespmem:v60+s2+$0x0], $0xffff;
	v13 =	vadd.f32 v62, v13;
	v63 =	vcvt.s32.f32 v27;
	v21 =	vor.u32 v56, v41  }
0x35d: {  	v59 =	vld.idx.msk [tilespmem:v61+s2+$0x0], $0xffff;
	vm14 =	veq.s32 v34, v24;
	v60 =	vsub.f32 $1.000000000e+00, v26;
	v61 =	vor.u32 $0x80, v38  }
0x35e: {  	v23 =	vadd.f32 v31, v58;
	v58 =	vsub.f32 v32, v63;
	v50 =	vor.u32 $0x100, v38;
	v63 =	vld.idx.msk [tilespmem:v38+s2+$0x0], $0xffff  }
0x35f: {  	v26 =	vmul.f32 v26, v54;
	v16 =	vmul.f32 v60, v54;
	v54 =	vor.u32 $0x180, v38;
	v45 =	vld.idx.msk [tilespmem:v19+s2+$0x0], $0xffff  }
0x360: {  	vm15 =	veq.s32 v30, v35;
	vm12 =	veq.s32 v44, v27;
	v44 =	vor.u32 $0x80, v19;
	v48 =	vld.idx.msk [tilespmem:v20+s2+$0x0], $0xffff  }
0x361: {  	v26 =	vnsel vm15, $0x0, v26;
	v62 =	vsub.f32 $1.000000000e+00, v58;
	v46 =	vor.u32 $0x80, v20;
	v39 =	vld.idx.msk [tilespmem:v21+s2+$0x0], $0xffff  }
0x362: {  	v25 =	vmul.f32 v57, v10;
	vm13 =	veq.s32 v28, v47;
	v49 =	vor.u32 $0x80, v21;
	v32 =	vld.idx.msk [tilespmem:v61+s2+$0x0], $0xffff  }
0x363: {  	v16 =	vnsel vm14, $0x0, v16;
	v51 =	vor.u32 $0x100, v19;
	v47 =	vnsel vm12, $0x0, v62;
	v56 =	vld.idx.msk [tilespmem:v50+s2+$0x0], $0xffff  }
0x364: {  	v52 =	vor.u32 $0x100, v20;
	v30 =	vmul.f32 v16, v47;
	v10 =	vmul.f32 v26, v47;
	v47 =	vld.idx.msk [tilespmem:v54+s2+$0x0], $0xffff  }
0x365: {  	v57 =	vor.u32 $0x180, v19;
	v36 =	vld.idx.msk [tilespmem:v44+s2+$0x0], $0xffff  }
0x366: {  	v11 =	vmul.f32 v59, v11;
	v59 =	vor.u32 $0x180, v20;
	v37 =	vld.idx.msk [tilespmem:v46+s2+$0x0], $0xffff  }
0x367: {  	v13 =	vadd.f32 v25, v13;
	v62 =	vor.u32 $0x200, v38;
	v24 =	vld.idx.msk [tilespmem:v49+s2+$0x0], $0xffff  }
0x368: {  	v29 =	vnsel vm13, $0x0, v58;
	v53 =	vor.u32 $0x100, v21;
	v58 =	vld.idx.msk [tilespmem:v51+s2+$0x0], $0xffff  }
0x369: {  	v41 =	vadd.f32 v11, v13;
	v11 =	vmul.f32 v26, v29;
	v16 =	vmul.f32 v16, v29;
	v61 =	vld.idx.msk [tilespmem:v52+s2+$0x0], $0xffff  }
0x36a: {  	v46 =	vor.u32 $0x180, v21;
	v50 =	vld.idx.msk [tilespmem:v57+s2+$0x0], $0xffff;
	v51 =	vor.u32 $0x200, v20;
	v27 =	vmul.f32 v30, v63  }
0x36b: {  	v31 =	vld.idx.msk [tilespmem:v59+s2+$0x0], $0xffff;
	v57 =	vor.u32 $0x280, v20;
	v55 =	vmul.f32 v16, v45;
	v60 =	vmul.f32 v10, v48  }
0x36c: {  	v35 =	vld.idx.msk [tilespmem:v62+s2+$0x0], $0xffff;
	v63 =	vmul.f32 v30, v32;
	v48 =	vor.u32 $0x200, v19;
	v52 =	vmul.f32 v11, v39  }
0x36d: {  	v45 =	vld.idx.msk [tilespmem:v53+s2+$0x0], $0xffff;
	v28 =	vmul.f32 v30, v56;
	v53 =	vor.u32 $0x200, v21;
	v56 =	vor.u32 $0x280, v19  }
0x36e: {  	v22 =	vadd.f32 v27, v22;
	v49 =	vmul.f32 v16, v36;
	v54 =	vmul.f32 v10, v37  }
0x36f: {  	v25 =	vmul.f32 v16, v58;
	v24 =	vmul.f32 v11, v24;
	v59 =	vld.idx.msk [tilespmem:v51+s2+$0x0], $0xffff;
	v13 =	vadd.f32 v63, v18  }
0x370: {  	v58 =	vmul.f32 v61, v10;
	v61 =	vmul.f32 v47, v30;
	v14 =	vadd.f32 v28, v14;
	v28 =	vld.idx.msk [tilespmem:v46+s2+$0x0], $0xffff  }
0x371: {  	v47 =	vor.u32 $0x300, v19;
	v51 =	vmul.f32 v31, v10;
	v13 =	vadd.f32 v13, v49;
	v49 =	vld.idx.msk [tilespmem:v57+s2+$0x0], $0xffff  }
0x372: {  	v19 =	vor.u32 $0x380, v19;
	v43 =	vmul.f32 v35, v30;
	v22 =	vadd.f32 v22, v55;
	v27 =	vld.idx.msk [tilespmem:v48+s2+$0x0], $0xffff  }
0x373: {  	v55 =	vor.u32 $0x280, v38;
	v12 =	vadd.f32 v61, v12;
	v14 =	vadd.f32 v14, v25;
	v62 =	vld.idx.msk [tilespmem:v53+s2+$0x0], $0xffff  }
0x374: {  	v17 =	vadd.f32 v43, v17;
	v22 =	vadd.f32 v22, v60;
	v60 =	vor.u32 $0x300, v38;
	v46 =	vld.idx.msk [tilespmem:v56+s2+$0x0], $0xffff  }
0x375: {  	v63 =	vmul.f32 v45, v11;
	v45 =	vmul.f32 v50, v16;
	v50 =	vor.u32 $0x280, v21;
	v56 =	vld [tilespmem:s12+$0x200]  }
0x376: {  	v53 =	vor.u32 $0x300, v20;
	v13 =	vadd.f32 v13, v54;
	v54 =	vmul.f32 v59, v10;
	v59 =	vld [tilespmem:s12+$0x280]  }
0x377: {  	v20 =	vor.u32 $0x380, v20;
	v14 =	vadd.f32 v14, v58;
	v58 =	vor.u32 $0x380, v38;
	v35 =	vld.idx.msk [tilespmem:v47+s2+$0x0], $0xffff  }
0x378: {  	v47 =	vor.u32 $0x380, v21;
	v18 =	vadd.f32 v22, v52;
	v12 =	vadd.f32 v45, v12;
	v44 =	vld.idx.msk [tilespmem:v55+s2+$0x0], $0xffff  }
0x379: {  	v28 =	vmul.f32 v28, v11;
	v13 =	vadd.f32 v13, v24;
	v48 =	vmul.f32 v27, v16;
	v52 =	vld.idx.msk [tilespmem:v60+s2+$0x0], $0xffff  }
0x37a: {  	v55 =	vor.u32 $0x300, v21;
	v12 =	vadd.f32 v51, v12;
	v60 =	vld.idx.msk [tilespmem:v50+s2+$0x0], $0xffff;
	v37 =	vadd.f32 $7.000000000e+00, v56  }
0x37b: {  	v24 =	vmul.f32 v62, v11;
	v56 =	vld.idx.msk [tilespmem:v19+s2+$0x0], $0xffff;
	v38 =	vadd.f32 $9.000000000e+00, v59;
	v17 =	vadd.f32 v48, v17  }
0x37c: {  	v61 =	vmul.f32 v46, v16;
	v62 =	vld.idx.msk [tilespmem:v53+s2+$0x0], $0xffff;
	v39 =	vmul.f32 v35, v16;
	v40 =	vadd.f32 v37, v9  }
0x37d: {  	v36 =	vld.idx.msk [tilespmem:v58+s2+$0x0], $0xffff;
	v57 =	vmul.f32 v44, v30;
	v42 =	vadd.f32 v38, v8;
	v26 =	vadd.f32 v54, v17  }
0x37e: {  	v17 =	vadd.f32 v14, v63;
	v63 =	vmul.f32 v49, v10;
	v43 =	vmax.f32 v40, $4.000000000e+00  }
0x37f: {  	v33 =	vld.idx.msk [tilespmem:v55+s2+$0x0], $0xffff;
	v22 =	vadd.f32 v57, v15;
	v15 =	vadd.f32 v28, v12;
	v34 =	vmul.f32 v52, v30  }
0x380: {  	v14 =	vmul.f32 v60, v11;
	v44 =	vmax.f32 v42, $4.000000000e+00;
	v16 =	vmul.f32 v56, v16  }
0x381: {  	v12 =	vadd.f32 v24, v26;
	v24 =	vmul.f32 v62, v10;
	v27 =	vmin.f32 v44, $6.800000000e+01  }
0x382: {  	v28 =	vmul.f32 v36, v30;
	v23 =	vadd.f32 v34, v23;
	v46 =	vtrunc.f32 v27  }
0x383: {  	v26 =	vmin.f32 v43, $6.800000000e+01;
	v22 =	vadd.f32 v61, v22;
	v29 =	vcvt.f32.s32 v46  }
0x384: {  	v45 =	vtrunc.f32 v26;
	v25 =	vmul.f32 v33, v11;
	v23 =	vadd.f32 v39, v23  }
0x385: {  	v28 =	vadd.f32 v28, v41;
	v22 =	vadd.f32 v63, v22;
	v49 =	vcvt.s32.f32 v29  }
0x386: {  	v33 =	vadd.s32 $0x1, v29;
	vm4 =	vgt.s32 v29, $0x8;
	v23 =	vadd.f32 v24, v23  }
0x387: {  	v24 =	vcvt.f32.s32 v45;
	v42 =	vnsel vm4, $0x8, v29;
	vm6 =	vgt.s32 v33, $0x8  }
0x388: {  	v28 =	vadd.f32 v16, v28;
	v35 =	vmin.u32 v42, $0x3F;
	v44 =	vnsel vm6, $0x8, v33  }
0x389: {  	v32 =	vadd.s32 $0x1, v24;
	vm5 =	vgt.s32 v24, $0x8;
	v45 =	vmin.u32 v44, $0x3F  }
0x38a: {  	v50 =	vmul.u32 $0x38, v35;
	v43 =	vnsel vm5, $0x8, v24;
	vm7 =	vgt.s32 v32, $0x8  }
0x38b: {  	v52 =	vmul.u32 $0x38, v45;
	v34 =	vmin.u32 v43, $0x3F;
	v51 =	vnsel vm7, $0x8, v32  }
0x38c: {  	v21 =	vadd.s32 $0xFFFFFE40, v50;
	v37 =	vmin.u32 v51, $0x3F;
	v53 =	vadd.s32 $0xFFFFFFF8, v34  }
0x38d: {  	v38 =	vadd.s32 $0xFFFFFE40, v52;
	v54 =	vadd.s32 $0xFFFFFFF8, v37;
	v55 =	vadd.s32 v53, v21  }
0x38e: {  	v39 =	vadd.s32 v53, v38;
	v21 =	vadd.s32 v54, v21;
	v38 =	vadd.s32 v54, v38  }
0x38f: {  	v57 =	vand.u32 $0x7F, v55;
	v41 =	vshll.u32 v55, $0x3;
	v59 =	vshll.u32 v39, $0x3  }
0x390: {  	v39 =	vand.u32 $0x7F, v39;
	v58 =	vshll.u32 v21, $0x3;
	v41 =	vand.u32 $0x7FFFFC00, v41  }
0x391: {  	v21 =	vand.u32 $0x7F, v21;
	v19 =	vand.u32 $0x7FFFFC00, v59;
	v41 =	vor.u32 v57, v41  }
0x392: {  	s14 =	sadd.s32 s5, s17;
	v63 =	vld.idx.msk [tilespmem:v20+s2+$0x0], $0xffff;
	v60 =	vshll.u32 v38, $0x3;
	v42 =	vand.u32 $0x7FFFFC00, v58;
	v19 =	vor.u32 v39, v19  }
0x393: {  	v61 =	vld [tilespmem:s14+$0x0];
	v38 =	vand.u32 $0x7F, v38;
	v62 =	vand.u32 $0x7FFFFC00, v60;
	v21 =	vor.u32 v21, v42  }
0x394: {  	v14 =	vadd.f32 v14, v22;
	v27 =	vsub.f32 v27, v49;
	v20 =	vor.u32 v38, v62  }
0x395: {  	v48 =	vcvt.s32.f32 v24;
	v22 =	vadd.f32 v25, v23;
	v23 =	vld.idx.msk [tilespmem:v47+s2+$0x0], $0xffff;
	v47 =	vor.u32 $0x80, v41  }
0x396: {  	vm10 =	veq.s32 v35, v29;
	vm11 =	veq.s32 v33, v45;
	v53 =	vor.u32 $0x80, v19;
	v49 =	vld.idx.msk [tilespmem:v41+s2+$0x0], $0xffff  }
0x397: {  	v10 =	vmul.f32 v63, v10;
	v46 =	vsub.f32 v26, v48;
	v58 =	vor.u32 $0x100, v41;
	v54 =	vld.idx.msk [tilespmem:v19+s2+$0x0], $0xffff  }
0x398: {  	v48 =	vsub.f32 $1.000000000e+00, v27;
	v27 =	vmul.f32 v27, v61;
	v60 =	vor.u32 $0x100, v19;
	v52 =	vld.idx.msk [tilespmem:v21+s2+$0x0], $0xffff  }
0x399: {  	vm8 =	veq.s32 v34, v24;
	v28 =	vadd.f32 v10, v28;
	v50 =	vor.u32 $0x80, v21;
	v57 =	vld.idx.msk [tilespmem:v20+s2+$0x0], $0xffff  }
0x39a: {  	v51 =	vsub.f32 $1.000000000e+00, v46;
	v16 =	vmul.f32 v48, v61;
	v55 =	vor.u32 $0x80, v20;
	v26 =	vld.idx.msk [tilespmem:v47+s2+$0x0], $0xffff  }
0x39b: {  	vm9 =	veq.s32 v32, v37;
	v27 =	vnsel vm11, $0x0, v27;
	v59 =	vor.u32 $0x100, v21;
	v34 =	vld.idx.msk [tilespmem:v53+s2+$0x0], $0xffff  }
0x39c: {  	v25 =	vnsel vm9, $0x0, v46;
	v16 =	vnsel vm10, $0x0, v16;
	v61 =	vor.u32 $0x100, v20;
	v63 =	vld.idx.msk [tilespmem:v58+s2+$0x0], $0xffff  }
0x39d: {  	v10 =	vmul.f32 v27, v25;
	v43 =	vmul.f32 v16, v25;
	v45 =	vor.u32 $0x180, v21;
	v25 =	vld.idx.msk [tilespmem:v60+s2+$0x0], $0xffff  }
0x39e: {  	v11 =	vmul.f32 v23, v11;
	v56 =	vnsel vm8, $0x0, v51;
	v62 =	vor.u32 $0x180, v41;
	v31 =	vld.idx.msk [tilespmem:v50+s2+$0x0], $0xffff  }
0x39f: {  	v33 =	vmul.f32 v16, v56;
	v16 =	vmul.f32 v27, v56;
	v47 =	vor.u32 $0x180, v19;
	v37 =	vld.idx.msk [tilespmem:v55+s2+$0x0], $0xffff  }
0x3a0: {  	v28 =	vadd.f32 v11, v28;
	v56 =	vor.u32 $0x200, v19;
	v53 =	vor.u32 $0x200, v21;
	v46 =	vld.idx.msk [tilespmem:v59+s2+$0x0], $0xffff  }
0x3a1: {  	v42 =	vor.u32 $0x380, v41;
	v48 =	vor.u32 $0x180, v20;
	v60 =	vor.u32 $0x280, v41;
	v32 =	vld.idx.msk [tilespmem:v61+s2+$0x0], $0xffff  }
0x3a2: {  	v50 =	vor.u32 $0x200, v41;
	v55 =	vld.idx.msk [tilespmem:v45+s2+$0x0], $0xffff;
	v30 =	vmul.f32 v33, v49;
	v49 =	vmul.f32 v16, v54  }
0x3a3: {  	v59 =	vor.u32 $0x200, v20;
	v24 =	vmul.f32 v43, v52;
	v51 =	vmul.f32 v33, v26;
	v52 =	vld.idx.msk [tilespmem:v62+s2+$0x0], $0xffff  }
0x3a4: {  	v45 =	vor.u32 $0x280, v19;
	v54 =	vmul.f32 v10, v57;
	v58 =	vld.idx.msk [tilespmem:v47+s2+$0x0], $0xffff;
	v61 =	vmul.f32 v33, v63  }
0x3a5: {  	v63 =	vor.u32 $0x280, v21;
	v34 =	vmul.f32 v16, v34;
	v44 =	vld.idx.msk [tilespmem:v53+s2+$0x0], $0xffff;
	v25 =	vmul.f32 v25, v16  }
0x3a6: {  	v47 =	vld.idx.msk [tilespmem:v56+s2+$0x0], $0xffff;
	v56 =	vor.u32 $0x300, v21;
	v21 =	vor.u32 $0x380, v21;
	v18 =	vadd.f32 v30, v18  }
0x3a7: {  	v57 =	vmul.f32 v43, v31;
	v62 =	vld.idx.msk [tilespmem:v50+s2+$0x0], $0xffff;
	v46 =	vmul.f32 v43, v46;
	v13 =	vadd.f32 v51, v13  }
0x3a8: {  	v50 =	vld.idx.msk [tilespmem:v59+s2+$0x0], $0xffff;
	v17 =	vadd.f32 v61, v17;
	v51 =	vor.u32 $0x300, v41;
	v18 =	vadd.f32 v18, v24  }
0x3a9: {  	v61 =	vor.u32 $0x300, v19;
	v24 =	vld.idx.msk [tilespmem:v60+s2+$0x0], $0xffff;
	v13 =	vadd.f32 v13, v57;
	v57 =	vmul.f32 v32, v10  }
0x3aa: {  	v18 =	vadd.f32 v18, v49;
	v26 =	vmul.f32 v52, v33;
	v49 =	vmul.f32 v55, v43;
	v29 =	vld.idx.msk [tilespmem:v63+s2+$0x0], $0xffff  }
0x3ab: {  	v23 =	vadd.f32 v17, v46;
	v52 =	vmul.f32 v10, v37;
	v53 =	vmul.f32 v58, v16;
	v55 =	vld.idx.msk [tilespmem:v45+s2+$0x0], $0xffff  }
0x3ac: {  	v19 =	vor.u32 $0x380, v19;
	v59 =	vmul.f32 v44, v43;
	v63 =	vld [tilespmem:s12+$0x380];
	v30 =	vmul.f32 v47, v16  }
0x3ad: {  	v46 =	vld.idx.msk [tilespmem:v56+s2+$0x0], $0xffff;
	v13 =	vadd.f32 v13, v34;
	v23 =	vadd.f32 v23, v25;
	v47 =	vmul.f32 v50, v10  }
0x3ae: {  	v11 =	vadd.f32 v18, v54;
	v18 =	vld.idx.msk [tilespmem:v48+s2+$0x0], $0xffff;
	v15 =	vadd.f32 v26, v15;
	v54 =	vmul.f32 v62, v33  }
0x3af: {  	v44 =	vld [tilespmem:s12+$0x300];
	v48 =	vor.u32 $0x280, v20;
	v17 =	vadd.f32 v13, v52;
	v24 =	vmul.f32 v24, v33  }
0x3b0: {  	v60 =	vld.idx.msk [tilespmem:v51+s2+$0x0], $0xffff;
	v62 =	vor.u32 $0x300, v20;
	v15 =	vadd.f32 v49, v15;
	v12 =	vadd.f32 v54, v12  }
0x3b1: {  	v21 =	vld.idx.msk [tilespmem:v21+s2+$0x0], $0xffff;
	v14 =	vadd.f32 v24, v14;
	v45 =	vmul.f32 v29, v43;
	v52 =	vadd.f32 $9.000000000e+00, v63  }
0x3b2: {  	v24 =	vmul.f32 v46, v43;
	v29 =	vor.u32 $0x380, v20;
	v15 =	vadd.f32 v53, v15  }
0x3b3: {  	v54 =	vld.idx.msk [tilespmem:v42+s2+$0x0], $0xffff;
	v13 =	vadd.f32 v59, v12;
	v12 =	vadd.f32 v23, v57;
	v18 =	vmul.f32 v18, v10  }
0x3b4: {  	v58 =	vld.idx.msk [tilespmem:v48+s2+$0x0], $0xffff;
	v14 =	vadd.f32 v45, v14;
	v48 =	vmul.f32 v55, v16;
	v55 =	vadd.f32 $8.000000000e+00, v44  }
0x3b5: {  	v49 =	vld.idx.msk [tilespmem:v61+s2+$0x0], $0xffff;
	v51 =	vmul.f32 v60, v33;
	v56 =	vadd.f32 v52, v8;
	v13 =	vadd.f32 v30, v13  }
0x3b6: {  	v63 =	vmul.f32 v21, v43;
	v50 =	vld.idx.msk [tilespmem:v62+s2+$0x0], $0xffff;
	v15 =	vadd.f32 v18, v15;
	v14 =	vadd.f32 v48, v14  }
0x3b7: {  	v22 =	vadd.f32 v51, v22;
	v57 =	vadd.f32 v55, v9;
	v59 =	vmax.f32 v56, $4.000000000e+00  }
0x3b8: {  	v26 =	vmul.f32 v54, v33;
	v13 =	vadd.f32 v47, v13;
	v25 =	vmin.f32 v59, $6.800000000e+01  }
0x3b9: {  	v22 =	vadd.f32 v24, v22;
	v23 =	vmax.f32 v57, $4.000000000e+00;
	v60 =	vtrunc.f32 v25  }
0x3ba: {  	v62 =	vadd.f32 v26, v28;
	v53 =	vmul.f32 v58, v10;
	v58 =	vmul.f32 v49, v16  }
0x3bb: {  	v18 =	vmul.f32 v50, v10;
	v23 =	vmin.f32 v23, $6.800000000e+01;
	v27 =	vcvt.f32.s32 v60  }
0x3bc: {  	v61 =	vtrunc.f32 v23;
	v26 =	vadd.f32 v63, v62;
	v14 =	vadd.f32 v53, v14  }
0x3bd: {  	v22 =	vadd.f32 v58, v22;
	v24 =	vcvt.f32.s32 v61;
	vm12 =	vgt.s32 v27, $0x8  }
0x3be: {  	v44 =	vcvt.s32.f32 v27;
	v31 =	vadd.s32 $0x1, v27;
	v45 =	vnsel vm12, $0x8, v27  }
0x3bf: {  	vm14 =	vgt.s32 v31, $0x8;
	v30 =	vadd.s32 $0x1, v24;
	vm13 =	vgt.s32 v24, $0x8  }
0x3c0: {  	v33 =	vmin.u32 v45, $0x3F;
	v47 =	vnsel vm14, $0x8, v31;
	v46 =	vnsel vm13, $0x8, v24  }
0x3c1: {  	vm15 =	vgt.s32 v30, $0x8;
	v34 =	vmin.u32 v47, $0x3F;
	v48 =	vmul.u32 $0x38, v33  }
0x3c2: {  	v32 =	vmin.u32 v46, $0x3F;
	v49 =	vnsel vm15, $0x8, v30;
	v50 =	vmul.u32 $0x38, v34  }
0x3c3: {  	v35 =	vmin.u32 v49, $0x3F;
	v51 =	vadd.s32 $0xFFFFFFF8, v32;
	v21 =	vadd.s32 $0xFFFFFE40, v48  }
0x3c4: {  	v52 =	vadd.s32 $0xFFFFFFF8, v35;
	v36 =	vadd.s32 $0xFFFFFE40, v50;
	v53 =	vadd.s32 v51, v21  }
0x3c5: {  	v56 =	vld.idx.msk [tilespmem:v19+s2+$0x0], $0xffff;
	v21 =	vadd.s32 v52, v21;
	v37 =	vadd.s32 v51, v36;
	v36 =	vadd.s32 v52, v36  }
0x3c6: {  	v29 =	vld.idx.msk [tilespmem:v29+s2+$0x0], $0xffff;
	v54 =	vand.u32 $0x7F, v53;
	v39 =	vshll.u32 v53, $0x3;
	v55 =	vshll.u32 v21, $0x3  }
0x3c7: {  	v57 =	vand.u32 $0x7FFFFC00, v39;
	v21 =	vand.u32 $0x7F, v21;
	v59 =	vshll.u32 v37, $0x3  }
0x3c8: {  	v37 =	vand.u32 $0x7F, v37;
	v58 =	vand.u32 $0x7FFFFC00, v55;
	v38 =	vor.u32 v54, v57  }
0x3c9: {  	v60 =	vshll.u32 v36, $0x3;
	v19 =	vand.u32 $0x7FFFFC00, v59;
	v21 =	vor.u32 v21, v58  }
0x3ca: {  	v36 =	vand.u32 $0x7F, v36;
	v61 =	vand.u32 $0x7FFFFC00, v60;
	v19 =	vor.u32 v37, v19  }
0x3cb: {  	v62 =	vld [tilespmem:s14+$0x80];
	v16 =	vmul.f32 v56, v16;
	v10 =	vmul.f32 v29, v10;
	v20 =	vor.u32 v36, v61  }
0x3cc: {  	v42 =	vld [tilespmem:s1+$0x80];
	v63 =	vcvt.s32.f32 v24;
	v25 =	vsub.f32 v25, v44;
	v44 =	vor.u32 $0x80, v38  }
0x3cd: {  	v22 =	vadd.f32 v18, v22;
	v16 =	vadd.f32 v16, v26;
	v54 =	vor.u32 $0x100, v38;
	v46 =	vld.idx.msk [tilespmem:v38+s2+$0x0], $0xffff  }
0x3ce: {  	vm6 =	veq.s32 v33, v27;
	v45 =	vsub.f32 v23, v63;
	v47 =	vor.u32 $0x80, v21;
	v49 =	vld.idx.msk [tilespmem:v21+s2+$0x0], $0xffff  }
0x3cf: {  	vm7 =	veq.s32 v31, v34;
	v48 =	vsub.f32 $1.000000000e+00, v25;
	v50 =	vor.u32 $0x80, v19;
	v52 =	vld.idx.msk [tilespmem:v19+s2+$0x0], $0xffff  }
0x3d0: {  	v25 =	vmul.f32 v25, v62;
	vm5 =	veq.s32 v30, v35;
	v53 =	vor.u32 $0x80, v20;
	v30 =	vld.idx.msk [tilespmem:v20+s2+$0x0], $0xffff  }
0x3d1: {  	vm4 =	veq.s32 v32, v24;
	v51 =	vsub.f32 $1.000000000e+00, v45;
	v56 =	vor.u32 $0x100, v21;
	v28 =	vld.idx.msk [tilespmem:v44+s2+$0x0], $0xffff  }
0x3d2: {  	v26 =	vmul.f32 v48, v62;
	v25 =	vnsel vm7, $0x0, v25;
	v57 =	vor.u32 $0x100, v19;
	v35 =	vld.idx.msk [tilespmem:v54+s2+$0x0], $0xffff  }
0x3d3: {  	v39 =	vadd.f32 v10, v16;
	v55 =	vnsel vm4, $0x0, v51;
	v62 =	vor.u32 $0x180, v21;
	v36 =	vld.idx.msk [tilespmem:v47+s2+$0x0], $0xffff  }
0x3d4: {  	v26 =	vnsel vm6, $0x0, v26;
	v60 =	vnsel vm5, $0x0, v45;
	v61 =	vor.u32 $0x180, v38;
	v58 =	vld.idx.msk [tilespmem:v50+s2+$0x0], $0xffff  }
0x3d5: {  	v31 =	vmul.f32 v26, v55;
	v26 =	vmul.f32 v26, v60;
	v59 =	vor.u32 $0x100, v20;
	v32 =	vld.idx.msk [tilespmem:v53+s2+$0x0], $0xffff  }
0x3d6: {  	v18 =	vmul.f32 v25, v55;
	v55 =	vor.u32 $0x280, v38;
	v54 =	vor.u32 $0x200, v19;
	v63 =	vld.idx.msk [tilespmem:v56+s2+$0x0], $0xffff  }
0x3d7: {  	v41 =	vor.u32 $0x380, v38;
	v45 =	vor.u32 $0x180, v19;
	v33 =	vld.idx.msk [tilespmem:v57+s2+$0x0], $0xffff;
	v47 =	vor.u32 $0x180, v20  }
0x3d8: {  	v53 =	vld.idx.msk [tilespmem:v62+s2+$0x0], $0xffff;
	v57 =	vor.u32 $0x200, v20;
	v62 =	vor.u32 $0x280, v19;
	v23 =	vmul.f32 v31, v46  }
0x3d9: {  	v51 =	vld.idx.msk [tilespmem:v61+s2+$0x0], $0xffff;
	v46 =	vmul.f32 v26, v49;
	v48 =	vmul.f32 v31, v28;
	v49 =	vor.u32 $0x200, v38  }
0x3da: {  	v28 =	vld.idx.msk [tilespmem:v59+s2+$0x0], $0xffff;
	v50 =	vmul.f32 v18, v52;
	v52 =	vor.u32 $0x200, v21;
	v35 =	vmul.f32 v31, v35  }
0x3db: {  	v59 =	vor.u32 $0x280, v21;
	v43 =	vld.idx.msk [tilespmem:v54+s2+$0x0], $0xffff;
	v11 =	vadd.f32 v23, v11;
	v36 =	vmul.f32 v26, v36  }
0x3dc: {  	v23 =	vld.idx.msk [tilespmem:v45+s2+$0x0], $0xffff;
	v56 =	vmul.f32 v18, v58;
	v27 =	vmul.f32 v26, v63;
	v63 =	vor.u32 $0x280, v20  }
0x3dd: {  	v34 =	vld.idx.msk [tilespmem:v47+s2+$0x0], $0xffff;
	v10 =	vadd.f32 v48, v17;
	v17 =	vmul.f32 v25, v60;
	v35 =	vadd.f32 v35, v12  }
0x3de: {  	v47 =	vld.idx.msk [tilespmem:v55+s2+$0x0], $0xffff;
	v48 =	vor.u32 $0x300, v38;
	v11 =	vadd.f32 v11, v46;
	v46 =	vmul.f32 v51, v31  }
0x3df: {  	v51 =	vld.idx.msk [tilespmem:v57+s2+$0x0], $0xffff;
	v57 =	vor.u32 $0x300, v21;
	v21 =	vor.u32 $0x380, v21;
	v10 =	vadd.f32 v10, v36  }
0x3e0: {  	v30 =	vmul.f32 v17, v30;
	v60 =	vmul.f32 v17, v32;
	v11 =	vadd.f32 v11, v50;
	v58 =	vld.idx.msk [tilespmem:v49+s2+$0x0], $0xffff  }
0x3e1: {  	v61 =	vld.idx.msk [tilespmem:v52+s2+$0x0], $0xffff;
	v49 =	vadd.f32 v35, v27;
	v50 =	vmul.f32 v33, v18;
	v52 =	vmul.f32 v53, v26  }
0x3e2: {  	v54 =	vld.idx.msk [tilespmem:v59+s2+$0x0], $0xffff;
	v55 =	vmul.f32 v28, v17;
	v10 =	vadd.f32 v10, v56;
	v23 =	vmul.f32 v23, v18  }
0x3e3: {  	v56 =	vld.idx.msk [tilespmem:v62+s2+$0x0], $0xffff;
	v24 =	vmul.f32 v47, v31;
	v62 =	vor.u32 $0x300, v20;
	v16 =	vadd.f32 v11, v30  }
0x3e4: {  	v59 =	vld.idx.msk [tilespmem:v63+s2+$0x0], $0xffff;
	v20 =	vor.u32 $0x380, v20;
	v11 =	vadd.f32 v46, v15;
	v12 =	vadd.f32 v10, v60  }
0x3e5: {  	v63 =	vld [tilespmem:s1+$0x0];
	v10 =	vadd.f32 v49, v50;
	v60 =	vor.u32 $0x300, v19;
	v14 =	vadd.f32 v24, v14  }
0x3e6: {  	v25 =	vld.idx.msk [tilespmem:v48+s2+$0x0], $0xffff;
	v29 =	vmul.f32 v51, v17;
	v51 =	vadd.f32 $9.000000000e+00, v42;
	v53 =	vmul.f32 v58, v31  }
0x3e7: {  	v44 =	vld.idx.msk [tilespmem:v57+s2+$0x0], $0xffff;
	v11 =	vadd.f32 v52, v11;
	v58 =	vmul.f32 v61, v26;
	v61 =	vmul.f32 v43, v18  }
0x3e8: {  	v21 =	vld.idx.msk [tilespmem:v21+s2+$0x0], $0xffff;
	v19 =	vor.u32 $0x380, v19;
	v40 =	vmul.f32 v54, v26;
	v43 =	vmul.f32 v34, v17  }
0x3e9: {  	v49 =	vld.idx.msk [tilespmem:v41+s2+$0x0], $0xffff;
	v54 =	vadd.f32 v51, v8;
	v11 =	vadd.f32 v23, v11;
	v45 =	vmul.f32 v56, v18  }
0x3ea: {  	v50 =	vadd.f32 $9.000000000e+00, v63;
	v52 =	vmul.f32 v59, v17;
	v13 =	vadd.f32 v53, v13  }
0x3eb: {  	v14 =	vadd.f32 v40, v14;
	v48 =	vmul.f32 v25, v31;
	v57 =	vmax.f32 v54, $4.000000000e+00  }
0x3ec: {  	v11 =	vadd.f32 v43, v11;
	v53 =	vmul.f32 v44, v26;
	v9 =	vadd.f32 v50, v9  }
0x3ed: {  	v46 =	vld.idx.msk [tilespmem:v60+s2+$0x0], $0xffff;
	v23 =	vmin.f32 v57, $6.800000000e+01;
	v21 =	vmul.f32 v21, v26;
	v13 =	vadd.f32 v58, v13  }
0x3ee: {  	v47 =	vld.idx.msk [tilespmem:v62+s2+$0x0], $0xffff;
	v14 =	vadd.f32 v45, v14;
	v22 =	vadd.f32 v48, v22;
	v58 =	vmul.f32 v49, v31  }
0x3ef: {  	v62 =	vtrunc.f32 v23;
	v15 =	vadd.f32 v61, v13;
	v13 =	vadd.f32 v10, v55  }
0x3f0: {  	v9 =	vmax.f32 v9, $4.000000000e+00;
	v8 =	vadd.f32 v52, v14;
	v55 =	vadd.f32 v53, v22  }
0x3f1: {  	v59 =	vmin.f32 v9, $6.800000000e+01;
	v22 =	vcvt.f32.s32 v62;
	v24 =	vadd.f32 v58, v39  }
0x3f2: {  	v61 =	vtrunc.f32 v59;
	v10 =	vadd.f32 v29, v15;
	v56 =	vmul.f32 v46, v18  }
0x3f3: {  	v15 =	vmul.f32 v47, v17;
	v14 =	vcvt.f32.s32 v61;
	vm8 =	vgt.s32 v22, $0x8  }
0x3f4: {  	v27 =	vadd.s32 $0x1, v22;
	v21 =	vadd.f32 v21, v24;
	v34 =	vnsel vm8, $0x8, v22  }
0x3f5: {  	vm10 =	vgt.s32 v27, $0x8;
	v63 =	vadd.s32 $0x1, v14;
	vm9 =	vgt.s32 v14, $0x8  }
0x3f6: {  	v28 =	vmin.u32 v34, $0x3F;
	v36 =	vnsel vm10, $0x8, v27;
	v35 =	vnsel vm9, $0x8, v14  }
0x3f7: {  	vm11 =	vgt.s32 v63, $0x8;
	v30 =	vmin.u32 v36, $0x3F;
	v37 =	vmul.u32 $0x38, v28  }
0x3f8: {  	v29 =	vmin.u32 v35, $0x3F;
	v38 =	vnsel vm11, $0x8, v63;
	v39 =	vmul.u32 $0x38, v30  }
0x3f9: {  	v32 =	vmin.u32 v38, $0x3F;
	v40 =	vadd.s32 $0xFFFFFFF8, v29;
	v31 =	vadd.s32 $0xFFFFFE40, v37  }
0x3fa: {  	v41 =	vadd.s32 $0xFFFFFFF8, v32;
	v33 =	vadd.s32 $0xFFFFFE40, v39;
	v42 =	vadd.s32 v40, v31  }
0x3fb: {  	v31 =	vadd.s32 v41, v31;
	v34 =	vadd.s32 v40, v33;
	v33 =	vadd.s32 v41, v33  }
0x3fc: {  	v19 =	vld.idx.msk [tilespmem:v19+s2+$0x0], $0xffff;
	v43 =	vand.u32 $0x7F, v42;
	v36 =	vshll.u32 v42, $0x3;
	v44 =	vshll.u32 v31, $0x3  }
0x3fd: {  	v20 =	vld.idx.msk [tilespmem:v20+s2+$0x0], $0xffff;
	v36 =	vand.u32 $0x7FFFFC00, v36;
	v31 =	vand.u32 $0x7F, v31;
	v45 =	vshll.u32 v34, $0x3  }
0x3fe: {  	v34 =	vand.u32 $0x7F, v34;
	v37 =	vand.u32 $0x7FFFFC00, v44;
	v35 =	vor.u32 v43, v36  }
0x3ff: {  	v46 =	vshll.u32 v33, $0x3;
	v36 =	vand.u32 $0x7FFFFC00, v45;
	v31 =	vor.u32 v31, v37  }
0x400: {  	v33 =	vand.u32 $0x7F, v33;
	v47 =	vand.u32 $0x7FFFFC00, v46;
	v34 =	vor.u32 v34, v36  }
0x401: {  	v48 =	vcvt.s32.f32 v22;
	v18 =	vmul.f32 v19, v18;
	v33 =	vor.u32 v33, v47  }
0x402: {  	v49 =	vld [tilespmem:s14+$0x100];
	v17 =	vmul.f32 v20, v17;
	v60 =	vadd.f32 v56, v55;
	v51 =	vor.u32 $0x80, v35  }
0x403: {  	v50 =	vcvt.s32.f32 v14;
	v52 =	vsub.f32 v23, v48;
	v62 =	vor.u32 $0x100, v35;
	v53 =	vld.idx.msk [tilespmem:v35+s2+$0x0], $0xffff  }
0x404: {  	v18 =	vadd.f32 v18, v21;
	vm14 =	veq.s32 v28, v22;
	v54 =	vor.u32 $0x80, v31;
	v56 =	vld.idx.msk [tilespmem:v31+s2+$0x0], $0xffff  }
0x405: {  	v9 =	vadd.f32 v15, v60;
	v55 =	vsub.f32 v59, v50;
	v57 =	vor.u32 $0x80, v34;
	v59 =	vld.idx.msk [tilespmem:v34+s2+$0x0], $0xffff  }
0x406: {  	v58 =	vsub.f32 $1.000000000e+00, v52;
	vm12 =	veq.s32 v29, v14;
	v60 =	vor.u32 $0x80, v33;
	v14 =	vld.idx.msk [tilespmem:v33+s2+$0x0], $0xffff  }
0x407: {  	v15 =	vmul.f32 v52, v49;
	vm13 =	veq.s32 v63, v32;
	v43 =	vor.u32 $0x100, v31;
	v63 =	vld.idx.msk [tilespmem:v51+s2+$0x0], $0xffff  }
0x408: {  	vm15 =	veq.s32 v27, v30;
	v17 =	vadd.f32 v17, v18;
	v45 =	vor.u32 $0x100, v34;
	v29 =	vld.idx.msk [tilespmem:v62+s2+$0x0], $0xffff  }
0x409: {  	v61 =	vsub.f32 $1.000000000e+00, v55;
	v20 =	vmul.f32 v58, v49;
	v47 =	vor.u32 $0x100, v33;
	v24 =	vld.idx.msk [tilespmem:v54+s2+$0x0], $0xffff  }
0x40a: {  	v15 =	vnsel vm15, $0x0, v15;
	v21 =	vnsel vm13, $0x0, v55;
	v50 =	vor.u32 $0x180, v31;
	v46 =	vld.idx.msk [tilespmem:v57+s2+$0x0], $0xffff  }
0x40b: {  	v20 =	vnsel vm14, $0x0, v20;
	v44 =	vnsel vm12, $0x0, v61;
	v49 =	vor.u32 $0x180, v35;
	v48 =	vld.idx.msk [tilespmem:v60+s2+$0x0], $0xffff  }
0x40c: {  	v27 =	vmul.f32 v20, v44;
	v20 =	vmul.f32 v20, v21;
	v51 =	vor.u32 $0x180, v34;
	v32 =	vld.idx.msk [tilespmem:v43+s2+$0x0], $0xffff  }
0x40d: {  	v18 =	vmul.f32 v15, v44;
	v15 =	vmul.f32 v15, v21;
	v52 =	vor.u32 $0x180, v33;
	v22 =	vld.idx.msk [tilespmem:v45+s2+$0x0], $0xffff  }
0x40e: {  	v61 =	vor.u32 $0x200, v33;
	v40 =	vor.u32 $0x300, v33;
	v25 =	vld.idx.msk [tilespmem:v47+s2+$0x0], $0xffff;
	v54 =	vor.u32 $0x200, v35  }
0x40f: {  	v62 =	vor.u32 $0x280, v35;
	v57 =	vor.u32 $0x200, v31;
	v38 =	vld.idx.msk [tilespmem:v50+s2+$0x0], $0xffff;
	v23 =	vmul.f32 v27, v53  }
0x410: {  	v43 =	vor.u32 $0x380, v33;
	v53 =	vmul.f32 v20, v56;
	v55 =	vmul.f32 v27, v63;
	v56 =	vld.idx.msk [tilespmem:v49+s2+$0x0], $0xffff  }
0x411: {  	s17 =	sadd.s32 s9, s28;
	v58 =	vmul.f32 v18, v59;
	v59 =	vor.u32 $0x200, v34;
	v60 =	vmul.f32 v20, v24;
	v24 =	vld.idx.msk [tilespmem:v51+s2+$0x0], $0xffff  }
0x412: {  	s3 =	sadd.s32 s3, s17;
	v14 =	vmul.f32 v15, v14;
	v63 =	vor.u32 $0x280, v31;
	v16 =	vadd.f32 v23, v16;
	v23 =	vld.idx.msk [tilespmem:v52+s2+$0x0], $0xffff  }
0x413: {  	[tilespmem:s3+$0x0] =	vst v2;
	v44 =	vmul.f32 v27, v29;
	v49 =	vor.u32 $0x280, v33;
	v19 =	vmul.f32 v18, v46;
	v21 =	vld.idx.msk [tilespmem:v54+s2+$0x0], $0xffff  }
0x414: {  	[tilespmem:s3+$0x80] =	vst v1;
	v45 =	vld.idx.msk [tilespmem:v57+s2+$0x0], $0xffff;
	v46 =	vor.u32 $0x280, v34;
	v47 =	vmul.f32 v15, v48;
	v50 =	vmul.f32 v20, v32  }
0x415: {  	[tilespmem:s3+$0x100] =	vst v0;
	v32 =	vld.idx.msk [tilespmem:v61+s2+$0x0], $0xffff;
	v51 =	vor.u32 $0x300, v35;
	v54 =	vor.u32 $0x380, v35;
	v12 =	vadd.f32 v55, v12  }
0x416: {  	[tilespmem:s3+$0x180] =	vst v3;
	v35 =	vor.u32 $0x300, v34;
	v13 =	vadd.f32 v44, v13;
	v16 =	vadd.f32 v16, v53;
	v53 =	vld.idx.msk [tilespmem:v62+s2+$0x0], $0xffff  }
0x417: {  	[tilespmem:s3+$0x200] =	vst v4;
	v44 =	vmul.f32 v25, v15;
	v62 =	vor.u32 $0x380, v31;
	v12 =	vadd.f32 v12, v60;
	v48 =	vld.idx.msk [tilespmem:v59+s2+$0x0], $0xffff  }
0x418: {  	[tilespmem:s3+$0x280] =	vst v5;
	v55 =	vadd.f32 v13, v50;
	v60 =	vmul.f32 v38, v20;
	v38 =	vor.u32 $0x380, v34;
	v57 =	vld.idx.msk [tilespmem:v63+s2+$0x0], $0xffff  }
0x419: {  	[tilespmem:s3+$0x300] =	vst v6;
	v16 =	vadd.f32 v16, v58;
	v52 =	vmul.f32 v56, v27;
	v58 =	vor.u32 $0x300, v31;
	v31 =	vld.idx.msk [tilespmem:v49+s2+$0x0], $0xffff  }
0x41a: {  	v56 =	vmul.f32 v22, v18;
	v12 =	vadd.f32 v12, v19;
	v61 =	vld.idx.msk [tilespmem:v46+s2+$0x0], $0xffff;
	v63 =	vmul.f32 v21, v27  }
0x41b: {  	v36 =	vmul.f32 v24, v18;
	v39 =	vmul.f32 v45, v20;
	v26 =	vld.idx.msk [tilespmem:v54+s2+$0x0], $0xffff;
	v14 =	vadd.f32 v16, v14  }
0x41c: {  	v37 =	vld.idx.msk [tilespmem:v51+s2+$0x0], $0xffff;
	v45 =	vmul.f32 v23, v15;
	v59 =	vadd.f32 v52, v11;
	v1 =	vadd.f32 v55, v56  }
0x41d: {  	v52 =	vmul.f32 v32, v15;
	v2 =	vadd.f32 v12, v47;
	v3 =	vadd.f32 v63, v10;
	v46 =	vld.idx.msk [tilespmem:v62+s2+$0x0], $0xffff  }
0x41e: {  	v41 =	vmul.f32 v53, v27;
	v0 =	vadd.f32 v60, v59;
	v1 =	vadd.f32 v1, v44;
	v42 =	vld.idx.msk [tilespmem:v58+s2+$0x0], $0xffff  }
0x41f: {  	v49 =	vld.idx.msk [tilespmem:v38+s2+$0x0], $0xffff;
	v3 =	vadd.f32 v39, v3;
	v47 =	vmul.f32 v48, v18;
	v16 =	vmul.f32 v57, v20  }
0x420: {  	v21 =	vld.idx.msk [tilespmem:v35+s2+$0x0], $0xffff;
	v4 =	vadd.f32 v41, v8;
	v55 =	vmul.f32 v31, v15;
	v50 =	vmul.f32 v26, v27  }
0x421: {  	v51 =	vld.idx.msk [tilespmem:v43+s2+$0x0], $0xffff;
	v0 =	vadd.f32 v36, v0;
	v48 =	vmul.f32 v37, v27;
	v12 =	vmul.f32 v61, v18  }
0x422: {  	v10 =	vld.idx.msk [tilespmem:v40+s2+$0x0], $0xffff;
	v3 =	vadd.f32 v47, v3;
	v8 =	vadd.f32 v50, v17;
	v53 =	vmul.f32 v46, v20  }
0x423: {  	[tilespmem:s3+$0x380] =	vst v7;
	s1 =	sadd.s32 s5, s17;
	v4 =	vadd.f32 v16, v4;
	v5 =	vadd.f32 v48, v9;
	v6 =	vmul.f32 v42, v20  }
0x424: {  	[tilespmem:s1+$0x0] =	vst v14;
	v0 =	vadd.f32 v45, v0;
	v11 =	vmul.f32 v49, v18;
	v8 =	vadd.f32 v53, v8  }
0x425: {  	s29 =	sadd.s32 $0x2, s29;
	[tilespmem:s1+$0x80] =	vst v2;
	v54 =	vmul.f32 v21, v18;
	v4 =	vadd.f32 v12, v4;
	v5 =	vadd.f32 v6, v5  }
0x426: {  	p1 =	slt.u32 s29, $0x26;
	[tilespmem:s1+$0x100] =	vst v1;
	v61 =	vmul.f32 v51, v15;
	v56 =	vadd.f32 v52, v3;
	v60 =	vadd.f32 v11, v8  }
.Ltmp5:
0x427: {  	v58 =	vmul.f32 v10, v15;
	[tilespmem:s1+$0x180] =	vst v0;
	v59 =	vadd.f32 v55, v4;
	v57 =	vadd.f32 v54, v5;
	(pc) =	sbr.rel @p1 .LBB2_9-.Ltmp5, $4  }
0x428: {  	[tilespmem:s1+$0x200] =	vst v56;
	v63 =	vadd.f32 v61, v60  }
0x429: {  	[tilespmem:s1+$0x280] =	vst v59;
	v62 =	vadd.f32 v58, v57  }
0x42a: {  	[tilespmem:s1+$0x380] =	vst v63  }
0x42b: {  	s0 =	sadd.s32 $0x100, s0;
	s30 =	sadd.s32 $0x20, s30;
	s31 =	sadd.s32 $0x40, s31;
	[tilespmem:s1+$0x300] =	vst v62  }
0x42c: {  	s0 =	smul.u32 $0x1400, s23;
	_ =	sdelay $0x1  }
0x42d: {  	s0 =	sadd.s32 s19, s0  }
0x42e: {  	s0 =	sshrl.u32 s0, $0x3  }
0x42f: {  	s1 =	simm.s32 @!p0 $0x0;
	s3 =	simm.s32 @!p0 $0x13100;
	s0 =	sadd.s32 s6, s0  }
0x430: {  	[hbm4b:s0+s1] =	stream.linear.scatter @!p0 [tilespmem:s3], [sflag:$0x4], $0x1400, $0x38;
	[tilespmem:$0x14500] =	vst v63  }
0x431: {  	s1 =	simm.s32 @p0 $0x0;
	s3 =	simm.s32 @p0 $0x11D00  }
0x432: {  	[hbm4b:s0+s1] =	stream.linear.scatter @p0 [tilespmem:s3], [sflag:$0x3], $0x1400, $0x38;
	[tilespmem:$0x14500] =	vst v63  }
0x433: {  	p0 =	sne.s32 s22, $0x5  }
.Ltmp6:
0x434: {  	_ = 	snop;
	(pc) =	sbr.rel @p0 .LBB2_3-.Ltmp6, $4  }
.Ltmp7:
0x435: {  	_ = 	snop;
	(pc) =	sbr.rel @!p0 .LBB2_11-.Ltmp7, $4  }
0x436: {  	_ = 	snop  }
0x437: {  	_ = 	snop  }
0x438: {  	s20 =	sadd.s32 $0x500, s20;
	s23 =	smov.u32 s22  }
0x439: {  	_ = 	snop  }
.LBB2_4:
0x43a: {  	s1 =	smul.u32 $0x1400, s22;
	_ =	sdelay $0x1  }
0x43b: {  	s1 =	sadd.s32 s21, s1  }
0x43c: {  	p0 =	seq.s32 s0, $0x1;
	s1 =	sshrl.u32 s1, $0x3  }
0x43d: {  	s3 =	simm.s32 @p0 $0x1400;
	s5 =	simm.s32 @p0 $0x6400;
	s1 =	sadd.s32 s4, s1  }
0x43e: {  	[tilespmem:s5], [sflag:$0x1] =	stream.strided.gather @p0 [hbm4b:s1+s3], $0x5000, s5, s3, $0x38;
	[tilespmem:$0x14500] =	vst v63  }
0x43f: {  	s7 =	simm.s32 @!p0 $0xB400;
	s3 =	simm.s32 @!p0 $0x1400;
	s5 =	simm.s32 @!p0 $0x6400  }
0x440: {  	[tilespmem:s7], [sflag:$0x2] =	stream.strided.gather @!p0 [hbm4b:s1+s3], $0x5000, s5, s3, $0x38;
	[tilespmem:$0x14500] =	vst v63  }
0x441: {  	p0 =	seq.s32 s0, $0x0  }
.Ltmp8:
0x442: {  	_ = 	snop;
	(pc) =	sbr.rel @!p0 .LBB2_6-.Ltmp8, $1  }
0x443: {  	_ =	sdelay $0x3  }
0x444: {  	p1 =	sgt.u32 s23, $0x1  }
.Ltmp9:
0x445: {  	_ = 	snop;
	(pc) =	sbr.rel @p1 .LBB2_7-.Ltmp9, $4  }
.Ltmp10:
0x446: {  	_ = 	snop;
	(pc) =	sbr.rel @!p1 .LBB2_8-.Ltmp10, $4  }
0x447: {  	_ =	swait.ge [sflag:s13], $0x5000  }
0x448: {  	[sflag:s13] =	ssyncset.done $0x0  }
0x449: {  	p0 =	por $0x1, $0x1;
	s1 =	simm.s32 $0x3;
	[sflag:s13] =	ssyncadd.s32 $0xFFFFB000  }
0x44a: {  	_ = 	snop  }
.LBB2_6:
0x44b: {  	p1 =	slt.u32 s23, $0x2  }
.Ltmp11:
0x44c: {  	_ = 	snop;
	(pc) =	sbr.rel @p1 .LBB2_8-.Ltmp11, $4  }
.Ltmp12:
0x44d: {  	_ = 	snop;
	(pc) =	sbr.rel @!p1 .LBB2_7-.Ltmp12, $4  }
0x44e: {  	_ =	swait.ge [sflag:s16], $0x5000  }
0x44f: {  	[sflag:s16] =	ssyncset.done $0x0  }
0x450: {  	p0 =	por $0x0, $0x0;
	s1 =	simm.s32 $0x4;
	[sflag:s16] =	ssyncadd.s32 $0xFFFFB000  }
0x451: {  	_ = 	snop  }
.LBB2_13:
0x452: {  	_ =	sfence.sel $0x180000  }
0x453: {  	[bflag:$0x0] =	sbarrier.arrive $0xFFFF  }
0x454: {  	_ =	strace $0x90000047  }
0x455: {  	s0 =	stileid.u32;
	[bflag:$0x2] =	sbarrier.arrive $0xFFFF  }
0x456: {  	p0 =	sne.s32 s0, $0x0;
	s0 =	rddreg [dreg:$0x2]  }
0x457: {  	s0 =	sadd.s32 @!p0 $0x100000, s0  }
0x458: {  	[sflag:s0] =	ssyncadd.tile.s32 @!p0 $0x1;
	_ =	shalt  }
.Lfunc_end2:
_tile_overlayer_lowered:
.L_overlay_start_2:
0x459: {  	(tag) =	ssettag $0x2  }
0x45a: {  	s0 =	rddreg [dreg:$0x0];
	s2 =	stileid.u32  }
0x45b: {  	s1 =	rddreg [dreg:$0x1];
	p0 =	sne.s32 s2, $0x0  }
0x45c: {  	s3 =	rddreg [dreg:$0x2];
	[bflag:$0x3] =	sbarrier.arrive $0xFFFF;
	s2 =	simm.s32 @!p0 $0x1C05  }
0x45d: {  	[timem:s3], [sflag:s2] =	dma.local @!p0 [hbm:s0], s1  }
0x45e: {  	s0 =	simm.s32 @!p0 $0x5  }
0x45f: {  	_ =	swait.ge @!p0 [sflag:s0], s1  }
0x460: {  	s1 =	ssub.s32 @!p0 $0x0, s1;
	[sflag:s0] =	ssyncset.done @!p0 $0x0  }
0x461: {  	[sflag:s0] =	ssyncadd.s32 @!p0 s1  }
0x462: {  	[bflag:$0x3] =	sbarrier.arrive $0xFFFF  }
0x463: {  	_ =	shalt  }

</sc_bundles>
